<compile_context>
chip_gen: v7x
topology: tpu7x:2x2x1
jax: 0.10.2.dev20260603
libtpu: 0.0.44.dev20260713+nightly
codegen_flags: <defaults>
</compile_context>

<pallas_src>
import functools
import jax
import jax.numpy as jnp
from jax import lax
from jax.experimental import pallas as pl
from jax.experimental.pallas import tpu as pltpu
from jax.experimental.pallas import tpu_sc as plsc

N_ENT = 1000000
N_REL = 1000
D = 64
HD = 32
B = 16384
EPS = 1e-12
W = 128
NBLK = N_ENT // 8

NC = 2
NS = 16
L = 16
NW = NC * NS
BPW = B // NW
CH = 16
NCH = BPW // CH
GPC = CH // L
NBUF = 3


def _trig_body(ph_ref, cs_ref):
    ph = ph_ref[...]
    z = jnp.zeros_like(ph)
    cs_ref[...] = jnp.concatenate([jnp.cos(ph), jnp.sin(ph), z, z], axis=1)


def _make_cs(phases):
    return pl.pallas_call(
        _trig_body,
        out_shape=jax.ShapeDtypeStruct((N_REL, W), jnp.float32),
    )(phases)


def _fast_sqrt(x):
    y = lax.bitcast_convert_type(x, jnp.int32)
    y = jnp.int32(0x5F3759DF) - lax.shift_right_logical(y, 1)
    y = lax.bitcast_convert_type(y, jnp.float32)
    for _ in range(3):
        y = y * (1.5 - 0.5 * x * y * y)
    return x * y


_MESH = plsc.VectorSubcoreMesh(core_axis_name="c", subcore_axis_name="s")


@functools.partial(
    pl.kernel,
    mesh=_MESH,
    compiler_params=pltpu.CompilerParams(
        needs_layout_passes=False, use_tc_tiling_on_sc=True
    ),
    out_type=jax.ShapeDtypeStruct((B,), jnp.float32),
    scratch_types=[
        pltpu.VMEM((BPW + L,), jnp.int32),
        pltpu.VMEM((BPW + L,), jnp.int32),
        pltpu.VMEM((NCH, CH), jnp.int32),
        pltpu.VMEM((NBUF, CH, 8, D), jnp.float32),
        pltpu.VMEM((NBUF, CH, 8, D), jnp.float32),
        pltpu.VMEM((NBUF, CH, W), jnp.float32),
        pltpu.VMEM((BPW,), jnp.float32),
        pltpu.SemaphoreType.DMA((NBUF,)),
        pltpu.SemaphoreType.DMA((NBUF,)),
    ],
)
def _sc_kernel(h_hbm, t_hbm, r_hbm, ent_hbm, cs_hbm, out_hbm,
               hv, tv, rv, hstage, tstage, csstage, out_v,
               sems, csems):
    wid = lax.axis_index("s") * NC + lax.axis_index("c")

    pltpu.sync_copy(h_hbm.at[wid], hv.at[pl.ds(0, BPW)])
    pltpu.sync_copy(t_hbm.at[wid], tv.at[pl.ds(0, BPW)])
    pltpu.sync_copy(r_hbm.at[wid], rv)

    def fire(c, bi):
        def fbody(b, carry):
            hi = hv[pl.ds(c * CH + b, L)][0]
            ti = tv[pl.ds(c * CH + b, L)][0]
            pltpu.async_copy(
                ent_hbm.at[lax.shift_right_logical(hi, 3)],
                hstage.at[bi, b],
                sems.at[bi],
            )
            pltpu.async_copy(
                ent_hbm.at[lax.shift_right_logical(ti, 3)],
                tstage.at[bi, b],
                sems.at[bi],
            )
            return carry

        lax.fori_loop(0, CH, fbody, 0)
        pltpu.async_copy(cs_hbm.at[rv.at[c]], csstage.at[bi], csems.at[bi])

    for c0 in range(NBUF):
        fire(jnp.int32(c0), jnp.int32(c0))

    lane = lax.iota(jnp.int32, L)
    perms = [
        jnp.bitwise_and(lane + sh, L - 1).astype(jnp.int32) for sh in (8, 4, 2, 1)
    ]

    def chunk_body(c, carry):
        bi = lax.rem(c, jnp.int32(NBUF))
        pltpu.make_async_copy(
            ent_hbm.at[pl.ds(0, CH)], hstage.at[bi], sems.at[bi]
        ).wait()
        pltpu.make_async_copy(
            ent_hbm.at[pl.ds(0, CH)], tstage.at[bi], sems.at[bi]
        ).wait()
        pltpu.make_async_copy(
            cs_hbm.at[pl.ds(0, CH)], csstage.at[bi], csems.at[bi]
        ).wait()

        def body(g, carry2):
            hsr = jnp.bitwise_and(hv[pl.ds(c * CH + g * L, L)], 7)
            tsr = jnp.bitwise_and(tv[pl.ds(c * CH + g * L, L)], 7)
            res = jnp.zeros((L,), jnp.float32)
            for e in range(L):
                b = g * L + e
                acc = jnp.zeros((L,), jnp.float32)
                for k in range(HD // L):
                    hre = hstage[bi, b, hsr[e], pl.ds(k * L, L)]
                    him = hstage[bi, b, hsr[e], pl.ds(HD + k * L, L)]
                    tre = tstage[bi, b, tsr[e], pl.ds(k * L, L)]
                    tim = tstage[bi, b, tsr[e], pl.ds(HD + k * L, L)]
                    cc = csstage[bi, b, pl.ds(k * L, L)]
                    ss = csstage[bi, b, pl.ds(HD + k * L, L)]
                    dre = hre * cc - him * ss - tre
                    dim = hre * ss + him * cc - tim
                    acc = acc + _fast_sqrt(dre * dre + dim * dim + EPS)
                for p in perms:
                    acc = acc + jnp.take_along_axis(acc, p, axis=0)
                res = jnp.where(lane == e, acc, res)
            out_v[pl.ds((c * GPC + g) * L, L)] = jnp.zeros((L,), jnp.float32) - res
            return carry2

        lax.fori_loop(0, GPC, body, 0)

        @pl.when(c + NBUF < NCH)
        def _():
            fire(c + NBUF, bi)

        return carry

    lax.fori_loop(0, NCH, chunk_body, 0)

    pltpu.sync_copy(out_v, out_hbm.at[pl.ds(wid * BPW, BPW)])


def kernel(h, r, t, entity_embed, relation_phases):
    cs = _make_cs(relation_phases)
    ent3 = entity_embed.reshape(NBLK, 8, D)
    h2 = h.astype(jnp.int32).reshape(NW, BPW)
    t2 = t.astype(jnp.int32).reshape(NW, BPW)
    r3 = r.astype(jnp.int32).reshape(NW, NCH, CH)
    return _sc_kernel(h2, t2, r3, ent3, cs)

# --- scband reference (transcript-rebuilt; emitter-appended) ---
"""Pipeline reference for scband-rotat-e-24498493457035 (READ-ONLY COPY).

The authoritative reference and input builder live on the scoring server;
editing this copy changes nothing except your own understanding.
"""

import jax, jax.numpy as jnp
import numpy as np
import math

N_ENTITIES = 1000000
N_RELATIONS = 1000
EMBED_DIM = 64
HALF_DIM = EMBED_DIM // 2
BATCH = 16384
EPSILON = 1e-12


def setup_inputs(seed: int = 0) -> dict:
    key = jax.random.key(seed)
    k_h, k_r, k_t, k_ent, k_rel = jax.random.split(key, 5)
    h = jax.random.randint(k_h, (BATCH,), 0, N_ENTITIES, dtype=jnp.int64 if jax.config.read('jax_enable_x64') else jnp.int32)
    r = jax.random.randint(k_r, (BATCH,), 0, N_RELATIONS)
    t = jax.random.randint(k_t, (BATCH,), 0, N_ENTITIES)
    entity_embed = jax.random.uniform(k_ent, (N_ENTITIES, EMBED_DIM), dtype=jnp.float32, minval=-1.0, maxval=1.0)
    relation_phases = jax.random.uniform(k_rel, (N_RELATIONS, HALF_DIM), dtype=jnp.float32, minval=-math.pi, maxval=math.pi)
    return {"h": h, "r": r, "t": t, "entity_embed": entity_embed, "relation_phases": relation_phases}


def reference(h, r, t, entity_embed, relation_phases):
    # Embedding lookups (gathers)
    h_emb = jnp.take(entity_embed, h, axis=0)
    t_emb = jnp.take(entity_embed, t, axis=0)
    phases = jnp.take(relation_phases, r, axis=0)
    r_re = jnp.cos(phases)
    r_im = jnp.sin(phases)
    h_re = h_emb[..., :HALF_DIM]
    h_im = h_emb[..., HALF_DIM:]
    t_re = t_emb[..., :HALF_DIM]
    t_im = t_emb[..., HALF_DIM:]
    hr_re = h_re * r_re - h_im * r_im
    hr_im = h_re * r_im + h_im * r_re
    diff_re = hr_re - t_re
    diff_im = hr_im - t_im
    dist = jnp.sqrt(diff_re ** 2 + diff_im ** 2 + EPSILON).sum(axis=-1)
    return -dist

if __name__ == "__main__":
    import jax
    _d = setup_inputs()
    print(jax.jit(kernel)(*tuple(_d.values())))

</pallas_src>

<mosaic_0001>
#map = affine_map<(d0, d1) -> (0, 0)>
#map1 = affine_map<(d0, d1) -> (0, 0, 0)>
#map2 = affine_map<(d0, d1) -> (0)>
module attributes {stable_mosaic.version = 14 : i64} {
  func.func @_sc_kernel(%arg0: i32, %arg1: i32, %arg2: memref<32x512xi32, #tpu.memory_space<hbm>>, %arg3: memref<32x512xi32, #tpu.memory_space<hbm>>, %arg4: memref<32x32x16xi32, #tpu.memory_space<hbm>>, %arg5: memref<125000x8x64xf32, #tpu.memory_space<hbm>>, %arg6: memref<1000x128xf32, #tpu.memory_space<hbm>>, %arg7: memref<16384xf32, #tpu.memory_space<hbm>>, %arg8: memref<528xi32, #tpu.memory_space<vmem>>, %arg9: memref<528xi32, #tpu.memory_space<vmem>>, %arg10: memref<32x16xi32, #tpu.memory_space<vmem>>, %arg11: memref<3x16x8x64xf32, #tpu.memory_space<vmem>>, %arg12: memref<3x16x8x64xf32, #tpu.memory_space<vmem>>, %arg13: memref<3x16x128xf32, #tpu.memory_space<vmem>>, %arg14: memref<512xf32, #tpu.memory_space<vmem>>, %arg15: memref<3x!tpu.dma_semaphore, #tpu.memory_space<semaphore_mem>>, %arg16: memref<3x!tpu.dma_semaphore, #tpu.memory_space<semaphore_mem>>) attributes {dimension_semantics = [#tpu.dimension_semantics<core_parallel>, #tpu.dimension_semantics<subcore_parallel>], iteration_bounds = array<i64: 2, 16>, scalar_prefetch = 0 : i64, scratch_operands = 9 : i64, tpu.core_type = #tpu.core_type<sc_vector_subcore>, window_params = [{transform_indices = #map}, {transform_indices = #map}, {transform_indices = #map1}, {transform_indices = #map1}, {transform_indices = #map}, {transform_indices = #map2}]} {
    %mul3A = arith.constant 2 : i32
    %mul3A_0 = arith.muli %arg1, %mul3A : i32
    %add3A = arith.addi %mul3A_0, %arg0 : i32
    "tpu.region"() ({
      %run_scoped3A = tpu.sem_alloc : memref<!tpu.dma_semaphore, #tpu.memory_space<semaphore_mem>>
      %dma_start3A_99 = arith.constant 0 : i32
      %dma_start3A_100 = tpu.memref_slice %arg8[%dma_start3A_99] : memref<528xi32, #tpu.memory_space<vmem>> -> memref<512xi32, #tpu.memory_space<vmem>>
      %dma_start3A_101 = arith.constant 0 : i32
      %dma_start3A_102 = tpu.memref_slice %arg2[%add3A, %dma_start3A_101] : memref<32x512xi32, #tpu.memory_space<hbm>> -> memref<1x512xi32, #tpu.memory_space<hbm>>
      %dma_start3A_103 = tpu.memref_squeeze %dma_start3A_102 : memref<1x512xi32, #tpu.memory_space<hbm>> -> memref<512xi32, #tpu.memory_space<hbm>>
      %dma_start3A_104 = arith.constant 0 : i32
      %dma_start3A_105 = tpu.memref_slice %arg8[%dma_start3A_104] : memref<528xi32, #tpu.memory_space<vmem>> -> memref<512xi32, #tpu.memory_space<vmem>>
      %dma_start3A_106 = arith.constant 0 : i32
      %dma_start3A_107 = tpu.memref_slice %arg2[%add3A, %dma_start3A_106] : memref<32x512xi32, #tpu.memory_space<hbm>> -> memref<1x512xi32, #tpu.memory_space<hbm>>
      %dma_start3A_108 = tpu.memref_squeeze %dma_start3A_107 : memref<1x512xi32, #tpu.memory_space<hbm>> -> memref<512xi32, #tpu.memory_space<hbm>>
      tpu.enqueue_dma source(%dma_start3A_108 : memref<512xi32, #tpu.memory_space<hbm>>) target(%dma_start3A_105 : memref<512xi32, #tpu.memory_space<vmem>>) target_semaphore(%run_scoped3A : memref<!tpu.dma_semaphore, #tpu.memory_space<semaphore_mem>>)
      %dma_wait3A = arith.constant 0 : i32
      %dma_wait3A_109 = tpu.memref_slice %arg8[%dma_wait3A] : memref<528xi32, #tpu.memory_space<vmem>> -> memref<512xi32, #tpu.memory_space<vmem>>
      %dma_wait3A_110 = arith.constant 0 : i32
      %dma_wait3A_111 = tpu.memref_slice %arg2[%add3A, %dma_wait3A_110] : memref<32x512xi32, #tpu.memory_space<hbm>> -> memref<1x512xi32, #tpu.memory_space<hbm>>
      %dma_wait3A_112 = tpu.memref_squeeze %dma_wait3A_111 : memref<1x512xi32, #tpu.memory_space<hbm>> -> memref<512xi32, #tpu.memory_space<hbm>>
      %dma_wait3A_113 = arith.constant 0 : i32
      %dma_wait3A_114 = tpu.memref_slice %arg8[%dma_wait3A_113] : memref<528xi32, #tpu.memory_space<vmem>> -> memref<512xi32, #tpu.memory_space<vmem>>
      %dma_wait3A_115 = arith.constant 0 : i32
      %dma_wait3A_116 = tpu.memref_slice %arg2[%add3A, %dma_wait3A_115] : memref<32x512xi32, #tpu.memory_space<hbm>> -> memref<1x512xi32, #tpu.memory_space<hbm>>
      %dma_wait3A_117 = tpu.memref_squeeze %dma_wait3A_116 : memref<1x512xi32, #tpu.memory_space<hbm>> -> memref<512xi32, #tpu.memory_space<hbm>>
      tpu.wait_dma2 semaphore(%run_scoped3A : memref<!tpu.dma_semaphore, #tpu.memory_space<semaphore_mem>>) src(%dma_wait3A_117 : memref<512xi32, #tpu.memory_space<hbm>>) dst(%dma_wait3A_114 : memref<512xi32, #tpu.memory_space<vmem>>)
      tpu.yield
    }) : () -> ()
    "tpu.region"() ({
      %run_scoped3A = tpu.sem_alloc : memref<!tpu.dma_semaphore, #tpu.memory_space<semaphore_mem>>
      %dma_start3A_99 = arith.constant 0 : i32
      %dma_start3A_100 = tpu.memref_slice %arg9[%dma_start3A_99] : memref<528xi32, #tpu.memory_space<vmem>> -> memref<512xi32, #tpu.memory_space<vmem>>
      %dma_start3A_101 = arith.constant 0 : i32
      %dma_start3A_102 = tpu.memref_slice %arg3[%add3A, %dma_start3A_101] : memref<32x512xi32, #tpu.memory_space<hbm>> -> memref<1x512xi32, #tpu.memory_space<hbm>>
      %dma_start3A_103 = tpu.memref_squeeze %dma_start3A_102 : memref<1x512xi32, #tpu.memory_space<hbm>> -> memref<512xi32, #tpu.memory_space<hbm>>
      %dma_start3A_104 = arith.constant 0 : i32
      %dma_start3A_105 = tpu.memref_slice %arg9[%dma_start3A_104] : memref<528xi32, #tpu.memory_space<vmem>> -> memref<512xi32, #tpu.memory_space<vmem>>
      %dma_start3A_106 = arith.constant 0 : i32
      %dma_start3A_107 = tpu.memref_slice %arg3[%add3A, %dma_start3A_106] : memref<32x512xi32, #tpu.memory_space<hbm>> -> memref<1x512xi32, #tpu.memory_space<hbm>>
      %dma_start3A_108 = tpu.memref_squeeze %dma_start3A_107 : memref<1x512xi32, #tpu.memory_space<hbm>> -> memref<512xi32, #tpu.memory_space<hbm>>
      tpu.enqueue_dma source(%dma_start3A_108 : memref<512xi32, #tpu.memory_space<hbm>>) target(%dma_start3A_105 : memref<512xi32, #tpu.memory_space<vmem>>) target_semaphore(%run_scoped3A : memref<!tpu.dma_semaphore, #tpu.memory_space<semaphore_mem>>)
      %dma_wait3A = arith.constant 0 : i32
      %dma_wait3A_109 = tpu.memref_slice %arg9[%dma_wait3A] : memref<528xi32, #tpu.memory_space<vmem>> -> memref<512xi32, #tpu.memory_space<vmem>>
      %dma_wait3A_110 = arith.constant 0 : i32
      %dma_wait3A_111 = tpu.memref_slice %arg3[%add3A, %dma_wait3A_110] : memref<32x512xi32, #tpu.memory_space<hbm>> -> memref<1x512xi32, #tpu.memory_space<hbm>>
      %dma_wait3A_112 = tpu.memref_squeeze %dma_wait3A_111 : memref<1x512xi32, #tpu.memory_space<hbm>> -> memref<512xi32, #tpu.memory_space<hbm>>
      %dma_wait3A_113 = arith.constant 0 : i32
      %dma_wait3A_114 = tpu.memref_slice %arg9[%dma_wait3A_113] : memref<528xi32, #tpu.memory_space<vmem>> -> memref<512xi32, #tpu.memory_space<vmem>>
      %dma_wait3A_115 = arith.constant 0 : i32
      %dma_wait3A_116 = tpu.memref_slice %arg3[%add3A, %dma_wait3A_115] : memref<32x512xi32, #tpu.memory_space<hbm>> -> memref<1x512xi32, #tpu.memory_space<hbm>>
      %dma_wait3A_117 = tpu.memref_squeeze %dma_wait3A_116 : memref<1x512xi32, #tpu.memory_space<hbm>> -> memref<512xi32, #tpu.memory_space<hbm>>
      tpu.wait_dma2 semaphore(%run_scoped3A : memref<!tpu.dma_semaphore, #tpu.memory_space<semaphore_mem>>) src(%dma_wait3A_117 : memref<512xi32, #tpu.memory_space<hbm>>) dst(%dma_wait3A_114 : memref<512xi32, #tpu.memory_space<vmem>>)
      tpu.yield
    }) : () -> ()
    "tpu.region"() ({
      %run_scoped3A = tpu.sem_alloc : memref<!tpu.dma_semaphore, #tpu.memory_space<semaphore_mem>>
      %dma_start3A_99 = arith.constant 0 : i32
      %dma_start3A_100 = arith.constant 0 : i32
      %dma_start3A_101 = tpu.memref_slice %arg4[%add3A, %dma_start3A_99, %dma_start3A_100] : memref<32x32x16xi32, #tpu.memory_space<hbm>> -> memref<1x32x16xi32, #tpu.memory_space<hbm>>
      %dma_start3A_102 = tpu.memref_squeeze %dma_start3A_101 : memref<1x32x16xi32, #tpu.memory_space<hbm>> -> memref<32x16xi32, #tpu.memory_space<hbm>>
      %dma_start3A_103 = arith.constant 0 : i32
      %dma_start3A_104 = arith.constant 0 : i32
      %dma_start3A_105 = tpu.memref_slice %arg4[%add3A, %dma_start3A_103, %dma_start3A_104] : memref<32x32x16xi32, #tpu.memory_space<hbm>> -> memref<1x32x16xi32, #tpu.memory_space<hbm>>
      %dma_start3A_106 = tpu.memref_squeeze %dma_start3A_105 : memref<1x32x16xi32, #tpu.memory_space<hbm>> -> memref<32x16xi32, #tpu.memory_space<hbm>>
      tpu.enqueue_dma source(%dma_start3A_106 : memref<32x16xi32, #tpu.memory_space<hbm>>) target(%arg10 : memref<32x16xi32, #tpu.memory_space<vmem>>) target_semaphore(%run_scoped3A : memref<!tpu.dma_semaphore, #tpu.memory_space<semaphore_mem>>)
      %dma_wait3A = arith.constant 0 : i32
      %dma_wait3A_107 = arith.constant 0 : i32
      %dma_wait3A_108 = tpu.memref_slice %arg4[%add3A, %dma_wait3A, %dma_wait3A_107] : memref<32x32x16xi32, #tpu.memory_space<hbm>> -> memref<1x32x16xi32, #tpu.memory_space<hbm>>
      %dma_wait3A_109 = tpu.memref_squeeze %dma_wait3A_108 : memref<1x32x16xi32, #tpu.memory_space<hbm>> -> memref<32x16xi32, #tpu.memory_space<hbm>>
      %dma_wait3A_110 = arith.constant 0 : i32
      %dma_wait3A_111 = arith.constant 0 : i32
      %dma_wait3A_112 = tpu.memref_slice %arg4[%add3A, %dma_wait3A_110, %dma_wait3A_111] : memref<32x32x16xi32, #tpu.memory_space<hbm>> -> memref<1x32x16xi32, #tpu.memory_space<hbm>>
      %dma_wait3A_113 = tpu.memref_squeeze %dma_wait3A_112 : memref<1x32x16xi32, #tpu.memory_space<hbm>> -> memref<32x16xi32, #tpu.memory_space<hbm>>
      tpu.wait_dma2 semaphore(%run_scoped3A : memref<!tpu.dma_semaphore, #tpu.memory_space<semaphore_mem>>) src(%dma_wait3A_113 : memref<32x16xi32, #tpu.memory_space<hbm>>) dst(%arg10 : memref<32x16xi32, #tpu.memory_space<vmem>>)
      tpu.yield
    }) : () -> ()
    %scan3A = arith.constant 0 : i32
    %scan3A_1 = arith.constant 0 : i32
    %scan3A_2 = arith.constant 0 : i32
    %scan3A_3 = arith.constant 0 : i32
    %scan3A_4 = arith.constant 16 : i32
    %scan3A_5 = arith.addi %scan3A_3, %scan3A_4 : i32
    %scan3A_6 = arith.constant 1 : i32
    scf.for %scan3A_99 = %scan3A_3 to %scan3A_5 step %scan3A_6  : i32 {
      %mul3A_100 = arith.constant 16 : i32
      %mul3A_101 = arith.muli %scan3A_1, %mul3A_100 : i32
      %add3A_102 = arith.addi %mul3A_101, %scan3A_99 : i32
      %get3A = arith.index_cast %add3A_102 : i32 to index
      %get3A_103 = tpu.vector_load %arg8[%get3A] {strides = array<i32>} : memref<528xi32, #tpu.memory_space<vmem>>, vector<16xi32>,
      %slice3A = vector.extract_strided_slice %get3A_103 {offsets = [0], sizes = [1], strides = [1]} : vector<16xi32> to vector<1xi32>
      %squeeze3A = vector.extract %slice3A[0] : i32 from vector<1xi32>
      %mul3A_104 = arith.constant 16 : i32
      %mul3A_105 = arith.muli %scan3A_1, %mul3A_104 : i32
      %add3A_106 = arith.addi %mul3A_105, %scan3A_99 : i32
      %get3A_107 = arith.index_cast %add3A_106 : i32 to index
      %get3A_108 = tpu.vector_load %arg9[%get3A_107] {strides = array<i32>} : memref<528xi32, #tpu.memory_space<vmem>>, vector<16xi32>,
      %slice3A_109 = vector.extract_strided_slice %get3A_108 {offsets = [0], sizes = [1], strides = [1]} : vector<16xi32> to vector<1xi32>
      %squeeze3A_110 = vector.extract %slice3A_109[0] : i32 from vector<1xi32>
      %shift_right_logical3A = arith.constant 3 : i32
      %shift_right_logical3A_111 = arith.shrui %squeeze3A, %shift_right_logical3A : i32
      %dma_start3A_112 = arith.constant 0 : i32
      %dma_start3A_113 = arith.constant 0 : i32
      %dma_start3A_114 = tpu.memref_slice %arg11[%scan3A_2, %scan3A_99, %dma_start3A_112, %dma_start3A_113] : memref<3x16x8x64xf32, #tpu.memory_space<vmem>> -> memref<1x1x8x64xf32, #tpu.memory_space<vmem>>
      %dma_start3A_115 = tpu.memref_squeeze %dma_start3A_114 : memref<1x1x8x64xf32, #tpu.memory_space<vmem>> -> memref<8x64xf32, #tpu.memory_space<vmem>>
      %dma_start3A_116 = arith.constant 0 : i32
      %dma_start3A_117 = arith.constant 0 : i32
      %dma_start3A_118 = tpu.memref_slice %arg5[%shift_right_logical3A_111, %dma_start3A_116, %dma_start3A_117] : memref<125000x8x64xf32, #tpu.memory_space<hbm>> -> memref<1x8x64xf32, #tpu.memory_space<hbm>>
      %dma_start3A_119 = tpu.memref_squeeze %dma_start3A_118 : memref<1x8x64xf32, #tpu.memory_space<hbm>> -> memref<8x64xf32, #tpu.memory_space<hbm>>
      %dma_start3A_120 = tpu.memref_slice %arg15[%scan3A_2] : memref<3x!tpu.dma_semaphore, #tpu.memory_space<semaphore_mem>> -> memref<1x!tpu.dma_semaphore, #tpu.memory_space<semaphore_mem>>
      %dma_start3A_121 = tpu.memref_squeeze %dma_start3A_120 : memref<1x!tpu.dma_semaphore, #tpu.memory_space<semaphore_mem>> -> memref<!tpu.dma_semaphore, #tpu.memory_space<semaphore_mem>>
      %dma_start3A_122 = arith.constant 0 : i32
      %dma_start3A_123 = arith.constant 0 : i32
      %dma_start3A_124 = tpu.memref_slice %arg11[%scan3A_2, %scan3A_99, %dma_start3A_122, %dma_start3A_123] : memref<3x16x8x64xf32, #tpu.memory_space<vmem>> -> memref<1x1x8x64xf32, #tpu.memory_space<vmem>>
      %dma_start3A_125 = tpu.memref_squeeze %dma_start3A_124 : memref<1x1x8x64xf32, #tpu.memory_space<vmem>> -> memref<8x64xf32, #tpu.memory_space<vmem>>
      %dma_start3A_126 = arith.constant 0 : i32
      %dma_start3A_127 = arith.constant 0 : i32
      %dma_start3A_128 = tpu.memref_slice %arg5[%shift_right_logical3A_111, %dma_start3A_126, %dma_start3A_127] : memref<125000x8x64xf32, #tpu.memory_space<hbm>> -> memref<1x8x64xf32, #tpu.memory_space<hbm>>
      %dma_start3A_129 = tpu.memref_squeeze %dma_start3A_128 : memref<1x8x64xf32, #tpu.memory_space<hbm>> -> memref<8x64xf32, #tpu.memory_space<hbm>>
      tpu.enqueue_dma source(%dma_start3A_129 : memref<8x64xf32, #tpu.memory_space<hbm>>) target(%dma_start3A_125 : memref<8x64xf32, #tpu.memory_space<vmem>>) target_semaphore(%dma_start3A_121 : memref<!tpu.dma_semaphore, #tpu.memory_space<semaphore_mem>>)
      %shift_right_logical3A_130 = arith.constant 3 : i32
      %shift_right_logical3A_131 = arith.shrui %squeeze3A_110, %shift_right_logical3A_130 : i32
      %dma_start3A_132 = arith.constant 0 : i32
      %dma_start3A_133 = arith.constant 0 : i32
      %dma_start3A_134 = tpu.memref_slice %arg12[%scan3A_2, %scan3A_99, %dma_start3A_132, %dma_start3A_133] : memref<3x16x8x64xf32, #tpu.memory_space<vmem>> -> memref<1x1x8x64xf32, #tpu.memory_space<vmem>>
      %dma_start3A_135 = tpu.memref_squeeze %dma_start3A_134 : memref<1x1x8x64xf32, #tpu.memory_space<vmem>> -> memref<8x64xf32, #tpu.memory_space<vmem>>
      %dma_start3A_136 = arith.constant 0 : i32
      %dma_start3A_137 = arith.constant 0 : i32
      %dma_start3A_138 = tpu.memref_slice %arg5[%shift_right_logical3A_131, %dma_start3A_136, %dma_start3A_137] : memref<125000x8x64xf32, #tpu.memory_space<hbm>> -> memref<1x8x64xf32, #tpu.memory_space<hbm>>
      %dma_start3A_139 = tpu.memref_squeeze %dma_start3A_138 : memref<1x8x64xf32, #tpu.memory_space<hbm>> -> memref<8x64xf32, #tpu.memory_space<hbm>>
      %dma_start3A_140 = tpu.memref_slice %arg15[%scan3A_2] : memref<3x!tpu.dma_semaphore, #tpu.memory_space<semaphore_mem>> -> memref<1x!tpu.dma_semaphore, #tpu.memory_space<semaphore_mem>>
      %dma_start3A_141 = tpu.memref_squeeze %dma_start3A_140 : memref<1x!tpu.dma_semaphore, #tpu.memory_space<semaphore_mem>> -> memref<!tpu.dma_semaphore, #tpu.memory_space<semaphore_mem>>
      %dma_start3A_142 = arith.constant 0 : i32
      %dma_start3A_143 = arith.constant 0 : i32
      %dma_start3A_144 = tpu.memref_slice %arg12[%scan3A_2, %scan3A_99, %dma_start3A_142, %dma_start3A_143] : memref<3x16x8x64xf32, #tpu.memory_space<vmem>> -> memref<1x1x8x64xf32, #tpu.memory_space<vmem>>
      %dma_start3A_145 = tpu.memref_squeeze %dma_start3A_144 : memref<1x1x8x64xf32, #tpu.memory_space<vmem>> -> memref<8x64xf32, #tpu.memory_space<vmem>>
      %dma_start3A_146 = arith.constant 0 : i32
      %dma_start3A_147 = arith.constant 0 : i32
      %dma_start3A_148 = tpu.memref_slice %arg5[%shift_right_logical3A_131, %dma_start3A_146, %dma_start3A_147] : memref<125000x8x64xf32, #tpu.memory_space<hbm>> -> memref<1x8x64xf32, #tpu.memory_space<hbm>>
      %dma_start3A_149 = tpu.memref_squeeze %dma_start3A_148 : memref<1x8x64xf32, #tpu.memory_space<hbm>> -> memref<8x64xf32, #tpu.memory_space<hbm>>
      tpu.enqueue_dma source(%dma_start3A_149 : memref<8x64xf32, #tpu.memory_space<hbm>>) target(%dma_start3A_145 : memref<8x64xf32, #tpu.memory_space<vmem>>) target_semaphore(%dma_start3A_141 : memref<!tpu.dma_semaphore, #tpu.memory_space<semaphore_mem>>)
    }
    %scan3A_7 = arith.constant 16 : i32
    %dma_start3A = arith.constant 0 : i32
    %dma_start3A_8 = arith.constant 0 : i32
    %dma_start3A_9 = arith.constant 0 : i32
    %dma_start3A_10 = arith.constant 0 : i32
    %dma_start3A_11 = arith.constant 0 : i32
    %dma_start3A_12 = tpu.memref_slice %arg13[%dma_start3A_8, %dma_start3A_10, %dma_start3A_11] : memref<3x16x128xf32, #tpu.memory_space<vmem>> -> memref<1x16x128xf32, #tpu.memory_space<vmem>>
    %dma_start3A_13 = tpu.memref_squeeze %dma_start3A_12 : memref<1x16x128xf32, #tpu.memory_space<vmem>> -> memref<16x128xf32, #tpu.memory_space<vmem>>
    %dma_start3A_14 = arith.constant 0 : i32
    %dma_start3A_15 = tpu.memref_slice %arg10[%dma_start3A, %dma_start3A_14] : memref<32x16xi32, #tpu.memory_space<vmem>> -> memref<1x16xi32, #tpu.memory_space<vmem>>
    %dma_start3A_16 = tpu.memref_squeeze %dma_start3A_15 : memref<1x16xi32, #tpu.memory_space<vmem>> -> memref<16xi32, #tpu.memory_space<vmem>>
    %dma_start3A_17 = arith.constant 0 : i32
    %dma_start3A_18 = arith.constant 0 : i32
    %dma_start3A_19 = tpu.memref_slice %arg6[%dma_start3A_17, %dma_start3A_18] : memref<1000x128xf32, #tpu.memory_space<hbm>> -> memref<1000x128xf32, #tpu.memory_space<hbm>>
    %dma_start3A_20 = tpu.memref_slice %arg16[%dma_start3A_9] : memref<3x!tpu.dma_semaphore, #tpu.memory_space<semaphore_mem>> -> memref<1x!tpu.dma_semaphore, #tpu.memory_space<semaphore_mem>>
    %dma_start3A_21 = tpu.memref_squeeze %dma_start3A_20 : memref<1x!tpu.dma_semaphore, #tpu.memory_space<semaphore_mem>> -> memref<!tpu.dma_semaphore, #tpu.memory_space<semaphore_mem>>
    tpu.enqueue_indirect_dma source(%dma_start3A_19 : memref<1000x128xf32, #tpu.memory_space<hbm>>) target(%dma_start3A_13 : memref<16x128xf32, #tpu.memory_space<vmem>>) offsets(%dma_start3A_16 : memref<16xi32, #tpu.memory_space<vmem>>) semaphore(%dma_start3A_21 : memref<!tpu.dma_semaphore, #tpu.memory_space<semaphore_mem>>)
    %scan3A_22 = arith.constant 0 : i32
    %scan3A_23 = arith.constant 1 : i32
    %scan3A_24 = arith.constant 1 : i32
    %scan3A_25 = arith.constant 0 : i32
    %scan3A_26 = arith.constant 16 : i32
    %scan3A_27 = arith.addi %scan3A_25, %scan3A_26 : i32
    %scan3A_28 = arith.constant 1 : i32
    scf.for %scan3A_99 = %scan3A_25 to %scan3A_27 step %scan3A_28  : i32 {
      %mul3A_100 = arith.constant 16 : i32
      %mul3A_101 = arith.muli %scan3A_23, %mul3A_100 : i32
      %add3A_102 = arith.addi %mul3A_101, %scan3A_99 : i32
      %get3A = arith.index_cast %add3A_102 : i32 to index
      %get3A_103 = tpu.vector_load %arg8[%get3A] {strides = array<i32>} : memref<528xi32, #tpu.memory_space<vmem>>, vector<16xi32>,
      %slice3A = vector.extract_strided_slice %get3A_103 {offsets = [0], sizes = [1], strides = [1]} : vector<16xi32> to vector<1xi32>
      %squeeze3A = vector.extract %slice3A[0] : i32 from vector<1xi32>
      %mul3A_104 = arith.constant 16 : i32
      %mul3A_105 = arith.muli %scan3A_23, %mul3A_104 : i32
      %add3A_106 = arith.addi %mul3A_105, %scan3A_99 : i32
      %get3A_107 = arith.index_cast %add3A_106 : i32 to index
      %get3A_108 = tpu.vector_load %arg9[%get3A_107] {strides = array<i32>} : memref<528xi32, #tpu.memory_space<vmem>>, vector<16xi32>,
      %slice3A_109 = vector.extract_strided_slice %get3A_108 {offsets = [0], sizes = [1], strides = [1]} : vector<16xi32> to vector<1xi32>
      %squeeze3A_110 = vector.extract %slice3A_109[0] : i32 from vector<1xi32>
      %shift_right_logical3A = arith.constant 3 : i32
      %shift_right_logical3A_111 = arith.shrui %squeeze3A, %shift_right_logical3A : i32
      %dma_start3A_112 = arith.constant 0 : i32
      %dma_start3A_113 = arith.constant 0 : i32
      %dma_start3A_114 = tpu.memref_slice %arg11[%scan3A_24, %scan3A_99, %dma_start3A_112, %dma_start3A_113] : memref<3x16x8x64xf32, #tpu.memory_space<vmem>> -> memref<1x1x8x64xf32, #tpu.memory_space<vmem>>
      %dma_start3A_115 = tpu.memref_squeeze %dma_start3A_114 : memref<1x1x8x64xf32, #tpu.memory_space<vmem>> -> memref<8x64xf32, #tpu.memory_space<vmem>>
      %dma_start3A_116 = arith.constant 0 : i32
      %dma_start3A_117 = arith.constant 0 : i32
      %dma_start3A_118 = tpu.memref_slice %arg5[%shift_right_logical3A_111, %dma_start3A_116, %dma_start3A_117] : memref<125000x8x64xf32, #tpu.memory_space<hbm>> -> memref<1x8x64xf32, #tpu.memory_space<hbm>>
      %dma_start3A_119 = tpu.memref_squeeze %dma_start3A_118 : memref<1x8x64xf32, #tpu.memory_space<hbm>> -> memref<8x64xf32, #tpu.memory_space<hbm>>
      %dma_start3A_120 = tpu.memref_slice %arg15[%scan3A_24] : memref<3x!tpu.dma_semaphore, #tpu.memory_space<semaphore_mem>> -> memref<1x!tpu.dma_semaphore, #tpu.memory_space<semaphore_mem>>
      %dma_start3A_121 = tpu.memref_squeeze %dma_start3A_120 : memref<1x!tpu.dma_semaphore, #tpu.memory_space<semaphore_mem>> -> memref<!tpu.dma_semaphore, #tpu.memory_space<semaphore_mem>>
      %dma_start3A_122 = arith.constant 0 : i32
      %dma_start3A_123 = arith.constant 0 : i32
      %dma_start3A_124 = tpu.memref_slice %arg11[%scan3A_24, %scan3A_99, %dma_start3A_122, %dma_start3A_123] : memref<3x16x8x64xf32, #tpu.memory_space<vmem>> -> memref<1x1x8x64xf32, #tpu.memory_space<vmem>>
      %dma_start3A_125 = tpu.memref_squeeze %dma_start3A_124 : memref<1x1x8x64xf32, #tpu.memory_space<vmem>> -> memref<8x64xf32, #tpu.memory_space<vmem>>
      %dma_start3A_126 = arith.constant 0 : i32
      %dma_start3A_127 = arith.constant 0 : i32
      %dma_start3A_128 = tpu.memref_slice %arg5[%shift_right_logical3A_111, %dma_start3A_126, %dma_start3A_127] : memref<125000x8x64xf32, #tpu.memory_space<hbm>> -> memref<1x8x64xf32, #tpu.memory_space<hbm>>
      %dma_start3A_129 = tpu.memref_squeeze %dma_start3A_128 : memref<1x8x64xf32, #tpu.memory_space<hbm>> -> memref<8x64xf32, #tpu.memory_space<hbm>>
      tpu.enqueue_dma source(%dma_start3A_129 : memref<8x64xf32, #tpu.memory_space<hbm>>) target(%dma_start3A_125 : memref<8x64xf32, #tpu.memory_space<vmem>>) target_semaphore(%dma_start3A_121 : memref<!tpu.dma_semaphore, #tpu.memory_space<semaphore_mem>>)
      %shift_right_logical3A_130 = arith.constant 3 : i32
      %shift_right_logical3A_131 = arith.shrui %squeeze3A_110, %shift_right_logical3A_130 : i32
      %dma_start3A_132 = arith.constant 0 : i32
      %dma_start3A_133 = arith.constant 0 : i32
      %dma_start3A_134 = tpu.memref_slice %arg12[%scan3A_24, %scan3A_99, %dma_start3A_132, %dma_start3A_133] : memref<3x16x8x64xf32, #tpu.memory_space<vmem>> -> memref<1x1x8x64xf32, #tpu.memory_space<vmem>>
      %dma_start3A_135 = tpu.memref_squeeze %dma_start3A_134 : memref<1x1x8x64xf32, #tpu.memory_space<vmem>> -> memref<8x64xf32, #tpu.memory_space<vmem>>
      %dma_start3A_136 = arith.constant 0 : i32
      %dma_start3A_137 = arith.constant 0 : i32
      %dma_start3A_138 = tpu.memref_slice %arg5[%shift_right_logical3A_131, %dma_start3A_136, %dma_start3A_137] : memref<125000x8x64xf32, #tpu.memory_space<hbm>> -> memref<1x8x64xf32, #tpu.memory_space<hbm>>
      %dma_start3A_139 = tpu.memref_squeeze %dma_start3A_138 : memref<1x8x64xf32, #tpu.memory_space<hbm>> -> memref<8x64xf32, #tpu.memory_space<hbm>>
      %dma_start3A_140 = tpu.memref_slice %arg15[%scan3A_24] : memref<3x!tpu.dma_semaphore, #tpu.memory_space<semaphore_mem>> -> memref<1x!tpu.dma_semaphore, #tpu.memory_space<semaphore_mem>>
      %dma_start3A_141 = tpu.memref_squeeze %dma_start3A_140 : memref<1x!tpu.dma_semaphore, #tpu.memory_space<semaphore_mem>> -> memref<!tpu.dma_semaphore, #tpu.memory_space<semaphore_mem>>
      %dma_start3A_142 = arith.constant 0 : i32
      %dma_start3A_143 = arith.constant 0 : i32
      %dma_start3A_144 = tpu.memref_slice %arg12[%scan3A_24, %scan3A_99, %dma_start3A_142, %dma_start3A_143] : memref<3x16x8x64xf32, #tpu.memory_space<vmem>> -> memref<1x1x8x64xf32, #tpu.memory_space<vmem>>
      %dma_start3A_145 = tpu.memref_squeeze %dma_start3A_144 : memref<1x1x8x64xf32, #tpu.memory_space<vmem>> -> memref<8x64xf32, #tpu.memory_space<vmem>>
      %dma_start3A_146 = arith.constant 0 : i32
      %dma_start3A_147 = arith.constant 0 : i32
      %dma_start3A_148 = tpu.memref_slice %arg5[%shift_right_logical3A_131, %dma_start3A_146, %dma_start3A_147] : memref<125000x8x64xf32, #tpu.memory_space<hbm>> -> memref<1x8x64xf32, #tpu.memory_space<hbm>>
      %dma_start3A_149 = tpu.memref_squeeze %dma_start3A_148 : memref<1x8x64xf32, #tpu.memory_space<hbm>> -> memref<8x64xf32, #tpu.memory_space<hbm>>
      tpu.enqueue_dma source(%dma_start3A_149 : memref<8x64xf32, #tpu.memory_space<hbm>>) target(%dma_start3A_145 : memref<8x64xf32, #tpu.memory_space<vmem>>) target_semaphore(%dma_start3A_141 : memref<!tpu.dma_semaphore, #tpu.memory_space<semaphore_mem>>)
    }
    %scan3A_29 = arith.constant 16 : i32
    %dma_start3A_30 = arith.constant 1 : i32
    %dma_start3A_31 = arith.constant 1 : i32
    %dma_start3A_32 = arith.constant 1 : i32
    %dma_start3A_33 = arith.constant 0 : i32
    %dma_start3A_34 = arith.constant 0 : i32
    %dma_start3A_35 = tpu.memref_slice %arg13[%dma_start3A_31, %dma_start3A_33, %dma_start3A_34] : memref<3x16x128xf32, #tpu.memory_space<vmem>> -> memref<1x16x128xf32, #tpu.memory_space<vmem>>
    %dma_start3A_36 = tpu.memref_squeeze %dma_start3A_35 : memref<1x16x128xf32, #tpu.memory_space<vmem>> -> memref<16x128xf32, #tpu.memory_space<vmem>>
    %dma_start3A_37 = arith.constant 0 : i32
    %dma_start3A_38 = tpu.memref_slice %arg10[%dma_start3A_30, %dma_start3A_37] : memref<32x16xi32, #tpu.memory_space<vmem>> -> memref<1x16xi32, #tpu.memory_space<vmem>>
    %dma_start3A_39 = tpu.memref_squeeze %dma_start3A_38 : memref<1x16xi32, #tpu.memory_space<vmem>> -> memref<16xi32, #tpu.memory_space<vmem>>
    %dma_start3A_40 = arith.constant 0 : i32
    %dma_start3A_41 = arith.constant 0 : i32
    %dma_start3A_42 = tpu.memref_slice %arg6[%dma_start3A_40, %dma_start3A_41] : memref<1000x128xf32, #tpu.memory_space<hbm>> -> memref<1000x128xf32, #tpu.memory_space<hbm>>
    %dma_start3A_43 = tpu.memref_slice %arg16[%dma_start3A_32] : memref<3x!tpu.dma_semaphore, #tpu.memory_space<semaphore_mem>> -> memref<1x!tpu.dma_semaphore, #tpu.memory_space<semaphore_mem>>
    %dma_start3A_44 = tpu.memref_squeeze %dma_start3A_43 : memref<1x!tpu.dma_semaphore, #tpu.memory_space<semaphore_mem>> -> memref<!tpu.dma_semaphore, #tpu.memory_space<semaphore_mem>>
    tpu.enqueue_indirect_dma source(%dma_start3A_42 : memref<1000x128xf32, #tpu.memory_space<hbm>>) target(%dma_start3A_36 : memref<16x128xf32, #tpu.memory_space<vmem>>) offsets(%dma_start3A_39 : memref<16xi32, #tpu.memory_space<vmem>>) semaphore(%dma_start3A_44 : memref<!tpu.dma_semaphore, #tpu.memory_space<semaphore_mem>>)
    %scan3A_45 = arith.constant 0 : i32
    %scan3A_46 = arith.constant 2 : i32
    %scan3A_47 = arith.constant 2 : i32
    %scan3A_48 = arith.constant 0 : i32
    %scan3A_49 = arith.constant 16 : i32
    %scan3A_50 = arith.addi %scan3A_48, %scan3A_49 : i32
    %scan3A_51 = arith.constant 1 : i32
    scf.for %scan3A_99 = %scan3A_48 to %scan3A_50 step %scan3A_51  : i32 {
      %mul3A_100 = arith.constant 16 : i32
      %mul3A_101 = arith.muli %scan3A_46, %mul3A_100 : i32
      %add3A_102 = arith.addi %mul3A_101, %scan3A_99 : i32
      %get3A = arith.index_cast %add3A_102 : i32 to index
      %get3A_103 = tpu.vector_load %arg8[%get3A] {strides = array<i32>} : memref<528xi32, #tpu.memory_space<vmem>>, vector<16xi32>,
      %slice3A = vector.extract_strided_slice %get3A_103 {offsets = [0], sizes = [1], strides = [1]} : vector<16xi32> to vector<1xi32>
      %squeeze3A = vector.extract %slice3A[0] : i32 from vector<1xi32>
      %mul3A_104 = arith.constant 16 : i32
      %mul3A_105 = arith.muli %scan3A_46, %mul3A_104 : i32
      %add3A_106 = arith.addi %mul3A_105, %scan3A_99 : i32
      %get3A_107 = arith.index_cast %add3A_106 : i32 to index
      %get3A_108 = tpu.vector_load %arg9[%get3A_107] {strides = array<i32>} : memref<528xi32, #tpu.memory_space<vmem>>, vector<16xi32>,
      %slice3A_109 = vector.extract_strided_slice %get3A_108 {offsets = [0], sizes = [1], strides = [1]} : vector<16xi32> to vector<1xi32>
      %squeeze3A_110 = vector.extract %slice3A_109[0] : i32 from vector<1xi32>
      %shift_right_logical3A = arith.constant 3 : i32
      %shift_right_logical3A_111 = arith.shrui %squeeze3A, %shift_right_logical3A : i32
      %dma_start3A_112 = arith.constant 0 : i32
      %dma_start3A_113 = arith.constant 0 : i32
      %dma_start3A_114 = tpu.memref_slice %arg11[%scan3A_47, %scan3A_99, %dma_start3A_112, %dma_start3A_113] : memref<3x16x8x64xf32, #tpu.memory_space<vmem>> -> memref<1x1x8x64xf32, #tpu.memory_space<vmem>>
      %dma_start3A_115 = tpu.memref_squeeze %dma_start3A_114 : memref<1x1x8x64xf32, #tpu.memory_space<vmem>> -> memref<8x64xf32, #tpu.memory_space<vmem>>
      %dma_start3A_116 = arith.constant 0 : i32
      %dma_start3A_117 = arith.constant 0 : i32
      %dma_start3A_118 = tpu.memref_slice %arg5[%shift_right_logical3A_111, %dma_start3A_116, %dma_start3A_117] : memref<125000x8x64xf32, #tpu.memory_space<hbm>> -> memref<1x8x64xf32, #tpu.memory_space<hbm>>
      %dma_start3A_119 = tpu.memref_squeeze %dma_start3A_118 : memref<1x8x64xf32, #tpu.memory_space<hbm>> -> memref<8x64xf32, #tpu.memory_space<hbm>>
      %dma_start3A_120 = tpu.memref_slice %arg15[%scan3A_47] : memref<3x!tpu.dma_semaphore, #tpu.memory_space<semaphore_mem>> -> memref<1x!tpu.dma_semaphore, #tpu.memory_space<semaphore_mem>>
      %dma_start3A_121 = tpu.memref_squeeze %dma_start3A_120 : memref<1x!tpu.dma_semaphore, #tpu.memory_space<semaphore_mem>> -> memref<!tpu.dma_semaphore, #tpu.memory_space<semaphore_mem>>
      %dma_start3A_122 = arith.constant 0 : i32
      %dma_start3A_123 = arith.constant 0 : i32
      %dma_start3A_124 = tpu.memref_slice %arg11[%scan3A_47, %scan3A_99, %dma_start3A_122, %dma_start3A_123] : memref<3x16x8x64xf32, #tpu.memory_space<vmem>> -> memref<1x1x8x64xf32, #tpu.memory_space<vmem>>
      %dma_start3A_125 = tpu.memref_squeeze %dma_start3A_124 : memref<1x1x8x64xf32, #tpu.memory_space<vmem>> -> memref<8x64xf32, #tpu.memory_space<vmem>>
      %dma_start3A_126 = arith.constant 0 : i32
      %dma_start3A_127 = arith.constant 0 : i32
      %dma_start3A_128 = tpu.memref_slice %arg5[%shift_right_logical3A_111, %dma_start3A_126, %dma_start3A_127] : memref<125000x8x64xf32, #tpu.memory_space<hbm>> -> memref<1x8x64xf32, #tpu.memory_space<hbm>>
      %dma_start3A_129 = tpu.memref_squeeze %dma_start3A_128 : memref<1x8x64xf32, #tpu.memory_space<hbm>> -> memref<8x64xf32, #tpu.memory_space<hbm>>
      tpu.enqueue_dma source(%dma_start3A_129 : memref<8x64xf32, #tpu.memory_space<hbm>>) target(%dma_start3A_125 : memref<8x64xf32, #tpu.memory_space<vmem>>) target_semaphore(%dma_start3A_121 : memref<!tpu.dma_semaphore, #tpu.memory_space<semaphore_mem>>)
      %shift_right_logical3A_130 = arith.constant 3 : i32
      %shift_right_logical3A_131 = arith.shrui %squeeze3A_110, %shift_right_logical3A_130 : i32
      %dma_start3A_132 = arith.constant 0 : i32
      %dma_start3A_133 = arith.constant 0 : i32
      %dma_start3A_134 = tpu.memref_slice %arg12[%scan3A_47, %scan3A_99, %dma_start3A_132, %dma_start3A_133] : memref<3x16x8x64xf32, #tpu.memory_space<vmem>> -> memref<1x1x8x64xf32, #tpu.memory_space<vmem>>
      %dma_start3A_135 = tpu.memref_squeeze %dma_start3A_134 : memref<1x1x8x64xf32, #tpu.memory_space<vmem>> -> memref<8x64xf32, #tpu.memory_space<vmem>>
      %dma_start3A_136 = arith.constant 0 : i32
      %dma_start3A_137 = arith.constant 0 : i32
      %dma_start3A_138 = tpu.memref_slice %arg5[%shift_right_logical3A_131, %dma_start3A_136, %dma_start3A_137] : memref<125000x8x64xf32, #tpu.memory_space<hbm>> -> memref<1x8x64xf32, #tpu.memory_space<hbm>>
      %dma_start3A_139 = tpu.memref_squeeze %dma_start3A_138 : memref<1x8x64xf32, #tpu.memory_space<hbm>> -> memref<8x64xf32, #tpu.memory_space<hbm>>
      %dma_start3A_140 = tpu.memref_slice %arg15[%scan3A_47] : memref<3x!tpu.dma_semaphore, #tpu.memory_space<semaphore_mem>> -> memref<1x!tpu.dma_semaphore, #tpu.memory_space<semaphore_mem>>
      %dma_start3A_141 = tpu.memref_squeeze %dma_start3A_140 : memref<1x!tpu.dma_semaphore, #tpu.memory_space<semaphore_mem>> -> memref<!tpu.dma_semaphore, #tpu.memory_space<semaphore_mem>>
      %dma_start3A_142 = arith.constant 0 : i32
      %dma_start3A_143 = arith.constant 0 : i32
      %dma_start3A_144 = tpu.memref_slice %arg12[%scan3A_47, %scan3A_99, %dma_start3A_142, %dma_start3A_143] : memref<3x16x8x64xf32, #tpu.memory_space<vmem>> -> memref<1x1x8x64xf32, #tpu.memory_space<vmem>>
      %dma_start3A_145 = tpu.memref_squeeze %dma_start3A_144 : memref<1x1x8x64xf32, #tpu.memory_space<vmem>> -> memref<8x64xf32, #tpu.memory_space<vmem>>
      %dma_start3A_146 = arith.constant 0 : i32
      %dma_start3A_147 = arith.constant 0 : i32
      %dma_start3A_148 = tpu.memref_slice %arg5[%shift_right_logical3A_131, %dma_start3A_146, %dma_start3A_147] : memref<125000x8x64xf32, #tpu.memory_space<hbm>> -> memref<1x8x64xf32, #tpu.memory_space<hbm>>
      %dma_start3A_149 = tpu.memref_squeeze %dma_start3A_148 : memref<1x8x64xf32, #tpu.memory_space<hbm>> -> memref<8x64xf32, #tpu.memory_space<hbm>>
      tpu.enqueue_dma source(%dma_start3A_149 : memref<8x64xf32, #tpu.memory_space<hbm>>) target(%dma_start3A_145 : memref<8x64xf32, #tpu.memory_space<vmem>>) target_semaphore(%dma_start3A_141 : memref<!tpu.dma_semaphore, #tpu.memory_space<semaphore_mem>>)
    }
    %scan3A_52 = arith.constant 16 : i32
    %dma_start3A_53 = arith.constant 2 : i32
    %dma_start3A_54 = arith.constant 2 : i32
    %dma_start3A_55 = arith.constant 2 : i32
    %dma_start3A_56 = arith.constant 0 : i32
    %dma_start3A_57 = arith.constant 0 : i32
    %dma_start3A_58 = tpu.memref_slice %arg13[%dma_start3A_54, %dma_start3A_56, %dma_start3A_57] : memref<3x16x128xf32, #tpu.memory_space<vmem>> -> memref<1x16x128xf32, #tpu.memory_space<vmem>>
    %dma_start3A_59 = tpu.memref_squeeze %dma_start3A_58 : memref<1x16x128xf32, #tpu.memory_space<vmem>> -> memref<16x128xf32, #tpu.memory_space<vmem>>
    %dma_start3A_60 = arith.constant 0 : i32
    %dma_start3A_61 = tpu.memref_slice %arg10[%dma_start3A_53, %dma_start3A_60] : memref<32x16xi32, #tpu.memory_space<vmem>> -> memref<1x16xi32, #tpu.memory_space<vmem>>
    %dma_start3A_62 = tpu.memref_squeeze %dma_start3A_61 : memref<1x16xi32, #tpu.memory_space<vmem>> -> memref<16xi32, #tpu.memory_space<vmem>>
    %dma_start3A_63 = arith.constant 0 : i32
    %dma_start3A_64 = arith.constant 0 : i32
    %dma_start3A_65 = tpu.memref_slice %arg6[%dma_start3A_63, %dma_start3A_64] : memref<1000x128xf32, #tpu.memory_space<hbm>> -> memref<1000x128xf32, #tpu.memory_space<hbm>>
    %dma_start3A_66 = tpu.memref_slice %arg16[%dma_start3A_55] : memref<3x!tpu.dma_semaphore, #tpu.memory_space<semaphore_mem>> -> memref<1x!tpu.dma_semaphore, #tpu.memory_space<semaphore_mem>>
    %dma_start3A_67 = tpu.memref_squeeze %dma_start3A_66 : memref<1x!tpu.dma_semaphore, #tpu.memory_space<semaphore_mem>> -> memref<!tpu.dma_semaphore, #tpu.memory_space<semaphore_mem>>
    tpu.enqueue_indirect_dma source(%dma_start3A_65 : memref<1000x128xf32, #tpu.memory_space<hbm>>) target(%dma_start3A_59 : memref<16x128xf32, #tpu.memory_space<vmem>>) offsets(%dma_start3A_62 : memref<16xi32, #tpu.memory_space<vmem>>) semaphore(%dma_start3A_67 : memref<!tpu.dma_semaphore, #tpu.memory_space<semaphore_mem>>)
    %iota3A = tpu.iota {dimensions = array<i32: 0>} : vector<16xi32>
    %add3A_68 = arith.constant 8 : i32
    %add3A_69 = vector.broadcast %add3A_68 : i32 to vector<16xi32>
    %add3A_70 = arith.addi %iota3A, %add3A_69 : vector<16xi32>
    %and3A = arith.constant 15 : i32
    %and3A_71 = vector.broadcast %and3A : i32 to vector<16xi32>
    %and3A_72 = arith.andi %add3A_70, %and3A_71 : vector<16xi32>
    %add3A_73 = arith.constant 4 : i32
    %add3A_74 = vector.broadcast %add3A_73 : i32 to vector<16xi32>
    %add3A_75 = arith.addi %iota3A, %add3A_74 : vector<16xi32>
    %and3A_76 = arith.constant 15 : i32
    %and3A_77 = vector.broadcast %and3A_76 : i32 to vector<16xi32>
    %and3A_78 = arith.andi %add3A_75, %and3A_77 : vector<16xi32>
    %add3A_79 = arith.constant 2 : i32
    %add3A_80 = vector.broadcast %add3A_79 : i32 to vector<16xi32>
    %add3A_81 = arith.addi %iota3A, %add3A_80 : vector<16xi32>
    %and3A_82 = arith.constant 15 : i32
    %and3A_83 = vector.broadcast %and3A_82 : i32 to vector<16xi32>
    %and3A_84 = arith.andi %add3A_81, %and3A_83 : vector<16xi32>
    %add3A_85 = arith.constant 1 : i32
    %add3A_86 = vector.broadcast %add3A_85 : i32 to vector<16xi32>
    %add3A_87 = arith.addi %iota3A, %add3A_86 : vector<16xi32>
    %and3A_88 = arith.constant 15 : i32
    %and3A_89 = vector.broadcast %and3A_88 : i32 to vector<16xi32>
    %and3A_90 = arith.andi %add3A_87, %and3A_89 : vector<16xi32>
    %scan3A_91 = arith.constant 0 : i32
    %scan3A_92 = arith.constant 0 : i32
    %scan3A_93 = arith.constant 32 : i32
    %scan3A_94 = arith.addi %scan3A_92, %scan3A_93 : i32
    %scan3A_95 = arith.constant 1 : i32
    scf.for %scan3A_99 = %scan3A_92 to %scan3A_94 step %scan3A_95  : i32 {
      %rem3A = arith.constant 3 : i32
      %rem3A_100 = arith.remsi %scan3A_99, %rem3A : i32
      %dma_wait3A = arith.constant 0 : i32
      %dma_wait3A_101 = arith.constant 0 : i32
      %dma_wait3A_102 = arith.constant 0 : i32
      %dma_wait3A_103 = tpu.memref_slice %arg11[%rem3A_100, %dma_wait3A, %dma_wait3A_101, %dma_wait3A_102] : memref<3x16x8x64xf32, #tpu.memory_space<vmem>> -> memref<1x16x8x64xf32, #tpu.memory_space<vmem>>
      %dma_wait3A_104 = tpu.memref_squeeze %dma_wait3A_103 : memref<1x16x8x64xf32, #tpu.memory_space<vmem>> -> memref<16x8x64xf32, #tpu.memory_space<vmem>>
      %dma_wait3A_105 = arith.constant 0 : i32
      %dma_wait3A_106 = arith.constant 0 : i32
      %dma_wait3A_107 = arith.constant 0 : i32
      %dma_wait3A_108 = tpu.memref_slice %arg5[%dma_wait3A_105, %dma_wait3A_106, %dma_wait3A_107] : memref<125000x8x64xf32, #tpu.memory_space<hbm>> -> memref<16x8x64xf32, #tpu.memory_space<hbm>>
      %dma_wait3A_109 = tpu.memref_slice %arg15[%rem3A_100] : memref<3x!tpu.dma_semaphore, #tpu.memory_space<semaphore_mem>> -> memref<1x!tpu.dma_semaphore, #tpu.memory_space<semaphore_mem>>
      %dma_wait3A_110 = tpu.memref_squeeze %dma_wait3A_109 : memref<1x!tpu.dma_semaphore, #tpu.memory_space<semaphore_mem>> -> memref<!tpu.dma_semaphore, #tpu.memory_space<semaphore_mem>>
      %dma_wait3A_111 = arith.constant 0 : i32
      %dma_wait3A_112 = arith.constant 0 : i32
      %dma_wait3A_113 = arith.constant 0 : i32
      %dma_wait3A_114 = tpu.memref_slice %arg11[%rem3A_100, %dma_wait3A_111, %dma_wait3A_112, %dma_wait3A_113] : memref<3x16x8x64xf32, #tpu.memory_space<vmem>> -> memref<1x16x8x64xf32, #tpu.memory_space<vmem>>
      %dma_wait3A_115 = tpu.memref_squeeze %dma_wait3A_114 : memref<1x16x8x64xf32, #tpu.memory_space<vmem>> -> memref<16x8x64xf32, #tpu.memory_space<vmem>>
      %dma_wait3A_116 = arith.constant 0 : i32
      %dma_wait3A_117 = arith.constant 0 : i32
      %dma_wait3A_118 = arith.constant 0 : i32
      %dma_wait3A_119 = tpu.memref_slice %arg5[%dma_wait3A_116, %dma_wait3A_117, %dma_wait3A_118] : memref<125000x8x64xf32, #tpu.memory_space<hbm>> -> memref<16x8x64xf32, #tpu.memory_space<hbm>>
      tpu.wait_dma2 semaphore(%dma_wait3A_110 : memref<!tpu.dma_semaphore, #tpu.memory_space<semaphore_mem>>) src(%dma_wait3A_119 : memref<16x8x64xf32, #tpu.memory_space<hbm>>) dst(%dma_wait3A_115 : memref<16x8x64xf32, #tpu.memory_space<vmem>>)
      %dma_wait3A_120 = arith.constant 0 : i32
      %dma_wait3A_121 = arith.constant 0 : i32
      %dma_wait3A_122 = arith.constant 0 : i32
      %dma_wait3A_123 = tpu.memref_slice %arg12[%rem3A_100, %dma_wait3A_120, %dma_wait3A_121, %dma_wait3A_122] : memref<3x16x8x64xf32, #tpu.memory_space<vmem>> -> memref<1x16x8x64xf32, #tpu.memory_space<vmem>>
      %dma_wait3A_124 = tpu.memref_squeeze %dma_wait3A_123 : memref<1x16x8x64xf32, #tpu.memory_space<vmem>> -> memref<16x8x64xf32, #tpu.memory_space<vmem>>
      %dma_wait3A_125 = arith.constant 0 : i32
      %dma_wait3A_126 = arith.constant 0 : i32
      %dma_wait3A_127 = arith.constant 0 : i32
      %dma_wait3A_128 = tpu.memref_slice %arg5[%dma_wait3A_125, %dma_wait3A_126, %dma_wait3A_127] : memref<125000x8x64xf32, #tpu.memory_space<hbm>> -> memref<16x8x64xf32, #tpu.memory_space<hbm>>
      %dma_wait3A_129 = tpu.memref_slice %arg15[%rem3A_100] : memref<3x!tpu.dma_semaphore, #tpu.memory_space<semaphore_mem>> -> memref<1x!tpu.dma_semaphore, #tpu.memory_space<semaphore_mem>>
      %dma_wait3A_130 = tpu.memref_squeeze %dma_wait3A_129 : memref<1x!tpu.dma_semaphore, #tpu.memory_space<semaphore_mem>> -> memref<!tpu.dma_semaphore, #tpu.memory_space<semaphore_mem>>
      %dma_wait3A_131 = arith.constant 0 : i32
      %dma_wait3A_132 = arith.constant 0 : i32
      %dma_wait3A_133 = arith.constant 0 : i32
      %dma_wait3A_134 = tpu.memref_slice %arg12[%rem3A_100, %dma_wait3A_131, %dma_wait3A_132, %dma_wait3A_133] : memref<3x16x8x64xf32, #tpu.memory_space<vmem>> -> memref<1x16x8x64xf32, #tpu.memory_space<vmem>>
      %dma_wait3A_135 = tpu.memref_squeeze %dma_wait3A_134 : memref<1x16x8x64xf32, #tpu.memory_space<vmem>> -> memref<16x8x64xf32, #tpu.memory_space<vmem>>
      %dma_wait3A_136 = arith.constant 0 : i32
      %dma_wait3A_137 = arith.constant 0 : i32
      %dma_wait3A_138 = arith.constant 0 : i32
      %dma_wait3A_139 = tpu.memref_slice %arg5[%dma_wait3A_136, %dma_wait3A_137, %dma_wait3A_138] : memref<125000x8x64xf32, #tpu.memory_space<hbm>> -> memref<16x8x64xf32, #tpu.memory_space<hbm>>
      tpu.wait_dma2 semaphore(%dma_wait3A_130 : memref<!tpu.dma_semaphore, #tpu.memory_space<semaphore_mem>>) src(%dma_wait3A_139 : memref<16x8x64xf32, #tpu.memory_space<hbm>>) dst(%dma_wait3A_135 : memref<16x8x64xf32, #tpu.memory_space<vmem>>)
      %dma_wait3A_140 = arith.constant 0 : i32
      %dma_wait3A_141 = arith.constant 0 : i32
      %dma_wait3A_142 = tpu.memref_slice %arg13[%rem3A_100, %dma_wait3A_140, %dma_wait3A_141] : memref<3x16x128xf32, #tpu.memory_space<vmem>> -> memref<1x16x128xf32, #tpu.memory_space<vmem>>
      %dma_wait3A_143 = tpu.memref_squeeze %dma_wait3A_142 : memref<1x16x128xf32, #tpu.memory_space<vmem>> -> memref<16x128xf32, #tpu.memory_space<vmem>>
      %dma_wait3A_144 = arith.constant 0 : i32
      %dma_wait3A_145 = arith.constant 0 : i32
      %dma_wait3A_146 = tpu.memref_slice %arg6[%dma_wait3A_144, %dma_wait3A_145] : memref<1000x128xf32, #tpu.memory_space<hbm>> -> memref<16x128xf32, #tpu.memory_space<hbm>>
      %dma_wait3A_147 = tpu.memref_slice %arg16[%rem3A_100] : memref<3x!tpu.dma_semaphore, #tpu.memory_space<semaphore_mem>> -> memref<1x!tpu.dma_semaphore, #tpu.memory_space<semaphore_mem>>
      %dma_wait3A_148 = tpu.memref_squeeze %dma_wait3A_147 : memref<1x!tpu.dma_semaphore, #tpu.memory_space<semaphore_mem>> -> memref<!tpu.dma_semaphore, #tpu.memory_space<semaphore_mem>>
      %dma_wait3A_149 = arith.constant 0 : i32
      %dma_wait3A_150 = arith.constant 0 : i32
      %dma_wait3A_151 = tpu.memref_slice %arg13[%rem3A_100, %dma_wait3A_149, %dma_wait3A_150] : memref<3x16x128xf32, #tpu.memory_space<vmem>> -> memref<1x16x128xf32, #tpu.memory_space<vmem>>
      %dma_wait3A_152 = tpu.memref_squeeze %dma_wait3A_151 : memref<1x16x128xf32, #tpu.memory_space<vmem>> -> memref<16x128xf32, #tpu.memory_space<vmem>>
      %dma_wait3A_153 = arith.constant 0 : i32
      %dma_wait3A_154 = arith.constant 0 : i32
      %dma_wait3A_155 = tpu.memref_slice %arg6[%dma_wait3A_153, %dma_wait3A_154] : memref<1000x128xf32, #tpu.memory_space<hbm>> -> memref<16x128xf32, #tpu.memory_space<hbm>>
      tpu.wait_dma2 semaphore(%dma_wait3A_148 : memref<!tpu.dma_semaphore, #tpu.memory_space<semaphore_mem>>) src(%dma_wait3A_155 : memref<16x128xf32, #tpu.memory_space<hbm>>) dst(%dma_wait3A_152 : memref<16x128xf32, #tpu.memory_space<vmem>>)
      %scan3A_156 = arith.constant 0 : i32
      %scan3A_157 = arith.constant 0 : i32
      %mul3A_158 = arith.constant 16 : i32
      %mul3A_159 = arith.muli %scan3A_99, %mul3A_158 : i32
      %mul3A_160 = arith.constant 16 : i32
      %mul3A_161 = arith.muli %scan3A_157, %mul3A_160 : i32
      %add3A_162 = arith.addi %mul3A_159, %mul3A_161 : i32
      %get3A = arith.index_cast %add3A_162 : i32 to index
      %get3A_163 = tpu.vector_load %arg8[%get3A] {strides = array<i32>} : memref<528xi32, #tpu.memory_space<vmem>>, vector<16xi32>,
      %and3A_164 = arith.constant 7 : i32
      %and3A_165 = vector.broadcast %and3A_164 : i32 to vector<16xi32>
      %and3A_166 = arith.andi %get3A_163, %and3A_165 : vector<16xi32>
      %mul3A_167 = arith.constant 16 : i32
      %mul3A_168 = arith.muli %scan3A_99, %mul3A_167 : i32
      %mul3A_169 = arith.constant 16 : i32
      %mul3A_170 = arith.muli %scan3A_157, %mul3A_169 : i32
      %add3A_171 = arith.addi %mul3A_168, %mul3A_170 : i32
      %get3A_172 = arith.index_cast %add3A_171 : i32 to index
      %get3A_173 = tpu.vector_load %arg9[%get3A_172] {strides = array<i32>} : memref<528xi32, #tpu.memory_space<vmem>>, vector<16xi32>,
      %and3A_174 = arith.constant 7 : i32
      %and3A_175 = vector.broadcast %and3A_174 : i32 to vector<16xi32>
      %and3A_176 = arith.andi %get3A_173, %and3A_175 : vector<16xi32>
      %broadcast_in_dim3A = arith.constant 0.000000e+00 : f32
      %broadcast_in_dim3A_177 = vector.broadcast %broadcast_in_dim3A : f32 to vector<16xf32>
      %mul3A_178 = arith.constant 16 : i32
      %mul3A_179 = arith.muli %scan3A_157, %mul3A_178 : i32
      %add3A_180 = arith.constant 0 : i32
      %add3A_181 = arith.addi %mul3A_179, %add3A_180 : i32
      %broadcast_in_dim3A_182 = arith.constant 0.000000e+00 : f32
      %broadcast_in_dim3A_183 = vector.broadcast %broadcast_in_dim3A_182 : f32 to vector<16xf32>
      %slice3A = vector.extract_strided_slice %and3A_166 {offsets = [0], sizes = [1], strides = [1]} : vector<16xi32> to vector<1xi32>
      %squeeze3A = vector.extract %slice3A[0] : i32 from vector<1xi32>
      %get3A_184 = arith.index_cast %rem3A_100 : i32 to index
      %get3A_185 = arith.index_cast %add3A_181 : i32 to index
      %get3A_186 = arith.index_cast %squeeze3A : i32 to index
      %get3A_187 = arith.constant 0 : index
      %get3A_188 = tpu.vector_load %arg11[%get3A_184, %get3A_185, %get3A_186, %get3A_187] {strides = array<i32>} : memref<3x16x8x64xf32, #tpu.memory_space<vmem>>, vector<16xf32>,
      %slice3A_189 = vector.extract_strided_slice %and3A_166 {offsets = [0], sizes = [1], strides = [1]} : vector<16xi32> to vector<1xi32>
      %squeeze3A_190 = vector.extract %slice3A_189[0] : i32 from vector<1xi32>
      %get3A_191 = arith.index_cast %rem3A_100 : i32 to index
      %get3A_192 = arith.index_cast %add3A_181 : i32 to index
      %get3A_193 = arith.index_cast %squeeze3A_190 : i32 to index
      %get3A_194 = arith.constant 32 : index
      %get3A_195 = tpu.vector_load %arg11[%get3A_191, %get3A_192, %get3A_193, %get3A_194] {strides = array<i32>} : memref<3x16x8x64xf32, #tpu.memory_space<vmem>>, vector<16xf32>,
      %slice3A_196 = vector.extract_strided_slice %and3A_176 {offsets = [0], sizes = [1], strides = [1]} : vector<16xi32> to vector<1xi32>
      %squeeze3A_197 = vector.extract %slice3A_196[0] : i32 from vector<1xi32>
      %get3A_198 = arith.index_cast %rem3A_100 : i32 to index
      %get3A_199 = arith.index_cast %add3A_181 : i32 to index
      %get3A_200 = arith.index_cast %squeeze3A_197 : i32 to index
      %get3A_201 = arith.constant 0 : index
      %get3A_202 = tpu.vector_load %arg12[%get3A_198, %get3A_199, %get3A_200, %get3A_201] {strides = array<i32>} : memref<3x16x8x64xf32, #tpu.memory_space<vmem>>, vector<16xf32>,
      %slice3A_203 = vector.extract_strided_slice %and3A_176 {offsets = [0], sizes = [1], strides = [1]} : vector<16xi32> to vector<1xi32>
      %squeeze3A_204 = vector.extract %slice3A_203[0] : i32 from vector<1xi32>
      %get3A_205 = arith.index_cast %rem3A_100 : i32 to index
      %get3A_206 = arith.index_cast %add3A_181 : i32 to index
      %get3A_207 = arith.index_cast %squeeze3A_204 : i32 to index
      %get3A_208 = arith.constant 32 : index
      %get3A_209 = tpu.vector_load %arg12[%get3A_205, %get3A_206, %get3A_207, %get3A_208] {strides = array<i32>} : memref<3x16x8x64xf32, #tpu.memory_space<vmem>>, vector<16xf32>,
      %get3A_210 = arith.index_cast %rem3A_100 : i32 to index
      %get3A_211 = arith.index_cast %add3A_181 : i32 to index
      %get3A_212 = arith.constant 0 : index
      %get3A_213 = tpu.vector_load %arg13[%get3A_210, %get3A_211, %get3A_212] {strides = array<i32>} : memref<3x16x128xf32, #tpu.memory_space<vmem>>, vector<16xf32>,
      %get3A_214 = arith.index_cast %rem3A_100 : i32 to index
      %get3A_215 = arith.index_cast %add3A_181 : i32 to index
      %get3A_216 = arith.constant 32 : index
      %get3A_217 = tpu.vector_load %arg13[%get3A_214, %get3A_215, %get3A_216] {strides = array<i32>} : memref<3x16x128xf32, #tpu.memory_space<vmem>>, vector<16xf32>,
      %mul3A_218 = arith.mulf %get3A_188, %get3A_213 : vector<16xf32>
      %mul3A_219 = arith.mulf %get3A_195, %get3A_217 : vector<16xf32>
      %sub3A = arith.subf %mul3A_218, %mul3A_219 : vector<16xf32>
      %sub3A_220 = arith.subf %sub3A, %get3A_202 : vector<16xf32>
      %mul3A_221 = arith.mulf %get3A_188, %get3A_217 : vector<16xf32>
      %mul3A_222 = arith.mulf %get3A_195, %get3A_213 : vector<16xf32>
      %add3A_223 = arith.addf %mul3A_221, %mul3A_222 : vector<16xf32>
      %sub3A_224 = arith.subf %add3A_223, %get3A_209 : vector<16xf32>
      %mul3A_225 = arith.mulf %sub3A_220, %sub3A_220 : vector<16xf32>
      %mul3A_226 = arith.mulf %sub3A_224, %sub3A_224 : vector<16xf32>
      %add3A_227 = arith.addf %mul3A_225, %mul3A_226 : vector<16xf32>
      %add3A_228 = arith.constant 9.99999996E-13 : f32
      %add3A_229 = vector.broadcast %add3A_228 : f32 to vector<16xf32>
      %add3A_230 = arith.addf %add3A_227, %add3A_229 : vector<16xf32>
      %bitcast_convert_type3A = tpu.bitcast %add3A_230 : vector<16xf32> -> vector<16xi32>
      %shift_right_logical3A = arith.constant 1 : i32
      %shift_right_logical3A_231 = vector.broadcast %shift_right_logical3A : i32 to vector<16xi32>
      %shift_right_logical3A_232 = arith.shrui %bitcast_convert_type3A, %shift_right_logical3A_231 : vector<16xi32>
      %sub3A_233 = arith.constant 1597463007 : i32
      %sub3A_234 = vector.broadcast %sub3A_233 : i32 to vector<16xi32>
      %sub3A_235 = arith.subi %sub3A_234, %shift_right_logical3A_232 : vector<16xi32>
      %bitcast_convert_type3A_236 = tpu.bitcast %sub3A_235 : vector<16xi32> -> vector<16xf32>
      %mul3A_237 = arith.constant 5.000000e-01 : f32
      %mul3A_238 = vector.broadcast %mul3A_237 : f32 to vector<16xf32>
      %mul3A_239 = arith.mulf %mul3A_238, %add3A_230 : vector<16xf32>
      %mul3A_240 = arith.mulf %mul3A_239, %bitcast_convert_type3A_236 : vector<16xf32>
      %mul3A_241 = arith.mulf %mul3A_240, %bitcast_convert_type3A_236 : vector<16xf32>
      %sub3A_242 = arith.constant 1.500000e+00 : f32
      %sub3A_243 = vector.broadcast %sub3A_242 : f32 to vector<16xf32>
      %sub3A_244 = arith.subf %sub3A_243, %mul3A_241 : vector<16xf32>
      %mul3A_245 = arith.mulf %bitcast_convert_type3A_236, %sub3A_244 : vector<16xf32>
      %mul3A_246 = arith.constant 5.000000e-01 : f32
      %mul3A_247 = vector.broadcast %mul3A_246 : f32 to vector<16xf32>
      %mul3A_248 = arith.mulf %mul3A_247, %add3A_230 : vector<16xf32>
      %mul3A_249 = arith.mulf %mul3A_248, %mul3A_245 : vector<16xf32>
      %mul3A_250 = arith.mulf %mul3A_249, %mul3A_245 : vector<16xf32>
      %sub3A_251 = arith.constant 1.500000e+00 : f32
      %sub3A_252 = vector.broadcast %sub3A_251 : f32 to vector<16xf32>
      %sub3A_253 = arith.subf %sub3A_252, %mul3A_250 : vector<16xf32>
      %mul3A_254 = arith.mulf %mul3A_245, %sub3A_253 : vector<16xf32>
      %mul3A_255 = arith.constant 5.000000e-01 : f32
      %mul3A_256 = vector.broadcast %mul3A_255 : f32 to vector<16xf32>
      %mul3A_257 = arith.mulf %mul3A_256, %add3A_230 : vector<16xf32>
      %mul3A_258 = arith.mulf %mul3A_257, %mul3A_254 : vector<16xf32>
      %mul3A_259 = arith.mulf %mul3A_258, %mul3A_254 : vector<16xf32>
      %sub3A_260 = arith.constant 1.500000e+00 : f32
      %sub3A_261 = vector.broadcast %sub3A_260 : f32 to vector<16xf32>
      %sub3A_262 = arith.subf %sub3A_261, %mul3A_259 : vector<16xf32>
      %mul3A_263 = arith.mulf %mul3A_254, %sub3A_262 : vector<16xf32>
      %mul3A_264 = arith.mulf %add3A_230, %mul3A_263 : vector<16xf32>
      %add3A_265 = arith.addf %broadcast_in_dim3A_183, %mul3A_264 : vector<16xf32>
      %slice3A_266 = vector.extract_strided_slice %and3A_166 {offsets = [0], sizes = [1], strides = [1]} : vector<16xi32> to vector<1xi32>
      %squeeze3A_267 = vector.extract %slice3A_266[0] : i32 from vector<1xi32>
      %get3A_268 = arith.index_cast %rem3A_100 : i32 to index
      %get3A_269 = arith.index_cast %add3A_181 : i32 to index
      %get3A_270 = arith.index_cast %squeeze3A_267 : i32 to index
      %get3A_271 = arith.constant 16 : index
      %get3A_272 = tpu.vector_load %arg11[%get3A_268, %get3A_269, %get3A_270, %get3A_271] {strides = array<i32>} : memref<3x16x8x64xf32, #tpu.memory_space<vmem>>, vector<16xf32>,
      %slice3A_273 = vector.extract_strided_slice %and3A_166 {offsets = [0], sizes = [1], strides = [1]} : vector<16xi32> to vector<1xi32>
      %squeeze3A_274 = vector.extract %slice3A_273[0] : i32 from vector<1xi32>
      %get3A_275 = arith.index_cast %rem3A_100 : i32 to index
      %get3A_276 = arith.index_cast %add3A_181 : i32 to index
      %get3A_277 = arith.index_cast %squeeze3A_274 : i32 to index
      %get3A_278 = arith.constant 48 : index
      %get3A_279 = tpu.vector_load %arg11[%get3A_275, %get3A_276, %get3A_277, %get3A_278] {strides = array<i32>} : memref<3x16x8x64xf32, #tpu.memory_space<vmem>>, vector<16xf32>,
      %slice3A_280 = vector.extract_strided_slice %and3A_176 {offsets = [0], sizes = [1], strides = [1]} : vector<16xi32> to vector<1xi32>
      %squeeze3A_281 = vector.extract %slice3A_280[0] : i32 from vector<1xi32>
      %get3A_282 = arith.index_cast %rem3A_100 : i32 to index
      %get3A_283 = arith.index_cast %add3A_181 : i32 to index
      %get3A_284 = arith.index_cast %squeeze3A_281 : i32 to index
      %get3A_285 = arith.constant 16 : index
      %get3A_286 = tpu.vector_load %arg12[%get3A_282, %get3A_283, %get3A_284, %get3A_285] {strides = array<i32>} : memref<3x16x8x64xf32, #tpu.memory_space<vmem>>, vector<16xf32>,
      %slice3A_287 = vector.extract_strided_slice %and3A_176 {offsets = [0], sizes = [1], strides = [1]} : vector<16xi32> to vector<1xi32>
      %squeeze3A_288 = vector.extract %slice3A_287[0] : i32 from vector<1xi32>
      %get3A_289 = arith.index_cast %rem3A_100 : i32 to index
      %get3A_290 = arith.index_cast %add3A_181 : i32 to index
      %get3A_291 = arith.index_cast %squeeze3A_288 : i32 to index
      %get3A_292 = arith.constant 48 : index
      %get3A_293 = tpu.vector_load %arg12[%get3A_289, %get3A_290, %get3A_291, %get3A_292] {strides = array<i32>} : memref<3x16x8x64xf32, #tpu.memory_space<vmem>>, vector<16xf32>,
      %get3A_294 = arith.index_cast %rem3A_100 : i32 to index
      %get3A_295 = arith.index_cast %add3A_181 : i32 to index
      %get3A_296 = arith.constant 16 : index
      %get3A_297 = tpu.vector_load %arg13[%get3A_294, %get3A_295, %get3A_296] {strides = array<i32>} : memref<3x16x128xf32, #tpu.memory_space<vmem>>, vector<16xf32>,
      %get3A_298 = arith.index_cast %rem3A_100 : i32 to index
      %get3A_299 = arith.index_cast %add3A_181 : i32 to index
      %get3A_300 = arith.constant 48 : index
      %get3A_301 = tpu.vector_load %arg13[%get3A_298, %get3A_299, %get3A_300] {strides = array<i32>} : memref<3x16x128xf32, #tpu.memory_space<vmem>>, vector<16xf32>,
      %mul3A_302 = arith.mulf %get3A_272, %get3A_297 : vector<16xf32>
      %mul3A_303 = arith.mulf %get3A_279, %get3A_301 : vector<16xf32>
      %sub3A_304 = arith.subf %mul3A_302, %mul3A_303 : vector<16xf32>
      %sub3A_305 = arith.subf %sub3A_304, %get3A_286 : vector<16xf32>
      %mul3A_306 = arith.mulf %get3A_272, %get3A_301 : vector<16xf32>
      %mul3A_307 = arith.mulf %get3A_279, %get3A_297 : vector<16xf32>
      %add3A_308 = arith.addf %mul3A_306, %mul3A_307 : vector<16xf32>
      %sub3A_309 = arith.subf %add3A_308, %get3A_293 : vector<16xf32>
      %mul3A_310 = arith.mulf %sub3A_305, %sub3A_305 : vector<16xf32>
      %mul3A_311 = arith.mulf %sub3A_309, %sub3A_309 : vector<16xf32>
      %add3A_312 = arith.addf %mul3A_310, %mul3A_311 : vector<16xf32>
      %add3A_313 = arith.constant 9.99999996E-13 : f32
      %add3A_314 = vector.broadcast %add3A_313 : f32 to vector<16xf32>
      %add3A_315 = arith.addf %add3A_312, %add3A_314 : vector<16xf32>
      %bitcast_convert_type3A_316 = tpu.bitcast %add3A_315 : vector<16xf32> -> vector<16xi32>
      %shift_right_logical3A_317 = arith.constant 1 : i32
      %shift_right_logical3A_318 = vector.broadcast %shift_right_logical3A_317 : i32 to vector<16xi32>
      %shift_right_logical3A_319 = arith.shrui %bitcast_convert_type3A_316, %shift_right_logical3A_318 : vector<16xi32>
      %sub3A_320 = arith.constant 1597463007 : i32
      %sub3A_321 = vector.broadcast %sub3A_320 : i32 to vector<16xi32>
      %sub3A_322 = arith.subi %sub3A_321, %shift_right_logical3A_319 : vector<16xi32>
      %bitcast_convert_type3A_323 = tpu.bitcast %sub3A_322 : vector<16xi32> -> vector<16xf32>
      %mul3A_324 = arith.constant 5.000000e-01 : f32
      %mul3A_325 = vector.broadcast %mul3A_324 : f32 to vector<16xf32>
      %mul3A_326 = arith.mulf %mul3A_325, %add3A_315 : vector<16xf32>
      %mul3A_327 = arith.mulf %mul3A_326, %bitcast_convert_type3A_323 : vector<16xf32>
      %mul3A_328 = arith.mulf %mul3A_327, %bitcast_convert_type3A_323 : vector<16xf32>
      %sub3A_329 = arith.constant 1.500000e+00 : f32
      %sub3A_330 = vector.broadcast %sub3A_329 : f32 to vector<16xf32>
      %sub3A_331 = arith.subf %sub3A_330, %mul3A_328 : vector<16xf32>
      %mul3A_332 = arith.mulf %bitcast_convert_type3A_323, %sub3A_331 : vector<16xf32>
      %mul3A_333 = arith.constant 5.000000e-01 : f32
      %mul3A_334 = vector.broadcast %mul3A_333 : f32 to vector<16xf32>
      %mul3A_335 = arith.mulf %mul3A_334, %add3A_315 : vector<16xf32>
      %mul3A_336 = arith.mulf %mul3A_335, %mul3A_332 : vector<16xf32>
      %mul3A_337 = arith.mulf %mul3A_336, %mul3A_332 : vector<16xf32>
      %sub3A_338 = arith.constant 1.500000e+00 : f32
      %sub3A_339 = vector.broadcast %sub3A_338 : f32 to vector<16xf32>
      %sub3A_340 = arith.subf %sub3A_339, %mul3A_337 : vector<16xf32>
      %mul3A_341 = arith.mulf %mul3A_332, %sub3A_340 : vector<16xf32>
      %mul3A_342 = arith.constant 5.000000e-01 : f32
      %mul3A_343 = vector.broadcast %mul3A_342 : f32 to vector<16xf32>
      %mul3A_344 = arith.mulf %mul3A_343, %add3A_315 : vector<16xf32>
      %mul3A_345 = arith.mulf %mul3A_344, %mul3A_341 : vector<16xf32>
      %mul3A_346 = arith.mulf %mul3A_345, %mul3A_341 : vector<16xf32>
      %sub3A_347 = arith.constant 1.500000e+00 : f32
      %sub3A_348 = vector.broadcast %sub3A_347 : f32 to vector<16xf32>
      %sub3A_349 = arith.subf %sub3A_348, %mul3A_346 : vector<16xf32>
      %mul3A_350 = arith.mulf %mul3A_341, %sub3A_349 : vector<16xf32>
      %mul3A_351 = arith.mulf %add3A_315, %mul3A_350 : vector<16xf32>
      %add3A_352 = arith.addf %add3A_265, %mul3A_351 : vector<16xf32>
      %lt3A = arith.constant 0 : i32
      %lt3A_353 = vector.broadcast %lt3A : i32 to vector<16xi32>
      %lt3A_354 = arith.cmpi slt, %and3A_72, %lt3A_353 : vector<16xi32>
      %add3A_355 = arith.constant 16 : i32
      %add3A_356 = vector.broadcast %add3A_355 : i32 to vector<16xi32>
      %add3A_357 = arith.addi %and3A_72, %add3A_356 : vector<16xi32>
      %select_n3A = arith.select %lt3A_354, %add3A_357, %and3A_72 : vector<16xi1>, vector<16xi32>
      %reshape3A = vector.shape_cast %select_n3A : vector<16xi32> to vector<16x1xi32>
      %gather3A = vector.shape_cast %reshape3A : vector<16x1xi32> to vector<16xi32>
      %gather3A_358 = tpu.dynamic_gather %add3A_352[%gather3A] in [0] : vector<16xf32>, vector<16xi32> -> vector<16xf32>
      %add3A_359 = arith.addf %add3A_352, %gather3A_358 : vector<16xf32>
      %lt3A_360 = arith.constant 0 : i32
      %lt3A_361 = vector.broadcast %lt3A_360 : i32 to vector<16xi32>
      %lt3A_362 = arith.cmpi slt, %and3A_78, %lt3A_361 : vector<16xi32>
      %add3A_363 = arith.constant 16 : i32
      %add3A_364 = vector.broadcast %add3A_363 : i32 to vector<16xi32>
      %add3A_365 = arith.addi %and3A_78, %add3A_364 : vector<16xi32>
      %select_n3A_366 = arith.select %lt3A_362, %add3A_365, %and3A_78 : vector<16xi1>, vector<16xi32>
      %reshape3A_367 = vector.shape_cast %select_n3A_366 : vector<16xi32> to vector<16x1xi32>
      %gather3A_368 = vector.shape_cast %reshape3A_367 : vector<16x1xi32> to vector<16xi32>
      %gather3A_369 = tpu.dynamic_gather %add3A_359[%gather3A_368] in [0] : vector<16xf32>, vector<16xi32> -> vector<16xf32>
      %add3A_370 = arith.addf %add3A_359, %gather3A_369 : vector<16xf32>
      %lt3A_371 = arith.constant 0 : i32
      %lt3A_372 = vector.broadcast %lt3A_371 : i32 to vector<16xi32>
      %lt3A_373 = arith.cmpi slt, %and3A_84, %lt3A_372 : vector<16xi32>
      %add3A_374 = arith.constant 16 : i32
      %add3A_375 = vector.broadcast %add3A_374 : i32 to vector<16xi32>
      %add3A_376 = arith.addi %and3A_84, %add3A_375 : vector<16xi32>
      %select_n3A_377 = arith.select %lt3A_373, %add3A_376, %and3A_84 : vector<16xi1>, vector<16xi32>
      %reshape3A_378 = vector.shape_cast %select_n3A_377 : vector<16xi32> to vector<16x1xi32>
      %gather3A_379 = vector.shape_cast %reshape3A_378 : vector<16x1xi32> to vector<16xi32>
      %gather3A_380 = tpu.dynamic_gather %add3A_370[%gather3A_379] in [0] : vector<16xf32>, vector<16xi32> -> vector<16xf32>
      %add3A_381 = arith.addf %add3A_370, %gather3A_380 : vector<16xf32>
      %lt3A_382 = arith.constant 0 : i32
      %lt3A_383 = vector.broadcast %lt3A_382 : i32 to vector<16xi32>
      %lt3A_384 = arith.cmpi slt, %and3A_90, %lt3A_383 : vector<16xi32>
      %add3A_385 = arith.constant 16 : i32
      %add3A_386 = vector.broadcast %add3A_385 : i32 to vector<16xi32>
      %add3A_387 = arith.addi %and3A_90, %add3A_386 : vector<16xi32>
      %select_n3A_388 = arith.select %lt3A_384, %add3A_387, %and3A_90 : vector<16xi1>, vector<16xi32>
      %reshape3A_389 = vector.shape_cast %select_n3A_388 : vector<16xi32> to vector<16x1xi32>
      %gather3A_390 = vector.shape_cast %reshape3A_389 : vector<16x1xi32> to vector<16xi32>
      %gather3A_391 = tpu.dynamic_gather %add3A_381[%gather3A_390] in [0] : vector<16xf32>, vector<16xi32> -> vector<16xf32>
      %add3A_392 = arith.addf %add3A_381, %gather3A_391 : vector<16xf32>
      %eq3A = arith.constant 0 : i32
      %eq3A_393 = vector.broadcast %eq3A : i32 to vector<16xi32>
      %eq3A_394 = arith.cmpi eq, %iota3A, %eq3A_393 : vector<16xi32>
      %select_n3A_395 = arith.select %eq3A_394, %add3A_392, %broadcast_in_dim3A_177 : vector<16xi1>, vector<16xf32>
      %mul3A_396 = arith.constant 16 : i32
      %mul3A_397 = arith.muli %scan3A_157, %mul3A_396 : i32
      %add3A_398 = arith.constant 1 : i32
      %add3A_399 = arith.addi %mul3A_397, %add3A_398 : i32
      %broadcast_in_dim3A_400 = arith.constant 0.000000e+00 : f32
      %broadcast_in_dim3A_401 = vector.broadcast %broadcast_in_dim3A_400 : f32 to vector<16xf32>
      %slice3A_402 = vector.extract_strided_slice %and3A_166 {offsets = [1], sizes = [1], strides = [1]} : vector<16xi32> to vector<1xi32>
      %squeeze3A_403 = vector.extract %slice3A_402[0] : i32 from vector<1xi32>
      %get3A_404 = arith.index_cast %rem3A_100 : i32 to index
      %get3A_405 = arith.index_cast %add3A_399 : i32 to index
      %get3A_406 = arith.index_cast %squeeze3A_403 : i32 to index
      %get3A_407 = arith.constant 0 : index
      %get3A_408 = tpu.vector_load %arg11[%get3A_404, %get3A_405, %get3A_406, %get3A_407] {strides = array<i32>} : memref<3x16x8x64xf32, #tpu.memory_space<vmem>>, vector<16xf32>,
      %slice3A_409 = vector.extract_strided_slice %and3A_166 {offsets = [1], sizes = [1], strides = [1]} : vector<16xi32> to vector<1xi32>
      %squeeze3A_410 = vector.extract %slice3A_409[0] : i32 from vector<1xi32>
      %get3A_411 = arith.index_cast %rem3A_100 : i32 to index
      %get3A_412 = arith.index_cast %add3A_399 : i32 to index
      %get3A_413 = arith.index_cast %squeeze3A_410 : i32 to index
      %get3A_414 = arith.constant 32 : index
      %get3A_415 = tpu.vector_load %arg11[%get3A_411, %get3A_412, %get3A_413, %get3A_414] {strides = array<i32>} : memref<3x16x8x64xf32, #tpu.memory_space<vmem>>, vector<16xf32>,
      %slice3A_416 = vector.extract_strided_slice %and3A_176 {offsets = [1], sizes = [1], strides = [1]} : vector<16xi32> to vector<1xi32>
      %squeeze3A_417 = vector.extract %slice3A_416[0] : i32 from vector<1xi32>
      %get3A_418 = arith.index_cast %rem3A_100 : i32 to index
      %get3A_419 = arith.index_cast %add3A_399 : i32 to index
      %get3A_420 = arith.index_cast %squeeze3A_417 : i32 to index
      %get3A_421 = arith.constant 0 : index
      %get3A_422 = tpu.vector_load %arg12[%get3A_418, %get3A_419, %get3A_420, %get3A_421] {strides = array<i32>} : memref<3x16x8x64xf32, #tpu.memory_space<vmem>>, vector<16xf32>,
      %slice3A_423 = vector.extract_strided_slice %and3A_176 {offsets = [1], sizes = [1], strides = [1]} : vector<16xi32> to vector<1xi32>
      %squeeze3A_424 = vector.extract %slice3A_423[0] : i32 from vector<1xi32>
      %get3A_425 = arith.index_cast %rem3A_100 : i32 to index
      %get3A_426 = arith.index_cast %add3A_399 : i32 to index
      %get3A_427 = arith.index_cast %squeeze3A_424 : i32 to index
      %get3A_428 = arith.constant 32 : index
      %get3A_429 = tpu.vector_load %arg12[%get3A_425, %get3A_426, %get3A_427, %get3A_428] {strides = array<i32>} : memref<3x16x8x64xf32, #tpu.memory_space<vmem>>, vector<16xf32>,
      %get3A_430 = arith.index_cast %rem3A_100 : i32 to index
      %get3A_431 = arith.index_cast %add3A_399 : i32 to index
      %get3A_432 = arith.constant 0 : index
      %get3A_433 = tpu.vector_load %arg13[%get3A_430, %get3A_431, %get3A_432] {strides = array<i32>} : memref<3x16x128xf32, #tpu.memory_space<vmem>>, vector<16xf32>,
      %get3A_434 = arith.index_cast %rem3A_100 : i32 to index
      %get3A_435 = arith.index_cast %add3A_399 : i32 to index
      %get3A_436 = arith.constant 32 : index
      %get3A_437 = tpu.vector_load %arg13[%get3A_434, %get3A_435, %get3A_436] {strides = array<i32>} : memref<3x16x128xf32, #tpu.memory_space<vmem>>, vector<16xf32>,
      %mul3A_438 = arith.mulf %get3A_408, %get3A_433 : vector<16xf32>
      %mul3A_439 = arith.mulf %get3A_415, %get3A_437 : vector<16xf32>
      %sub3A_440 = arith.subf %mul3A_438, %mul3A_439 : vector<16xf32>
      %sub3A_441 = arith.subf %sub3A_440, %get3A_422 : vector<16xf32>
      %mul3A_442 = arith.mulf %get3A_408, %get3A_437 : vector<16xf32>
      %mul3A_443 = arith.mulf %get3A_415, %get3A_433 : vector<16xf32>
      %add3A_444 = arith.addf %mul3A_442, %mul3A_443 : vector<16xf32>
      %sub3A_445 = arith.subf %add3A_444, %get3A_429 : vector<16xf32>
      %mul3A_446 = arith.mulf %sub3A_441, %sub3A_441 : vector<16xf32>
      %mul3A_447 = arith.mulf %sub3A_445, %sub3A_445 : vector<16xf32>
      %add3A_448 = arith.addf %mul3A_446, %mul3A_447 : vector<16xf32>
      %add3A_449 = arith.constant 9.99999996E-13 : f32
      %add3A_450 = vector.broadcast %add3A_449 : f32 to vector<16xf32>
      %add3A_451 = arith.addf %add3A_448, %add3A_450 : vector<16xf32>
      %bitcast_convert_type3A_452 = tpu.bitcast %add3A_451 : vector<16xf32> -> vector<16xi32>
      %shift_right_logical3A_453 = arith.constant 1 : i32
      %shift_right_logical3A_454 = vector.broadcast %shift_right_logical3A_453 : i32 to vector<16xi32>
      %shift_right_logical3A_455 = arith.shrui %bitcast_convert_type3A_452, %shift_right_logical3A_454 : vector<16xi32>
      %sub3A_456 = arith.constant 1597463007 : i32
      %sub3A_457 = vector.broadcast %sub3A_456 : i32 to vector<16xi32>
      %sub3A_458 = arith.subi %sub3A_457, %shift_right_logical3A_455 : vector<16xi32>
      %bitcast_convert_type3A_459 = tpu.bitcast %sub3A_458 : vector<16xi32> -> vector<16xf32>
      %mul3A_460 = arith.constant 5.000000e-01 : f32
      %mul3A_461 = vector.broadcast %mul3A_460 : f32 to vector<16xf32>
      %mul3A_462 = arith.mulf %mul3A_461, %add3A_451 : vector<16xf32>
      %mul3A_463 = arith.mulf %mul3A_462, %bitcast_convert_type3A_459 : vector<16xf32>
      %mul3A_464 = arith.mulf %mul3A_463, %bitcast_convert_type3A_459 : vector<16xf32>
      %sub3A_465 = arith.constant 1.500000e+00 : f32
      %sub3A_466 = vector.broadcast %sub3A_465 : f32 to vector<16xf32>
      %sub3A_467 = arith.subf %sub3A_466, %mul3A_464 : vector<16xf32>
      %mul3A_468 = arith.mulf %bitcast_convert_type3A_459, %sub3A_467 : vector<16xf32>
      %mul3A_469 = arith.constant 5.000000e-01 : f32
      %mul3A_470 = vector.broadcast %mul3A_469 : f32 to vector<16xf32>
      %mul3A_471 = arith.mulf %mul3A_470, %add3A_451 : vector<16xf32>
      %mul3A_472 = arith.mulf %mul3A_471, %mul3A_468 : vector<16xf32>
      %mul3A_473 = arith.mulf %mul3A_472, %mul3A_468 : vector<16xf32>
      %sub3A_474 = arith.constant 1.500000e+00 : f32
      %sub3A_475 = vector.broadcast %sub3A_474 : f32 to vector<16xf32>
      %sub3A_476 = arith.subf %sub3A_475, %mul3A_473 : vector<16xf32>
      %mul3A_477 = arith.mulf %mul3A_468, %sub3A_476 : vector<16xf32>
      %mul3A_478 = arith.constant 5.000000e-01 : f32
      %mul3A_479 = vector.broadcast %mul3A_478 : f32 to vector<16xf32>
      %mul3A_480 = arith.mulf %mul3A_479, %add3A_451 : vector<16xf32>
      %mul3A_481 = arith.mulf %mul3A_480, %mul3A_477 : vector<16xf32>
      %mul3A_482 = arith.mulf %mul3A_481, %mul3A_477 : vector<16xf32>
      %sub3A_483 = arith.constant 1.500000e+00 : f32
      %sub3A_484 = vector.broadcast %sub3A_483 : f32 to vector<16xf32>
      %sub3A_485 = arith.subf %sub3A_484, %mul3A_482 : vector<16xf32>
      %mul3A_486 = arith.mulf %mul3A_477, %sub3A_485 : vector<16xf32>
      %mul3A_487 = arith.mulf %add3A_451, %mul3A_486 : vector<16xf32>
      %add3A_488 = arith.addf %broadcast_in_dim3A_401, %mul3A_487 : vector<16xf32>
      %slice3A_489 = vector.extract_strided_slice %and3A_166 {offsets = [1], sizes = [1], strides = [1]} : vector<16xi32> to vector<1xi32>
      %squeeze3A_490 = vector.extract %slice3A_489[0] : i32 from vector<1xi32>
      %get3A_491 = arith.index_cast %rem3A_100 : i32 to index
      %get3A_492 = arith.index_cast %add3A_399 : i32 to index
      %get3A_493 = arith.index_cast %squeeze3A_490 : i32 to index
      %get3A_494 = arith.constant 16 : index
      %get3A_495 = tpu.vector_load %arg11[%get3A_491, %get3A_492, %get3A_493, %get3A_494] {strides = array<i32>} : memref<3x16x8x64xf32, #tpu.memory_space<vmem>>, vector<16xf32>,
      %slice3A_496 = vector.extract_strided_slice %and3A_166 {offsets = [1], sizes = [1], strides = [1]} : vector<16xi32> to vector<1xi32>
      %squeeze3A_497 = vector.extract %slice3A_496[0] : i32 from vector<1xi32>
      %get3A_498 = arith.index_cast %rem3A_100 : i32 to index
      %get3A_499 = arith.index_cast %add3A_399 : i32 to index
      %get3A_500 = arith.index_cast %squeeze3A_497 : i32 to index
      %get3A_501 = arith.constant 48 : index
      %get3A_502 = tpu.vector_load %arg11[%get3A_498, %get3A_499, %get3A_500, %get3A_501] {strides = array<i32>} : memref<3x16x8x64xf32, #tpu.memory_space<vmem>>, vector<16xf32>,
      %slice3A_503 = vector.extract_strided_slice %and3A_176 {offsets = [1], sizes = [1], strides = [1]} : vector<16xi32> to vector<1xi32>
      %squeeze3A_504 = vector.extract %slice3A_503[0] : i32 from vector<1xi32>
      %get3A_505 = arith.index_cast %rem3A_100 : i32 to index
      %get3A_506 = arith.index_cast %add3A_399 : i32 to index
      %get3A_507 = arith.index_cast %squeeze3A_504 : i32 to index
      %get3A_508 = arith.constant 16 : index
      %get3A_509 = tpu.vector_load %arg12[%get3A_505, %get3A_506, %get3A_507, %get3A_508] {strides = array<i32>} : memref<3x16x8x64xf32, #tpu.memory_space<vmem>>, vector<16xf32>,
      %slice3A_510 = vector.extract_strided_slice %and3A_176 {offsets = [1], sizes = [1], strides = [1]} : vector<16xi32> to vector<1xi32>
      %squeeze3A_511 = vector.extract %slice3A_510[0] : i32 from vector<1xi32>
      %get3A_512 = arith.index_cast %rem3A_100 : i32 to index
      %get3A_513 = arith.index_cast %add3A_399 : i32 to index
      %get3A_514 = arith.index_cast %squeeze3A_511 : i32 to index
      %get3A_515 = arith.constant 48 : index
      %get3A_516 = tpu.vector_load %arg12[%get3A_512, %get3A_513, %get3A_514, %get3A_515] {strides = array<i32>} : memref<3x16x8x64xf32, #tpu.memory_space<vmem>>, vector<16xf32>,
      %get3A_517 = arith.index_cast %rem3A_100 : i32 to index
      %get3A_518 = arith.index_cast %add3A_399 : i32 to index
      %get3A_519 = arith.constant 16 : index
      %get3A_520 = tpu.vector_load %arg13[%get3A_517, %get3A_518, %get3A_519] {strides = array<i32>} : memref<3x16x128xf32, #tpu.memory_space<vmem>>, vector<16xf32>,
      %get3A_521 = arith.index_cast %rem3A_100 : i32 to index
      %get3A_522 = arith.index_cast %add3A_399 : i32 to index
      %get3A_523 = arith.constant 48 : index
      %get3A_524 = tpu.vector_load %arg13[%get3A_521, %get3A_522, %get3A_523] {strides = array<i32>} : memref<3x16x128xf32, #tpu.memory_space<vmem>>, vector<16xf32>,
      %mul3A_525 = arith.mulf %get3A_495, %get3A_520 : vector<16xf32>
      %mul3A_526 = arith.mulf %get3A_502, %get3A_524 : vector<16xf32>
      %sub3A_527 = arith.subf %mul3A_525, %mul3A_526 : vector<16xf32>
      %sub3A_528 = arith.subf %sub3A_527, %get3A_509 : vector<16xf32>
      %mul3A_529 = arith.mulf %get3A_495, %get3A_524 : vector<16xf32>
      %mul3A_530 = arith.mulf %get3A_502, %get3A_520 : vector<16xf32>
      %add3A_531 = arith.addf %mul3A_529, %mul3A_530 : vector<16xf32>
      %sub3A_532 = arith.subf %add3A_531, %get3A_516 : vector<16xf32>
      %mul3A_533 = arith.mulf %sub3A_528, %sub3A_528 : vector<16xf32>
      %mul3A_534 = arith.mulf %sub3A_532, %sub3A_532 : vector<16xf32>
      %add3A_535 = arith.addf %mul3A_533, %mul3A_534 : vector<16xf32>
      %add3A_536 = arith.constant 9.99999996E-13 : f32
      %add3A_537 = vector.broadcast %add3A_536 : f32 to vector<16xf32>
      %add3A_538 = arith.addf %add3A_535, %add3A_537 : vector<16xf32>
      %bitcast_convert_type3A_539 = tpu.bitcast %add3A_538 : vector<16xf32> -> vector<16xi32>
      %shift_right_logical3A_540 = arith.constant 1 : i32
      %shift_right_logical3A_541 = vector.broadcast %shift_right_logical3A_540 : i32 to vector<16xi32>
      %shift_right_logical3A_542 = arith.shrui %bitcast_convert_type3A_539, %shift_right_logical3A_541 : vector<16xi32>
      %sub3A_543 = arith.constant 1597463007 : i32
      %sub3A_544 = vector.broadcast %sub3A_543 : i32 to vector<16xi32>
      %sub3A_545 = arith.subi %sub3A_544, %shift_right_logical3A_542 : vector<16xi32>
      %bitcast_convert_type3A_546 = tpu.bitcast %sub3A_545 : vector<16xi32> -> vector<16xf32>
      %mul3A_547 = arith.constant 5.000000e-01 : f32
      %mul3A_548 = vector.broadcast %mul3A_547 : f32 to vector<16xf32>
      %mul3A_549 = arith.mulf %mul3A_548, %add3A_538 : vector<16xf32>
      %mul3A_550 = arith.mulf %mul3A_549, %bitcast_convert_type3A_546 : vector<16xf32>
      %mul3A_551 = arith.mulf %mul3A_550, %bitcast_convert_type3A_546 : vector<16xf32>
      %sub3A_552 = arith.constant 1.500000e+00 : f32
      %sub3A_553 = vector.broadcast %sub3A_552 : f32 to vector<16xf32>
      %sub3A_554 = arith.subf %sub3A_553, %mul3A_551 : vector<16xf32>
      %mul3A_555 = arith.mulf %bitcast_convert_type3A_546, %sub3A_554 : vector<16xf32>
      %mul3A_556 = arith.constant 5.000000e-01 : f32
      %mul3A_557 = vector.broadcast %mul3A_556 : f32 to vector<16xf32>
      %mul3A_558 = arith.mulf %mul3A_557, %add3A_538 : vector<16xf32>
      %mul3A_559 = arith.mulf %mul3A_558, %mul3A_555 : vector<16xf32>
      %mul3A_560 = arith.mulf %mul3A_559, %mul3A_555 : vector<16xf32>
      %sub3A_561 = arith.constant 1.500000e+00 : f32
      %sub3A_562 = vector.broadcast %sub3A_561 : f32 to vector<16xf32>
      %sub3A_563 = arith.subf %sub3A_562, %mul3A_560 : vector<16xf32>
      %mul3A_564 = arith.mulf %mul3A_555, %sub3A_563 : vector<16xf32>
      %mul3A_565 = arith.constant 5.000000e-01 : f32
      %mul3A_566 = vector.broadcast %mul3A_565 : f32 to vector<16xf32>
      %mul3A_567 = arith.mulf %mul3A_566, %add3A_538 : vector<16xf32>
      %mul3A_568 = arith.mulf %mul3A_567, %mul3A_564 : vector<16xf32>
      %mul3A_569 = arith.mulf %mul3A_568, %mul3A_564 : vector<16xf32>
      %sub3A_570 = arith.constant 1.500000e+00 : f32
      %sub3A_571 = vector.broadcast %sub3A_570 : f32 to vector<16xf32>
      %sub3A_572 = arith.subf %sub3A_571, %mul3A_569 : vector<16xf32>
      %mul3A_573 = arith.mulf %mul3A_564, %sub3A_572 : vector<16xf32>
      %mul3A_574 = arith.mulf %add3A_538, %mul3A_573 : vector<16xf32>
      %add3A_575 = arith.addf %add3A_488, %mul3A_574 : vector<16xf32>
      %lt3A_576 = arith.constant 0 : i32
      %lt3A_577 = vector.broadcast %lt3A_576 : i32 to vector<16xi32>
      %lt3A_578 = arith.cmpi slt, %and3A_72, %lt3A_577 : vector<16xi32>
      %add3A_579 = arith.constant 16 : i32
      %add3A_580 = vector.broadcast %add3A_579 : i32 to vector<16xi32>
      %add3A_581 = arith.addi %and3A_72, %add3A_580 : vector<16xi32>
      %select_n3A_582 = arith.select %lt3A_578, %add3A_581, %and3A_72 : vector<16xi1>, vector<16xi32>
      %reshape3A_583 = vector.shape_cast %select_n3A_582 : vector<16xi32> to vector<16x1xi32>
      %gather3A_584 = vector.shape_cast %reshape3A_583 : vector<16x1xi32> to vector<16xi32>
      %gather3A_585 = tpu.dynamic_gather %add3A_575[%gather3A_584] in [0] : vector<16xf32>, vector<16xi32> -> vector<16xf32>
      %add3A_586 = arith.addf %add3A_575, %gather3A_585 : vector<16xf32>
      %lt3A_587 = arith.constant 0 : i32
      %lt3A_588 = vector.broadcast %lt3A_587 : i32 to vector<16xi32>
      %lt3A_589 = arith.cmpi slt, %and3A_78, %lt3A_588 : vector<16xi32>
      %add3A_590 = arith.constant 16 : i32
      %add3A_591 = vector.broadcast %add3A_590 : i32 to vector<16xi32>
      %add3A_592 = arith.addi %and3A_78, %add3A_591 : vector<16xi32>
      %select_n3A_593 = arith.select %lt3A_589, %add3A_592, %and3A_78 : vector<16xi1>, vector<16xi32>
      %reshape3A_594 = vector.shape_cast %select_n3A_593 : vector<16xi32> to vector<16x1xi32>
      %gather3A_595 = vector.shape_cast %reshape3A_594 : vector<16x1xi32> to vector<16xi32>
      %gather3A_596 = tpu.dynamic_gather %add3A_586[%gather3A_595] in [0] : vector<16xf32>, vector<16xi32> -> vector<16xf32>
      %add3A_597 = arith.addf %add3A_586, %gather3A_596 : vector<16xf32>
      %lt3A_598 = arith.constant 0 : i32
      %lt3A_599 = vector.broadcast %lt3A_598 : i32 to vector<16xi32>
      %lt3A_600 = arith.cmpi slt, %and3A_84, %lt3A_599 : vector<16xi32>
      %add3A_601 = arith.constant 16 : i32
      %add3A_602 = vector.broadcast %add3A_601 : i32 to vector<16xi32>
      %add3A_603 = arith.addi %and3A_84, %add3A_602 : vector<16xi32>
      %select_n3A_604 = arith.select %lt3A_600, %add3A_603, %and3A_84 : vector<16xi1>, vector<16xi32>
      %reshape3A_605 = vector.shape_cast %select_n3A_604 : vector<16xi32> to vector<16x1xi32>
      %gather3A_606 = vector.shape_cast %reshape3A_605 : vector<16x1xi32> to vector<16xi32>
      %gather3A_607 = tpu.dynamic_gather %add3A_597[%gather3A_606] in [0] : vector<16xf32>, vector<16xi32> -> vector<16xf32>
      %add3A_608 = arith.addf %add3A_597, %gather3A_607 : vector<16xf32>
      %lt3A_609 = arith.constant 0 : i32
      %lt3A_610 = vector.broadcast %lt3A_609 : i32 to vector<16xi32>
      %lt3A_611 = arith.cmpi slt, %and3A_90, %lt3A_610 : vector<16xi32>
      %add3A_612 = arith.constant 16 : i32
      %add3A_613 = vector.broadcast %add3A_612 : i32 to vector<16xi32>
      %add3A_614 = arith.addi %and3A_90, %add3A_613 : vector<16xi32>
      %select_n3A_615 = arith.select %lt3A_611, %add3A_614, %and3A_90 : vector<16xi1>, vector<16xi32>
      %reshape3A_616 = vector.shape_cast %select_n3A_615 : vector<16xi32> to vector<16x1xi32>
      %gather3A_617 = vector.shape_cast %reshape3A_616 : vector<16x1xi32> to vector<16xi32>
      %gather3A_618 = tpu.dynamic_gather %add3A_608[%gather3A_617] in [0] : vector<16xf32>, vector<16xi32> -> vector<16xf32>
      %add3A_619 = arith.addf %add3A_608, %gather3A_618 : vector<16xf32>
      %eq3A_620 = arith.constant 1 : i32
      %eq3A_621 = vector.broadcast %eq3A_620 : i32 to vector<16xi32>
      %eq3A_622 = arith.cmpi eq, %iota3A, %eq3A_621 : vector<16xi32>
      %select_n3A_623 = arith.select %eq3A_622, %add3A_619, %select_n3A_395 : vector<16xi1>, vector<16xf32>
      %mul3A_624 = arith.constant 16 : i32
      %mul3A_625 = arith.muli %scan3A_157, %mul3A_624 : i32
      %add3A_626 = arith.constant 2 : i32
      %add3A_627 = arith.addi %mul3A_625, %add3A_626 : i32
      %broadcast_in_dim3A_628 = arith.constant 0.000000e+00 : f32
      %broadcast_in_dim3A_629 = vector.broadcast %broadcast_in_dim3A_628 : f32 to vector<16xf32>
      %slice3A_630 = vector.extract_strided_slice %and3A_166 {offsets = [2], sizes = [1], strides = [1]} : vector<16xi32> to vector<1xi32>
      %squeeze3A_631 = vector.extract %slice3A_630[0] : i32 from vector<1xi32>
      %get3A_632 = arith.index_cast %rem3A_100 : i32 to index
      %get3A_633 = arith.index_cast %add3A_627 : i32 to index
      %get3A_634 = arith.index_cast %squeeze3A_631 : i32 to index
      %get3A_635 = arith.constant 0 : index
      %get3A_636 = tpu.vector_load %arg11[%get3A_632, %get3A_633, %get3A_634, %get3A_635] {strides = array<i32>} : memref<3x16x8x64xf32, #tpu.memory_space<vmem>>, vector<16xf32>,
      %slice3A_637 = vector.extract_strided_slice %and3A_166 {offsets = [2], sizes = [1], strides = [1]} : vector<16xi32> to vector<1xi32>
      %squeeze3A_638 = vector.extract %slice3A_637[0] : i32 from vector<1xi32>
      %get3A_639 = arith.index_cast %rem3A_100 : i32 to index
      %get3A_640 = arith.index_cast %add3A_627 : i32 to index
      %get3A_641 = arith.index_cast %squeeze3A_638 : i32 to index
      %get3A_642 = arith.constant 32 : index
      %get3A_643 = tpu.vector_load %arg11[%get3A_639, %get3A_640, %get3A_641, %get3A_642] {strides = array<i32>} : memref<3x16x8x64xf32, #tpu.memory_space<vmem>>, vector<16xf32>,
      %slice3A_644 = vector.extract_strided_slice %and3A_176 {offsets = [2], sizes = [1], strides = [1]} : vector<16xi32> to vector<1xi32>
      %squeeze3A_645 = vector.extract %slice3A_644[0] : i32 from vector<1xi32>
      %get3A_646 = arith.index_cast %rem3A_100 : i32 to index
      %get3A_647 = arith.index_cast %add3A_627 : i32 to index
      %get3A_648 = arith.index_cast %squeeze3A_645 : i32 to index
      %get3A_649 = arith.constant 0 : index
      %get3A_650 = tpu.vector_load %arg12[%get3A_646, %get3A_647, %get3A_648, %get3A_649] {strides = array<i32>} : memref<3x16x8x64xf32, #tpu.memory_space<vmem>>, vector<16xf32>,
      %slice3A_651 = vector.extract_strided_slice %and3A_176 {offsets = [2], sizes = [1], strides = [1]} : vector<16xi32> to vector<1xi32>
      %squeeze3A_652 = vector.extract %slice3A_651[0] : i32 from vector<1xi32>
      %get3A_653 = arith.index_cast %rem3A_100 : i32 to index
      %get3A_654 = arith.index_cast %add3A_627 : i32 to index
      %get3A_655 = arith.index_cast %squeeze3A_652 : i32 to index
      %get3A_656 = arith.constant 32 : index
      %get3A_657 = tpu.vector_load %arg12[%get3A_653, %get3A_654, %get3A_655, %get3A_656] {strides = array<i32>} : memref<3x16x8x64xf32, #tpu.memory_space<vmem>>, vector<16xf32>,
      %get3A_658 = arith.index_cast %rem3A_100 : i32 to index
      %get3A_659 = arith.index_cast %add3A_627 : i32 to index
      %get3A_660 = arith.constant 0 : index
      %get3A_661 = tpu.vector_load %arg13[%get3A_658, %get3A_659, %get3A_660] {strides = array<i32>} : memref<3x16x128xf32, #tpu.memory_space<vmem>>, vector<16xf32>,
      %get3A_662 = arith.index_cast %rem3A_100 : i32 to index
      %get3A_663 = arith.index_cast %add3A_627 : i32 to index
      %get3A_664 = arith.constant 32 : index
      %get3A_665 = tpu.vector_load %arg13[%get3A_662, %get3A_663, %get3A_664] {strides = array<i32>} : memref<3x16x128xf32, #tpu.memory_space<vmem>>, vector<16xf32>,
      %mul3A_666 = arith.mulf %get3A_636, %get3A_661 : vector<16xf32>
      %mul3A_667 = arith.mulf %get3A_643, %get3A_665 : vector<16xf32>
      %sub3A_668 = arith.subf %mul3A_666, %mul3A_667 : vector<16xf32>
      %sub3A_669 = arith.subf %sub3A_668, %get3A_650 : vector<16xf32>
      %mul3A_670 = arith.mulf %get3A_636, %get3A_665 : vector<16xf32>
      %mul3A_671 = arith.mulf %get3A_643, %get3A_661 : vector<16xf32>
      %add3A_672 = arith.addf %mul3A_670, %mul3A_671 : vector<16xf32>
      %sub3A_673 = arith.subf %add3A_672, %get3A_657 : vector<16xf32>
      %mul3A_674 = arith.mulf %sub3A_669, %sub3A_669 : vector<16xf32>
      %mul3A_675 = arith.mulf %sub3A_673, %sub3A_673 : vector<16xf32>
      %add3A_676 = arith.addf %mul3A_674, %mul3A_675 : vector<16xf32>
      %add3A_677 = arith.constant 9.99999996E-13 : f32
      %add3A_678 = vector.broadcast %add3A_677 : f32 to vector<16xf32>
      %add3A_679 = arith.addf %add3A_676, %add3A_678 : vector<16xf32>
      %bitcast_convert_type3A_680 = tpu.bitcast %add3A_679 : vector<16xf32> -> vector<16xi32>
      %shift_right_logical3A_681 = arith.constant 1 : i32
      %shift_right_logical3A_682 = vector.broadcast %shift_right_logical3A_681 : i32 to vector<16xi32>
      %shift_right_logical3A_683 = arith.shrui %bitcast_convert_type3A_680, %shift_right_logical3A_682 : vector<16xi32>
      %sub3A_684 = arith.constant 1597463007 : i32
      %sub3A_685 = vector.broadcast %sub3A_684 : i32 to vector<16xi32>
      %sub3A_686 = arith.subi %sub3A_685, %shift_right_logical3A_683 : vector<16xi32>
      %bitcast_convert_type3A_687 = tpu.bitcast %sub3A_686 : vector<16xi32> -> vector<16xf32>
      %mul3A_688 = arith.constant 5.000000e-01 : f32
      %mul3A_689 = vector.broadcast %mul3A_688 : f32 to vector<16xf32>
      %mul3A_690 = arith.mulf %mul3A_689, %add3A_679 : vector<16xf32>
      %mul3A_691 = arith.mulf %mul3A_690, %bitcast_convert_type3A_687 : vector<16xf32>
      %mul3A_692 = arith.mulf %mul3A_691, %bitcast_convert_type3A_687 : vector<16xf32>
      %sub3A_693 = arith.constant 1.500000e+00 : f32
      %sub3A_694 = vector.broadcast %sub3A_693 : f32 to vector<16xf32>
      %sub3A_695 = arith.subf %sub3A_694, %mul3A_692 : vector<16xf32>
      %mul3A_696 = arith.mulf %bitcast_convert_type3A_687, %sub3A_695 : vector<16xf32>
      %mul3A_697 = arith.constant 5.000000e-01 : f32
      %mul3A_698 = vector.broadcast %mul3A_697 : f32 to vector<16xf32>
      %mul3A_699 = arith.mulf %mul3A_698, %add3A_679 : vector<16xf32>
      %mul3A_700 = arith.mulf %mul3A_699, %mul3A_696 : vector<16xf32>
      %mul3A_701 = arith.mulf %mul3A_700, %mul3A_696 : vector<16xf32>
      %sub3A_702 = arith.constant 1.500000e+00 : f32
      %sub3A_703 = vector.broadcast %sub3A_702 : f32 to vector<16xf32>
      %sub3A_704 = arith.subf %sub3A_703, %mul3A_701 : vector<16xf32>
      %mul3A_705 = arith.mulf %mul3A_696, %sub3A_704 : vector<16xf32>
      %mul3A_706 = arith.constant 5.000000e-01 : f32
      %mul3A_707 = vector.broadcast %mul3A_706 : f32 to vector<16xf32>
      %mul3A_708 = arith.mulf %mul3A_707, %add3A_679 : vector<16xf32>
      %mul3A_709 = arith.mulf %mul3A_708, %mul3A_705 : vector<16xf32>
      %mul3A_710 = arith.mulf %mul3A_709, %mul3A_705 : vector<16xf32>
      %sub3A_711 = arith.constant 1.500000e+00 : f32
      %sub3A_712 = vector.broadcast %sub3A_711 : f32 to vector<16xf32>
      %sub3A_713 = arith.subf %sub3A_712, %mul3A_710 : vector<16xf32>
      %mul3A_714 = arith.mulf %mul3A_705, %sub3A_713 : vector<16xf32>
      %mul3A_715 = arith.mulf %add3A_679, %mul3A_714 : vector<16xf32>
      %add3A_716 = arith.addf %broadcast_in_dim3A_629, %mul3A_715 : vector<16xf32>
      %slice3A_717 = vector.extract_strided_slice %and3A_166 {offsets = [2], sizes = [1], strides = [1]} : vector<16xi32> to vector<1xi32>
      %squeeze3A_718 = vector.extract %slice3A_717[0] : i32 from vector<1xi32>
      %get3A_719 = arith.index_cast %rem3A_100 : i32 to index
      %get3A_720 = arith.index_cast %add3A_627 : i32 to index
      %get3A_721 = arith.index_cast %squeeze3A_718 : i32 to index
      %get3A_722 = arith.constant 16 : index
      %get3A_723 = tpu.vector_load %arg11[%get3A_719, %get3A_720, %get3A_721, %get3A_722] {strides = array<i32>} : memref<3x16x8x64xf32, #tpu.memory_space<vmem>>, vector<16xf32>,
      %slice3A_724 = vector.extract_strided_slice %and3A_166 {offsets = [2], sizes = [1], strides = [1]} : vector<16xi32> to vector<1xi32>
      %squeeze3A_725 = vector.extract %slice3A_724[0] : i32 from vector<1xi32>
      %get3A_726 = arith.index_cast %rem3A_100 : i32 to index
      %get3A_727 = arith.index_cast %add3A_627 : i32 to index
      %get3A_728 = arith.index_cast %squeeze3A_725 : i32 to index
      %get3A_729 = arith.constant 48 : index
      %get3A_730 = tpu.vector_load %arg11[%get3A_726, %get3A_727, %get3A_728, %get3A_729] {strides = array<i32>} : memref<3x16x8x64xf32, #tpu.memory_space<vmem>>, vector<16xf32>,
      %slice3A_731 = vector.extract_strided_slice %and3A_176 {offsets = [2], sizes = [1], strides = [1]} : vector<16xi32> to vector<1xi32>
      %squeeze3A_732 = vector.extract %slice3A_731[0] : i32 from vector<1xi32>
      %get3A_733 = arith.index_cast %rem3A_100 : i32 to index
      %get3A_734 = arith.index_cast %add3A_627 : i32 to index
      %get3A_735 = arith.index_cast %squeeze3A_732 : i32 to index
      %get3A_736 = arith.constant 16 : index
      %get3A_737 = tpu.vector_load %arg12[%get3A_733, %get3A_734, %get3A_735, %get3A_736] {strides = array<i32>} : memref<3x16x8x64xf32, #tpu.memory_space<vmem>>, vector<16xf32>,
      %slice3A_738 = vector.extract_strided_slice %and3A_176 {offsets = [2], sizes = [1], strides = [1]} : vector<16xi32> to vector<1xi32>
      %squeeze3A_739 = vector.extract %slice3A_738[0] : i32 from vector<1xi32>
      %get3A_740 = arith.index_cast %rem3A_100 : i32 to index
      %get3A_741 = arith.index_cast %add3A_627 : i32 to index
      %get3A_742 = arith.index_cast %squeeze3A_739 : i32 to index
      %get3A_743 = arith.constant 48 : index
      %get3A_744 = tpu.vector_load %arg12[%get3A_740, %get3A_741, %get3A_742, %get3A_743] {strides = array<i32>} : memref<3x16x8x64xf32, #tpu.memory_space<vmem>>, vector<16xf32>,
      %get3A_745 = arith.index_cast %rem3A_100 : i32 to index
      %get3A_746 = arith.index_cast %add3A_627 : i32 to index
      %get3A_747 = arith.constant 16 : index
      %get3A_748 = tpu.vector_load %arg13[%get3A_745, %get3A_746, %get3A_747] {strides = array<i32>} : memref<3x16x128xf32, #tpu.memory_space<vmem>>, vector<16xf32>,
      %get3A_749 = arith.index_cast %rem3A_100 : i32 to index
      %get3A_750 = arith.index_cast %add3A_627 : i32 to index
      %get3A_751 = arith.constant 48 : index
      %get3A_752 = tpu.vector_load %arg13[%get3A_749, %get3A_750, %get3A_751] {strides = array<i32>} : memref<3x16x128xf32, #tpu.memory_space<vmem>>, vector<16xf32>,
      %mul3A_753 = arith.mulf %get3A_723, %get3A_748 : vector<16xf32>
      %mul3A_754 = arith.mulf %get3A_730, %get3A_752 : vector<16xf32>
      %sub3A_755 = arith.subf %mul3A_753, %mul3A_754 : vector<16xf32>
      %sub3A_756 = arith.subf %sub3A_755, %get3A_737 : vector<16xf32>
      %mul3A_757 = arith.mulf %get3A_723, %get3A_752 : vector<16xf32>
      %mul3A_758 = arith.mulf %get3A_730, %get3A_748 : vector<16xf32>
      %add3A_759 = arith.addf %mul3A_757, %mul3A_758 : vector<16xf32>
      %sub3A_760 = arith.subf %add3A_759, %get3A_744 : vector<16xf32>
      %mul3A_761 = arith.mulf %sub3A_756, %sub3A_756 : vector<16xf32>
      %mul3A_762 = arith.mulf %sub3A_760, %sub3A_760 : vector<16xf32>
      %add3A_763 = arith.addf %mul3A_761, %mul3A_762 : vector<16xf32>
      %add3A_764 = arith.constant 9.99999996E-13 : f32
      %add3A_765 = vector.broadcast %add3A_764 : f32 to vector<16xf32>
      %add3A_766 = arith.addf %add3A_763, %add3A_765 : vector<16xf32>
      %bitcast_convert_type3A_767 = tpu.bitcast %add3A_766 : vector<16xf32> -> vector<16xi32>
      %shift_right_logical3A_768 = arith.constant 1 : i32
      %shift_right_logical3A_769 = vector.broadcast %shift_right_logical3A_768 : i32 to vector<16xi32>
      %shift_right_logical3A_770 = arith.shrui %bitcast_convert_type3A_767, %shift_right_logical3A_769 : vector<16xi32>
      %sub3A_771 = arith.constant 1597463007 : i32
      %sub3A_772 = vector.broadcast %sub3A_771 : i32 to vector<16xi32>
      %sub3A_773 = arith.subi %sub3A_772, %shift_right_logical3A_770 : vector<16xi32>
      %bitcast_convert_type3A_774 = tpu.bitcast %sub3A_773 : vector<16xi32> -> vector<16xf32>
      %mul3A_775 = arith.constant 5.000000e-01 : f32
      %mul3A_776 = vector.broadcast %mul3A_775 : f32 to vector<16xf32>
      %mul3A_777 = arith.mulf %mul3A_776, %add3A_766 : vector<16xf32>
      %mul3A_778 = arith.mulf %mul3A_777, %bitcast_convert_type3A_774 : vector<16xf32>
      %mul3A_779 = arith.mulf %mul3A_778, %bitcast_convert_type3A_774 : vector<16xf32>
      %sub3A_780 = arith.constant 1.500000e+00 : f32
      %sub3A_781 = vector.broadcast %sub3A_780 : f32 to vector<16xf32>
      %sub3A_782 = arith.subf %sub3A_781, %mul3A_779 : vector<16xf32>
      %mul3A_783 = arith.mulf %bitcast_convert_type3A_774, %sub3A_782 : vector<16xf32>
      %mul3A_784 = arith.constant 5.000000e-01 : f32
      %mul3A_785 = vector.broadcast %mul3A_784 : f32 to vector<16xf32>
      %mul3A_786 = arith.mulf %mul3A_785, %add3A_766 : vector<16xf32>
      %mul3A_787 = arith.mulf %mul3A_786, %mul3A_783 : vector<16xf32>
      %mul3A_788 = arith.mulf %mul3A_787, %mul3A_783 : vector<16xf32>
      %sub3A_789 = arith.constant 1.500000e+00 : f32
      %sub3A_790 = vector.broadcast %sub3A_789 : f32 to vector<16xf32>
      %sub3A_791 = arith.subf %sub3A_790, %mul3A_788 : vector<16xf32>
      %mul3A_792 = arith.mulf %mul3A_783, %sub3A_791 : vector<16xf32>
      %mul3A_793 = arith.constant 5.000000e-01 : f32
      %mul3A_794 = vector.broadcast %mul3A_793 : f32 to vector<16xf32>
      %mul3A_795 = arith.mulf %mul3A_794, %add3A_766 : vector<16xf32>
      %mul3A_796 = arith.mulf %mul3A_795, %mul3A_792 : vector<16xf32>
      %mul3A_797 = arith.mulf %mul3A_796, %mul3A_792 : vector<16xf32>
      %sub3A_798 = arith.constant 1.500000e+00 : f32
      %sub3A_799 = vector.broadcast %sub3A_798 : f32 to vector<16xf32>
      %sub3A_800 = arith.subf %sub3A_799, %mul3A_797 : vector<16xf32>
      %mul3A_801 = arith.mulf %mul3A_792, %sub3A_800 : vector<16xf32>
      %mul3A_802 = arith.mulf %add3A_766, %mul3A_801 : vector<16xf32>
      %add3A_803 = arith.addf %add3A_716, %mul3A_802 : vector<16xf32>
      %lt3A_804 = arith.constant 0 : i32
      %lt3A_805 = vector.broadcast %lt3A_804 : i32 to vector<16xi32>
      %lt3A_806 = arith.cmpi slt, %and3A_72, %lt3A_805 : vector<16xi32>
      %add3A_807 = arith.constant 16 : i32
      %add3A_808 = vector.broadcast %add3A_807 : i32 to vector<16xi32>
      %add3A_809 = arith.addi %and3A_72, %add3A_808 : vector<16xi32>
      %select_n3A_810 = arith.select %lt3A_806, %add3A_809, %and3A_72 : vector<16xi1>, vector<16xi32>
      %reshape3A_811 = vector.shape_cast %select_n3A_810 : vector<16xi32> to vector<16x1xi32>
      %gather3A_812 = vector.shape_cast %reshape3A_811 : vector<16x1xi32> to vector<16xi32>
      %gather3A_813 = tpu.dynamic_gather %add3A_803[%gather3A_812] in [0] : vector<16xf32>, vector<16xi32> -> vector<16xf32>
      %add3A_814 = arith.addf %add3A_803, %gather3A_813 : vector<16xf32>
      %lt3A_815 = arith.constant 0 : i32
      %lt3A_816 = vector.broadcast %lt3A_815 : i32 to vector<16xi32>
      %lt3A_817 = arith.cmpi slt, %and3A_78, %lt3A_816 : vector<16xi32>
      %add3A_818 = arith.constant 16 : i32
      %add3A_819 = vector.broadcast %add3A_818 : i32 to vector<16xi32>
      %add3A_820 = arith.addi %and3A_78, %add3A_819 : vector<16xi32>
      %select_n3A_821 = arith.select %lt3A_817, %add3A_820, %and3A_78 : vector<16xi1>, vector<16xi32>
      %reshape3A_822 = vector.shape_cast %select_n3A_821 : vector<16xi32> to vector<16x1xi32>
      %gather3A_823 = vector.shape_cast %reshape3A_822 : vector<16x1xi32> to vector<16xi32>
      %gather3A_824 = tpu.dynamic_gather %add3A_814[%gather3A_823] in [0] : vector<16xf32>, vector<16xi32> -> vector<16xf32>
      %add3A_825 = arith.addf %add3A_814, %gather3A_824 : vector<16xf32>
      %lt3A_826 = arith.constant 0 : i32
      %lt3A_827 = vector.broadcast %lt3A_826 : i32 to vector<16xi32>
      %lt3A_828 = arith.cmpi slt, %and3A_84, %lt3A_827 : vector<16xi32>
      %add3A_829 = arith.constant 16 : i32
      %add3A_830 = vector.broadcast %add3A_829 : i32 to vector<16xi32>
      %add3A_831 = arith.addi %and3A_84, %add3A_830 : vector<16xi32>
      %select_n3A_832 = arith.select %lt3A_828, %add3A_831, %and3A_84 : vector<16xi1>, vector<16xi32>
      %reshape3A_833 = vector.shape_cast %select_n3A_832 : vector<16xi32> to vector<16x1xi32>
      %gather3A_834 = vector.shape_cast %reshape3A_833 : vector<16x1xi32> to vector<16xi32>
      %gather3A_835 = tpu.dynamic_gather %add3A_825[%gather3A_834] in [0] : vector<16xf32>, vector<16xi32> -> vector<16xf32>
      %add3A_836 = arith.addf %add3A_825, %gather3A_835 : vector<16xf32>
      %lt3A_837 = arith.constant 0 : i32
      %lt3A_838 = vector.broadcast %lt3A_837 : i32 to vector<16xi32>
      %lt3A_839 = arith.cmpi slt, %and3A_90, %lt3A_838 : vector<16xi32>
      %add3A_840 = arith.constant 16 : i32
      %add3A_841 = vector.broadcast %add3A_840 : i32 to vector<16xi32>
      %add3A_842 = arith.addi %and3A_90, %add3A_841 : vector<16xi32>
      %select_n3A_843 = arith.select %lt3A_839, %add3A_842, %and3A_90 : vector<16xi1>, vector<16xi32>
      %reshape3A_844 = vector.shape_cast %select_n3A_843 : vector<16xi32> to vector<16x1xi32>
      %gather3A_845 = vector.shape_cast %reshape3A_844 : vector<16x1xi32> to vector<16xi32>
      %gather3A_846 = tpu.dynamic_gather %add3A_836[%gather3A_845] in [0] : vector<16xf32>, vector<16xi32> -> vector<16xf32>
      %add3A_847 = arith.addf %add3A_836, %gather3A_846 : vector<16xf32>
      %eq3A_848 = arith.constant 2 : i32
      %eq3A_849 = vector.broadcast %eq3A_848 : i32 to vector<16xi32>
      %eq3A_850 = arith.cmpi eq, %iota3A, %eq3A_849 : vector<16xi32>
      %select_n3A_851 = arith.select %eq3A_850, %add3A_847, %select_n3A_623 : vector<16xi1>, vector<16xf32>
      %mul3A_852 = arith.constant 16 : i32
      %mul3A_853 = arith.muli %scan3A_157, %mul3A_852 : i32
      %add3A_854 = arith.constant 3 : i32
      %add3A_855 = arith.addi %mul3A_853, %add3A_854 : i32
      %broadcast_in_dim3A_856 = arith.constant 0.000000e+00 : f32
      %broadcast_in_dim3A_857 = vector.broadcast %broadcast_in_dim3A_856 : f32 to vector<16xf32>
      %slice3A_858 = vector.extract_strided_slice %and3A_166 {offsets = [3], sizes = [1], strides = [1]} : vector<16xi32> to vector<1xi32>
      %squeeze3A_859 = vector.extract %slice3A_858[0] : i32 from vector<1xi32>
      %get3A_860 = arith.index_cast %rem3A_100 : i32 to index
      %get3A_861 = arith.index_cast %add3A_855 : i32 to index
      %get3A_862 = arith.index_cast %squeeze3A_859 : i32 to index
      %get3A_863 = arith.constant 0 : index
      %get3A_864 = tpu.vector_load %arg11[%get3A_860, %get3A_861, %get3A_862, %get3A_863] {strides = array<i32>} : memref<3x16x8x64xf32, #tpu.memory_space<vmem>>, vector<16xf32>,
      %slice3A_865 = vector.extract_strided_slice %and3A_166 {offsets = [3], sizes = [1], strides = [1]} : vector<16xi32> to vector<1xi32>
      %squeeze3A_866 = vector.extract %slice3A_865[0] : i32 from vector<1xi32>
      %get3A_867 = arith.index_cast %rem3A_100 : i32 to index
      %get3A_868 = arith.index_cast %add3A_855 : i32 to index
      %get3A_869 = arith.index_cast %squeeze3A_866 : i32 to index
      %get3A_870 = arith.constant 32 : index
      %get3A_871 = tpu.vector_load %arg11[%get3A_867, %get3A_868, %get3A_869, %get3A_870] {strides = array<i32>} : memref<3x16x8x64xf32, #tpu.memory_space<vmem>>, vector<16xf32>,
      %slice3A_872 = vector.extract_strided_slice %and3A_176 {offsets = [3], sizes = [1], strides = [1]} : vector<16xi32> to vector<1xi32>
      %squeeze3A_873 = vector.extract %slice3A_872[0] : i32 from vector<1xi32>
      %get3A_874 = arith.index_cast %rem3A_100 : i32 to index
      %get3A_875 = arith.index_cast %add3A_855 : i32 to index
      %get3A_876 = arith.index_cast %squeeze3A_873 : i32 to index
      %get3A_877 = arith.constant 0 : index
      %get3A_878 = tpu.vector_load %arg12[%get3A_874, %get3A_875, %get3A_876, %get3A_877] {strides = array<i32>} : memref<3x16x8x64xf32, #tpu.memory_space<vmem>>, vector<16xf32>,
      %slice3A_879 = vector.extract_strided_slice %and3A_176 {offsets = [3], sizes = [1], strides = [1]} : vector<16xi32> to vector<1xi32>
      %squeeze3A_880 = vector.extract %slice3A_879[0] : i32 from vector<1xi32>
      %get3A_881 = arith.index_cast %rem3A_100 : i32 to index
      %get3A_882 = arith.index_cast %add3A_855 : i32 to index
      %get3A_883 = arith.index_cast %squeeze3A_880 : i32 to index
      %get3A_884 = arith.constant 32 : index
      %get3A_885 = tpu.vector_load %arg12[%get3A_881, %get3A_882, %get3A_883, %get3A_884] {strides = array<i32>} : memref<3x16x8x64xf32, #tpu.memory_space<vmem>>, vector<16xf32>,
      %get3A_886 = arith.index_cast %rem3A_100 : i32 to index
      %get3A_887 = arith.index_cast %add3A_855 : i32 to index
      %get3A_888 = arith.constant 0 : index
      %get3A_889 = tpu.vector_load %arg13[%get3A_886, %get3A_887, %get3A_888] {strides = array<i32>} : memref<3x16x128xf32, #tpu.memory_space<vmem>>, vector<16xf32>,
      %get3A_890 = arith.index_cast %rem3A_100 : i32 to index
      %get3A_891 = arith.index_cast %add3A_855 : i32 to index
      %get3A_892 = arith.constant 32 : index
      %get3A_893 = tpu.vector_load %arg13[%get3A_890, %get3A_891, %get3A_892] {strides = array<i32>} : memref<3x16x128xf32, #tpu.memory_space<vmem>>, vector<16xf32>,
      %mul3A_894 = arith.mulf %get3A_864, %get3A_889 : vector<16xf32>
      %mul3A_895 = arith.mulf %get3A_871, %get3A_893 : vector<16xf32>
      %sub3A_896 = arith.subf %mul3A_894, %mul3A_895 : vector<16xf32>
      %sub3A_897 = arith.subf %sub3A_896, %get3A_878 : vector<16xf32>
      %mul3A_898 = arith.mulf %get3A_864, %get3A_893 : vector<16xf32>
      %mul3A_899 = arith.mulf %get3A_871, %get3A_889 : vector<16xf32>
      %add3A_900 = arith.addf %mul3A_898, %mul3A_899 : vector<16xf32>
      %sub3A_901 = arith.subf %add3A_900, %get3A_885 : vector<16xf32>
      %mul3A_902 = arith.mulf %sub3A_897, %sub3A_897 : vector<16xf32>
      %mul3A_903 = arith.mulf %sub3A_901, %sub3A_901 : vector<16xf32>
      %add3A_904 = arith.addf %mul3A_902, %mul3A_903 : vector<16xf32>
      %add3A_905 = arith.constant 9.99999996E-13 : f32
      %add3A_906 = vector.broadcast %add3A_905 : f32 to vector<16xf32>
      %add3A_907 = arith.addf %add3A_904, %add3A_906 : vector<16xf32>
      %bitcast_convert_type3A_908 = tpu.bitcast %add3A_907 : vector<16xf32> -> vector<16xi32>
      %shift_right_logical3A_909 = arith.constant 1 : i32
      %shift_right_logical3A_910 = vector.broadcast %shift_right_logical3A_909 : i32 to vector<16xi32>
      %shift_right_logical3A_911 = arith.shrui %bitcast_convert_type3A_908, %shift_right_logical3A_910 : vector<16xi32>
      %sub3A_912 = arith.constant 1597463007 : i32
      %sub3A_913 = vector.broadcast %sub3A_912 : i32 to vector<16xi32>
      %sub3A_914 = arith.subi %sub3A_913, %shift_right_logical3A_911 : vector<16xi32>
      %bitcast_convert_type3A_915 = tpu.bitcast %sub3A_914 : vector<16xi32> -> vector<16xf32>
      %mul3A_916 = arith.constant 5.000000e-01 : f32
      %mul3A_917 = vector.broadcast %mul3A_916 : f32 to vector<16xf32>
      %mul3A_918 = arith.mulf %mul3A_917, %add3A_907 : vector<16xf32>
      %mul3A_919 = arith.mulf %mul3A_918, %bitcast_convert_type3A_915 : vector<16xf32>
      %mul3A_920 = arith.mulf %mul3A_919, %bitcast_convert_type3A_915 : vector<16xf32>
      %sub3A_921 = arith.constant 1.500000e+00 : f32
      %sub3A_922 = vector.broadcast %sub3A_921 : f32 to vector<16xf32>
      %sub3A_923 = arith.subf %sub3A_922, %mul3A_920 : vector<16xf32>
      %mul3A_924 = arith.mulf %bitcast_convert_type3A_915, %sub3A_923 : vector<16xf32>
      %mul3A_925 = arith.constant 5.000000e-01 : f32
      %mul3A_926 = vector.broadcast %mul3A_925 : f32 to vector<16xf32>
      %mul3A_927 = arith.mulf %mul3A_926, %add3A_907 : vector<16xf32>
      %mul3A_928 = arith.mulf %mul3A_927, %mul3A_924 : vector<16xf32>
      %mul3A_929 = arith.mulf %mul3A_928, %mul3A_924 : vector<16xf32>
      %sub3A_930 = arith.constant 1.500000e+00 : f32
      %sub3A_931 = vector.broadcast %sub3A_930 : f32 to vector<16xf32>
      %sub3A_932 = arith.subf %sub3A_931, %mul3A_929 : vector<16xf32>
      %mul3A_933 = arith.mulf %mul3A_924, %sub3A_932 : vector<16xf32>
      %mul3A_934 = arith.constant 5.000000e-01 : f32
      %mul3A_935 = vector.broadcast %mul3A_934 : f32 to vector<16xf32>
      %mul3A_936 = arith.mulf %mul3A_935, %add3A_907 : vector<16xf32>
      %mul3A_937 = arith.mulf %mul3A_936, %mul3A_933 : vector<16xf32>
      %mul3A_938 = arith.mulf %mul3A_937, %mul3A_933 : vector<16xf32>
      %sub3A_939 = arith.constant 1.500000e+00 : f32
      %sub3A_940 = vector.broadcast %sub3A_939 : f32 to vector<16xf32>
      %sub3A_941 = arith.subf %sub3A_940, %mul3A_938 : vector<16xf32>
      %mul3A_942 = arith.mulf %mul3A_933, %sub3A_941 : vector<16xf32>
      %mul3A_943 = arith.mulf %add3A_907, %mul3A_942 : vector<16xf32>
      %add3A_944 = arith.addf %broadcast_in_dim3A_857, %mul3A_943 : vector<16xf32>
      %slice3A_945 = vector.extract_strided_slice %and3A_166 {offsets = [3], sizes = [1], strides = [1]} : vector<16xi32> to vector<1xi32>
      %squeeze3A_946 = vector.extract %slice3A_945[0] : i32 from vector<1xi32>
      %get3A_947 = arith.index_cast %rem3A_100 : i32 to index
      %get3A_948 = arith.index_cast %add3A_855 : i32 to index
      %get3A_949 = arith.index_cast %squeeze3A_946 : i32 to index
      %get3A_950 = arith.constant 16 : index
      %get3A_951 = tpu.vector_load %arg11[%get3A_947, %get3A_948, %get3A_949, %get3A_950] {strides = array<i32>} : memref<3x16x8x64xf32, #tpu.memory_space<vmem>>, vector<16xf32>,
      %slice3A_952 = vector.extract_strided_slice %and3A_166 {offsets = [3], sizes = [1], strides = [1]} : vector<16xi32> to vector<1xi32>
      %squeeze3A_953 = vector.extract %slice3A_952[0] : i32 from vector<1xi32>
      %get3A_954 = arith.index_cast %rem3A_100 : i32 to index
      %get3A_955 = arith.index_cast %add3A_855 : i32 to index
      %get3A_956 = arith.index_cast %squeeze3A_953 : i32 to index
      %get3A_957 = arith.constant 48 : index
      %get3A_958 = tpu.vector_load %arg11[%get3A_954, %get3A_955, %get3A_956, %get3A_957] {strides = array<i32>} : memref<3x16x8x64xf32, #tpu.memory_space<vmem>>, vector<16xf32>,
      %slice3A_959 = vector.extract_strided_slice %and3A_176 {offsets = [3], sizes = [1], strides = [1]} : vector<16xi32> to vector<1xi32>
      %squeeze3A_960 = vector.extract %slice3A_959[0] : i32 from vector<1xi32>
      %get3A_961 = arith.index_cast %rem3A_100 : i32 to index
      %get3A_962 = arith.index_cast %add3A_855 : i32 to index
      %get3A_963 = arith.index_cast %squeeze3A_960 : i32 to index
      %get3A_964 = arith.constant 16 : index
      %get3A_965 = tpu.vector_load %arg12[%get3A_961, %get3A_962, %get3A_963, %get3A_964] {strides = array<i32>} : memref<3x16x8x64xf32, #tpu.memory_space<vmem>>, vector<16xf32>,
      %slice3A_966 = vector.extract_strided_slice %and3A_176 {offsets = [3], sizes = [1], strides = [1]} : vector<16xi32> to vector<1xi32>
      %squeeze3A_967 = vector.extract %slice3A_966[0] : i32 from vector<1xi32>
      %get3A_968 = arith.index_cast %rem3A_100 : i32 to index
      %get3A_969 = arith.index_cast %add3A_855 : i32 to index
      %get3A_970 = arith.index_cast %squeeze3A_967 : i32 to index
      %get3A_971 = arith.constant 48 : index
      %get3A_972 = tpu.vector_load %arg12[%get3A_968, %get3A_969, %get3A_970, %get3A_971] {strides = array<i32>} : memref<3x16x8x64xf32, #tpu.memory_space<vmem>>, vector<16xf32>,
      %get3A_973 = arith.index_cast %rem3A_100 : i32 to index
      %get3A_974 = arith.index_cast %add3A_855 : i32 to index
      %get3A_975 = arith.constant 16 : index
      %get3A_976 = tpu.vector_load %arg13[%get3A_973, %get3A_974, %get3A_975] {strides = array<i32>} : memref<3x16x128xf32, #tpu.memory_space<vmem>>, vector<16xf32>,
      %get3A_977 = arith.index_cast %rem3A_100 : i32 to index
      %get3A_978 = arith.index_cast %add3A_855 : i32 to index
      %get3A_979 = arith.constant 48 : index
      %get3A_980 = tpu.vector_load %arg13[%get3A_977, %get3A_978, %get3A_979] {strides = array<i32>} : memref<3x16x128xf32, #tpu.memory_space<vmem>>, vector<16xf32>,
      %mul3A_981 = arith.mulf %get3A_951, %get3A_976 : vector<16xf32>
      %mul3A_982 = arith.mulf %get3A_958, %get3A_980 : vector<16xf32>
      %sub3A_983 = arith.subf %mul3A_981, %mul3A_982 : vector<16xf32>
      %sub3A_984 = arith.subf %sub3A_983, %get3A_965 : vector<16xf32>
      %mul3A_985 = arith.mulf %get3A_951, %get3A_980 : vector<16xf32>
      %mul3A_986 = arith.mulf %get3A_958, %get3A_976 : vector<16xf32>
      %add3A_987 = arith.addf %mul3A_985, %mul3A_986 : vector<16xf32>
      %sub3A_988 = arith.subf %add3A_987, %get3A_972 : vector<16xf32>
      %mul3A_989 = arith.mulf %sub3A_984, %sub3A_984 : vector<16xf32>
      %mul3A_990 = arith.mulf %sub3A_988, %sub3A_988 : vector<16xf32>
      %add3A_991 = arith.addf %mul3A_989, %mul3A_990 : vector<16xf32>
      %add3A_992 = arith.constant 9.99999996E-13 : f32
      %add3A_993 = vector.broadcast %add3A_992 : f32 to vector<16xf32>
      %add3A_994 = arith.addf %add3A_991, %add3A_993 : vector<16xf32>
      %bitcast_convert_type3A_995 = tpu.bitcast %add3A_994 : vector<16xf32> -> vector<16xi32>
      %shift_right_logical3A_996 = arith.constant 1 : i32
      %shift_right_logical3A_997 = vector.broadcast %shift_right_logical3A_996 : i32 to vector<16xi32>
      %shift_right_logical3A_998 = arith.shrui %bitcast_convert_type3A_995, %shift_right_logical3A_997 : vector<16xi32>
      %sub3A_999 = arith.constant 1597463007 : i32
      %sub3A_1000 = vector.broadcast %sub3A_999 : i32 to vector<16xi32>
      %sub3A_1001 = arith.subi %sub3A_1000, %shift_right_logical3A_998 : vector<16xi32>
      %bitcast_convert_type3A_1002 = tpu.bitcast %sub3A_1001 : vector<16xi32> -> vector<16xf32>
      %mul3A_1003 = arith.constant 5.000000e-01 : f32
      %mul3A_1004 = vector.broadcast %mul3A_1003 : f32 to vector<16xf32>
      %mul3A_1005 = arith.mulf %mul3A_1004, %add3A_994 : vector<16xf32>
      %mul3A_1006 = arith.mulf %mul3A_1005, %bitcast_convert_type3A_1002 : vector<16xf32>
      %mul3A_1007 = arith.mulf %mul3A_1006, %bitcast_convert_type3A_1002 : vector<16xf32>
      %sub3A_1008 = arith.constant 1.500000e+00 : f32
      %sub3A_1009 = vector.broadcast %sub3A_1008 : f32 to vector<16xf32>
      %sub3A_1010 = arith.subf %sub3A_1009, %mul3A_1007 : vector<16xf32>
      %mul3A_1011 = arith.mulf %bitcast_convert_type3A_1002, %sub3A_1010 : vector<16xf32>
      %mul3A_1012 = arith.constant 5.000000e-01 : f32
      %mul3A_1013 = vector.broadcast %mul3A_1012 : f32 to vector<16xf32>
      %mul3A_1014 = arith.mulf %mul3A_1013, %add3A_994 : vector<16xf32>
      %mul3A_1015 = arith.mulf %mul3A_1014, %mul3A_1011 : vector<16xf32>
      %mul3A_1016 = arith.mulf %mul3A_1015, %mul3A_1011 : vector<16xf32>
      %sub3A_1017 = arith.constant 1.500000e+00 : f32
      %sub3A_1018 = vector.broadcast %sub3A_1017 : f32 to vector<16xf32>
      %sub3A_1019 = arith.subf %sub3A_1018, %mul3A_1016 : vector<16xf32>
      %mul3A_1020 = arith.mulf %mul3A_1011, %sub3A_1019 : vector<16xf32>
      %mul3A_1021 = arith.constant 5.000000e-01 : f32
      %mul3A_1022 = vector.broadcast %mul3A_1021 : f32 to vector<16xf32>
      %mul3A_1023 = arith.mulf %mul3A_1022, %add3A_994 : vector<16xf32>
      %mul3A_1024 = arith.mulf %mul3A_1023, %mul3A_1020 : vector<16xf32>
      %mul3A_1025 = arith.mulf %mul3A_1024, %mul3A_1020 : vector<16xf32>
      %sub3A_1026 = arith.constant 1.500000e+00 : f32
      %sub3A_1027 = vector.broadcast %sub3A_1026 : f32 to vector<16xf32>
      %sub3A_1028 = arith.subf %sub3A_1027, %mul3A_1025 : vector<16xf32>
      %mul3A_1029 = arith.mulf %mul3A_1020, %sub3A_1028 : vector<16xf32>
      %mul3A_1030 = arith.mulf %add3A_994, %mul3A_1029 : vector<16xf32>
      %add3A_1031 = arith.addf %add3A_944, %mul3A_1030 : vector<16xf32>
      %lt3A_1032 = arith.constant 0 : i32
      %lt3A_1033 = vector.broadcast %lt3A_1032 : i32 to vector<16xi32>
      %lt3A_1034 = arith.cmpi slt, %and3A_72, %lt3A_1033 : vector<16xi32>
      %add3A_1035 = arith.constant 16 : i32
      %add3A_1036 = vector.broadcast %add3A_1035 : i32 to vector<16xi32>
      %add3A_1037 = arith.addi %and3A_72, %add3A_1036 : vector<16xi32>
      %select_n3A_1038 = arith.select %lt3A_1034, %add3A_1037, %and3A_72 : vector<16xi1>, vector<16xi32>
      %reshape3A_1039 = vector.shape_cast %select_n3A_1038 : vector<16xi32> to vector<16x1xi32>
      %gather3A_1040 = vector.shape_cast %reshape3A_1039 : vector<16x1xi32> to vector<16xi32>
      %gather3A_1041 = tpu.dynamic_gather %add3A_1031[%gather3A_1040] in [0] : vector<16xf32>, vector<16xi32> -> vector<16xf32>
      %add3A_1042 = arith.addf %add3A_1031, %gather3A_1041 : vector<16xf32>
      %lt3A_1043 = arith.constant 0 : i32
      %lt3A_1044 = vector.broadcast %lt3A_1043 : i32 to vector<16xi32>
      %lt3A_1045 = arith.cmpi slt, %and3A_78, %lt3A_1044 : vector<16xi32>
      %add3A_1046 = arith.constant 16 : i32
      %add3A_1047 = vector.broadcast %add3A_1046 : i32 to vector<16xi32>
      %add3A_1048 = arith.addi %and3A_78, %add3A_1047 : vector<16xi32>
      %select_n3A_1049 = arith.select %lt3A_1045, %add3A_1048, %and3A_78 : vector<16xi1>, vector<16xi32>
      %reshape3A_1050 = vector.shape_cast %select_n3A_1049 : vector<16xi32> to vector<16x1xi32>
      %gather3A_1051 = vector.shape_cast %reshape3A_1050 : vector<16x1xi32> to vector<16xi32>
      %gather3A_1052 = tpu.dynamic_gather %add3A_1042[%gather3A_1051] in [0] : vector<16xf32>, vector<16xi32> -> vector<16xf32>
      %add3A_1053 = arith.addf %add3A_1042, %gather3A_1052 : vector<16xf32>
      %lt3A_1054 = arith.constant 0 : i32
      %lt3A_1055 = vector.broadcast %lt3A_1054 : i32 to vector<16xi32>
      %lt3A_1056 = arith.cmpi slt, %and3A_84, %lt3A_1055 : vector<16xi32>
      %add3A_1057 = arith.constant 16 : i32
      %add3A_1058 = vector.broadcast %add3A_1057 : i32 to vector<16xi32>
      %add3A_1059 = arith.addi %and3A_84, %add3A_1058 : vector<16xi32>
      %select_n3A_1060 = arith.select %lt3A_1056, %add3A_1059, %and3A_84 : vector<16xi1>, vector<16xi32>
      %reshape3A_1061 = vector.shape_cast %select_n3A_1060 : vector<16xi32> to vector<16x1xi32>
      %gather3A_1062 = vector.shape_cast %reshape3A_1061 : vector<16x1xi32> to vector<16xi32>
      %gather3A_1063 = tpu.dynamic_gather %add3A_1053[%gather3A_1062] in [0] : vector<16xf32>, vector<16xi32> -> vector<16xf32>
      %add3A_1064 = arith.addf %add3A_1053, %gather3A_1063 : vector<16xf32>
      %lt3A_1065 = arith.constant 0 : i32
      %lt3A_1066 = vector.broadcast %lt3A_1065 : i32 to vector<16xi32>
      %lt3A_1067 = arith.cmpi slt, %and3A_90, %lt3A_1066 : vector<16xi32>
      %add3A_1068 = arith.constant 16 : i32
      %add3A_1069 = vector.broadcast %add3A_1068 : i32 to vector<16xi32>
      %add3A_1070 = arith.addi %and3A_90, %add3A_1069 : vector<16xi32>
      %select_n3A_1071 = arith.select %lt3A_1067, %add3A_1070, %and3A_90 : vector<16xi1>, vector<16xi32>
      %reshape3A_1072 = vector.shape_cast %select_n3A_1071 : vector<16xi32> to vector<16x1xi32>
      %gather3A_1073 = vector.shape_cast %reshape3A_1072 : vector<16x1xi32> to vector<16xi32>
      %gather3A_1074 = tpu.dynamic_gather %add3A_1064[%gather3A_1073] in [0] : vector<16xf32>, vector<16xi32> -> vector<16xf32>
      %add3A_1075 = arith.addf %add3A_1064, %gather3A_1074 : vector<16xf32>
      %eq3A_1076 = arith.constant 3 : i32
      %eq3A_1077 = vector.broadcast %eq3A_1076 : i32 to vector<16xi32>
      %eq3A_1078 = arith.cmpi eq, %iota3A, %eq3A_1077 : vector<16xi32>
      %select_n3A_1079 = arith.select %eq3A_1078, %add3A_1075, %select_n3A_851 : vector<16xi1>, vector<16xf32>
      %mul3A_1080 = arith.constant 16 : i32
      %mul3A_1081 = arith.muli %scan3A_157, %mul3A_1080 : i32
      %add3A_1082 = arith.constant 4 : i32
      %add3A_1083 = arith.addi %mul3A_1081, %add3A_1082 : i32
      %broadcast_in_dim3A_1084 = arith.constant 0.000000e+00 : f32
      %broadcast_in_dim3A_1085 = vector.broadcast %broadcast_in_dim3A_1084 : f32 to vector<16xf32>
      %slice3A_1086 = vector.extract_strided_slice %and3A_166 {offsets = [4], sizes = [1], strides = [1]} : vector<16xi32> to vector<1xi32>
      %squeeze3A_1087 = vector.extract %slice3A_1086[0] : i32 from vector<1xi32>
      %get3A_1088 = arith.index_cast %rem3A_100 : i32 to index
      %get3A_1089 = arith.index_cast %add3A_1083 : i32 to index
      %get3A_1090 = arith.index_cast %squeeze3A_1087 : i32 to index
      %get3A_1091 = arith.constant 0 : index
      %get3A_1092 = tpu.vector_load %arg11[%get3A_1088, %get3A_1089, %get3A_1090, %get3A_1091] {strides = array<i32>} : memref<3x16x8x64xf32, #tpu.memory_space<vmem>>, vector<16xf32>,
      %slice3A_1093 = vector.extract_strided_slice %and3A_166 {offsets = [4], sizes = [1], strides = [1]} : vector<16xi32> to vector<1xi32>
      %squeeze3A_1094 = vector.extract %slice3A_1093[0] : i32 from vector<1xi32>
      %get3A_1095 = arith.index_cast %rem3A_100 : i32 to index
      %get3A_1096 = arith.index_cast %add3A_1083 : i32 to index
      %get3A_1097 = arith.index_cast %squeeze3A_1094 : i32 to index
      %get3A_1098 = arith.constant 32 : index
      %get3A_1099 = tpu.vector_load %arg11[%get3A_1095, %get3A_1096, %get3A_1097, %get3A_1098] {strides = array<i32>} : memref<3x16x8x64xf32, #tpu.memory_space<vmem>>, vector<16xf32>,
      %slice3A_1100 = vector.extract_strided_slice %and3A_176 {offsets = [4], sizes = [1], strides = [1]} : vector<16xi32> to vector<1xi32>
      %squeeze3A_1101 = vector.extract %slice3A_1100[0] : i32 from vector<1xi32>
      %get3A_1102 = arith.index_cast %rem3A_100 : i32 to index
      %get3A_1103 = arith.index_cast %add3A_1083 : i32 to index
      %get3A_1104 = arith.index_cast %squeeze3A_1101 : i32 to index
      %get3A_1105 = arith.constant 0 : index
      %get3A_1106 = tpu.vector_load %arg12[%get3A_1102, %get3A_1103, %get3A_1104, %get3A_1105] {strides = array<i32>} : memref<3x16x8x64xf32, #tpu.memory_space<vmem>>, vector<16xf32>,
      %slice3A_1107 = vector.extract_strided_slice %and3A_176 {offsets = [4], sizes = [1], strides = [1]} : vector<16xi32> to vector<1xi32>
      %squeeze3A_1108 = vector.extract %slice3A_1107[0] : i32 from vector<1xi32>
      %get3A_1109 = arith.index_cast %rem3A_100 : i32 to index
      %get3A_1110 = arith.index_cast %add3A_1083 : i32 to index
      %get3A_1111 = arith.index_cast %squeeze3A_1108 : i32 to index
      %get3A_1112 = arith.constant 32 : index
      %get3A_1113 = tpu.vector_load %arg12[%get3A_1109, %get3A_1110, %get3A_1111, %get3A_1112] {strides = array<i32>} : memref<3x16x8x64xf32, #tpu.memory_space<vmem>>, vector<16xf32>,
      %get3A_1114 = arith.index_cast %rem3A_100 : i32 to index
      %get3A_1115 = arith.index_cast %add3A_1083 : i32 to index
      %get3A_1116 = arith.constant 0 : index
      %get3A_1117 = tpu.vector_load %arg13[%get3A_1114, %get3A_1115, %get3A_1116] {strides = array<i32>} : memref<3x16x128xf32, #tpu.memory_space<vmem>>, vector<16xf32>,
      %get3A_1118 = arith.index_cast %rem3A_100 : i32 to index
      %get3A_1119 = arith.index_cast %add3A_1083 : i32 to index
      %get3A_1120 = arith.constant 32 : index
      %get3A_1121 = tpu.vector_load %arg13[%get3A_1118, %get3A_1119, %get3A_1120] {strides = array<i32>} : memref<3x16x128xf32, #tpu.memory_space<vmem>>, vector<16xf32>,
      %mul3A_1122 = arith.mulf %get3A_1092, %get3A_1117 : vector<16xf32>
      %mul3A_1123 = arith.mulf %get3A_1099, %get3A_1121 : vector<16xf32>
      %sub3A_1124 = arith.subf %mul3A_1122, %mul3A_1123 : vector<16xf32>
      %sub3A_1125 = arith.subf %sub3A_1124, %get3A_1106 : vector<16xf32>
      %mul3A_1126 = arith.mulf %get3A_1092, %get3A_1121 : vector<16xf32>
      %mul3A_1127 = arith.mulf %get3A_1099, %get3A_1117 : vector<16xf32>
      %add3A_1128 = arith.addf %mul3A_1126, %mul3A_1127 : vector<16xf32>
      %sub3A_1129 = arith.subf %add3A_1128, %get3A_1113 : vector<16xf32>
      %mul3A_1130 = arith.mulf %sub3A_1125, %sub3A_1125 : vector<16xf32>
      %mul3A_1131 = arith.mulf %sub3A_1129, %sub3A_1129 : vector<16xf32>
      %add3A_1132 = arith.addf %mul3A_1130, %mul3A_1131 : vector<16xf32>
      %add3A_1133 = arith.constant 9.99999996E-13 : f32
      %add3A_1134 = vector.broadcast %add3A_1133 : f32 to vector<16xf32>
      %add3A_1135 = arith.addf %add3A_1132, %add3A_1134 : vector<16xf32>
      %bitcast_convert_type3A_1136 = tpu.bitcast %add3A_1135 : vector<16xf32> -> vector<16xi32>
      %shift_right_logical3A_1137 = arith.constant 1 : i32
      %shift_right_logical3A_1138 = vector.broadcast %shift_right_logical3A_1137 : i32 to vector<16xi32>
      %shift_right_logical3A_1139 = arith.shrui %bitcast_convert_type3A_1136, %shift_right_logical3A_1138 : vector<16xi32>
      %sub3A_1140 = arith.constant 1597463007 : i32
      %sub3A_1141 = vector.broadcast %sub3A_1140 : i32 to vector<16xi32>
      %sub3A_1142 = arith.subi %sub3A_1141, %shift_right_logical3A_1139 : vector<16xi32>
      %bitcast_convert_type3A_1143 = tpu.bitcast %sub3A_1142 : vector<16xi32> -> vector<16xf32>
      %mul3A_1144 = arith.constant 5.000000e-01 : f32
      %mul3A_1145 = vector.broadcast %mul3A_1144 : f32 to vector<16xf32>
      %mul3A_1146 = arith.mulf %mul3A_1145, %add3A_1135 : vector<16xf32>
      %mul3A_1147 = arith.mulf %mul3A_1146, %bitcast_convert_type3A_1143 : vector<16xf32>
      %mul3A_1148 = arith.mulf %mul3A_1147, %bitcast_convert_type3A_1143 : vector<16xf32>
      %sub3A_1149 = arith.constant 1.500000e+00 : f32
      %sub3A_1150 = vector.broadcast %sub3A_1149 : f32 to vector<16xf32>
      %sub3A_1151 = arith.subf %sub3A_1150, %mul3A_1148 : vector<16xf32>
      %mul3A_1152 = arith.mulf %bitcast_convert_type3A_1143, %sub3A_1151 : vector<16xf32>
      %mul3A_1153 = arith.constant 5.000000e-01 : f32
      %mul3A_1154 = vector.broadcast %mul3A_1153 : f32 to vector<16xf32>
      %mul3A_1155 = arith.mulf %mul3A_1154, %add3A_1135 : vector<16xf32>
      %mul3A_1156 = arith.mulf %mul3A_1155, %mul3A_1152 : vector<16xf32>
      %mul3A_1157 = arith.mulf %mul3A_1156, %mul3A_1152 : vector<16xf32>
      %sub3A_1158 = arith.constant 1.500000e+00 : f32
      %sub3A_1159 = vector.broadcast %sub3A_1158 : f32 to vector<16xf32>
      %sub3A_1160 = arith.subf %sub3A_1159, %mul3A_1157 : vector<16xf32>
      %mul3A_1161 = arith.mulf %mul3A_1152, %sub3A_1160 : vector<16xf32>
      %mul3A_1162 = arith.constant 5.000000e-01 : f32
      %mul3A_1163 = vector.broadcast %mul3A_1162 : f32 to vector<16xf32>
      %mul3A_1164 = arith.mulf %mul3A_1163, %add3A_1135 : vector<16xf32>
      %mul3A_1165 = arith.mulf %mul3A_1164, %mul3A_1161 : vector<16xf32>
      %mul3A_1166 = arith.mulf %mul3A_1165, %mul3A_1161 : vector<16xf32>
      %sub3A_1167 = arith.constant 1.500000e+00 : f32
      %sub3A_1168 = vector.broadcast %sub3A_1167 : f32 to vector<16xf32>
      %sub3A_1169 = arith.subf %sub3A_1168, %mul3A_1166 : vector<16xf32>
      %mul3A_1170 = arith.mulf %mul3A_1161, %sub3A_1169 : vector<16xf32>
      %mul3A_1171 = arith.mulf %add3A_1135, %mul3A_1170 : vector<16xf32>
      %add3A_1172 = arith.addf %broadcast_in_dim3A_1085, %mul3A_1171 : vector<16xf32>
      %slice3A_1173 = vector.extract_strided_slice %and3A_166 {offsets = [4], sizes = [1], strides = [1]} : vector<16xi32> to vector<1xi32>
      %squeeze3A_1174 = vector.extract %slice3A_1173[0] : i32 from vector<1xi32>
      %get3A_1175 = arith.index_cast %rem3A_100 : i32 to index
      %get3A_1176 = arith.index_cast %add3A_1083 : i32 to index
      %get3A_1177 = arith.index_cast %squeeze3A_1174 : i32 to index
      %get3A_1178 = arith.constant 16 : index
      %get3A_1179 = tpu.vector_load %arg11[%get3A_1175, %get3A_1176, %get3A_1177, %get3A_1178] {strides = array<i32>} : memref<3x16x8x64xf32, #tpu.memory_space<vmem>>, vector<16xf32>,
      %slice3A_1180 = vector.extract_strided_slice %and3A_166 {offsets = [4], sizes = [1], strides = [1]} : vector<16xi32> to vector<1xi32>
      %squeeze3A_1181 = vector.extract %slice3A_1180[0] : i32 from vector<1xi32>
      %get3A_1182 = arith.index_cast %rem3A_100 : i32 to index
      %get3A_1183 = arith.index_cast %add3A_1083 : i32 to index
      %get3A_1184 = arith.index_cast %squeeze3A_1181 : i32 to index
      %get3A_1185 = arith.constant 48 : index
      %get3A_1186 = tpu.vector_load %arg11[%get3A_1182, %get3A_1183, %get3A_1184, %get3A_1185] {strides = array<i32>} : memref<3x16x8x64xf32, #tpu.memory_space<vmem>>, vector<16xf32>,
      %slice3A_1187 = vector.extract_strided_slice %and3A_176 {offsets = [4], sizes = [1], strides = [1]} : vector<16xi32> to vector<1xi32>
      %squeeze3A_1188 = vector.extract %slice3A_1187[0] : i32 from vector<1xi32>
      %get3A_1189 = arith.index_cast %rem3A_100 : i32 to index
      %get3A_1190 = arith.index_cast %add3A_1083 : i32 to index
      %get3A_1191 = arith.index_cast %squeeze3A_1188 : i32 to index
      %get3A_1192 = arith.constant 16 : index
      %get3A_1193 = tpu.vector_load %arg12[%get3A_1189, %get3A_1190, %get3A_1191, %get3A_1192] {strides = array<i32>} : memref<3x16x8x64xf32, #tpu.memory_space<vmem>>, vector<16xf32>,
      %slice3A_1194 = vector.extract_strided_slice %and3A_176 {offsets = [4], sizes = [1], strides = [1]} : vector<16xi32> to vector<1xi32>
      %squeeze3A_1195 = vector.extract %slice3A_1194[0] : i32 from vector<1xi32>
      %get3A_1196 = arith.index_cast %rem3A_100 : i32 to index
      %get3A_1197 = arith.index_cast %add3A_1083 : i32 to index
      %get3A_1198 = arith.index_cast %squeeze3A_1195 : i32 to index
      %get3A_1199 = arith.constant 48 : index
      %get3A_1200 = tpu.vector_load %arg12[%get3A_1196, %get3A_1197, %get3A_1198, %get3A_1199] {strides = array<i32>} : memref<3x16x8x64xf32, #tpu.memory_space<vmem>>, vector<16xf32>,
      %get3A_1201 = arith.index_cast %rem3A_100 : i32 to index
      %get3A_1202 = arith.index_cast %add3A_1083 : i32 to index
      %get3A_1203 = arith.constant 16 : index
      %get3A_1204 = tpu.vector_load %arg13[%get3A_1201, %get3A_1202, %get3A_1203] {strides = array<i32>} : memref<3x16x128xf32, #tpu.memory_space<vmem>>, vector<16xf32>,
      %get3A_1205 = arith.index_cast %rem3A_100 : i32 to index
      %get3A_1206 = arith.index_cast %add3A_1083 : i32 to index
      %get3A_1207 = arith.constant 48 : index
      %get3A_1208 = tpu.vector_load %arg13[%get3A_1205, %get3A_1206, %get3A_1207] {strides = array<i32>} : memref<3x16x128xf32, #tpu.memory_space<vmem>>, vector<16xf32>,
      %mul3A_1209 = arith.mulf %get3A_1179, %get3A_1204 : vector<16xf32>
      %mul3A_1210 = arith.mulf %get3A_1186, %get3A_1208 : vector<16xf32>
      %sub3A_1211 = arith.subf %mul3A_1209, %mul3A_1210 : vector<16xf32>
      %sub3A_1212 = arith.subf %sub3A_1211, %get3A_1193 : vector<16xf32>
      %mul3A_1213 = arith.mulf %get3A_1179, %get3A_1208 : vector<16xf32>
      %mul3A_1214 = arith.mulf %get3A_1186, %get3A_1204 : vector<16xf32>
      %add3A_1215 = arith.addf %mul3A_1213, %mul3A_1214 : vector<16xf32>
      %sub3A_1216 = arith.subf %add3A_1215, %get3A_1200 : vector<16xf32>
      %mul3A_1217 = arith.mulf %sub3A_1212, %sub3A_1212 : vector<16xf32>
      %mul3A_1218 = arith.mulf %sub3A_1216, %sub3A_1216 : vector<16xf32>
      %add3A_1219 = arith.addf %mul3A_1217, %mul3A_1218 : vector<16xf32>
      %add3A_1220 = arith.constant 9.99999996E-13 : f32
      %add3A_1221 = vector.broadcast %add3A_1220 : f32 to vector<16xf32>
      %add3A_1222 = arith.addf %add3A_1219, %add3A_1221 : vector<16xf32>
      %bitcast_convert_type3A_1223 = tpu.bitcast %add3A_1222 : vector<16xf32> -> vector<16xi32>
      %shift_right_logical3A_1224 = arith.constant 1 : i32
      %shift_right_logical3A_1225 = vector.broadcast %shift_right_logical3A_1224 : i32 to vector<16xi32>
      %shift_right_logical3A_1226 = arith.shrui %bitcast_convert_type3A_1223, %shift_right_logical3A_1225 : vector<16xi32>
      %sub3A_1227 = arith.constant 1597463007 : i32
      %sub3A_1228 = vector.broadcast %sub3A_1227 : i32 to vector<16xi32>
      %sub3A_1229 = arith.subi %sub3A_1228, %shift_right_logical3A_1226 : vector<16xi32>
      %bitcast_convert_type3A_1230 = tpu.bitcast %sub3A_1229 : vector<16xi32> -> vector<16xf32>
      %mul3A_1231 = arith.constant 5.000000e-01 : f32
      %mul3A_1232 = vector.broadcast %mul3A_1231 : f32 to vector<16xf32>
      %mul3A_1233 = arith.mulf %mul3A_1232, %add3A_1222 : vector<16xf32>
      %mul3A_1234 = arith.mulf %mul3A_1233, %bitcast_convert_type3A_1230 : vector<16xf32>
      %mul3A_1235 = arith.mulf %mul3A_1234, %bitcast_convert_type3A_1230 : vector<16xf32>
      %sub3A_1236 = arith.constant 1.500000e+00 : f32
      %sub3A_1237 = vector.broadcast %sub3A_1236 : f32 to vector<16xf32>
      %sub3A_1238 = arith.subf %sub3A_1237, %mul3A_1235 : vector<16xf32>
      %mul3A_1239 = arith.mulf %bitcast_convert_type3A_1230, %sub3A_1238 : vector<16xf32>
      %mul3A_1240 = arith.constant 5.000000e-01 : f32
      %mul3A_1241 = vector.broadcast %mul3A_1240 : f32 to vector<16xf32>
      %mul3A_1242 = arith.mulf %mul3A_1241, %add3A_1222 : vector<16xf32>
      %mul3A_1243 = arith.mulf %mul3A_1242, %mul3A_1239 : vector<16xf32>
      %mul3A_1244 = arith.mulf %mul3A_1243, %mul3A_1239 : vector<16xf32>
      %sub3A_1245 = arith.constant 1.500000e+00 : f32
      %sub3A_1246 = vector.broadcast %sub3A_1245 : f32 to vector<16xf32>
      %sub3A_1247 = arith.subf %sub3A_1246, %mul3A_1244 : vector<16xf32>
      %mul3A_1248 = arith.mulf %mul3A_1239, %sub3A_1247 : vector<16xf32>
      %mul3A_1249 = arith.constant 5.000000e-01 : f32
      %mul3A_1250 = vector.broadcast %mul3A_1249 : f32 to vector<16xf32>
      %mul3A_1251 = arith.mulf %mul3A_1250, %add3A_1222 : vector<16xf32>
      %mul3A_1252 = arith.mulf %mul3A_1251, %mul3A_1248 : vector<16xf32>
      %mul3A_1253 = arith.mulf %mul3A_1252, %mul3A_1248 : vector<16xf32>
      %sub3A_1254 = arith.constant 1.500000e+00 : f32
      %sub3A_1255 = vector.broadcast %sub3A_1254 : f32 to vector<16xf32>
      %sub3A_1256 = arith.subf %sub3A_1255, %mul3A_1253 : vector<16xf32>
      %mul3A_1257 = arith.mulf %mul3A_1248, %sub3A_1256 : vector<16xf32>
      %mul3A_1258 = arith.mulf %add3A_1222, %mul3A_1257 : vector<16xf32>
      %add3A_1259 = arith.addf %add3A_1172, %mul3A_1258 : vector<16xf32>
      %lt3A_1260 = arith.constant 0 : i32
      %lt3A_1261 = vector.broadcast %lt3A_1260 : i32 to vector<16xi32>
      %lt3A_1262 = arith.cmpi slt, %and3A_72, %lt3A_1261 : vector<16xi32>
      %add3A_1263 = arith.constant 16 : i32
      %add3A_1264 = vector.broadcast %add3A_1263 : i32 to vector<16xi32>
      %add3A_1265 = arith.addi %and3A_72, %add3A_1264 : vector<16xi32>
      %select_n3A_1266 = arith.select %lt3A_1262, %add3A_1265, %and3A_72 : vector<16xi1>, vector<16xi32>
      %reshape3A_1267 = vector.shape_cast %select_n3A_1266 : vector<16xi32> to vector<16x1xi32>
      %gather3A_1268 = vector.shape_cast %reshape3A_1267 : vector<16x1xi32> to vector<16xi32>
      %gather3A_1269 = tpu.dynamic_gather %add3A_1259[%gather3A_1268] in [0] : vector<16xf32>, vector<16xi32> -> vector<16xf32>
      %add3A_1270 = arith.addf %add3A_1259, %gather3A_1269 : vector<16xf32>
      %lt3A_1271 = arith.constant 0 : i32
      %lt3A_1272 = vector.broadcast %lt3A_1271 : i32 to vector<16xi32>
      %lt3A_1273 = arith.cmpi slt, %and3A_78, %lt3A_1272 : vector<16xi32>
      %add3A_1274 = arith.constant 16 : i32
      %add3A_1275 = vector.broadcast %add3A_1274 : i32 to vector<16xi32>
      %add3A_1276 = arith.addi %and3A_78, %add3A_1275 : vector<16xi32>
      %select_n3A_1277 = arith.select %lt3A_1273, %add3A_1276, %and3A_78 : vector<16xi1>, vector<16xi32>
      %reshape3A_1278 = vector.shape_cast %select_n3A_1277 : vector<16xi32> to vector<16x1xi32>
      %gather3A_1279 = vector.shape_cast %reshape3A_1278 : vector<16x1xi32> to vector<16xi32>
      %gather3A_1280 = tpu.dynamic_gather %add3A_1270[%gather3A_1279] in [0] : vector<16xf32>, vector<16xi32> -> vector<16xf32>
      %add3A_1281 = arith.addf %add3A_1270, %gather3A_1280 : vector<16xf32>
      %lt3A_1282 = arith.constant 0 : i32
      %lt3A_1283 = vector.broadcast %lt3A_1282 : i32 to vector<16xi32>
      %lt3A_1284 = arith.cmpi slt, %and3A_84, %lt3A_1283 : vector<16xi32>
      %add3A_1285 = arith.constant 16 : i32
      %add3A_1286 = vector.broadcast %add3A_1285 : i32 to vector<16xi32>
      %add3A_1287 = arith.addi %and3A_84, %add3A_1286 : vector<16xi32>
      %select_n3A_1288 = arith.select %lt3A_1284, %add3A_1287, %and3A_84 : vector<16xi1>, vector<16xi32>
      %reshape3A_1289 = vector.shape_cast %select_n3A_1288 : vector<16xi32> to vector<16x1xi32>
      %gather3A_1290 = vector.shape_cast %reshape3A_1289 : vector<16x1xi32> to vector<16xi32>
      %gather3A_1291 = tpu.dynamic_gather %add3A_1281[%gather3A_1290] in [0] : vector<16xf32>, vector<16xi32> -> vector<16xf32>
      %add3A_1292 = arith.addf %add3A_1281, %gather3A_1291 : vector<16xf32>
      %lt3A_1293 = arith.constant 0 : i32
      %lt3A_1294 = vector.broadcast %lt3A_1293 : i32 to vector<16xi32>
      %lt3A_1295 = arith.cmpi slt, %and3A_90, %lt3A_1294 : vector<16xi32>
      %add3A_1296 = arith.constant 16 : i32
      %add3A_1297 = vector.broadcast %add3A_1296 : i32 to vector<16xi32>
      %add3A_1298 = arith.addi %and3A_90, %add3A_1297 : vector<16xi32>
      %select_n3A_1299 = arith.select %lt3A_1295, %add3A_1298, %and3A_90 : vector<16xi1>, vector<16xi32>
      %reshape3A_1300 = vector.shape_cast %select_n3A_1299 : vector<16xi32> to vector<16x1xi32>
      %gather3A_1301 = vector.shape_cast %reshape3A_1300 : vector<16x1xi32> to vector<16xi32>
      %gather3A_1302 = tpu.dynamic_gather %add3A_1292[%gather3A_1301] in [0] : vector<16xf32>, vector<16xi32> -> vector<16xf32>
      %add3A_1303 = arith.addf %add3A_1292, %gather3A_1302 : vector<16xf32>
      %eq3A_1304 = arith.constant 4 : i32
      %eq3A_1305 = vector.broadcast %eq3A_1304 : i32 to vector<16xi32>
      %eq3A_1306 = arith.cmpi eq, %iota3A, %eq3A_1305 : vector<16xi32>
      %select_n3A_1307 = arith.select %eq3A_1306, %add3A_1303, %select_n3A_1079 : vector<16xi1>, vector<16xf32>
      %mul3A_1308 = arith.constant 16 : i32
      %mul3A_1309 = arith.muli %scan3A_157, %mul3A_1308 : i32
      %add3A_1310 = arith.constant 5 : i32
      %add3A_1311 = arith.addi %mul3A_1309, %add3A_1310 : i32
      %broadcast_in_dim3A_1312 = arith.constant 0.000000e+00 : f32
      %broadcast_in_dim3A_1313 = vector.broadcast %broadcast_in_dim3A_1312 : f32 to vector<16xf32>
      %slice3A_1314 = vector.extract_strided_slice %and3A_166 {offsets = [5], sizes = [1], strides = [1]} : vector<16xi32> to vector<1xi32>
      %squeeze3A_1315 = vector.extract %slice3A_1314[0] : i32 from vector<1xi32>
      %get3A_1316 = arith.index_cast %rem3A_100 : i32 to index
      %get3A_1317 = arith.index_cast %add3A_1311 : i32 to index
      %get3A_1318 = arith.index_cast %squeeze3A_1315 : i32 to index
      %get3A_1319 = arith.constant 0 : index
      %get3A_1320 = tpu.vector_load %arg11[%get3A_1316, %get3A_1317, %get3A_1318, %get3A_1319] {strides = array<i32>} : memref<3x16x8x64xf32, #tpu.memory_space<vmem>>, vector<16xf32>,
      %slice3A_1321 = vector.extract_strided_slice %and3A_166 {offsets = [5], sizes = [1], strides = [1]} : vector<16xi32> to vector<1xi32>
      %squeeze3A_1322 = vector.extract %slice3A_1321[0] : i32 from vector<1xi32>
      %get3A_1323 = arith.index_cast %rem3A_100 : i32 to index
      %get3A_1324 = arith.index_cast %add3A_1311 : i32 to index
      %get3A_1325 = arith.index_cast %squeeze3A_1322 : i32 to index
      %get3A_1326 = arith.constant 32 : index
      %get3A_1327 = tpu.vector_load %arg11[%get3A_1323, %get3A_1324, %get3A_1325, %get3A_1326] {strides = array<i32>} : memref<3x16x8x64xf32, #tpu.memory_space<vmem>>, vector<16xf32>,
      %slice3A_1328 = vector.extract_strided_slice %and3A_176 {offsets = [5], sizes = [1], strides = [1]} : vector<16xi32> to vector<1xi32>
      %squeeze3A_1329 = vector.extract %slice3A_1328[0] : i32 from vector<1xi32>
      %get3A_1330 = arith.index_cast %rem3A_100 : i32 to index
      %get3A_1331 = arith.index_cast %add3A_1311 : i32 to index
      %get3A_1332 = arith.index_cast %squeeze3A_1329 : i32 to index
      %get3A_1333 = arith.constant 0 : index
      %get3A_1334 = tpu.vector_load %arg12[%get3A_1330, %get3A_1331, %get3A_1332, %get3A_1333] {strides = array<i32>} : memref<3x16x8x64xf32, #tpu.memory_space<vmem>>, vector<16xf32>,
      %slice3A_1335 = vector.extract_strided_slice %and3A_176 {offsets = [5], sizes = [1], strides = [1]} : vector<16xi32> to vector<1xi32>
      %squeeze3A_1336 = vector.extract %slice3A_1335[0] : i32 from vector<1xi32>
      %get3A_1337 = arith.index_cast %rem3A_100 : i32 to index
      %get3A_1338 = arith.index_cast %add3A_1311 : i32 to index
      %get3A_1339 = arith.index_cast %squeeze3A_1336 : i32 to index
      %get3A_1340 = arith.constant 32 : index
      %get3A_1341 = tpu.vector_load %arg12[%get3A_1337, %get3A_1338, %get3A_1339, %get3A_1340] {strides = array<i32>} : memref<3x16x8x64xf32, #tpu.memory_space<vmem>>, vector<16xf32>,
      %get3A_1342 = arith.index_cast %rem3A_100 : i32 to index
      %get3A_1343 = arith.index_cast %add3A_1311 : i32 to index
      %get3A_1344 = arith.constant 0 : index
      %get3A_1345 = tpu.vector_load %arg13[%get3A_1342, %get3A_1343, %get3A_1344] {strides = array<i32>} : memref<3x16x128xf32, #tpu.memory_space<vmem>>, vector<16xf32>,
      %get3A_1346 = arith.index_cast %rem3A_100 : i32 to index
      %get3A_1347 = arith.index_cast %add3A_1311 : i32 to index
      %get3A_1348 = arith.constant 32 : index
      %get3A_1349 = tpu.vector_load %arg13[%get3A_1346, %get3A_1347, %get3A_1348] {strides = array<i32>} : memref<3x16x128xf32, #tpu.memory_space<vmem>>, vector<16xf32>,
      %mul3A_1350 = arith.mulf %get3A_1320, %get3A_1345 : vector<16xf32>
      %mul3A_1351 = arith.mulf %get3A_1327, %get3A_1349 : vector<16xf32>
      %sub3A_1352 = arith.subf %mul3A_1350, %mul3A_1351 : vector<16xf32>
      %sub3A_1353 = arith.subf %sub3A_1352, %get3A_1334 : vector<16xf32>
      %mul3A_1354 = arith.mulf %get3A_1320, %get3A_1349 : vector<16xf32>
      %mul3A_1355 = arith.mulf %get3A_1327, %get3A_1345 : vector<16xf32>
      %add3A_1356 = arith.addf %mul3A_1354, %mul3A_1355 : vector<16xf32>
      %sub3A_1357 = arith.subf %add3A_1356, %get3A_1341 : vector<16xf32>
      %mul3A_1358 = arith.mulf %sub3A_1353, %sub3A_1353 : vector<16xf32>
      %mul3A_1359 = arith.mulf %sub3A_1357, %sub3A_1357 : vector<16xf32>
      %add3A_1360 = arith.addf %mul3A_1358, %mul3A_1359 : vector<16xf32>
      %add3A_1361 = arith.constant 9.99999996E-13 : f32
      %add3A_1362 = vector.broadcast %add3A_1361 : f32 to vector<16xf32>
      %add3A_1363 = arith.addf %add3A_1360, %add3A_1362 : vector<16xf32>
      %bitcast_convert_type3A_1364 = tpu.bitcast %add3A_1363 : vector<16xf32> -> vector<16xi32>
      %shift_right_logical3A_1365 = arith.constant 1 : i32
      %shift_right_logical3A_1366 = vector.broadcast %shift_right_logical3A_1365 : i32 to vector<16xi32>
      %shift_right_logical3A_1367 = arith.shrui %bitcast_convert_type3A_1364, %shift_right_logical3A_1366 : vector<16xi32>
      %sub3A_1368 = arith.constant 1597463007 : i32
      %sub3A_1369 = vector.broadcast %sub3A_1368 : i32 to vector<16xi32>
      %sub3A_1370 = arith.subi %sub3A_1369, %shift_right_logical3A_1367 : vector<16xi32>
      %bitcast_convert_type3A_1371 = tpu.bitcast %sub3A_1370 : vector<16xi32> -> vector<16xf32>
      %mul3A_1372 = arith.constant 5.000000e-01 : f32
      %mul3A_1373 = vector.broadcast %mul3A_1372 : f32 to vector<16xf32>
      %mul3A_1374 = arith.mulf %mul3A_1373, %add3A_1363 : vector<16xf32>
      %mul3A_1375 = arith.mulf %mul3A_1374, %bitcast_convert_type3A_1371 : vector<16xf32>
      %mul3A_1376 = arith.mulf %mul3A_1375, %bitcast_convert_type3A_1371 : vector<16xf32>
      %sub3A_1377 = arith.constant 1.500000e+00 : f32
      %sub3A_1378 = vector.broadcast %sub3A_1377 : f32 to vector<16xf32>
      %sub3A_1379 = arith.subf %sub3A_1378, %mul3A_1376 : vector<16xf32>
      %mul3A_1380 = arith.mulf %bitcast_convert_type3A_1371, %sub3A_1379 : vector<16xf32>
      %mul3A_1381 = arith.constant 5.000000e-01 : f32
      %mul3A_1382 = vector.broadcast %mul3A_1381 : f32 to vector<16xf32>
      %mul3A_1383 = arith.mulf %mul3A_1382, %add3A_1363 : vector<16xf32>
      %mul3A_1384 = arith.mulf %mul3A_1383, %mul3A_1380 : vector<16xf32>
      %mul3A_1385 = arith.mulf %mul3A_1384, %mul3A_1380 : vector<16xf32>
      %sub3A_1386 = arith.constant 1.500000e+00 : f32
      %sub3A_1387 = vector.broadcast %sub3A_1386 : f32 to vector<16xf32>
      %sub3A_1388 = arith.subf %sub3A_1387, %mul3A_1385 : vector<16xf32>
      %mul3A_1389 = arith.mulf %mul3A_1380, %sub3A_1388 : vector<16xf32>
      %mul3A_1390 = arith.constant 5.000000e-01 : f32
      %mul3A_1391 = vector.broadcast %mul3A_1390 : f32 to vector<16xf32>
      %mul3A_1392 = arith.mulf %mul3A_1391, %add3A_1363 : vector<16xf32>
      %mul3A_1393 = arith.mulf %mul3A_1392, %mul3A_1389 : vector<16xf32>
      %mul3A_1394 = arith.mulf %mul3A_1393, %mul3A_1389 : vector<16xf32>
      %sub3A_1395 = arith.constant 1.500000e+00 : f32
      %sub3A_1396 = vector.broadcast %sub3A_1395 : f32 to vector<16xf32>
      %sub3A_1397 = arith.subf %sub3A_1396, %mul3A_1394 : vector<16xf32>
      %mul3A_1398 = arith.mulf %mul3A_1389, %sub3A_1397 : vector<16xf32>
      %mul3A_1399 = arith.mulf %add3A_1363, %mul3A_1398 : vector<16xf32>
      %add3A_1400 = arith.addf %broadcast_in_dim3A_1313, %mul3A_1399 : vector<16xf32>
      %slice3A_1401 = vector.extract_strided_slice %and3A_166 {offsets = [5], sizes = [1], strides = [1]} : vector<16xi32> to vector<1xi32>
      %squeeze3A_1402 = vector.extract %slice3A_1401[0] : i32 from vector<1xi32>
      %get3A_1403 = arith.index_cast %rem3A_100 : i32 to index
      %get3A_1404 = arith.index_cast %add3A_1311 : i32 to index
      %get3A_1405 = arith.index_cast %squeeze3A_1402 : i32 to index
      %get3A_1406 = arith.constant 16 : index
      %get3A_1407 = tpu.vector_load %arg11[%get3A_1403, %get3A_1404, %get3A_1405, %get3A_1406] {strides = array<i32>} : memref<3x16x8x64xf32, #tpu.memory_space<vmem>>, vector<16xf32>,
      %slice3A_1408 = vector.extract_strided_slice %and3A_166 {offsets = [5], sizes = [1], strides = [1]} : vector<16xi32> to vector<1xi32>
      %squeeze3A_1409 = vector.extract %slice3A_1408[0] : i32 from vector<1xi32>
      %get3A_1410 = arith.index_cast %rem3A_100 : i32 to index
      %get3A_1411 = arith.index_cast %add3A_1311 : i32 to index
      %get3A_1412 = arith.index_cast %squeeze3A_1409 : i32 to index
      %get3A_1413 = arith.constant 48 : index
      %get3A_1414 = tpu.vector_load %arg11[%get3A_1410, %get3A_1411, %get3A_1412, %get3A_1413] {strides = array<i32>} : memref<3x16x8x64xf32, #tpu.memory_space<vmem>>, vector<16xf32>,
      %slice3A_1415 = vector.extract_strided_slice %and3A_176 {offsets = [5], sizes = [1], strides = [1]} : vector<16xi32> to vector<1xi32>
      %squeeze3A_1416 = vector.extract %slice3A_1415[0] : i32 from vector<1xi32>
      %get3A_1417 = arith.index_cast %rem3A_100 : i32 to index
      %get3A_1418 = arith.index_cast %add3A_1311 : i32 to index
      %get3A_1419 = arith.index_cast %squeeze3A_1416 : i32 to index
      %get3A_1420 = arith.constant 16 : index
      %get3A_1421 = tpu.vector_load %arg12[%get3A_1417, %get3A_1418, %get3A_1419, %get3A_1420] {strides = array<i32>} : memref<3x16x8x64xf32, #tpu.memory_space<vmem>>, vector<16xf32>,
      %slice3A_1422 = vector.extract_strided_slice %and3A_176 {offsets = [5], sizes = [1], strides = [1]} : vector<16xi32> to vector<1xi32>
      %squeeze3A_1423 = vector.extract %slice3A_1422[0] : i32 from vector<1xi32>
      %get3A_1424 = arith.index_cast %rem3A_100 : i32 to index
      %get3A_1425 = arith.index_cast %add3A_1311 : i32 to index
      %get3A_1426 = arith.index_cast %squeeze3A_1423 : i32 to index
      %get3A_1427 = arith.constant 48 : index
      %get3A_1428 = tpu.vector_load %arg12[%get3A_1424, %get3A_1425, %get3A_1426, %get3A_1427] {strides = array<i32>} : memref<3x16x8x64xf32, #tpu.memory_space<vmem>>, vector<16xf32>,
      %get3A_1429 = arith.index_cast %rem3A_100 : i32 to index
      %get3A_1430 = arith.index_cast %add3A_1311 : i32 to index
      %get3A_1431 = arith.constant 16 : index
      %get3A_1432 = tpu.vector_load %arg13[%get3A_1429, %get3A_1430, %get3A_1431] {strides = array<i32>} : memref<3x16x128xf32, #tpu.memory_space<vmem>>, vector<16xf32>,
      %get3A_1433 = arith.index_cast %rem3A_100 : i32 to index
      %get3A_1434 = arith.index_cast %add3A_1311 : i32 to index
      %get3A_1435 = arith.constant 48 : index
      %get3A_1436 = tpu.vector_load %arg13[%get3A_1433, %get3A_1434, %get3A_1435] {strides = array<i32>} : memref<3x16x128xf32, #tpu.memory_space<vmem>>, vector<16xf32>,
      %mul3A_1437 = arith.mulf %get3A_1407, %get3A_1432 : vector<16xf32>
      %mul3A_1438 = arith.mulf %get3A_1414, %get3A_1436 : vector<16xf32>
      %sub3A_1439 = arith.subf %mul3A_1437, %mul3A_1438 : vector<16xf32>
      %sub3A_1440 = arith.subf %sub3A_1439, %get3A_1421 : vector<16xf32>
      %mul3A_1441 = arith.mulf %get3A_1407, %get3A_1436 : vector<16xf32>
      %mul3A_1442 = arith.mulf %get3A_1414, %get3A_1432 : vector<16xf32>
      %add3A_1443 = arith.addf %mul3A_1441, %mul3A_1442 : vector<16xf32>
      %sub3A_1444 = arith.subf %add3A_1443, %get3A_1428 : vector<16xf32>
      %mul3A_1445 = arith.mulf %sub3A_1440, %sub3A_1440 : vector<16xf32>
      %mul3A_1446 = arith.mulf %sub3A_1444, %sub3A_1444 : vector<16xf32>
      %add3A_1447 = arith.addf %mul3A_1445, %mul3A_1446 : vector<16xf32>
      %add3A_1448 = arith.constant 9.99999996E-13 : f32
      %add3A_1449 = vector.broadcast %add3A_1448 : f32 to vector<16xf32>
      %add3A_1450 = arith.addf %add3A_1447, %add3A_1449 : vector<16xf32>
      %bitcast_convert_type3A_1451 = tpu.bitcast %add3A_1450 : vector<16xf32> -> vector<16xi32>
      %shift_right_logical3A_1452 = arith.constant 1 : i32
      %shift_right_logical3A_1453 = vector.broadcast %shift_right_logical3A_1452 : i32 to vector<16xi32>
      %shift_right_logical3A_1454 = arith.shrui %bitcast_convert_type3A_1451, %shift_right_logical3A_1453 : vector<16xi32>
      %sub3A_1455 = arith.constant 1597463007 : i32
      %sub3A_1456 = vector.broadcast %sub3A_1455 : i32 to vector<16xi32>
      %sub3A_1457 = arith.subi %sub3A_1456, %shift_right_logical3A_1454 : vector<16xi32>
      %bitcast_convert_type3A_1458 = tpu.bitcast %sub3A_1457 : vector<16xi32> -> vector<16xf32>
      %mul3A_1459 = arith.constant 5.000000e-01 : f32
      %mul3A_1460 = vector.broadcast %mul3A_1459 : f32 to vector<16xf32>
      %mul3A_1461 = arith.mulf %mul3A_1460, %add3A_1450 : vector<16xf32>
      %mul3A_1462 = arith.mulf %mul3A_1461, %bitcast_convert_type3A_1458 : vector<16xf32>
      %mul3A_1463 = arith.mulf %mul3A_1462, %bitcast_convert_type3A_1458 : vector<16xf32>
      %sub3A_1464 = arith.constant 1.500000e+00 : f32
      %sub3A_1465 = vector.broadcast %sub3A_1464 : f32 to vector<16xf32>
      %sub3A_1466 = arith.subf %sub3A_1465, %mul3A_1463 : vector<16xf32>
      %mul3A_1467 = arith.mulf %bitcast_convert_type3A_1458, %sub3A_1466 : vector<16xf32>
      %mul3A_1468 = arith.constant 5.000000e-01 : f32
      %mul3A_1469 = vector.broadcast %mul3A_1468 : f32 to vector<16xf32>
      %mul3A_1470 = arith.mulf %mul3A_1469, %add3A_1450 : vector<16xf32>
      %mul3A_1471 = arith.mulf %mul3A_1470, %mul3A_1467 : vector<16xf32>
      %mul3A_1472 = arith.mulf %mul3A_1471, %mul3A_1467 : vector<16xf32>
      %sub3A_1473 = arith.constant 1.500000e+00 : f32
      %sub3A_1474 = vector.broadcast %sub3A_1473 : f32 to vector<16xf32>
      %sub3A_1475 = arith.subf %sub3A_1474, %mul3A_1472 : vector<16xf32>
      %mul3A_1476 = arith.mulf %mul3A_1467, %sub3A_1475 : vector<16xf32>
      %mul3A_1477 = arith.constant 5.000000e-01 : f32
      %mul3A_1478 = vector.broadcast %mul3A_1477 : f32 to vector<16xf32>
      %mul3A_1479 = arith.mulf %mul3A_1478, %add3A_1450 : vector<16xf32>
      %mul3A_1480 = arith.mulf %mul3A_1479, %mul3A_1476 : vector<16xf32>
      %mul3A_1481 = arith.mulf %mul3A_1480, %mul3A_1476 : vector<16xf32>
      %sub3A_1482 = arith.constant 1.500000e+00 : f32
      %sub3A_1483 = vector.broadcast %sub3A_1482 : f32 to vector<16xf32>
      %sub3A_1484 = arith.subf %sub3A_1483, %mul3A_1481 : vector<16xf32>
      %mul3A_1485 = arith.mulf %mul3A_1476, %sub3A_1484 : vector<16xf32>
      %mul3A_1486 = arith.mulf %add3A_1450, %mul3A_1485 : vector<16xf32>
      %add3A_1487 = arith.addf %add3A_1400, %mul3A_1486 : vector<16xf32>
      %lt3A_1488 = arith.constant 0 : i32
      %lt3A_1489 = vector.broadcast %lt3A_1488 : i32 to vector<16xi32>
      %lt3A_1490 = arith.cmpi slt, %and3A_72, %lt3A_1489 : vector<16xi32>
      %add3A_1491 = arith.constant 16 : i32
      %add3A_1492 = vector.broadcast %add3A_1491 : i32 to vector<16xi32>
      %add3A_1493 = arith.addi %and3A_72, %add3A_1492 : vector<16xi32>
      %select_n3A_1494 = arith.select %lt3A_1490, %add3A_1493, %and3A_72 : vector<16xi1>, vector<16xi32>
      %reshape3A_1495 = vector.shape_cast %select_n3A_1494 : vector<16xi32> to vector<16x1xi32>
      %gather3A_1496 = vector.shape_cast %reshape3A_1495 : vector<16x1xi32> to vector<16xi32>
      %gather3A_1497 = tpu.dynamic_gather %add3A_1487[%gather3A_1496] in [0] : vector<16xf32>, vector<16xi32> -> vector<16xf32>
      %add3A_1498 = arith.addf %add3A_1487, %gather3A_1497 : vector<16xf32>
      %lt3A_1499 = arith.constant 0 : i32
      %lt3A_1500 = vector.broadcast %lt3A_1499 : i32 to vector<16xi32>
      %lt3A_1501 = arith.cmpi slt, %and3A_78, %lt3A_1500 : vector<16xi32>
      %add3A_1502 = arith.constant 16 : i32
      %add3A_1503 = vector.broadcast %add3A_1502 : i32 to vector<16xi32>
      %add3A_1504 = arith.addi %and3A_78, %add3A_1503 : vector<16xi32>
      %select_n3A_1505 = arith.select %lt3A_1501, %add3A_1504, %and3A_78 : vector<16xi1>, vector<16xi32>
      %reshape3A_1506 = vector.shape_cast %select_n3A_1505 : vector<16xi32> to vector<16x1xi32>
      %gather3A_1507 = vector.shape_cast %reshape3A_1506 : vector<16x1xi32> to vector<16xi32>
      %gather3A_1508 = tpu.dynamic_gather %add3A_1498[%gather3A_1507] in [0] : vector<16xf32>, vector<16xi32> -> vector<16xf32>
      %add3A_1509 = arith.addf %add3A_1498, %gather3A_1508 : vector<16xf32>
      %lt3A_1510 = arith.constant 0 : i32
      %lt3A_1511 = vector.broadcast %lt3A_1510 : i32 to vector<16xi32>
      %lt3A_1512 = arith.cmpi slt, %and3A_84, %lt3A_1511 : vector<16xi32>
      %add3A_1513 = arith.constant 16 : i32
      %add3A_1514 = vector.broadcast %add3A_1513 : i32 to vector<16xi32>
      %add3A_1515 = arith.addi %and3A_84, %add3A_1514 : vector<16xi32>
      %select_n3A_1516 = arith.select %lt3A_1512, %add3A_1515, %and3A_84 : vector<16xi1>, vector<16xi32>
      %reshape3A_1517 = vector.shape_cast %select_n3A_1516 : vector<16xi32> to vector<16x1xi32>
      %gather3A_1518 = vector.shape_cast %reshape3A_1517 : vector<16x1xi32> to vector<16xi32>
      %gather3A_1519 = tpu.dynamic_gather %add3A_1509[%gather3A_1518] in [0] : vector<16xf32>, vector<16xi32> -> vector<16xf32>
      %add3A_1520 = arith.addf %add3A_1509, %gather3A_1519 : vector<16xf32>
      %lt3A_1521 = arith.constant 0 : i32
      %lt3A_1522 = vector.broadcast %lt3A_1521 : i32 to vector<16xi32>
      %lt3A_1523 = arith.cmpi slt, %and3A_90, %lt3A_1522 : vector<16xi32>
      %add3A_1524 = arith.constant 16 : i32
      %add3A_1525 = vector.broadcast %add3A_1524 : i32 to vector<16xi32>
      %add3A_1526 = arith.addi %and3A_90, %add3A_1525 : vector<16xi32>
      %select_n3A_1527 = arith.select %lt3A_1523, %add3A_1526, %and3A_90 : vector<16xi1>, vector<16xi32>
      %reshape3A_1528 = vector.shape_cast %select_n3A_1527 : vector<16xi32> to vector<16x1xi32>
      %gather3A_1529 = vector.shape_cast %reshape3A_1528 : vector<16x1xi32> to vector<16xi32>
      %gather3A_1530 = tpu.dynamic_gather %add3A_1520[%gather3A_1529] in [0] : vector<16xf32>, vector<16xi32> -> vector<16xf32>
      %add3A_1531 = arith.addf %add3A_1520, %gather3A_1530 : vector<16xf32>
      %eq3A_1532 = arith.constant 5 : i32
      %eq3A_1533 = vector.broadcast %eq3A_1532 : i32 to vector<16xi32>
      %eq3A_1534 = arith.cmpi eq, %iota3A, %eq3A_1533 : vector<16xi32>
      %select_n3A_1535 = arith.select %eq3A_1534, %add3A_1531, %select_n3A_1307 : vector<16xi1>, vector<16xf32>
      %mul3A_1536 = arith.constant 16 : i32
      %mul3A_1537 = arith.muli %scan3A_157, %mul3A_1536 : i32
      %add3A_1538 = arith.constant 6 : i32
      %add3A_1539 = arith.addi %mul3A_1537, %add3A_1538 : i32
      %broadcast_in_dim3A_1540 = arith.constant 0.000000e+00 : f32
      %broadcast_in_dim3A_1541 = vector.broadcast %broadcast_in_dim3A_1540 : f32 to vector<16xf32>
      %slice3A_1542 = vector.extract_strided_slice %and3A_166 {offsets = [6], sizes = [1], strides = [1]} : vector<16xi32> to vector<1xi32>
      %squeeze3A_1543 = vector.extract %slice3A_1542[0] : i32 from vector<1xi32>
      %get3A_1544 = arith.index_cast %rem3A_100 : i32 to index
      %get3A_1545 = arith.index_cast %add3A_1539 : i32 to index
      %get3A_1546 = arith.index_cast %squeeze3A_1543 : i32 to index
      %get3A_1547 = arith.constant 0 : index
      %get3A_1548 = tpu.vector_load %arg11[%get3A_1544, %get3A_1545, %get3A_1546, %get3A_1547] {strides = array<i32>} : memref<3x16x8x64xf32, #tpu.memory_space<vmem>>, vector<16xf32>,
      %slice3A_1549 = vector.extract_strided_slice %and3A_166 {offsets = [6], sizes = [1], strides = [1]} : vector<16xi32> to vector<1xi32>
      %squeeze3A_1550 = vector.extract %slice3A_1549[0] : i32 from vector<1xi32>
      %get3A_1551 = arith.index_cast %rem3A_100 : i32 to index
      %get3A_1552 = arith.index_cast %add3A_1539 : i32 to index
      %get3A_1553 = arith.index_cast %squeeze3A_1550 : i32 to index
      %get3A_1554 = arith.constant 32 : index
      %get3A_1555 = tpu.vector_load %arg11[%get3A_1551, %get3A_1552, %get3A_1553, %get3A_1554] {strides = array<i32>} : memref<3x16x8x64xf32, #tpu.memory_space<vmem>>, vector<16xf32>,
      %slice3A_1556 = vector.extract_strided_slice %and3A_176 {offsets = [6], sizes = [1], strides = [1]} : vector<16xi32> to vector<1xi32>
      %squeeze3A_1557 = vector.extract %slice3A_1556[0] : i32 from vector<1xi32>
      %get3A_1558 = arith.index_cast %rem3A_100 : i32 to index
      %get3A_1559 = arith.index_cast %add3A_1539 : i32 to index
      %get3A_1560 = arith.index_cast %squeeze3A_1557 : i32 to index
      %get3A_1561 = arith.constant 0 : index
      %get3A_1562 = tpu.vector_load %arg12[%get3A_1558, %get3A_1559, %get3A_1560, %get3A_1561] {strides = array<i32>} : memref<3x16x8x64xf32, #tpu.memory_space<vmem>>, vector<16xf32>,
      %slice3A_1563 = vector.extract_strided_slice %and3A_176 {offsets = [6], sizes = [1], strides = [1]} : vector<16xi32> to vector<1xi32>
      %squeeze3A_1564 = vector.extract %slice3A_1563[0] : i32 from vector<1xi32>
      %get3A_1565 = arith.index_cast %rem3A_100 : i32 to index
      %get3A_1566 = arith.index_cast %add3A_1539 : i32 to index
      %get3A_1567 = arith.index_cast %squeeze3A_1564 : i32 to index
      %get3A_1568 = arith.constant 32 : index
      %get3A_1569 = tpu.vector_load %arg12[%get3A_1565, %get3A_1566, %get3A_1567, %get3A_1568] {strides = array<i32>} : memref<3x16x8x64xf32, #tpu.memory_space<vmem>>, vector<16xf32>,
      %get3A_1570 = arith.index_cast %rem3A_100 : i32 to index
      %get3A_1571 = arith.index_cast %add3A_1539 : i32 to index
      %get3A_1572 = arith.constant 0 : index
      %get3A_1573 = tpu.vector_load %arg13[%get3A_1570, %get3A_1571, %get3A_1572] {strides = array<i32>} : memref<3x16x128xf32, #tpu.memory_space<vmem>>, vector<16xf32>,
      %get3A_1574 = arith.index_cast %rem3A_100 : i32 to index
      %get3A_1575 = arith.index_cast %add3A_1539 : i32 to index
      %get3A_1576 = arith.constant 32 : index
      %get3A_1577 = tpu.vector_load %arg13[%get3A_1574, %get3A_1575, %get3A_1576] {strides = array<i32>} : memref<3x16x128xf32, #tpu.memory_space<vmem>>, vector<16xf32>,
      %mul3A_1578 = arith.mulf %get3A_1548, %get3A_1573 : vector<16xf32>
      %mul3A_1579 = arith.mulf %get3A_1555, %get3A_1577 : vector<16xf32>
      %sub3A_1580 = arith.subf %mul3A_1578, %mul3A_1579 : vector<16xf32>
      %sub3A_1581 = arith.subf %sub3A_1580, %get3A_1562 : vector<16xf32>
      %mul3A_1582 = arith.mulf %get3A_1548, %get3A_1577 : vector<16xf32>
      %mul3A_1583 = arith.mulf %get3A_1555, %get3A_1573 : vector<16xf32>
      %add3A_1584 = arith.addf %mul3A_1582, %mul3A_1583 : vector<16xf32>
      %sub3A_1585 = arith.subf %add3A_1584, %get3A_1569 : vector<16xf32>
      %mul3A_1586 = arith.mulf %sub3A_1581, %sub3A_1581 : vector<16xf32>
      %mul3A_1587 = arith.mulf %sub3A_1585, %sub3A_1585 : vector<16xf32>
      %add3A_1588 = arith.addf %mul3A_1586, %mul3A_1587 : vector<16xf32>
      %add3A_1589 = arith.constant 9.99999996E-13 : f32
      %add3A_1590 = vector.broadcast %add3A_1589 : f32 to vector<16xf32>
      %add3A_1591 = arith.addf %add3A_1588, %add3A_1590 : vector<16xf32>
      %bitcast_convert_type3A_1592 = tpu.bitcast %add3A_1591 : vector<16xf32> -> vector<16xi32>
      %shift_right_logical3A_1593 = arith.constant 1 : i32
      %shift_right_logical3A_1594 = vector.broadcast %shift_right_logical3A_1593 : i32 to vector<16xi32>
      %shift_right_logical3A_1595 = arith.shrui %bitcast_convert_type3A_1592, %shift_right_logical3A_1594 : vector<16xi32>
      %sub3A_1596 = arith.constant 1597463007 : i32
      %sub3A_1597 = vector.broadcast %sub3A_1596 : i32 to vector<16xi32>
      %sub3A_1598 = arith.subi %sub3A_1597, %shift_right_logical3A_1595 : vector<16xi32>
      %bitcast_convert_type3A_1599 = tpu.bitcast %sub3A_1598 : vector<16xi32> -> vector<16xf32>
      %mul3A_1600 = arith.constant 5.000000e-01 : f32
      %mul3A_1601 = vector.broadcast %mul3A_1600 : f32 to vector<16xf32>
      %mul3A_1602 = arith.mulf %mul3A_1601, %add3A_1591 : vector<16xf32>
      %mul3A_1603 = arith.mulf %mul3A_1602, %bitcast_convert_type3A_1599 : vector<16xf32>
      %mul3A_1604 = arith.mulf %mul3A_1603, %bitcast_convert_type3A_1599 : vector<16xf32>
      %sub3A_1605 = arith.constant 1.500000e+00 : f32
      %sub3A_1606 = vector.broadcast %sub3A_1605 : f32 to vector<16xf32>
      %sub3A_1607 = arith.subf %sub3A_1606, %mul3A_1604 : vector<16xf32>
      %mul3A_1608 = arith.mulf %bitcast_convert_type3A_1599, %sub3A_1607 : vector<16xf32>
      %mul3A_1609 = arith.constant 5.000000e-01 : f32
      %mul3A_1610 = vector.broadcast %mul3A_1609 : f32 to vector<16xf32>
      %mul3A_1611 = arith.mulf %mul3A_1610, %add3A_1591 : vector<16xf32>
      %mul3A_1612 = arith.mulf %mul3A_1611, %mul3A_1608 : vector<16xf32>
      %mul3A_1613 = arith.mulf %mul3A_1612, %mul3A_1608 : vector<16xf32>
      %sub3A_1614 = arith.constant 1.500000e+00 : f32
      %sub3A_1615 = vector.broadcast %sub3A_1614 : f32 to vector<16xf32>
      %sub3A_1616 = arith.subf %sub3A_1615, %mul3A_1613 : vector<16xf32>
      %mul3A_1617 = arith.mulf %mul3A_1608, %sub3A_1616 : vector<16xf32>
      %mul3A_1618 = arith.constant 5.000000e-01 : f32
      %mul3A_1619 = vector.broadcast %mul3A_1618 : f32 to vector<16xf32>
      %mul3A_1620 = arith.mulf %mul3A_1619, %add3A_1591 : vector<16xf32>
      %mul3A_1621 = arith.mulf %mul3A_1620, %mul3A_1617 : vector<16xf32>
      %mul3A_1622 = arith.mulf %mul3A_1621, %mul3A_1617 : vector<16xf32>
      %sub3A_1623 = arith.constant 1.500000e+00 : f32
      %sub3A_1624 = vector.broadcast %sub3A_1623 : f32 to vector<16xf32>
      %sub3A_1625 = arith.subf %sub3A_1624, %mul3A_1622 : vector<16xf32>
      %mul3A_1626 = arith.mulf %mul3A_1617, %sub3A_1625 : vector<16xf32>
      %mul3A_1627 = arith.mulf %add3A_1591, %mul3A_1626 : vector<16xf32>
      %add3A_1628 = arith.addf %broadcast_in_dim3A_1541, %mul3A_1627 : vector<16xf32>
      %slice3A_1629 = vector.extract_strided_slice %and3A_166 {offsets = [6], sizes = [1], strides = [1]} : vector<16xi32> to vector<1xi32>
      %squeeze3A_1630 = vector.extract %slice3A_1629[0] : i32 from vector<1xi32>
      %get3A_1631 = arith.index_cast %rem3A_100 : i32 to index
      %get3A_1632 = arith.index_cast %add3A_1539 : i32 to index
      %get3A_1633 = arith.index_cast %squeeze3A_1630 : i32 to index
      %get3A_1634 = arith.constant 16 : index
      %get3A_1635 = tpu.vector_load %arg11[%get3A_1631, %get3A_1632, %get3A_1633, %get3A_1634] {strides = array<i32>} : memref<3x16x8x64xf32, #tpu.memory_space<vmem>>, vector<16xf32>,
      %slice3A_1636 = vector.extract_strided_slice %and3A_166 {offsets = [6], sizes = [1], strides = [1]} : vector<16xi32> to vector<1xi32>
      %squeeze3A_1637 = vector.extract %slice3A_1636[0] : i32 from vector<1xi32>
      %get3A_1638 = arith.index_cast %rem3A_100 : i32 to index
      %get3A_1639 = arith.index_cast %add3A_1539 : i32 to index
      %get3A_1640 = arith.index_cast %squeeze3A_1637 : i32 to index
      %get3A_1641 = arith.constant 48 : index
      %get3A_1642 = tpu.vector_load %arg11[%get3A_1638, %get3A_1639, %get3A_1640, %get3A_1641] {strides = array<i32>} : memref<3x16x8x64xf32, #tpu.memory_space<vmem>>, vector<16xf32>,
      %slice3A_1643 = vector.extract_strided_slice %and3A_176 {offsets = [6], sizes = [1], strides = [1]} : vector<16xi32> to vector<1xi32>
      %squeeze3A_1644 = vector.extract %slice3A_1643[0] : i32 from vector<1xi32>
      %get3A_1645 = arith.index_cast %rem3A_100 : i32 to index
      %get3A_1646 = arith.index_cast %add3A_1539 : i32 to index
      %get3A_1647 = arith.index_cast %squeeze3A_1644 : i32 to index
      %get3A_1648 = arith.constant 16 : index
      %get3A_1649 = tpu.vector_load %arg12[%get3A_1645, %get3A_1646, %get3A_1647, %get3A_1648] {strides = array<i32>} : memref<3x16x8x64xf32, #tpu.memory_space<vmem>>, vector<16xf32>,
      %slice3A_1650 = vector.extract_strided_slice %and3A_176 {offsets = [6], sizes = [1], strides = [1]} : vector<16xi32> to vector<1xi32>
      %squeeze3A_1651 = vector.extract %slice3A_1650[0] : i32 from vector<1xi32>
      %get3A_1652 = arith.index_cast %rem3A_100 : i32 to index
      %get3A_1653 = arith.index_cast %add3A_1539 : i32 to index
      %get3A_1654 = arith.index_cast %squeeze3A_1651 : i32 to index
      %get3A_1655 = arith.constant 48 : index
      %get3A_1656 = tpu.vector_load %arg12[%get3A_1652, %get3A_1653, %get3A_1654, %get3A_1655] {strides = array<i32>} : memref<3x16x8x64xf32, #tpu.memory_space<vmem>>, vector<16xf32>,
      %get3A_1657 = arith.index_cast %rem3A_100 : i32 to index
      %get3A_1658 = arith.index_cast %add3A_1539 : i32 to index
      %get3A_1659 = arith.constant 16 : index
      %get3A_1660 = tpu.vector_load %arg13[%get3A_1657, %get3A_1658, %get3A_1659] {strides = array<i32>} : memref<3x16x128xf32, #tpu.memory_space<vmem>>, vector<16xf32>,
      %get3A_1661 = arith.index_cast %rem3A_100 : i32 to index
      %get3A_1662 = arith.index_cast %add3A_1539 : i32 to index
      %get3A_1663 = arith.constant 48 : index
      %get3A_1664 = tpu.vector_load %arg13[%get3A_1661, %get3A_1662, %get3A_1663] {strides = array<i32>} : memref<3x16x128xf32, #tpu.memory_space<vmem>>, vector<16xf32>,
      %mul3A_1665 = arith.mulf %get3A_1635, %get3A_1660 : vector<16xf32>
      %mul3A_1666 = arith.mulf %get3A_1642, %get3A_1664 : vector<16xf32>
      %sub3A_1667 = arith.subf %mul3A_1665, %mul3A_1666 : vector<16xf32>
      %sub3A_1668 = arith.subf %sub3A_1667, %get3A_1649 : vector<16xf32>
      %mul3A_1669 = arith.mulf %get3A_1635, %get3A_1664 : vector<16xf32>
      %mul3A_1670 = arith.mulf %get3A_1642, %get3A_1660 : vector<16xf32>
      %add3A_1671 = arith.addf %mul3A_1669, %mul3A_1670 : vector<16xf32>
      %sub3A_1672 = arith.subf %add3A_1671, %get3A_1656 : vector<16xf32>
      %mul3A_1673 = arith.mulf %sub3A_1668, %sub3A_1668 : vector<16xf32>
      %mul3A_1674 = arith.mulf %sub3A_1672, %sub3A_1672 : vector<16xf32>
      %add3A_1675 = arith.addf %mul3A_1673, %mul3A_1674 : vector<16xf32>
      %add3A_1676 = arith.constant 9.99999996E-13 : f32
      %add3A_1677 = vector.broadcast %add3A_1676 : f32 to vector<16xf32>
      %add3A_1678 = arith.addf %add3A_1675, %add3A_1677 : vector<16xf32>
      %bitcast_convert_type3A_1679 = tpu.bitcast %add3A_1678 : vector<16xf32> -> vector<16xi32>
      %shift_right_logical3A_1680 = arith.constant 1 : i32
      %shift_right_logical3A_1681 = vector.broadcast %shift_right_logical3A_1680 : i32 to vector<16xi32>
      %shift_right_logical3A_1682 = arith.shrui %bitcast_convert_type3A_1679, %shift_right_logical3A_1681 : vector<16xi32>
      %sub3A_1683 = arith.constant 1597463007 : i32
      %sub3A_1684 = vector.broadcast %sub3A_1683 : i32 to vector<16xi32>
      %sub3A_1685 = arith.subi %sub3A_1684, %shift_right_logical3A_1682 : vector<16xi32>
      %bitcast_convert_type3A_1686 = tpu.bitcast %sub3A_1685 : vector<16xi32> -> vector<16xf32>
      %mul3A_1687 = arith.constant 5.000000e-01 : f32
      %mul3A_1688 = vector.broadcast %mul3A_1687 : f32 to vector<16xf32>
      %mul3A_1689 = arith.mulf %mul3A_1688, %add3A_1678 : vector<16xf32>
      %mul3A_1690 = arith.mulf %mul3A_1689, %bitcast_convert_type3A_1686 : vector<16xf32>
      %mul3A_1691 = arith.mulf %mul3A_1690, %bitcast_convert_type3A_1686 : vector<16xf32>
      %sub3A_1692 = arith.constant 1.500000e+00 : f32
      %sub3A_1693 = vector.broadcast %sub3A_1692 : f32 to vector<16xf32>
      %sub3A_1694 = arith.subf %sub3A_1693, %mul3A_1691 : vector<16xf32>
      %mul3A_1695 = arith.mulf %bitcast_convert_type3A_1686, %sub3A_1694 : vector<16xf32>
      %mul3A_1696 = arith.constant 5.000000e-01 : f32
      %mul3A_1697 = vector.broadcast %mul3A_1696 : f32 to vector<16xf32>
      %mul3A_1698 = arith.mulf %mul3A_1697, %add3A_1678 : vector<16xf32>
      %mul3A_1699 = arith.mulf %mul3A_1698, %mul3A_1695 : vector<16xf32>
      %mul3A_1700 = arith.mulf %mul3A_1699, %mul3A_1695 : vector<16xf32>
      %sub3A_1701 = arith.constant 1.500000e+00 : f32
      %sub3A_1702 = vector.broadcast %sub3A_1701 : f32 to vector<16xf32>
      %sub3A_1703 = arith.subf %sub3A_1702, %mul3A_1700 : vector<16xf32>
      %mul3A_1704 = arith.mulf %mul3A_1695, %sub3A_1703 : vector<16xf32>
      %mul3A_1705 = arith.constant 5.000000e-01 : f32
      %mul3A_1706 = vector.broadcast %mul3A_1705 : f32 to vector<16xf32>
      %mul3A_1707 = arith.mulf %mul3A_1706, %add3A_1678 : vector<16xf32>
      %mul3A_1708 = arith.mulf %mul3A_1707, %mul3A_1704 : vector<16xf32>
      %mul3A_1709 = arith.mulf %mul3A_1708, %mul3A_1704 : vector<16xf32>
      %sub3A_1710 = arith.constant 1.500000e+00 : f32
      %sub3A_1711 = vector.broadcast %sub3A_1710 : f32 to vector<16xf32>
      %sub3A_1712 = arith.subf %sub3A_1711, %mul3A_1709 : vector<16xf32>
      %mul3A_1713 = arith.mulf %mul3A_1704, %sub3A_1712 : vector<16xf32>
      %mul3A_1714 = arith.mulf %add3A_1678, %mul3A_1713 : vector<16xf32>
      %add3A_1715 = arith.addf %add3A_1628, %mul3A_1714 : vector<16xf32>
      %lt3A_1716 = arith.constant 0 : i32
      %lt3A_1717 = vector.broadcast %lt3A_1716 : i32 to vector<16xi32>
      %lt3A_1718 = arith.cmpi slt, %and3A_72, %lt3A_1717 : vector<16xi32>
      %add3A_1719 = arith.constant 16 : i32
      %add3A_1720 = vector.broadcast %add3A_1719 : i32 to vector<16xi32>
      %add3A_1721 = arith.addi %and3A_72, %add3A_1720 : vector<16xi32>
      %select_n3A_1722 = arith.select %lt3A_1718, %add3A_1721, %and3A_72 : vector<16xi1>, vector<16xi32>
      %reshape3A_1723 = vector.shape_cast %select_n3A_1722 : vector<16xi32> to vector<16x1xi32>
      %gather3A_1724 = vector.shape_cast %reshape3A_1723 : vector<16x1xi32> to vector<16xi32>
      %gather3A_1725 = tpu.dynamic_gather %add3A_1715[%gather3A_1724] in [0] : vector<16xf32>, vector<16xi32> -> vector<16xf32>
      %add3A_1726 = arith.addf %add3A_1715, %gather3A_1725 : vector<16xf32>
      %lt3A_1727 = arith.constant 0 : i32
      %lt3A_1728 = vector.broadcast %lt3A_1727 : i32 to vector<16xi32>
      %lt3A_1729 = arith.cmpi slt, %and3A_78, %lt3A_1728 : vector<16xi32>
      %add3A_1730 = arith.constant 16 : i32
      %add3A_1731 = vector.broadcast %add3A_1730 : i32 to vector<16xi32>
      %add3A_1732 = arith.addi %and3A_78, %add3A_1731 : vector<16xi32>
      %select_n3A_1733 = arith.select %lt3A_1729, %add3A_1732, %and3A_78 : vector<16xi1>, vector<16xi32>
      %reshape3A_1734 = vector.shape_cast %select_n3A_1733 : vector<16xi32> to vector<16x1xi32>
      %gather3A_1735 = vector.shape_cast %reshape3A_1734 : vector<16x1xi32> to vector<16xi32>
      %gather3A_1736 = tpu.dynamic_gather %add3A_1726[%gather3A_1735] in [0] : vector<16xf32>, vector<16xi32> -> vector<16xf32>
      %add3A_1737 = arith.addf %add3A_1726, %gather3A_1736 : vector<16xf32>
      %lt3A_1738 = arith.constant 0 : i32
      %lt3A_1739 = vector.broadcast %lt3A_1738 : i32 to vector<16xi32>
      %lt3A_1740 = arith.cmpi slt, %and3A_84, %lt3A_1739 : vector<16xi32>
      %add3A_1741 = arith.constant 16 : i32
      %add3A_1742 = vector.broadcast %add3A_1741 : i32 to vector<16xi32>
      %add3A_1743 = arith.addi %and3A_84, %add3A_1742 : vector<16xi32>
      %select_n3A_1744 = arith.select %lt3A_1740, %add3A_1743, %and3A_84 : vector<16xi1>, vector<16xi32>
      %reshape3A_1745 = vector.shape_cast %select_n3A_1744 : vector<16xi32> to vector<16x1xi32>
      %gather3A_1746 = vector.shape_cast %reshape3A_1745 : vector<16x1xi32> to vector<16xi32>
      %gather3A_1747 = tpu.dynamic_gather %add3A_1737[%gather3A_1746] in [0] : vector<16xf32>, vector<16xi32> -> vector<16xf32>
      %add3A_1748 = arith.addf %add3A_1737, %gather3A_1747 : vector<16xf32>
      %lt3A_1749 = arith.constant 0 : i32
      %lt3A_1750 = vector.broadcast %lt3A_1749 : i32 to vector<16xi32>
      %lt3A_1751 = arith.cmpi slt, %and3A_90, %lt3A_1750 : vector<16xi32>
      %add3A_1752 = arith.constant 16 : i32
      %add3A_1753 = vector.broadcast %add3A_1752 : i32 to vector<16xi32>
      %add3A_1754 = arith.addi %and3A_90, %add3A_1753 : vector<16xi32>
      %select_n3A_1755 = arith.select %lt3A_1751, %add3A_1754, %and3A_90 : vector<16xi1>, vector<16xi32>
      %reshape3A_1756 = vector.shape_cast %select_n3A_1755 : vector<16xi32> to vector<16x1xi32>
      %gather3A_1757 = vector.shape_cast %reshape3A_1756 : vector<16x1xi32> to vector<16xi32>
      %gather3A_1758 = tpu.dynamic_gather %add3A_1748[%gather3A_1757] in [0] : vector<16xf32>, vector<16xi32> -> vector<16xf32>
      %add3A_1759 = arith.addf %add3A_1748, %gather3A_1758 : vector<16xf32>
      %eq3A_1760 = arith.constant 6 : i32
      %eq3A_1761 = vector.broadcast %eq3A_1760 : i32 to vector<16xi32>
      %eq3A_1762 = arith.cmpi eq, %iota3A, %eq3A_1761 : vector<16xi32>
      %select_n3A_1763 = arith.select %eq3A_1762, %add3A_1759, %select_n3A_1535 : vector<16xi1>, vector<16xf32>
      %mul3A_1764 = arith.constant 16 : i32
      %mul3A_1765 = arith.muli %scan3A_157, %mul3A_1764 : i32
      %add3A_1766 = arith.constant 7 : i32
      %add3A_1767 = arith.addi %mul3A_1765, %add3A_1766 : i32
      %broadcast_in_dim3A_1768 = arith.constant 0.000000e+00 : f32
      %broadcast_in_dim3A_1769 = vector.broadcast %broadcast_in_dim3A_1768 : f32 to vector<16xf32>
      %slice3A_1770 = vector.extract_strided_slice %and3A_166 {offsets = [7], sizes = [1], strides = [1]} : vector<16xi32> to vector<1xi32>
      %squeeze3A_1771 = vector.extract %slice3A_1770[0] : i32 from vector<1xi32>
      %get3A_1772 = arith.index_cast %rem3A_100 : i32 to index
      %get3A_1773 = arith.index_cast %add3A_1767 : i32 to index
      %get3A_1774 = arith.index_cast %squeeze3A_1771 : i32 to index
      %get3A_1775 = arith.constant 0 : index
      %get3A_1776 = tpu.vector_load %arg11[%get3A_1772, %get3A_1773, %get3A_1774, %get3A_1775] {strides = array<i32>} : memref<3x16x8x64xf32, #tpu.memory_space<vmem>>, vector<16xf32>,
      %slice3A_1777 = vector.extract_strided_slice %and3A_166 {offsets = [7], sizes = [1], strides = [1]} : vector<16xi32> to vector<1xi32>
      %squeeze3A_1778 = vector.extract %slice3A_1777[0] : i32 from vector<1xi32>
      %get3A_1779 = arith.index_cast %rem3A_100 : i32 to index
      %get3A_1780 = arith.index_cast %add3A_1767 : i32 to index
      %get3A_1781 = arith.index_cast %squeeze3A_1778 : i32 to index
      %get3A_1782 = arith.constant 32 : index
      %get3A_1783 = tpu.vector_load %arg11[%get3A_1779, %get3A_1780, %get3A_1781, %get3A_1782] {strides = array<i32>} : memref<3x16x8x64xf32, #tpu.memory_space<vmem>>, vector<16xf32>,
      %slice3A_1784 = vector.extract_strided_slice %and3A_176 {offsets = [7], sizes = [1], strides = [1]} : vector<16xi32> to vector<1xi32>
      %squeeze3A_1785 = vector.extract %slice3A_1784[0] : i32 from vector<1xi32>
      %get3A_1786 = arith.index_cast %rem3A_100 : i32 to index
      %get3A_1787 = arith.index_cast %add3A_1767 : i32 to index
      %get3A_1788 = arith.index_cast %squeeze3A_1785 : i32 to index
      %get3A_1789 = arith.constant 0 : index
      %get3A_1790 = tpu.vector_load %arg12[%get3A_1786, %get3A_1787, %get3A_1788, %get3A_1789] {strides = array<i32>} : memref<3x16x8x64xf32, #tpu.memory_space<vmem>>, vector<16xf32>,
      %slice3A_1791 = vector.extract_strided_slice %and3A_176 {offsets = [7], sizes = [1], strides = [1]} : vector<16xi32> to vector<1xi32>
      %squeeze3A_1792 = vector.extract %slice3A_1791[0] : i32 from vector<1xi32>
      %get3A_1793 = arith.index_cast %rem3A_100 : i32 to index
      %get3A_1794 = arith.index_cast %add3A_1767 : i32 to index
      %get3A_1795 = arith.index_cast %squeeze3A_1792 : i32 to index
      %get3A_1796 = arith.constant 32 : index
      %get3A_1797 = tpu.vector_load %arg12[%get3A_1793, %get3A_1794, %get3A_1795, %get3A_1796] {strides = array<i32>} : memref<3x16x8x64xf32, #tpu.memory_space<vmem>>, vector<16xf32>,
      %get3A_1798 = arith.index_cast %rem3A_100 : i32 to index
      %get3A_1799 = arith.index_cast %add3A_1767 : i32 to index
      %get3A_1800 = arith.constant 0 : index
      %get3A_1801 = tpu.vector_load %arg13[%get3A_1798, %get3A_1799, %get3A_1800] {strides = array<i32>} : memref<3x16x128xf32, #tpu.memory_space<vmem>>, vector<16xf32>,
      %get3A_1802 = arith.index_cast %rem3A_100 : i32 to index
      %get3A_1803 = arith.index_cast %add3A_1767 : i32 to index
      %get3A_1804 = arith.constant 32 : index
      %get3A_1805 = tpu.vector_load %arg13[%get3A_1802, %get3A_1803, %get3A_1804] {strides = array<i32>} : memref<3x16x128xf32, #tpu.memory_space<vmem>>, vector<16xf32>,
      %mul3A_1806 = arith.mulf %get3A_1776, %get3A_1801 : vector<16xf32>
      %mul3A_1807 = arith.mulf %get3A_1783, %get3A_1805 : vector<16xf32>
      %sub3A_1808 = arith.subf %mul3A_1806, %mul3A_1807 : vector<16xf32>
      %sub3A_1809 = arith.subf %sub3A_1808, %get3A_1790 : vector<16xf32>
      %mul3A_1810 = arith.mulf %get3A_1776, %get3A_1805 : vector<16xf32>
      %mul3A_1811 = arith.mulf %get3A_1783, %get3A_1801 : vector<16xf32>
      %add3A_1812 = arith.addf %mul3A_1810, %mul3A_1811 : vector<16xf32>
      %sub3A_1813 = arith.subf %add3A_1812, %get3A_1797 : vector<16xf32>
      %mul3A_1814 = arith.mulf %sub3A_1809, %sub3A_1809 : vector<16xf32>
      %mul3A_1815 = arith.mulf %sub3A_1813, %sub3A_1813 : vector<16xf32>
      %add3A_1816 = arith.addf %mul3A_1814, %mul3A_1815 : vector<16xf32>
      %add3A_1817 = arith.constant 9.99999996E-13 : f32
      %add3A_1818 = vector.broadcast %add3A_1817 : f32 to vector<16xf32>
      %add3A_1819 = arith.addf %add3A_1816, %add3A_1818 : vector<16xf32>
      %bitcast_convert_type3A_1820 = tpu.bitcast %add3A_1819 : vector<16xf32> -> vector<16xi32>
      %shift_right_logical3A_1821 = arith.constant 1 : i32
      %shift_right_logical3A_1822 = vector.broadcast %shift_right_logical3A_1821 : i32 to vector<16xi32>
      %shift_right_logical3A_1823 = arith.shrui %bitcast_convert_type3A_1820, %shift_right_logical3A_1822 : vector<16xi32>
      %sub3A_1824 = arith.constant 1597463007 : i32
      %sub3A_1825 = vector.broadcast %sub3A_1824 : i32 to vector<16xi32>
      %sub3A_1826 = arith.subi %sub3A_1825, %shift_right_logical3A_1823 : vector<16xi32>
      %bitcast_convert_type3A_1827 = tpu.bitcast %sub3A_1826 : vector<16xi32> -> vector<16xf32>
      %mul3A_1828 = arith.constant 5.000000e-01 : f32
      %mul3A_1829 = vector.broadcast %mul3A_1828 : f32 to vector<16xf32>
      %mul3A_1830 = arith.mulf %mul3A_1829, %add3A_1819 : vector<16xf32>
      %mul3A_1831 = arith.mulf %mul3A_1830, %bitcast_convert_type3A_1827 : vector<16xf32>
      %mul3A_1832 = arith.mulf %mul3A_1831, %bitcast_convert_type3A_1827 : vector<16xf32>
      %sub3A_1833 = arith.constant 1.500000e+00 : f32
      %sub3A_1834 = vector.broadcast %sub3A_1833 : f32 to vector<16xf32>
      %sub3A_1835 = arith.subf %sub3A_1834, %mul3A_1832 : vector<16xf32>
      %mul3A_1836 = arith.mulf %bitcast_convert_type3A_1827, %sub3A_1835 : vector<16xf32>
      %mul3A_1837 = arith.constant 5.000000e-01 : f32
      %mul3A_1838 = vector.broadcast %mul3A_1837 : f32 to vector<16xf32>
      %mul3A_1839 = arith.mulf %mul3A_1838, %add3A_1819 : vector<16xf32>
      %mul3A_1840 = arith.mulf %mul3A_1839, %mul3A_1836 : vector<16xf32>
      %mul3A_1841 = arith.mulf %mul3A_1840, %mul3A_1836 : vector<16xf32>
      %sub3A_1842 = arith.constant 1.500000e+00 : f32
      %sub3A_1843 = vector.broadcast %sub3A_1842 : f32 to vector<16xf32>
      %sub3A_1844 = arith.subf %sub3A_1843, %mul3A_1841 : vector<16xf32>
      %mul3A_1845 = arith.mulf %mul3A_1836, %sub3A_1844 : vector<16xf32>
      %mul3A_1846 = arith.constant 5.000000e-01 : f32
      %mul3A_1847 = vector.broadcast %mul3A_1846 : f32 to vector<16xf32>
      %mul3A_1848 = arith.mulf %mul3A_1847, %add3A_1819 : vector<16xf32>
      %mul3A_1849 = arith.mulf %mul3A_1848, %mul3A_1845 : vector<16xf32>
      %mul3A_1850 = arith.mulf %mul3A_1849, %mul3A_1845 : vector<16xf32>
      %sub3A_1851 = arith.constant 1.500000e+00 : f32
      %sub3A_1852 = vector.broadcast %sub3A_1851 : f32 to vector<16xf32>
      %sub3A_1853 = arith.subf %sub3A_1852, %mul3A_1850 : vector<16xf32>
      %mul3A_1854 = arith.mulf %mul3A_1845, %sub3A_1853 : vector<16xf32>
      %mul3A_1855 = arith.mulf %add3A_1819, %mul3A_1854 : vector<16xf32>
      %add3A_1856 = arith.addf %broadcast_in_dim3A_1769, %mul3A_1855 : vector<16xf32>
      %slice3A_1857 = vector.extract_strided_slice %and3A_166 {offsets = [7], sizes = [1], strides = [1]} : vector<16xi32> to vector<1xi32>
      %squeeze3A_1858 = vector.extract %slice3A_1857[0] : i32 from vector<1xi32>
      %get3A_1859 = arith.index_cast %rem3A_100 : i32 to index
      %get3A_1860 = arith.index_cast %add3A_1767 : i32 to index
      %get3A_1861 = arith.index_cast %squeeze3A_1858 : i32 to index
      %get3A_1862 = arith.constant 16 : index
      %get3A_1863 = tpu.vector_load %arg11[%get3A_1859, %get3A_1860, %get3A_1861, %get3A_1862] {strides = array<i32>} : memref<3x16x8x64xf32, #tpu.memory_space<vmem>>, vector<16xf32>,
      %slice3A_1864 = vector.extract_strided_slice %and3A_166 {offsets = [7], sizes = [1], strides = [1]} : vector<16xi32> to vector<1xi32>
      %squeeze3A_1865 = vector.extract %slice3A_1864[0] : i32 from vector<1xi32>
      %get3A_1866 = arith.index_cast %rem3A_100 : i32 to index
      %get3A_1867 = arith.index_cast %add3A_1767 : i32 to index
      %get3A_1868 = arith.index_cast %squeeze3A_1865 : i32 to index
      %get3A_1869 = arith.constant 48 : index
      %get3A_1870 = tpu.vector_load %arg11[%get3A_1866, %get3A_1867, %get3A_1868, %get3A_1869] {strides = array<i32>} : memref<3x16x8x64xf32, #tpu.memory_space<vmem>>, vector<16xf32>,
      %slice3A_1871 = vector.extract_strided_slice %and3A_176 {offsets = [7], sizes = [1], strides = [1]} : vector<16xi32> to vector<1xi32>
      %squeeze3A_1872 = vector.extract %slice3A_1871[0] : i32 from vector<1xi32>
      %get3A_1873 = arith.index_cast %rem3A_100 : i32 to index
      %get3A_1874 = arith.index_cast %add3A_1767 : i32 to index
      %get3A_1875 = arith.index_cast %squeeze3A_1872 : i32 to index
      %get3A_1876 = arith.constant 16 : index
      %get3A_1877 = tpu.vector_load %arg12[%get3A_1873, %get3A_1874, %get3A_1875, %get3A_1876] {strides = array<i32>} : memref<3x16x8x64xf32, #tpu.memory_space<vmem>>, vector<16xf32>,
      %slice3A_1878 = vector.extract_strided_slice %and3A_176 {offsets = [7], sizes = [1], strides = [1]} : vector<16xi32> to vector<1xi32>
      %squeeze3A_1879 = vector.extract %slice3A_1878[0] : i32 from vector<1xi32>
      %get3A_1880 = arith.index_cast %rem3A_100 : i32 to index
      %get3A_1881 = arith.index_cast %add3A_1767 : i32 to index
      %get3A_1882 = arith.index_cast %squeeze3A_1879 : i32 to index
      %get3A_1883 = arith.constant 48 : index
      %get3A_1884 = tpu.vector_load %arg12[%get3A_1880, %get3A_1881, %get3A_1882, %get3A_1883] {strides = array<i32>} : memref<3x16x8x64xf32, #tpu.memory_space<vmem>>, vector<16xf32>,
      %get3A_1885 = arith.index_cast %rem3A_100 : i32 to index
      %get3A_1886 = arith.index_cast %add3A_1767 : i32 to index
      %get3A_1887 = arith.constant 16 : index
      %get3A_1888 = tpu.vector_load %arg13[%get3A_1885, %get3A_1886, %get3A_1887] {strides = array<i32>} : memref<3x16x128xf32, #tpu.memory_space<vmem>>, vector<16xf32>,
      %get3A_1889 = arith.index_cast %rem3A_100 : i32 to index
      %get3A_1890 = arith.index_cast %add3A_1767 : i32 to index
      %get3A_1891 = arith.constant 48 : index
      %get3A_1892 = tpu.vector_load %arg13[%get3A_1889, %get3A_1890, %get3A_1891] {strides = array<i32>} : memref<3x16x128xf32, #tpu.memory_space<vmem>>, vector<16xf32>,
      %mul3A_1893 = arith.mulf %get3A_1863, %get3A_1888 : vector<16xf32>
      %mul3A_1894 = arith.mulf %get3A_1870, %get3A_1892 : vector<16xf32>
      %sub3A_1895 = arith.subf %mul3A_1893, %mul3A_1894 : vector<16xf32>
      %sub3A_1896 = arith.subf %sub3A_1895, %get3A_1877 : vector<16xf32>
      %mul3A_1897 = arith.mulf %get3A_1863, %get3A_1892 : vector<16xf32>
      %mul3A_1898 = arith.mulf %get3A_1870, %get3A_1888 : vector<16xf32>
      %add3A_1899 = arith.addf %mul3A_1897, %mul3A_1898 : vector<16xf32>
      %sub3A_1900 = arith.subf %add3A_1899, %get3A_1884 : vector<16xf32>
      %mul3A_1901 = arith.mulf %sub3A_1896, %sub3A_1896 : vector<16xf32>
      %mul3A_1902 = arith.mulf %sub3A_1900, %sub3A_1900 : vector<16xf32>
      %add3A_1903 = arith.addf %mul3A_1901, %mul3A_1902 : vector<16xf32>
      %add3A_1904 = arith.constant 9.99999996E-13 : f32
      %add3A_1905 = vector.broadcast %add3A_1904 : f32 to vector<16xf32>
      %add3A_1906 = arith.addf %add3A_1903, %add3A_1905 : vector<16xf32>
      %bitcast_convert_type3A_1907 = tpu.bitcast %add3A_1906 : vector<16xf32> -> vector<16xi32>
      %shift_right_logical3A_1908 = arith.constant 1 : i32
      %shift_right_logical3A_1909 = vector.broadcast %shift_right_logical3A_1908 : i32 to vector<16xi32>
      %shift_right_logical3A_1910 = arith.shrui %bitcast_convert_type3A_1907, %shift_right_logical3A_1909 : vector<16xi32>
      %sub3A_1911 = arith.constant 1597463007 : i32
      %sub3A_1912 = vector.broadcast %sub3A_1911 : i32 to vector<16xi32>
      %sub3A_1913 = arith.subi %sub3A_1912, %shift_right_logical3A_1910 : vector<16xi32>
      %bitcast_convert_type3A_1914 = tpu.bitcast %sub3A_1913 : vector<16xi32> -> vector<16xf32>
      %mul3A_1915 = arith.constant 5.000000e-01 : f32
      %mul3A_1916 = vector.broadcast %mul3A_1915 : f32 to vector<16xf32>
      %mul3A_1917 = arith.mulf %mul3A_1916, %add3A_1906 : vector<16xf32>
      %mul3A_1918 = arith.mulf %mul3A_1917, %bitcast_convert_type3A_1914 : vector<16xf32>
      %mul3A_1919 = arith.mulf %mul3A_1918, %bitcast_convert_type3A_1914 : vector<16xf32>
      %sub3A_1920 = arith.constant 1.500000e+00 : f32
      %sub3A_1921 = vector.broadcast %sub3A_1920 : f32 to vector<16xf32>
      %sub3A_1922 = arith.subf %sub3A_1921, %mul3A_1919 : vector<16xf32>
      %mul3A_1923 = arith.mulf %bitcast_convert_type3A_1914, %sub3A_1922 : vector<16xf32>
      %mul3A_1924 = arith.constant 5.000000e-01 : f32
      %mul3A_1925 = vector.broadcast %mul3A_1924 : f32 to vector<16xf32>
      %mul3A_1926 = arith.mulf %mul3A_1925, %add3A_1906 : vector<16xf32>
      %mul3A_1927 = arith.mulf %mul3A_1926, %mul3A_1923 : vector<16xf32>
      %mul3A_1928 = arith.mulf %mul3A_1927, %mul3A_1923 : vector<16xf32>
      %sub3A_1929 = arith.constant 1.500000e+00 : f32
      %sub3A_1930 = vector.broadcast %sub3A_1929 : f32 to vector<16xf32>
      %sub3A_1931 = arith.subf %sub3A_1930, %mul3A_1928 : vector<16xf32>
      %mul3A_1932 = arith.mulf %mul3A_1923, %sub3A_1931 : vector<16xf32>
      %mul3A_1933 = arith.constant 5.000000e-01 : f32
      %mul3A_1934 = vector.broadcast %mul3A_1933 : f32 to vector<16xf32>
      %mul3A_1935 = arith.mulf %mul3A_1934, %add3A_1906 : vector<16xf32>
      %mul3A_1936 = arith.mulf %mul3A_1935, %mul3A_1932 : vector<16xf32>
      %mul3A_1937 = arith.mulf %mul3A_1936, %mul3A_1932 : vector<16xf32>
      %sub3A_1938 = arith.constant 1.500000e+00 : f32
      %sub3A_1939 = vector.broadcast %sub3A_1938 : f32 to vector<16xf32>
      %sub3A_1940 = arith.subf %sub3A_1939, %mul3A_1937 : vector<16xf32>
      %mul3A_1941 = arith.mulf %mul3A_1932, %sub3A_1940 : vector<16xf32>
      %mul3A_1942 = arith.mulf %add3A_1906, %mul3A_1941 : vector<16xf32>
      %add3A_1943 = arith.addf %add3A_1856, %mul3A_1942 : vector<16xf32>
      %lt3A_1944 = arith.constant 0 : i32
      %lt3A_1945 = vector.broadcast %lt3A_1944 : i32 to vector<16xi32>
      %lt3A_1946 = arith.cmpi slt, %and3A_72, %lt3A_1945 : vector<16xi32>
      %add3A_1947 = arith.constant 16 : i32
      %add3A_1948 = vector.broadcast %add3A_1947 : i32 to vector<16xi32>
      %add3A_1949 = arith.addi %and3A_72, %add3A_1948 : vector<16xi32>
      %select_n3A_1950 = arith.select %lt3A_1946, %add3A_1949, %and3A_72 : vector<16xi1>, vector<16xi32>
      %reshape3A_1951 = vector.shape_cast %select_n3A_1950 : vector<16xi32> to vector<16x1xi32>
      %gather3A_1952 = vector.shape_cast %reshape3A_1951 : vector<16x1xi32> to vector<16xi32>
      %gather3A_1953 = tpu.dynamic_gather %add3A_1943[%gather3A_1952] in [0] : vector<16xf32>, vector<16xi32> -> vector<16xf32>
      %add3A_1954 = arith.addf %add3A_1943, %gather3A_1953 : vector<16xf32>
      %lt3A_1955 = arith.constant 0 : i32
      %lt3A_1956 = vector.broadcast %lt3A_1955 : i32 to vector<16xi32>
      %lt3A_1957 = arith.cmpi slt, %and3A_78, %lt3A_1956 : vector<16xi32>
      %add3A_1958 = arith.constant 16 : i32
      %add3A_1959 = vector.broadcast %add3A_1958 : i32 to vector<16xi32>
      %add3A_1960 = arith.addi %and3A_78, %add3A_1959 : vector<16xi32>
      %select_n3A_1961 = arith.select %lt3A_1957, %add3A_1960, %and3A_78 : vector<16xi1>, vector<16xi32>
      %reshape3A_1962 = vector.shape_cast %select_n3A_1961 : vector<16xi32> to vector<16x1xi32>
      %gather3A_1963 = vector.shape_cast %reshape3A_1962 : vector<16x1xi32> to vector<16xi32>
      %gather3A_1964 = tpu.dynamic_gather %add3A_1954[%gather3A_1963] in [0] : vector<16xf32>, vector<16xi32> -> vector<16xf32>
      %add3A_1965 = arith.addf %add3A_1954, %gather3A_1964 : vector<16xf32>
      %lt3A_1966 = arith.constant 0 : i32
      %lt3A_1967 = vector.broadcast %lt3A_1966 : i32 to vector<16xi32>
      %lt3A_1968 = arith.cmpi slt, %and3A_84, %lt3A_1967 : vector<16xi32>
      %add3A_1969 = arith.constant 16 : i32
      %add3A_1970 = vector.broadcast %add3A_1969 : i32 to vector<16xi32>
      %add3A_1971 = arith.addi %and3A_84, %add3A_1970 : vector<16xi32>
      %select_n3A_1972 = arith.select %lt3A_1968, %add3A_1971, %and3A_84 : vector<16xi1>, vector<16xi32>
      %reshape3A_1973 = vector.shape_cast %select_n3A_1972 : vector<16xi32> to vector<16x1xi32>
      %gather3A_1974 = vector.shape_cast %reshape3A_1973 : vector<16x1xi32> to vector<16xi32>
      %gather3A_1975 = tpu.dynamic_gather %add3A_1965[%gather3A_1974] in [0] : vector<16xf32>, vector<16xi32> -> vector<16xf32>
      %add3A_1976 = arith.addf %add3A_1965, %gather3A_1975 : vector<16xf32>
      %lt3A_1977 = arith.constant 0 : i32
      %lt3A_1978 = vector.broadcast %lt3A_1977 : i32 to vector<16xi32>
      %lt3A_1979 = arith.cmpi slt, %and3A_90, %lt3A_1978 : vector<16xi32>
      %add3A_1980 = arith.constant 16 : i32
      %add3A_1981 = vector.broadcast %add3A_1980 : i32 to vector<16xi32>
      %add3A_1982 = arith.addi %and3A_90, %add3A_1981 : vector<16xi32>
      %select_n3A_1983 = arith.select %lt3A_1979, %add3A_1982, %and3A_90 : vector<16xi1>, vector<16xi32>
      %reshape3A_1984 = vector.shape_cast %select_n3A_1983 : vector<16xi32> to vector<16x1xi32>
      %gather3A_1985 = vector.shape_cast %reshape3A_1984 : vector<16x1xi32> to vector<16xi32>
      %gather3A_1986 = tpu.dynamic_gather %add3A_1976[%gather3A_1985] in [0] : vector<16xf32>, vector<16xi32> -> vector<16xf32>
      %add3A_1987 = arith.addf %add3A_1976, %gather3A_1986 : vector<16xf32>
      %eq3A_1988 = arith.constant 7 : i32
      %eq3A_1989 = vector.broadcast %eq3A_1988 : i32 to vector<16xi32>
      %eq3A_1990 = arith.cmpi eq, %iota3A, %eq3A_1989 : vector<16xi32>
      %select_n3A_1991 = arith.select %eq3A_1990, %add3A_1987, %select_n3A_1763 : vector<16xi1>, vector<16xf32>
      %mul3A_1992 = arith.constant 16 : i32
      %mul3A_1993 = arith.muli %scan3A_157, %mul3A_1992 : i32
      %add3A_1994 = arith.constant 8 : i32
      %add3A_1995 = arith.addi %mul3A_1993, %add3A_1994 : i32
      %broadcast_in_dim3A_1996 = arith.constant 0.000000e+00 : f32
      %broadcast_in_dim3A_1997 = vector.broadcast %broadcast_in_dim3A_1996 : f32 to vector<16xf32>
      %slice3A_1998 = vector.extract_strided_slice %and3A_166 {offsets = [8], sizes = [1], strides = [1]} : vector<16xi32> to vector<1xi32>
      %squeeze3A_1999 = vector.extract %slice3A_1998[0] : i32 from vector<1xi32>
      %get3A_2000 = arith.index_cast %rem3A_100 : i32 to index
      %get3A_2001 = arith.index_cast %add3A_1995 : i32 to index
      %get3A_2002 = arith.index_cast %squeeze3A_1999 : i32 to index
      %get3A_2003 = arith.constant 0 : index
      %get3A_2004 = tpu.vector_load %arg11[%get3A_2000, %get3A_2001, %get3A_2002, %get3A_2003] {strides = array<i32>} : memref<3x16x8x64xf32, #tpu.memory_space<vmem>>, vector<16xf32>,
      %slice3A_2005 = vector.extract_strided_slice %and3A_166 {offsets = [8], sizes = [1], strides = [1]} : vector<16xi32> to vector<1xi32>
      %squeeze3A_2006 = vector.extract %slice3A_2005[0] : i32 from vector<1xi32>
      %get3A_2007 = arith.index_cast %rem3A_100 : i32 to index
      %get3A_2008 = arith.index_cast %add3A_1995 : i32 to index
      %get3A_2009 = arith.index_cast %squeeze3A_2006 : i32 to index
      %get3A_2010 = arith.constant 32 : index
      %get3A_2011 = tpu.vector_load %arg11[%get3A_2007, %get3A_2008, %get3A_2009, %get3A_2010] {strides = array<i32>} : memref<3x16x8x64xf32, #tpu.memory_space<vmem>>, vector<16xf32>,
      %slice3A_2012 = vector.extract_strided_slice %and3A_176 {offsets = [8], sizes = [1], strides = [1]} : vector<16xi32> to vector<1xi32>
      %squeeze3A_2013 = vector.extract %slice3A_2012[0] : i32 from vector<1xi32>
      %get3A_2014 = arith.index_cast %rem3A_100 : i32 to index
      %get3A_2015 = arith.index_cast %add3A_1995 : i32 to index
      %get3A_2016 = arith.index_cast %squeeze3A_2013 : i32 to index
      %get3A_2017 = arith.constant 0 : index
      %get3A_2018 = tpu.vector_load %arg12[%get3A_2014, %get3A_2015, %get3A_2016, %get3A_2017] {strides = array<i32>} : memref<3x16x8x64xf32, #tpu.memory_space<vmem>>, vector<16xf32>,
      %slice3A_2019 = vector.extract_strided_slice %and3A_176 {offsets = [8], sizes = [1], strides = [1]} : vector<16xi32> to vector<1xi32>
      %squeeze3A_2020 = vector.extract %slice3A_2019[0] : i32 from vector<1xi32>
      %get3A_2021 = arith.index_cast %rem3A_100 : i32 to index
      %get3A_2022 = arith.index_cast %add3A_1995 : i32 to index
      %get3A_2023 = arith.index_cast %squeeze3A_2020 : i32 to index
      %get3A_2024 = arith.constant 32 : index
      %get3A_2025 = tpu.vector_load %arg12[%get3A_2021, %get3A_2022, %get3A_2023, %get3A_2024] {strides = array<i32>} : memref<3x16x8x64xf32, #tpu.memory_space<vmem>>, vector<16xf32>,
      %get3A_2026 = arith.index_cast %rem3A_100 : i32 to index
      %get3A_2027 = arith.index_cast %add3A_1995 : i32 to index
      %get3A_2028 = arith.constant 0 : index
      %get3A_2029 = tpu.vector_load %arg13[%get3A_2026, %get3A_2027, %get3A_2028] {strides = array<i32>} : memref<3x16x128xf32, #tpu.memory_space<vmem>>, vector<16xf32>,
      %get3A_2030 = arith.index_cast %rem3A_100 : i32 to index
      %get3A_2031 = arith.index_cast %add3A_1995 : i32 to index
      %get3A_2032 = arith.constant 32 : index
      %get3A_2033 = tpu.vector_load %arg13[%get3A_2030, %get3A_2031, %get3A_2032] {strides = array<i32>} : memref<3x16x128xf32, #tpu.memory_space<vmem>>, vector<16xf32>,
      %mul3A_2034 = arith.mulf %get3A_2004, %get3A_2029 : vector<16xf32>
      %mul3A_2035 = arith.mulf %get3A_2011, %get3A_2033 : vector<16xf32>
      %sub3A_2036 = arith.subf %mul3A_2034, %mul3A_2035 : vector<16xf32>
      %sub3A_2037 = arith.subf %sub3A_2036, %get3A_2018 : vector<16xf32>
      %mul3A_2038 = arith.mulf %get3A_2004, %get3A_2033 : vector<16xf32>
      %mul3A_2039 = arith.mulf %get3A_2011, %get3A_2029 : vector<16xf32>
      %add3A_2040 = arith.addf %mul3A_2038, %mul3A_2039 : vector<16xf32>
      %sub3A_2041 = arith.subf %add3A_2040, %get3A_2025 : vector<16xf32>
      %mul3A_2042 = arith.mulf %sub3A_2037, %sub3A_2037 : vector<16xf32>
      %mul3A_2043 = arith.mulf %sub3A_2041, %sub3A_2041 : vector<16xf32>
      %add3A_2044 = arith.addf %mul3A_2042, %mul3A_2043 : vector<16xf32>
      %add3A_2045 = arith.constant 9.99999996E-13 : f32
      %add3A_2046 = vector.broadcast %add3A_2045 : f32 to vector<16xf32>
      %add3A_2047 = arith.addf %add3A_2044, %add3A_2046 : vector<16xf32>
      %bitcast_convert_type3A_2048 = tpu.bitcast %add3A_2047 : vector<16xf32> -> vector<16xi32>
      %shift_right_logical3A_2049 = arith.constant 1 : i32
      %shift_right_logical3A_2050 = vector.broadcast %shift_right_logical3A_2049 : i32 to vector<16xi32>
      %shift_right_logical3A_2051 = arith.shrui %bitcast_convert_type3A_2048, %shift_right_logical3A_2050 : vector<16xi32>
      %sub3A_2052 = arith.constant 1597463007 : i32
      %sub3A_2053 = vector.broadcast %sub3A_2052 : i32 to vector<16xi32>
      %sub3A_2054 = arith.subi %sub3A_2053, %shift_right_logical3A_2051 : vector<16xi32>
      %bitcast_convert_type3A_2055 = tpu.bitcast %sub3A_2054 : vector<16xi32> -> vector<16xf32>
      %mul3A_2056 = arith.constant 5.000000e-01 : f32
      %mul3A_2057 = vector.broadcast %mul3A_2056 : f32 to vector<16xf32>
      %mul3A_2058 = arith.mulf %mul3A_2057, %add3A_2047 : vector<16xf32>
      %mul3A_2059 = arith.mulf %mul3A_2058, %bitcast_convert_type3A_2055 : vector<16xf32>
      %mul3A_2060 = arith.mulf %mul3A_2059, %bitcast_convert_type3A_2055 : vector<16xf32>
      %sub3A_2061 = arith.constant 1.500000e+00 : f32
      %sub3A_2062 = vector.broadcast %sub3A_2061 : f32 to vector<16xf32>
      %sub3A_2063 = arith.subf %sub3A_2062, %mul3A_2060 : vector<16xf32>
      %mul3A_2064 = arith.mulf %bitcast_convert_type3A_2055, %sub3A_2063 : vector<16xf32>
      %mul3A_2065 = arith.constant 5.000000e-01 : f32
      %mul3A_2066 = vector.broadcast %mul3A_2065 : f32 to vector<16xf32>
      %mul3A_2067 = arith.mulf %mul3A_2066, %add3A_2047 : vector<16xf32>
      %mul3A_2068 = arith.mulf %mul3A_2067, %mul3A_2064 : vector<16xf32>
      %mul3A_2069 = arith.mulf %mul3A_2068, %mul3A_2064 : vector<16xf32>
      %sub3A_2070 = arith.constant 1.500000e+00 : f32
      %sub3A_2071 = vector.broadcast %sub3A_2070 : f32 to vector<16xf32>
      %sub3A_2072 = arith.subf %sub3A_2071, %mul3A_2069 : vector<16xf32>
      %mul3A_2073 = arith.mulf %mul3A_2064, %sub3A_2072 : vector<16xf32>
      %mul3A_2074 = arith.constant 5.000000e-01 : f32
      %mul3A_2075 = vector.broadcast %mul3A_2074 : f32 to vector<16xf32>
      %mul3A_2076 = arith.mulf %mul3A_2075, %add3A_2047 : vector<16xf32>
      %mul3A_2077 = arith.mulf %mul3A_2076, %mul3A_2073 : vector<16xf32>
      %mul3A_2078 = arith.mulf %mul3A_2077, %mul3A_2073 : vector<16xf32>
      %sub3A_2079 = arith.constant 1.500000e+00 : f32
      %sub3A_2080 = vector.broadcast %sub3A_2079 : f32 to vector<16xf32>
      %sub3A_2081 = arith.subf %sub3A_2080, %mul3A_2078 : vector<16xf32>
      %mul3A_2082 = arith.mulf %mul3A_2073, %sub3A_2081 : vector<16xf32>
      %mul3A_2083 = arith.mulf %add3A_2047, %mul3A_2082 : vector<16xf32>
      %add3A_2084 = arith.addf %broadcast_in_dim3A_1997, %mul3A_2083 : vector<16xf32>
      %slice3A_2085 = vector.extract_strided_slice %and3A_166 {offsets = [8], sizes = [1], strides = [1]} : vector<16xi32> to vector<1xi32>
      %squeeze3A_2086 = vector.extract %slice3A_2085[0] : i32 from vector<1xi32>
      %get3A_2087 = arith.index_cast %rem3A_100 : i32 to index
      %get3A_2088 = arith.index_cast %add3A_1995 : i32 to index
      %get3A_2089 = arith.index_cast %squeeze3A_2086 : i32 to index
      %get3A_2090 = arith.constant 16 : index
      %get3A_2091 = tpu.vector_load %arg11[%get3A_2087, %get3A_2088, %get3A_2089, %get3A_2090] {strides = array<i32>} : memref<3x16x8x64xf32, #tpu.memory_space<vmem>>, vector<16xf32>,
      %slice3A_2092 = vector.extract_strided_slice %and3A_166 {offsets = [8], sizes = [1], strides = [1]} : vector<16xi32> to vector<1xi32>
      %squeeze3A_2093 = vector.extract %slice3A_2092[0] : i32 from vector<1xi32>
      %get3A_2094 = arith.index_cast %rem3A_100 : i32 to index
      %get3A_2095 = arith.index_cast %add3A_1995 : i32 to index
      %get3A_2096 = arith.index_cast %squeeze3A_2093 : i32 to index
      %get3A_2097 = arith.constant 48 : index
      %get3A_2098 = tpu.vector_load %arg11[%get3A_2094, %get3A_2095, %get3A_2096, %get3A_2097] {strides = array<i32>} : memref<3x16x8x64xf32, #tpu.memory_space<vmem>>, vector<16xf32>,
      %slice3A_2099 = vector.extract_strided_slice %and3A_176 {offsets = [8], sizes = [1], strides = [1]} : vector<16xi32> to vector<1xi32>
      %squeeze3A_2100 = vector.extract %slice3A_2099[0] : i32 from vector<1xi32>
      %get3A_2101 = arith.index_cast %rem3A_100 : i32 to index
      %get3A_2102 = arith.index_cast %add3A_1995 : i32 to index
      %get3A_2103 = arith.index_cast %squeeze3A_2100 : i32 to index
      %get3A_2104 = arith.constant 16 : index
      %get3A_2105 = tpu.vector_load %arg12[%get3A_2101, %get3A_2102, %get3A_2103, %get3A_2104] {strides = array<i32>} : memref<3x16x8x64xf32, #tpu.memory_space<vmem>>, vector<16xf32>,
      %slice3A_2106 = vector.extract_strided_slice %and3A_176 {offsets = [8], sizes = [1], strides = [1]} : vector<16xi32> to vector<1xi32>
      %squeeze3A_2107 = vector.extract %slice3A_2106[0] : i32 from vector<1xi32>
      %get3A_2108 = arith.index_cast %rem3A_100 : i32 to index
      %get3A_2109 = arith.index_cast %add3A_1995 : i32 to index
      %get3A_2110 = arith.index_cast %squeeze3A_2107 : i32 to index
      %get3A_2111 = arith.constant 48 : index
      %get3A_2112 = tpu.vector_load %arg12[%get3A_2108, %get3A_2109, %get3A_2110, %get3A_2111] {strides = array<i32>} : memref<3x16x8x64xf32, #tpu.memory_space<vmem>>, vector<16xf32>,
      %get3A_2113 = arith.index_cast %rem3A_100 : i32 to index
      %get3A_2114 = arith.index_cast %add3A_1995 : i32 to index
      %get3A_2115 = arith.constant 16 : index
      %get3A_2116 = tpu.vector_load %arg13[%get3A_2113, %get3A_2114, %get3A_2115] {strides = array<i32>} : memref<3x16x128xf32, #tpu.memory_space<vmem>>, vector<16xf32>,
      %get3A_2117 = arith.index_cast %rem3A_100 : i32 to index
      %get3A_2118 = arith.index_cast %add3A_1995 : i32 to index
      %get3A_2119 = arith.constant 48 : index
      %get3A_2120 = tpu.vector_load %arg13[%get3A_2117, %get3A_2118, %get3A_2119] {strides = array<i32>} : memref<3x16x128xf32, #tpu.memory_space<vmem>>, vector<16xf32>,
      %mul3A_2121 = arith.mulf %get3A_2091, %get3A_2116 : vector<16xf32>
      %mul3A_2122 = arith.mulf %get3A_2098, %get3A_2120 : vector<16xf32>
      %sub3A_2123 = arith.subf %mul3A_2121, %mul3A_2122 : vector<16xf32>
      %sub3A_2124 = arith.subf %sub3A_2123, %get3A_2105 : vector<16xf32>
      %mul3A_2125 = arith.mulf %get3A_2091, %get3A_2120 : vector<16xf32>
      %mul3A_2126 = arith.mulf %get3A_2098, %get3A_2116 : vector<16xf32>
      %add3A_2127 = arith.addf %mul3A_2125, %mul3A_2126 : vector<16xf32>
      %sub3A_2128 = arith.subf %add3A_2127, %get3A_2112 : vector<16xf32>
      %mul3A_2129 = arith.mulf %sub3A_2124, %sub3A_2124 : vector<16xf32>
      %mul3A_2130 = arith.mulf %sub3A_2128, %sub3A_2128 : vector<16xf32>
      %add3A_2131 = arith.addf %mul3A_2129, %mul3A_2130 : vector<16xf32>
      %add3A_2132 = arith.constant 9.99999996E-13 : f32
      %add3A_2133 = vector.broadcast %add3A_2132 : f32 to vector<16xf32>
      %add3A_2134 = arith.addf %add3A_2131, %add3A_2133 : vector<16xf32>
      %bitcast_convert_type3A_2135 = tpu.bitcast %add3A_2134 : vector<16xf32> -> vector<16xi32>
      %shift_right_logical3A_2136 = arith.constant 1 : i32
      %shift_right_logical3A_2137 = vector.broadcast %shift_right_logical3A_2136 : i32 to vector<16xi32>
      %shift_right_logical3A_2138 = arith.shrui %bitcast_convert_type3A_2135, %shift_right_logical3A_2137 : vector<16xi32>
      %sub3A_2139 = arith.constant 1597463007 : i32
      %sub3A_2140 = vector.broadcast %sub3A_2139 : i32 to vector<16xi32>
      %sub3A_2141 = arith.subi %sub3A_2140, %shift_right_logical3A_2138 : vector<16xi32>
      %bitcast_convert_type3A_2142 = tpu.bitcast %sub3A_2141 : vector<16xi32> -> vector<16xf32>
      %mul3A_2143 = arith.constant 5.000000e-01 : f32
      %mul3A_2144 = vector.broadcast %mul3A_2143 : f32 to vector<16xf32>
      %mul3A_2145 = arith.mulf %mul3A_2144, %add3A_2134 : vector<16xf32>
      %mul3A_2146 = arith.mulf %mul3A_2145, %bitcast_convert_type3A_2142 : vector<16xf32>
      %mul3A_2147 = arith.mulf %mul3A_2146, %bitcast_convert_type3A_2142 : vector<16xf32>
      %sub3A_2148 = arith.constant 1.500000e+00 : f32
      %sub3A_2149 = vector.broadcast %sub3A_2148 : f32 to vector<16xf32>
      %sub3A_2150 = arith.subf %sub3A_2149, %mul3A_2147 : vector<16xf32>
      %mul3A_2151 = arith.mulf %bitcast_convert_type3A_2142, %sub3A_2150 : vector<16xf32>
      %mul3A_2152 = arith.constant 5.000000e-01 : f32
      %mul3A_2153 = vector.broadcast %mul3A_2152 : f32 to vector<16xf32>
      %mul3A_2154 = arith.mulf %mul3A_2153, %add3A_2134 : vector<16xf32>
      %mul3A_2155 = arith.mulf %mul3A_2154, %mul3A_2151 : vector<16xf32>
      %mul3A_2156 = arith.mulf %mul3A_2155, %mul3A_2151 : vector<16xf32>
      %sub3A_2157 = arith.constant 1.500000e+00 : f32
      %sub3A_2158 = vector.broadcast %sub3A_2157 : f32 to vector<16xf32>
      %sub3A_2159 = arith.subf %sub3A_2158, %mul3A_2156 : vector<16xf32>
      %mul3A_2160 = arith.mulf %mul3A_2151, %sub3A_2159 : vector<16xf32>
      %mul3A_2161 = arith.constant 5.000000e-01 : f32
      %mul3A_2162 = vector.broadcast %mul3A_2161 : f32 to vector<16xf32>
      %mul3A_2163 = arith.mulf %mul3A_2162, %add3A_2134 : vector<16xf32>
      %mul3A_2164 = arith.mulf %mul3A_2163, %mul3A_2160 : vector<16xf32>
      %mul3A_2165 = arith.mulf %mul3A_2164, %mul3A_2160 : vector<16xf32>
      %sub3A_2166 = arith.constant 1.500000e+00 : f32
      %sub3A_2167 = vector.broadcast %sub3A_2166 : f32 to vector<16xf32>
      %sub3A_2168 = arith.subf %sub3A_2167, %mul3A_2165 : vector<16xf32>
      %mul3A_2169 = arith.mulf %mul3A_2160, %sub3A_2168 : vector<16xf32>
      %mul3A_2170 = arith.mulf %add3A_2134, %mul3A_2169 : vector<16xf32>
      %add3A_2171 = arith.addf %add3A_2084, %mul3A_2170 : vector<16xf32>
      %lt3A_2172 = arith.constant 0 : i32
      %lt3A_2173 = vector.broadcast %lt3A_2172 : i32 to vector<16xi32>
      %lt3A_2174 = arith.cmpi slt, %and3A_72, %lt3A_2173 : vector<16xi32>
      %add3A_2175 = arith.constant 16 : i32
      %add3A_2176 = vector.broadcast %add3A_2175 : i32 to vector<16xi32>
      %add3A_2177 = arith.addi %and3A_72, %add3A_2176 : vector<16xi32>
      %select_n3A_2178 = arith.select %lt3A_2174, %add3A_2177, %and3A_72 : vector<16xi1>, vector<16xi32>
      %reshape3A_2179 = vector.shape_cast %select_n3A_2178 : vector<16xi32> to vector<16x1xi32>
      %gather3A_2180 = vector.shape_cast %reshape3A_2179 : vector<16x1xi32> to vector<16xi32>
      %gather3A_2181 = tpu.dynamic_gather %add3A_2171[%gather3A_2180] in [0] : vector<16xf32>, vector<16xi32> -> vector<16xf32>
      %add3A_2182 = arith.addf %add3A_2171, %gather3A_2181 : vector<16xf32>
      %lt3A_2183 = arith.constant 0 : i32
      %lt3A_2184 = vector.broadcast %lt3A_2183 : i32 to vector<16xi32>
      %lt3A_2185 = arith.cmpi slt, %and3A_78, %lt3A_2184 : vector<16xi32>
      %add3A_2186 = arith.constant 16 : i32
      %add3A_2187 = vector.broadcast %add3A_2186 : i32 to vector<16xi32>
      %add3A_2188 = arith.addi %and3A_78, %add3A_2187 : vector<16xi32>
      %select_n3A_2189 = arith.select %lt3A_2185, %add3A_2188, %and3A_78 : vector<16xi1>, vector<16xi32>
      %reshape3A_2190 = vector.shape_cast %select_n3A_2189 : vector<16xi32> to vector<16x1xi32>
      %gather3A_2191 = vector.shape_cast %reshape3A_2190 : vector<16x1xi32> to vector<16xi32>
      %gather3A_2192 = tpu.dynamic_gather %add3A_2182[%gather3A_2191] in [0] : vector<16xf32>, vector<16xi32> -> vector<16xf32>
      %add3A_2193 = arith.addf %add3A_2182, %gather3A_2192 : vector<16xf32>
      %lt3A_2194 = arith.constant 0 : i32
      %lt3A_2195 = vector.broadcast %lt3A_2194 : i32 to vector<16xi32>
      %lt3A_2196 = arith.cmpi slt, %and3A_84, %lt3A_2195 : vector<16xi32>
      %add3A_2197 = arith.constant 16 : i32
      %add3A_2198 = vector.broadcast %add3A_2197 : i32 to vector<16xi32>
      %add3A_2199 = arith.addi %and3A_84, %add3A_2198 : vector<16xi32>
      %select_n3A_2200 = arith.select %lt3A_2196, %add3A_2199, %and3A_84 : vector<16xi1>, vector<16xi32>
      %reshape3A_2201 = vector.shape_cast %select_n3A_2200 : vector<16xi32> to vector<16x1xi32>
      %gather3A_2202 = vector.shape_cast %reshape3A_2201 : vector<16x1xi32> to vector<16xi32>
      %gather3A_2203 = tpu.dynamic_gather %add3A_2193[%gather3A_2202] in [0] : vector<16xf32>, vector<16xi32> -> vector<16xf32>
      %add3A_2204 = arith.addf %add3A_2193, %gather3A_2203 : vector<16xf32>
      %lt3A_2205 = arith.constant 0 : i32
      %lt3A_2206 = vector.broadcast %lt3A_2205 : i32 to vector<16xi32>
      %lt3A_2207 = arith.cmpi slt, %and3A_90, %lt3A_2206 : vector<16xi32>
      %add3A_2208 = arith.constant 16 : i32
      %add3A_2209 = vector.broadcast %add3A_2208 : i32 to vector<16xi32>
      %add3A_2210 = arith.addi %and3A_90, %add3A_2209 : vector<16xi32>
      %select_n3A_2211 = arith.select %lt3A_2207, %add3A_2210, %and3A_90 : vector<16xi1>, vector<16xi32>
      %reshape3A_2212 = vector.shape_cast %select_n3A_2211 : vector<16xi32> to vector<16x1xi32>
      %gather3A_2213 = vector.shape_cast %reshape3A_2212 : vector<16x1xi32> to vector<16xi32>
      %gather3A_2214 = tpu.dynamic_gather %add3A_2204[%gather3A_2213] in [0] : vector<16xf32>, vector<16xi32> -> vector<16xf32>
      %add3A_2215 = arith.addf %add3A_2204, %gather3A_2214 : vector<16xf32>
      %eq3A_2216 = arith.constant 8 : i32
      %eq3A_2217 = vector.broadcast %eq3A_2216 : i32 to vector<16xi32>
      %eq3A_2218 = arith.cmpi eq, %iota3A, %eq3A_2217 : vector<16xi32>
      %select_n3A_2219 = arith.select %eq3A_2218, %add3A_2215, %select_n3A_1991 : vector<16xi1>, vector<16xf32>
      %mul3A_2220 = arith.constant 16 : i32
      %mul3A_2221 = arith.muli %scan3A_157, %mul3A_2220 : i32
      %add3A_2222 = arith.constant 9 : i32
      %add3A_2223 = arith.addi %mul3A_2221, %add3A_2222 : i32
      %broadcast_in_dim3A_2224 = arith.constant 0.000000e+00 : f32
      %broadcast_in_dim3A_2225 = vector.broadcast %broadcast_in_dim3A_2224 : f32 to vector<16xf32>
      %slice3A_2226 = vector.extract_strided_slice %and3A_166 {offsets = [9], sizes = [1], strides = [1]} : vector<16xi32> to vector<1xi32>
      %squeeze3A_2227 = vector.extract %slice3A_2226[0] : i32 from vector<1xi32>
      %get3A_2228 = arith.index_cast %rem3A_100 : i32 to index
      %get3A_2229 = arith.index_cast %add3A_2223 : i32 to index
      %get3A_2230 = arith.index_cast %squeeze3A_2227 : i32 to index
      %get3A_2231 = arith.constant 0 : index
      %get3A_2232 = tpu.vector_load %arg11[%get3A_2228, %get3A_2229, %get3A_2230, %get3A_2231] {strides = array<i32>} : memref<3x16x8x64xf32, #tpu.memory_space<vmem>>, vector<16xf32>,
      %slice3A_2233 = vector.extract_strided_slice %and3A_166 {offsets = [9], sizes = [1], strides = [1]} : vector<16xi32> to vector<1xi32>
      %squeeze3A_2234 = vector.extract %slice3A_2233[0] : i32 from vector<1xi32>
      %get3A_2235 = arith.index_cast %rem3A_100 : i32 to index
      %get3A_2236 = arith.index_cast %add3A_2223 : i32 to index
      %get3A_2237 = arith.index_cast %squeeze3A_2234 : i32 to index
      %get3A_2238 = arith.constant 32 : index
      %get3A_2239 = tpu.vector_load %arg11[%get3A_2235, %get3A_2236, %get3A_2237, %get3A_2238] {strides = array<i32>} : memref<3x16x8x64xf32, #tpu.memory_space<vmem>>, vector<16xf32>,
      %slice3A_2240 = vector.extract_strided_slice %and3A_176 {offsets = [9], sizes = [1], strides = [1]} : vector<16xi32> to vector<1xi32>
      %squeeze3A_2241 = vector.extract %slice3A_2240[0] : i32 from vector<1xi32>
      %get3A_2242 = arith.index_cast %rem3A_100 : i32 to index
      %get3A_2243 = arith.index_cast %add3A_2223 : i32 to index
      %get3A_2244 = arith.index_cast %squeeze3A_2241 : i32 to index
      %get3A_2245 = arith.constant 0 : index
      %get3A_2246 = tpu.vector_load %arg12[%get3A_2242, %get3A_2243, %get3A_2244, %get3A_2245] {strides = array<i32>} : memref<3x16x8x64xf32, #tpu.memory_space<vmem>>, vector<16xf32>,
      %slice3A_2247 = vector.extract_strided_slice %and3A_176 {offsets = [9], sizes = [1], strides = [1]} : vector<16xi32> to vector<1xi32>
      %squeeze3A_2248 = vector.extract %slice3A_2247[0] : i32 from vector<1xi32>
      %get3A_2249 = arith.index_cast %rem3A_100 : i32 to index
      %get3A_2250 = arith.index_cast %add3A_2223 : i32 to index
      %get3A_2251 = arith.index_cast %squeeze3A_2248 : i32 to index
      %get3A_2252 = arith.constant 32 : index
      %get3A_2253 = tpu.vector_load %arg12[%get3A_2249, %get3A_2250, %get3A_2251, %get3A_2252] {strides = array<i32>} : memref<3x16x8x64xf32, #tpu.memory_space<vmem>>, vector<16xf32>,
      %get3A_2254 = arith.index_cast %rem3A_100 : i32 to index
      %get3A_2255 = arith.index_cast %add3A_2223 : i32 to index
      %get3A_2256 = arith.constant 0 : index
      %get3A_2257 = tpu.vector_load %arg13[%get3A_2254, %get3A_2255, %get3A_2256] {strides = array<i32>} : memref<3x16x128xf32, #tpu.memory_space<vmem>>, vector<16xf32>,
      %get3A_2258 = arith.index_cast %rem3A_100 : i32 to index
      %get3A_2259 = arith.index_cast %add3A_2223 : i32 to index
      %get3A_2260 = arith.constant 32 : index
      %get3A_2261 = tpu.vector_load %arg13[%get3A_2258, %get3A_2259, %get3A_2260] {strides = array<i32>} : memref<3x16x128xf32, #tpu.memory_space<vmem>>, vector<16xf32>,
      %mul3A_2262 = arith.mulf %get3A_2232, %get3A_2257 : vector<16xf32>
      %mul3A_2263 = arith.mulf %get3A_2239, %get3A_2261 : vector<16xf32>
      %sub3A_2264 = arith.subf %mul3A_2262, %mul3A_2263 : vector<16xf32>
      %sub3A_2265 = arith.subf %sub3A_2264, %get3A_2246 : vector<16xf32>
      %mul3A_2266 = arith.mulf %get3A_2232, %get3A_2261 : vector<16xf32>
      %mul3A_2267 = arith.mulf %get3A_2239, %get3A_2257 : vector<16xf32>
      %add3A_2268 = arith.addf %mul3A_2266, %mul3A_2267 : vector<16xf32>
      %sub3A_2269 = arith.subf %add3A_2268, %get3A_2253 : vector<16xf32>
      %mul3A_2270 = arith.mulf %sub3A_2265, %sub3A_2265 : vector<16xf32>
      %mul3A_2271 = arith.mulf %sub3A_2269, %sub3A_2269 : vector<16xf32>
      %add3A_2272 = arith.addf %mul3A_2270, %mul3A_2271 : vector<16xf32>
      %add3A_2273 = arith.constant 9.99999996E-13 : f32
      %add3A_2274 = vector.broadcast %add3A_2273 : f32 to vector<16xf32>
      %add3A_2275 = arith.addf %add3A_2272, %add3A_2274 : vector<16xf32>
      %bitcast_convert_type3A_2276 = tpu.bitcast %add3A_2275 : vector<16xf32> -> vector<16xi32>
      %shift_right_logical3A_2277 = arith.constant 1 : i32
      %shift_right_logical3A_2278 = vector.broadcast %shift_right_logical3A_2277 : i32 to vector<16xi32>
      %shift_right_logical3A_2279 = arith.shrui %bitcast_convert_type3A_2276, %shift_right_logical3A_2278 : vector<16xi32>
      %sub3A_2280 = arith.constant 1597463007 : i32
      %sub3A_2281 = vector.broadcast %sub3A_2280 : i32 to vector<16xi32>
      %sub3A_2282 = arith.subi %sub3A_2281, %shift_right_logical3A_2279 : vector<16xi32>
      %bitcast_convert_type3A_2283 = tpu.bitcast %sub3A_2282 : vector<16xi32> -> vector<16xf32>
      %mul3A_2284 = arith.constant 5.000000e-01 : f32
      %mul3A_2285 = vector.broadcast %mul3A_2284 : f32 to vector<16xf32>
      %mul3A_2286 = arith.mulf %mul3A_2285, %add3A_2275 : vector<16xf32>
      %mul3A_2287 = arith.mulf %mul3A_2286, %bitcast_convert_type3A_2283 : vector<16xf32>
      %mul3A_2288 = arith.mulf %mul3A_2287, %bitcast_convert_type3A_2283 : vector<16xf32>
      %sub3A_2289 = arith.constant 1.500000e+00 : f32
      %sub3A_2290 = vector.broadcast %sub3A_2289 : f32 to vector<16xf32>
      %sub3A_2291 = arith.subf %sub3A_2290, %mul3A_2288 : vector<16xf32>
      %mul3A_2292 = arith.mulf %bitcast_convert_type3A_2283, %sub3A_2291 : vector<16xf32>
      %mul3A_2293 = arith.constant 5.000000e-01 : f32
      %mul3A_2294 = vector.broadcast %mul3A_2293 : f32 to vector<16xf32>
      %mul3A_2295 = arith.mulf %mul3A_2294, %add3A_2275 : vector<16xf32>
      %mul3A_2296 = arith.mulf %mul3A_2295, %mul3A_2292 : vector<16xf32>
      %mul3A_2297 = arith.mulf %mul3A_2296, %mul3A_2292 : vector<16xf32>
      %sub3A_2298 = arith.constant 1.500000e+00 : f32
      %sub3A_2299 = vector.broadcast %sub3A_2298 : f32 to vector<16xf32>
      %sub3A_2300 = arith.subf %sub3A_2299, %mul3A_2297 : vector<16xf32>
      %mul3A_2301 = arith.mulf %mul3A_2292, %sub3A_2300 : vector<16xf32>
      %mul3A_2302 = arith.constant 5.000000e-01 : f32
      %mul3A_2303 = vector.broadcast %mul3A_2302 : f32 to vector<16xf32>
      %mul3A_2304 = arith.mulf %mul3A_2303, %add3A_2275 : vector<16xf32>
      %mul3A_2305 = arith.mulf %mul3A_2304, %mul3A_2301 : vector<16xf32>
      %mul3A_2306 = arith.mulf %mul3A_2305, %mul3A_2301 : vector<16xf32>
      %sub3A_2307 = arith.constant 1.500000e+00 : f32
      %sub3A_2308 = vector.broadcast %sub3A_2307 : f32 to vector<16xf32>
      %sub3A_2309 = arith.subf %sub3A_2308, %mul3A_2306 : vector<16xf32>
      %mul3A_2310 = arith.mulf %mul3A_2301, %sub3A_2309 : vector<16xf32>
      %mul3A_2311 = arith.mulf %add3A_2275, %mul3A_2310 : vector<16xf32>
      %add3A_2312 = arith.addf %broadcast_in_dim3A_2225, %mul3A_2311 : vector<16xf32>
      %slice3A_2313 = vector.extract_strided_slice %and3A_166 {offsets = [9], sizes = [1], strides = [1]} : vector<16xi32> to vector<1xi32>
      %squeeze3A_2314 = vector.extract %slice3A_2313[0] : i32 from vector<1xi32>
      %get3A_2315 = arith.index_cast %rem3A_100 : i32 to index
      %get3A_2316 = arith.index_cast %add3A_2223 : i32 to index
      %get3A_2317 = arith.index_cast %squeeze3A_2314 : i32 to index
      %get3A_2318 = arith.constant 16 : index
      %get3A_2319 = tpu.vector_load %arg11[%get3A_2315, %get3A_2316, %get3A_2317, %get3A_2318] {strides = array<i32>} : memref<3x16x8x64xf32, #tpu.memory_space<vmem>>, vector<16xf32>,
      %slice3A_2320 = vector.extract_strided_slice %and3A_166 {offsets = [9], sizes = [1], strides = [1]} : vector<16xi32> to vector<1xi32>
      %squeeze3A_2321 = vector.extract %slice3A_2320[0] : i32 from vector<1xi32>
      %get3A_2322 = arith.index_cast %rem3A_100 : i32 to index
      %get3A_2323 = arith.index_cast %add3A_2223 : i32 to index
      %get3A_2324 = arith.index_cast %squeeze3A_2321 : i32 to index
      %get3A_2325 = arith.constant 48 : index
      %get3A_2326 = tpu.vector_load %arg11[%get3A_2322, %get3A_2323, %get3A_2324, %get3A_2325] {strides = array<i32>} : memref<3x16x8x64xf32, #tpu.memory_space<vmem>>, vector<16xf32>,
      %slice3A_2327 = vector.extract_strided_slice %and3A_176 {offsets = [9], sizes = [1], strides = [1]} : vector<16xi32> to vector<1xi32>
      %squeeze3A_2328 = vector.extract %slice3A_2327[0] : i32 from vector<1xi32>
      %get3A_2329 = arith.index_cast %rem3A_100 : i32 to index
      %get3A_2330 = arith.index_cast %add3A_2223 : i32 to index
      %get3A_2331 = arith.index_cast %squeeze3A_2328 : i32 to index
      %get3A_2332 = arith.constant 16 : index
      %get3A_2333 = tpu.vector_load %arg12[%get3A_2329, %get3A_2330, %get3A_2331, %get3A_2332] {strides = array<i32>} : memref<3x16x8x64xf32, #tpu.memory_space<vmem>>, vector<16xf32>,
      %slice3A_2334 = vector.extract_strided_slice %and3A_176 {offsets = [9], sizes = [1], strides = [1]} : vector<16xi32> to vector<1xi32>
      %squeeze3A_2335 = vector.extract %slice3A_2334[0] : i32 from vector<1xi32>
      %get3A_2336 = arith.index_cast %rem3A_100 : i32 to index
      %get3A_2337 = arith.index_cast %add3A_2223 : i32 to index
      %get3A_2338 = arith.index_cast %squeeze3A_2335 : i32 to index
      %get3A_2339 = arith.constant 48 : index
      %get3A_2340 = tpu.vector_load %arg12[%get3A_2336, %get3A_2337, %get3A_2338, %get3A_2339] {strides = array<i32>} : memref<3x16x8x64xf32, #tpu.memory_space<vmem>>, vector<16xf32>,
      %get3A_2341 = arith.index_cast %rem3A_100 : i32 to index
      %get3A_2342 = arith.index_cast %add3A_2223 : i32 to index
      %get3A_2343 = arith.constant 16 : index
      %get3A_2344 = tpu.vector_load %arg13[%get3A_2341, %get3A_2342, %get3A_2343] {strides = array<i32>} : memref<3x16x128xf32, #tpu.memory_space<vmem>>, vector<16xf32>,
      %get3A_2345 = arith.index_cast %rem3A_100 : i32 to index
      %get3A_2346 = arith.index_cast %add3A_2223 : i32 to index
      %get3A_2347 = arith.constant 48 : index
      %get3A_2348 = tpu.vector_load %arg13[%get3A_2345, %get3A_2346, %get3A_2347] {strides = array<i32>} : memref<3x16x128xf32, #tpu.memory_space<vmem>>, vector<16xf32>,
      %mul3A_2349 = arith.mulf %get3A_2319, %get3A_2344 : vector<16xf32>
      %mul3A_2350 = arith.mulf %get3A_2326, %get3A_2348 : vector<16xf32>
      %sub3A_2351 = arith.subf %mul3A_2349, %mul3A_2350 : vector<16xf32>
      %sub3A_2352 = arith.subf %sub3A_2351, %get3A_2333 : vector<16xf32>
      %mul3A_2353 = arith.mulf %get3A_2319, %get3A_2348 : vector<16xf32>
      %mul3A_2354 = arith.mulf %get3A_2326, %get3A_2344 : vector<16xf32>
      %add3A_2355 = arith.addf %mul3A_2353, %mul3A_2354 : vector<16xf32>
      %sub3A_2356 = arith.subf %add3A_2355, %get3A_2340 : vector<16xf32>
      %mul3A_2357 = arith.mulf %sub3A_2352, %sub3A_2352 : vector<16xf32>
      %mul3A_2358 = arith.mulf %sub3A_2356, %sub3A_2356 : vector<16xf32>
      %add3A_2359 = arith.addf %mul3A_2357, %mul3A_2358 : vector<16xf32>
      %add3A_2360 = arith.constant 9.99999996E-13 : f32
      %add3A_2361 = vector.broadcast %add3A_2360 : f32 to vector<16xf32>
      %add3A_2362 = arith.addf %add3A_2359, %add3A_2361 : vector<16xf32>
      %bitcast_convert_type3A_2363 = tpu.bitcast %add3A_2362 : vector<16xf32> -> vector<16xi32>
      %shift_right_logical3A_2364 = arith.constant 1 : i32
      %shift_right_logical3A_2365 = vector.broadcast %shift_right_logical3A_2364 : i32 to vector<16xi32>
      %shift_right_logical3A_2366 = arith.shrui %bitcast_convert_type3A_2363, %shift_right_logical3A_2365 : vector<16xi32>
      %sub3A_2367 = arith.constant 1597463007 : i32
      %sub3A_2368 = vector.broadcast %sub3A_2367 : i32 to vector<16xi32>
      %sub3A_2369 = arith.subi %sub3A_2368, %shift_right_logical3A_2366 : vector<16xi32>
      %bitcast_convert_type3A_2370 = tpu.bitcast %sub3A_2369 : vector<16xi32> -> vector<16xf32>
      %mul3A_2371 = arith.constant 5.000000e-01 : f32
      %mul3A_2372 = vector.broadcast %mul3A_2371 : f32 to vector<16xf32>
      %mul3A_2373 = arith.mulf %mul3A_2372, %add3A_2362 : vector<16xf32>
      %mul3A_2374 = arith.mulf %mul3A_2373, %bitcast_convert_type3A_2370 : vector<16xf32>
      %mul3A_2375 = arith.mulf %mul3A_2374, %bitcast_convert_type3A_2370 : vector<16xf32>
      %sub3A_2376 = arith.constant 1.500000e+00 : f32
      %sub3A_2377 = vector.broadcast %sub3A_2376 : f32 to vector<16xf32>
      %sub3A_2378 = arith.subf %sub3A_2377, %mul3A_2375 : vector<16xf32>
      %mul3A_2379 = arith.mulf %bitcast_convert_type3A_2370, %sub3A_2378 : vector<16xf32>
      %mul3A_2380 = arith.constant 5.000000e-01 : f32
      %mul3A_2381 = vector.broadcast %mul3A_2380 : f32 to vector<16xf32>
      %mul3A_2382 = arith.mulf %mul3A_2381, %add3A_2362 : vector<16xf32>
      %mul3A_2383 = arith.mulf %mul3A_2382, %mul3A_2379 : vector<16xf32>
      %mul3A_2384 = arith.mulf %mul3A_2383, %mul3A_2379 : vector<16xf32>
      %sub3A_2385 = arith.constant 1.500000e+00 : f32
      %sub3A_2386 = vector.broadcast %sub3A_2385 : f32 to vector<16xf32>
      %sub3A_2387 = arith.subf %sub3A_2386, %mul3A_2384 : vector<16xf32>
      %mul3A_2388 = arith.mulf %mul3A_2379, %sub3A_2387 : vector<16xf32>
      %mul3A_2389 = arith.constant 5.000000e-01 : f32
      %mul3A_2390 = vector.broadcast %mul3A_2389 : f32 to vector<16xf32>
      %mul3A_2391 = arith.mulf %mul3A_2390, %add3A_2362 : vector<16xf32>
      %mul3A_2392 = arith.mulf %mul3A_2391, %mul3A_2388 : vector<16xf32>
      %mul3A_2393 = arith.mulf %mul3A_2392, %mul3A_2388 : vector<16xf32>
      %sub3A_2394 = arith.constant 1.500000e+00 : f32
      %sub3A_2395 = vector.broadcast %sub3A_2394 : f32 to vector<16xf32>
      %sub3A_2396 = arith.subf %sub3A_2395, %mul3A_2393 : vector<16xf32>
      %mul3A_2397 = arith.mulf %mul3A_2388, %sub3A_2396 : vector<16xf32>
      %mul3A_2398 = arith.mulf %add3A_2362, %mul3A_2397 : vector<16xf32>
      %add3A_2399 = arith.addf %add3A_2312, %mul3A_2398 : vector<16xf32>
      %lt3A_2400 = arith.constant 0 : i32
      %lt3A_2401 = vector.broadcast %lt3A_2400 : i32 to vector<16xi32>
      %lt3A_2402 = arith.cmpi slt, %and3A_72, %lt3A_2401 : vector<16xi32>
      %add3A_2403 = arith.constant 16 : i32
      %add3A_2404 = vector.broadcast %add3A_2403 : i32 to vector<16xi32>
      %add3A_2405 = arith.addi %and3A_72, %add3A_2404 : vector<16xi32>
      %select_n3A_2406 = arith.select %lt3A_2402, %add3A_2405, %and3A_72 : vector<16xi1>, vector<16xi32>
      %reshape3A_2407 = vector.shape_cast %select_n3A_2406 : vector<16xi32> to vector<16x1xi32>
      %gather3A_2408 = vector.shape_cast %reshape3A_2407 : vector<16x1xi32> to vector<16xi32>
      %gather3A_2409 = tpu.dynamic_gather %add3A_2399[%gather3A_2408] in [0] : vector<16xf32>, vector<16xi32> -> vector<16xf32>
      %add3A_2410 = arith.addf %add3A_2399, %gather3A_2409 : vector<16xf32>
      %lt3A_2411 = arith.constant 0 : i32
      %lt3A_2412 = vector.broadcast %lt3A_2411 : i32 to vector<16xi32>
      %lt3A_2413 = arith.cmpi slt, %and3A_78, %lt3A_2412 : vector<16xi32>
      %add3A_2414 = arith.constant 16 : i32
      %add3A_2415 = vector.broadcast %add3A_2414 : i32 to vector<16xi32>
      %add3A_2416 = arith.addi %and3A_78, %add3A_2415 : vector<16xi32>
      %select_n3A_2417 = arith.select %lt3A_2413, %add3A_2416, %and3A_78 : vector<16xi1>, vector<16xi32>
      %reshape3A_2418 = vector.shape_cast %select_n3A_2417 : vector<16xi32> to vector<16x1xi32>
      %gather3A_2419 = vector.shape_cast %reshape3A_2418 : vector<16x1xi32> to vector<16xi32>
      %gather3A_2420 = tpu.dynamic_gather %add3A_2410[%gather3A_2419] in [0] : vector<16xf32>, vector<16xi32> -> vector<16xf32>
      %add3A_2421 = arith.addf %add3A_2410, %gather3A_2420 : vector<16xf32>
      %lt3A_2422 = arith.constant 0 : i32
      %lt3A_2423 = vector.broadcast %lt3A_2422 : i32 to vector<16xi32>
      %lt3A_2424 = arith.cmpi slt, %and3A_84, %lt3A_2423 : vector<16xi32>
      %add3A_2425 = arith.constant 16 : i32
      %add3A_2426 = vector.broadcast %add3A_2425 : i32 to vector<16xi32>
      %add3A_2427 = arith.addi %and3A_84, %add3A_2426 : vector<16xi32>
      %select_n3A_2428 = arith.select %lt3A_2424, %add3A_2427, %and3A_84 : vector<16xi1>, vector<16xi32>
      %reshape3A_2429 = vector.shape_cast %select_n3A_2428 : vector<16xi32> to vector<16x1xi32>
      %gather3A_2430 = vector.shape_cast %reshape3A_2429 : vector<16x1xi32> to vector<16xi32>
      %gather3A_2431 = tpu.dynamic_gather %add3A_2421[%gather3A_2430] in [0] : vector<16xf32>, vector<16xi32> -> vector<16xf32>
      %add3A_2432 = arith.addf %add3A_2421, %gather3A_2431 : vector<16xf32>
      %lt3A_2433 = arith.constant 0 : i32
      %lt3A_2434 = vector.broadcast %lt3A_2433 : i32 to vector<16xi32>
      %lt3A_2435 = arith.cmpi slt, %and3A_90, %lt3A_2434 : vector<16xi32>
      %add3A_2436 = arith.constant 16 : i32
      %add3A_2437 = vector.broadcast %add3A_2436 : i32 to vector<16xi32>
      %add3A_2438 = arith.addi %and3A_90, %add3A_2437 : vector<16xi32>
      %select_n3A_2439 = arith.select %lt3A_2435, %add3A_2438, %and3A_90 : vector<16xi1>, vector<16xi32>
      %reshape3A_2440 = vector.shape_cast %select_n3A_2439 : vector<16xi32> to vector<16x1xi32>
      %gather3A_2441 = vector.shape_cast %reshape3A_2440 : vector<16x1xi32> to vector<16xi32>
      %gather3A_2442 = tpu.dynamic_gather %add3A_2432[%gather3A_2441] in [0] : vector<16xf32>, vector<16xi32> -> vector<16xf32>
      %add3A_2443 = arith.addf %add3A_2432, %gather3A_2442 : vector<16xf32>
      %eq3A_2444 = arith.constant 9 : i32
      %eq3A_2445 = vector.broadcast %eq3A_2444 : i32 to vector<16xi32>
      %eq3A_2446 = arith.cmpi eq, %iota3A, %eq3A_2445 : vector<16xi32>
      %select_n3A_2447 = arith.select %eq3A_2446, %add3A_2443, %select_n3A_2219 : vector<16xi1>, vector<16xf32>
      %mul3A_2448 = arith.constant 16 : i32
      %mul3A_2449 = arith.muli %scan3A_157, %mul3A_2448 : i32
      %add3A_2450 = arith.constant 10 : i32
      %add3A_2451 = arith.addi %mul3A_2449, %add3A_2450 : i32
      %broadcast_in_dim3A_2452 = arith.constant 0.000000e+00 : f32
      %broadcast_in_dim3A_2453 = vector.broadcast %broadcast_in_dim3A_2452 : f32 to vector<16xf32>
      %slice3A_2454 = vector.extract_strided_slice %and3A_166 {offsets = [10], sizes = [1], strides = [1]} : vector<16xi32> to vector<1xi32>
      %squeeze3A_2455 = vector.extract %slice3A_2454[0] : i32 from vector<1xi32>
      %get3A_2456 = arith.index_cast %rem3A_100 : i32 to index
      %get3A_2457 = arith.index_cast %add3A_2451 : i32 to index
      %get3A_2458 = arith.index_cast %squeeze3A_2455 : i32 to index
      %get3A_2459 = arith.constant 0 : index
      %get3A_2460 = tpu.vector_load %arg11[%get3A_2456, %get3A_2457, %get3A_2458, %get3A_2459] {strides = array<i32>} : memref<3x16x8x64xf32, #tpu.memory_space<vmem>>, vector<16xf32>,
      %slice3A_2461 = vector.extract_strided_slice %and3A_166 {offsets = [10], sizes = [1], strides = [1]} : vector<16xi32> to vector<1xi32>
      %squeeze3A_2462 = vector.extract %slice3A_2461[0] : i32 from vector<1xi32>
      %get3A_2463 = arith.index_cast %rem3A_100 : i32 to index
      %get3A_2464 = arith.index_cast %add3A_2451 : i32 to index
      %get3A_2465 = arith.index_cast %squeeze3A_2462 : i32 to index
      %get3A_2466 = arith.constant 32 : index
      %get3A_2467 = tpu.vector_load %arg11[%get3A_2463, %get3A_2464, %get3A_2465, %get3A_2466] {strides = array<i32>} : memref<3x16x8x64xf32, #tpu.memory_space<vmem>>, vector<16xf32>,
      %slice3A_2468 = vector.extract_strided_slice %and3A_176 {offsets = [10], sizes = [1], strides = [1]} : vector<16xi32> to vector<1xi32>
      %squeeze3A_2469 = vector.extract %slice3A_2468[0] : i32 from vector<1xi32>
      %get3A_2470 = arith.index_cast %rem3A_100 : i32 to index
      %get3A_2471 = arith.index_cast %add3A_2451 : i32 to index
      %get3A_2472 = arith.index_cast %squeeze3A_2469 : i32 to index
      %get3A_2473 = arith.constant 0 : index
      %get3A_2474 = tpu.vector_load %arg12[%get3A_2470, %get3A_2471, %get3A_2472, %get3A_2473] {strides = array<i32>} : memref<3x16x8x64xf32, #tpu.memory_space<vmem>>, vector<16xf32>,
      %slice3A_2475 = vector.extract_strided_slice %and3A_176 {offsets = [10], sizes = [1], strides = [1]} : vector<16xi32> to vector<1xi32>
      %squeeze3A_2476 = vector.extract %slice3A_2475[0] : i32 from vector<1xi32>
      %get3A_2477 = arith.index_cast %rem3A_100 : i32 to index
      %get3A_2478 = arith.index_cast %add3A_2451 : i32 to index
      %get3A_2479 = arith.index_cast %squeeze3A_2476 : i32 to index
      %get3A_2480 = arith.constant 32 : index
      %get3A_2481 = tpu.vector_load %arg12[%get3A_2477, %get3A_2478, %get3A_2479, %get3A_2480] {strides = array<i32>} : memref<3x16x8x64xf32, #tpu.memory_space<vmem>>, vector<16xf32>,
      %get3A_2482 = arith.index_cast %rem3A_100 : i32 to index
      %get3A_2483 = arith.index_cast %add3A_2451 : i32 to index
      %get3A_2484 = arith.constant 0 : index
      %get3A_2485 = tpu.vector_load %arg13[%get3A_2482, %get3A_2483, %get3A_2484] {strides = array<i32>} : memref<3x16x128xf32, #tpu.memory_space<vmem>>, vector<16xf32>,
      %get3A_2486 = arith.index_cast %rem3A_100 : i32 to index
      %get3A_2487 = arith.index_cast %add3A_2451 : i32 to index
      %get3A_2488 = arith.constant 32 : index
      %get3A_2489 = tpu.vector_load %arg13[%get3A_2486, %get3A_2487, %get3A_2488] {strides = array<i32>} : memref<3x16x128xf32, #tpu.memory_space<vmem>>, vector<16xf32>,
      %mul3A_2490 = arith.mulf %get3A_2460, %get3A_2485 : vector<16xf32>
      %mul3A_2491 = arith.mulf %get3A_2467, %get3A_2489 : vector<16xf32>
      %sub3A_2492 = arith.subf %mul3A_2490, %mul3A_2491 : vector<16xf32>
      %sub3A_2493 = arith.subf %sub3A_2492, %get3A_2474 : vector<16xf32>
      %mul3A_2494 = arith.mulf %get3A_2460, %get3A_2489 : vector<16xf32>
      %mul3A_2495 = arith.mulf %get3A_2467, %get3A_2485 : vector<16xf32>
      %add3A_2496 = arith.addf %mul3A_2494, %mul3A_2495 : vector<16xf32>
      %sub3A_2497 = arith.subf %add3A_2496, %get3A_2481 : vector<16xf32>
      %mul3A_2498 = arith.mulf %sub3A_2493, %sub3A_2493 : vector<16xf32>
      %mul3A_2499 = arith.mulf %sub3A_2497, %sub3A_2497 : vector<16xf32>
      %add3A_2500 = arith.addf %mul3A_2498, %mul3A_2499 : vector<16xf32>
      %add3A_2501 = arith.constant 9.99999996E-13 : f32
      %add3A_2502 = vector.broadcast %add3A_2501 : f32 to vector<16xf32>
      %add3A_2503 = arith.addf %add3A_2500, %add3A_2502 : vector<16xf32>
      %bitcast_convert_type3A_2504 = tpu.bitcast %add3A_2503 : vector<16xf32> -> vector<16xi32>
      %shift_right_logical3A_2505 = arith.constant 1 : i32
      %shift_right_logical3A_2506 = vector.broadcast %shift_right_logical3A_2505 : i32 to vector<16xi32>
      %shift_right_logical3A_2507 = arith.shrui %bitcast_convert_type3A_2504, %shift_right_logical3A_2506 : vector<16xi32>
      %sub3A_2508 = arith.constant 1597463007 : i32
      %sub3A_2509 = vector.broadcast %sub3A_2508 : i32 to vector<16xi32>
      %sub3A_2510 = arith.subi %sub3A_2509, %shift_right_logical3A_2507 : vector<16xi32>
      %bitcast_convert_type3A_2511 = tpu.bitcast %sub3A_2510 : vector<16xi32> -> vector<16xf32>
      %mul3A_2512 = arith.constant 5.000000e-01 : f32
      %mul3A_2513 = vector.broadcast %mul3A_2512 : f32 to vector<16xf32>
      %mul3A_2514 = arith.mulf %mul3A_2513, %add3A_2503 : vector<16xf32>
      %mul3A_2515 = arith.mulf %mul3A_2514, %bitcast_convert_type3A_2511 : vector<16xf32>
      %mul3A_2516 = arith.mulf %mul3A_2515, %bitcast_convert_type3A_2511 : vector<16xf32>
      %sub3A_2517 = arith.constant 1.500000e+00 : f32
      %sub3A_2518 = vector.broadcast %sub3A_2517 : f32 to vector<16xf32>
      %sub3A_2519 = arith.subf %sub3A_2518, %mul3A_2516 : vector<16xf32>
      %mul3A_2520 = arith.mulf %bitcast_convert_type3A_2511, %sub3A_2519 : vector<16xf32>
      %mul3A_2521 = arith.constant 5.000000e-01 : f32
      %mul3A_2522 = vector.broadcast %mul3A_2521 : f32 to vector<16xf32>
      %mul3A_2523 = arith.mulf %mul3A_2522, %add3A_2503 : vector<16xf32>
      %mul3A_2524 = arith.mulf %mul3A_2523, %mul3A_2520 : vector<16xf32>
      %mul3A_2525 = arith.mulf %mul3A_2524, %mul3A_2520 : vector<16xf32>
      %sub3A_2526 = arith.constant 1.500000e+00 : f32
      %sub3A_2527 = vector.broadcast %sub3A_2526 : f32 to vector<16xf32>
      %sub3A_2528 = arith.subf %sub3A_2527, %mul3A_2525 : vector<16xf32>
      %mul3A_2529 = arith.mulf %mul3A_2520, %sub3A_2528 : vector<16xf32>
      %mul3A_2530 = arith.constant 5.000000e-01 : f32
      %mul3A_2531 = vector.broadcast %mul3A_2530 : f32 to vector<16xf32>
      %mul3A_2532 = arith.mulf %mul3A_2531, %add3A_2503 : vector<16xf32>
      %mul3A_2533 = arith.mulf %mul3A_2532, %mul3A_2529 : vector<16xf32>
      %mul3A_2534 = arith.mulf %mul3A_2533, %mul3A_2529 : vector<16xf32>
      %sub3A_2535 = arith.constant 1.500000e+00 : f32
      %sub3A_2536 = vector.broadcast %sub3A_2535 : f32 to vector<16xf32>
      %sub3A_2537 = arith.subf %sub3A_2536, %mul3A_2534 : vector<16xf32>
      %mul3A_2538 = arith.mulf %mul3A_2529, %sub3A_2537 : vector<16xf32>
      %mul3A_2539 = arith.mulf %add3A_2503, %mul3A_2538 : vector<16xf32>
      %add3A_2540 = arith.addf %broadcast_in_dim3A_2453, %mul3A_2539 : vector<16xf32>
      %slice3A_2541 = vector.extract_strided_slice %and3A_166 {offsets = [10], sizes = [1], strides = [1]} : vector<16xi32> to vector<1xi32>
      %squeeze3A_2542 = vector.extract %slice3A_2541[0] : i32 from vector<1xi32>
      %get3A_2543 = arith.index_cast %rem3A_100 : i32 to index
      %get3A_2544 = arith.index_cast %add3A_2451 : i32 to index
      %get3A_2545 = arith.index_cast %squeeze3A_2542 : i32 to index
      %get3A_2546 = arith.constant 16 : index
      %get3A_2547 = tpu.vector_load %arg11[%get3A_2543, %get3A_2544, %get3A_2545, %get3A_2546] {strides = array<i32>} : memref<3x16x8x64xf32, #tpu.memory_space<vmem>>, vector<16xf32>,
      %slice3A_2548 = vector.extract_strided_slice %and3A_166 {offsets = [10], sizes = [1], strides = [1]} : vector<16xi32> to vector<1xi32>
      %squeeze3A_2549 = vector.extract %slice3A_2548[0] : i32 from vector<1xi32>
      %get3A_2550 = arith.index_cast %rem3A_100 : i32 to index
      %get3A_2551 = arith.index_cast %add3A_2451 : i32 to index
      %get3A_2552 = arith.index_cast %squeeze3A_2549 : i32 to index
      %get3A_2553 = arith.constant 48 : index
      %get3A_2554 = tpu.vector_load %arg11[%get3A_2550, %get3A_2551, %get3A_2552, %get3A_2553] {strides = array<i32>} : memref<3x16x8x64xf32, #tpu.memory_space<vmem>>, vector<16xf32>,
      %slice3A_2555 = vector.extract_strided_slice %and3A_176 {offsets = [10], sizes = [1], strides = [1]} : vector<16xi32> to vector<1xi32>
      %squeeze3A_2556 = vector.extract %slice3A_2555[0] : i32 from vector<1xi32>
      %get3A_2557 = arith.index_cast %rem3A_100 : i32 to index
      %get3A_2558 = arith.index_cast %add3A_2451 : i32 to index
      %get3A_2559 = arith.index_cast %squeeze3A_2556 : i32 to index
      %get3A_2560 = arith.constant 16 : index
      %get3A_2561 = tpu.vector_load %arg12[%get3A_2557, %get3A_2558, %get3A_2559, %get3A_2560] {strides = array<i32>} : memref<3x16x8x64xf32, #tpu.memory_space<vmem>>, vector<16xf32>,
      %slice3A_2562 = vector.extract_strided_slice %and3A_176 {offsets = [10], sizes = [1], strides = [1]} : vector<16xi32> to vector<1xi32>
      %squeeze3A_2563 = vector.extract %slice3A_2562[0] : i32 from vector<1xi32>
      %get3A_2564 = arith.index_cast %rem3A_100 : i32 to index
      %get3A_2565 = arith.index_cast %add3A_2451 : i32 to index
      %get3A_2566 = arith.index_cast %squeeze3A_2563 : i32 to index
      %get3A_2567 = arith.constant 48 : index
      %get3A_2568 = tpu.vector_load %arg12[%get3A_2564, %get3A_2565, %get3A_2566, %get3A_2567] {strides = array<i32>} : memref<3x16x8x64xf32, #tpu.memory_space<vmem>>, vector<16xf32>,
      %get3A_2569 = arith.index_cast %rem3A_100 : i32 to index
      %get3A_2570 = arith.index_cast %add3A_2451 : i32 to index
      %get3A_2571 = arith.constant 16 : index
      %get3A_2572 = tpu.vector_load %arg13[%get3A_2569, %get3A_2570, %get3A_2571] {strides = array<i32>} : memref<3x16x128xf32, #tpu.memory_space<vmem>>, vector<16xf32>,
      %get3A_2573 = arith.index_cast %rem3A_100 : i32 to index
      %get3A_2574 = arith.index_cast %add3A_2451 : i32 to index
      %get3A_2575 = arith.constant 48 : index
      %get3A_2576 = tpu.vector_load %arg13[%get3A_2573, %get3A_2574, %get3A_2575] {strides = array<i32>} : memref<3x16x128xf32, #tpu.memory_space<vmem>>, vector<16xf32>,
      %mul3A_2577 = arith.mulf %get3A_2547, %get3A_2572 : vector<16xf32>
      %mul3A_2578 = arith.mulf %get3A_2554, %get3A_2576 : vector<16xf32>
      %sub3A_2579 = arith.subf %mul3A_2577, %mul3A_2578 : vector<16xf32>
      %sub3A_2580 = arith.subf %sub3A_2579, %get3A_2561 : vector<16xf32>
      %mul3A_2581 = arith.mulf %get3A_2547, %get3A_2576 : vector<16xf32>
      %mul3A_2582 = arith.mulf %get3A_2554, %get3A_2572 : vector<16xf32>
      %add3A_2583 = arith.addf %mul3A_2581, %mul3A_2582 : vector<16xf32>
      %sub3A_2584 = arith.subf %add3A_2583, %get3A_2568 : vector<16xf32>
      %mul3A_2585 = arith.mulf %sub3A_2580, %sub3A_2580 : vector<16xf32>
      %mul3A_2586 = arith.mulf %sub3A_2584, %sub3A_2584 : vector<16xf32>
      %add3A_2587 = arith.addf %mul3A_2585, %mul3A_2586 : vector<16xf32>
      %add3A_2588 = arith.constant 9.99999996E-13 : f32
      %add3A_2589 = vector.broadcast %add3A_2588 : f32 to vector<16xf32>
      %add3A_2590 = arith.addf %add3A_2587, %add3A_2589 : vector<16xf32>
      %bitcast_convert_type3A_2591 = tpu.bitcast %add3A_2590 : vector<16xf32> -> vector<16xi32>
      %shift_right_logical3A_2592 = arith.constant 1 : i32
      %shift_right_logical3A_2593 = vector.broadcast %shift_right_logical3A_2592 : i32 to vector<16xi32>
      %shift_right_logical3A_2594 = arith.shrui %bitcast_convert_type3A_2591, %shift_right_logical3A_2593 : vector<16xi32>
      %sub3A_2595 = arith.constant 1597463007 : i32
      %sub3A_2596 = vector.broadcast %sub3A_2595 : i32 to vector<16xi32>
      %sub3A_2597 = arith.subi %sub3A_2596, %shift_right_logical3A_2594 : vector<16xi32>
      %bitcast_convert_type3A_2598 = tpu.bitcast %sub3A_2597 : vector<16xi32> -> vector<16xf32>
      %mul3A_2599 = arith.constant 5.000000e-01 : f32
      %mul3A_2600 = vector.broadcast %mul3A_2599 : f32 to vector<16xf32>
      %mul3A_2601 = arith.mulf %mul3A_2600, %add3A_2590 : vector<16xf32>
      %mul3A_2602 = arith.mulf %mul3A_2601, %bitcast_convert_type3A_2598 : vector<16xf32>
      %mul3A_2603 = arith.mulf %mul3A_2602, %bitcast_convert_type3A_2598 : vector<16xf32>
      %sub3A_2604 = arith.constant 1.500000e+00 : f32
      %sub3A_2605 = vector.broadcast %sub3A_2604 : f32 to vector<16xf32>
      %sub3A_2606 = arith.subf %sub3A_2605, %mul3A_2603 : vector<16xf32>
      %mul3A_2607 = arith.mulf %bitcast_convert_type3A_2598, %sub3A_2606 : vector<16xf32>
      %mul3A_2608 = arith.constant 5.000000e-01 : f32
      %mul3A_2609 = vector.broadcast %mul3A_2608 : f32 to vector<16xf32>
      %mul3A_2610 = arith.mulf %mul3A_2609, %add3A_2590 : vector<16xf32>
      %mul3A_2611 = arith.mulf %mul3A_2610, %mul3A_2607 : vector<16xf32>
      %mul3A_2612 = arith.mulf %mul3A_2611, %mul3A_2607 : vector<16xf32>
      %sub3A_2613 = arith.constant 1.500000e+00 : f32
      %sub3A_2614 = vector.broadcast %sub3A_2613 : f32 to vector<16xf32>
      %sub3A_2615 = arith.subf %sub3A_2614, %mul3A_2612 : vector<16xf32>
      %mul3A_2616 = arith.mulf %mul3A_2607, %sub3A_2615 : vector<16xf32>
      %mul3A_2617 = arith.constant 5.000000e-01 : f32
      %mul3A_2618 = vector.broadcast %mul3A_2617 : f32 to vector<16xf32>
      %mul3A_2619 = arith.mulf %mul3A_2618, %add3A_2590 : vector<16xf32>
      %mul3A_2620 = arith.mulf %mul3A_2619, %mul3A_2616 : vector<16xf32>
      %mul3A_2621 = arith.mulf %mul3A_2620, %mul3A_2616 : vector<16xf32>
      %sub3A_2622 = arith.constant 1.500000e+00 : f32
      %sub3A_2623 = vector.broadcast %sub3A_2622 : f32 to vector<16xf32>
      %sub3A_2624 = arith.subf %sub3A_2623, %mul3A_2621 : vector<16xf32>
      %mul3A_2625 = arith.mulf %mul3A_2616, %sub3A_2624 : vector<16xf32>
      %mul3A_2626 = arith.mulf %add3A_2590, %mul3A_2625 : vector<16xf32>
      %add3A_2627 = arith.addf %add3A_2540, %mul3A_2626 : vector<16xf32>
      %lt3A_2628 = arith.constant 0 : i32
      %lt3A_2629 = vector.broadcast %lt3A_2628 : i32 to vector<16xi32>
      %lt3A_2630 = arith.cmpi slt, %and3A_72, %lt3A_2629 : vector<16xi32>
      %add3A_2631 = arith.constant 16 : i32
      %add3A_2632 = vector.broadcast %add3A_2631 : i32 to vector<16xi32>
      %add3A_2633 = arith.addi %and3A_72, %add3A_2632 : vector<16xi32>
      %select_n3A_2634 = arith.select %lt3A_2630, %add3A_2633, %and3A_72 : vector<16xi1>, vector<16xi32>
      %reshape3A_2635 = vector.shape_cast %select_n3A_2634 : vector<16xi32> to vector<16x1xi32>
      %gather3A_2636 = vector.shape_cast %reshape3A_2635 : vector<16x1xi32> to vector<16xi32>
      %gather3A_2637 = tpu.dynamic_gather %add3A_2627[%gather3A_2636] in [0] : vector<16xf32>, vector<16xi32> -> vector<16xf32>
      %add3A_2638 = arith.addf %add3A_2627, %gather3A_2637 : vector<16xf32>
      %lt3A_2639 = arith.constant 0 : i32
      %lt3A_2640 = vector.broadcast %lt3A_2639 : i32 to vector<16xi32>
      %lt3A_2641 = arith.cmpi slt, %and3A_78, %lt3A_2640 : vector<16xi32>
      %add3A_2642 = arith.constant 16 : i32
      %add3A_2643 = vector.broadcast %add3A_2642 : i32 to vector<16xi32>
      %add3A_2644 = arith.addi %and3A_78, %add3A_2643 : vector<16xi32>
      %select_n3A_2645 = arith.select %lt3A_2641, %add3A_2644, %and3A_78 : vector<16xi1>, vector<16xi32>
      %reshape3A_2646 = vector.shape_cast %select_n3A_2645 : vector<16xi32> to vector<16x1xi32>
      %gather3A_2647 = vector.shape_cast %reshape3A_2646 : vector<16x1xi32> to vector<16xi32>
      %gather3A_2648 = tpu.dynamic_gather %add3A_2638[%gather3A_2647] in [0] : vector<16xf32>, vector<16xi32> -> vector<16xf32>
      %add3A_2649 = arith.addf %add3A_2638, %gather3A_2648 : vector<16xf32>
      %lt3A_2650 = arith.constant 0 : i32
      %lt3A_2651 = vector.broadcast %lt3A_2650 : i32 to vector<16xi32>
      %lt3A_2652 = arith.cmpi slt, %and3A_84, %lt3A_2651 : vector<16xi32>
      %add3A_2653 = arith.constant 16 : i32
      %add3A_2654 = vector.broadcast %add3A_2653 : i32 to vector<16xi32>
      %add3A_2655 = arith.addi %and3A_84, %add3A_2654 : vector<16xi32>
      %select_n3A_2656 = arith.select %lt3A_2652, %add3A_2655, %and3A_84 : vector<16xi1>, vector<16xi32>
      %reshape3A_2657 = vector.shape_cast %select_n3A_2656 : vector<16xi32> to vector<16x1xi32>
      %gather3A_2658 = vector.shape_cast %reshape3A_2657 : vector<16x1xi32> to vector<16xi32>
      %gather3A_2659 = tpu.dynamic_gather %add3A_2649[%gather3A_2658] in [0] : vector<16xf32>, vector<16xi32> -> vector<16xf32>
      %add3A_2660 = arith.addf %add3A_2649, %gather3A_2659 : vector<16xf32>
      %lt3A_2661 = arith.constant 0 : i32
      %lt3A_2662 = vector.broadcast %lt3A_2661 : i32 to vector<16xi32>
      %lt3A_2663 = arith.cmpi slt, %and3A_90, %lt3A_2662 : vector<16xi32>
      %add3A_2664 = arith.constant 16 : i32
      %add3A_2665 = vector.broadcast %add3A_2664 : i32 to vector<16xi32>
      %add3A_2666 = arith.addi %and3A_90, %add3A_2665 : vector<16xi32>
      %select_n3A_2667 = arith.select %lt3A_2663, %add3A_2666, %and3A_90 : vector<16xi1>, vector<16xi32>
      %reshape3A_2668 = vector.shape_cast %select_n3A_2667 : vector<16xi32> to vector<16x1xi32>
      %gather3A_2669 = vector.shape_cast %reshape3A_2668 : vector<16x1xi32> to vector<16xi32>
      %gather3A_2670 = tpu.dynamic_gather %add3A_2660[%gather3A_2669] in [0] : vector<16xf32>, vector<16xi32> -> vector<16xf32>
      %add3A_2671 = arith.addf %add3A_2660, %gather3A_2670 : vector<16xf32>
      %eq3A_2672 = arith.constant 10 : i32
      %eq3A_2673 = vector.broadcast %eq3A_2672 : i32 to vector<16xi32>
      %eq3A_2674 = arith.cmpi eq, %iota3A, %eq3A_2673 : vector<16xi32>
      %select_n3A_2675 = arith.select %eq3A_2674, %add3A_2671, %select_n3A_2447 : vector<16xi1>, vector<16xf32>
      %mul3A_2676 = arith.constant 16 : i32
      %mul3A_2677 = arith.muli %scan3A_157, %mul3A_2676 : i32
      %add3A_2678 = arith.constant 11 : i32
      %add3A_2679 = arith.addi %mul3A_2677, %add3A_2678 : i32
      %broadcast_in_dim3A_2680 = arith.constant 0.000000e+00 : f32
      %broadcast_in_dim3A_2681 = vector.broadcast %broadcast_in_dim3A_2680 : f32 to vector<16xf32>
      %slice3A_2682 = vector.extract_strided_slice %and3A_166 {offsets = [11], sizes = [1], strides = [1]} : vector<16xi32> to vector<1xi32>
      %squeeze3A_2683 = vector.extract %slice3A_2682[0] : i32 from vector<1xi32>
      %get3A_2684 = arith.index_cast %rem3A_100 : i32 to index
      %get3A_2685 = arith.index_cast %add3A_2679 : i32 to index
      %get3A_2686 = arith.index_cast %squeeze3A_2683 : i32 to index
      %get3A_2687 = arith.constant 0 : index
      %get3A_2688 = tpu.vector_load %arg11[%get3A_2684, %get3A_2685, %get3A_2686, %get3A_2687] {strides = array<i32>} : memref<3x16x8x64xf32, #tpu.memory_space<vmem>>, vector<16xf32>,
      %slice3A_2689 = vector.extract_strided_slice %and3A_166 {offsets = [11], sizes = [1], strides = [1]} : vector<16xi32> to vector<1xi32>
      %squeeze3A_2690 = vector.extract %slice3A_2689[0] : i32 from vector<1xi32>
      %get3A_2691 = arith.index_cast %rem3A_100 : i32 to index
      %get3A_2692 = arith.index_cast %add3A_2679 : i32 to index
      %get3A_2693 = arith.index_cast %squeeze3A_2690 : i32 to index
      %get3A_2694 = arith.constant 32 : index
      %get3A_2695 = tpu.vector_load %arg11[%get3A_2691, %get3A_2692, %get3A_2693, %get3A_2694] {strides = array<i32>} : memref<3x16x8x64xf32, #tpu.memory_space<vmem>>, vector<16xf32>,
      %slice3A_2696 = vector.extract_strided_slice %and3A_176 {offsets = [11], sizes = [1], strides = [1]} : vector<16xi32> to vector<1xi32>
      %squeeze3A_2697 = vector.extract %slice3A_2696[0] : i32 from vector<1xi32>
      %get3A_2698 = arith.index_cast %rem3A_100 : i32 to index
      %get3A_2699 = arith.index_cast %add3A_2679 : i32 to index
      %get3A_2700 = arith.index_cast %squeeze3A_2697 : i32 to index
      %get3A_2701 = arith.constant 0 : index
      %get3A_2702 = tpu.vector_load %arg12[%get3A_2698, %get3A_2699, %get3A_2700, %get3A_2701] {strides = array<i32>} : memref<3x16x8x64xf32, #tpu.memory_space<vmem>>, vector<16xf32>,
      %slice3A_2703 = vector.extract_strided_slice %and3A_176 {offsets = [11], sizes = [1], strides = [1]} : vector<16xi32> to vector<1xi32>
      %squeeze3A_2704 = vector.extract %slice3A_2703[0] : i32 from vector<1xi32>
      %get3A_2705 = arith.index_cast %rem3A_100 : i32 to index
      %get3A_2706 = arith.index_cast %add3A_2679 : i32 to index
      %get3A_2707 = arith.index_cast %squeeze3A_2704 : i32 to index
      %get3A_2708 = arith.constant 32 : index
      %get3A_2709 = tpu.vector_load %arg12[%get3A_2705, %get3A_2706, %get3A_2707, %get3A_2708] {strides = array<i32>} : memref<3x16x8x64xf32, #tpu.memory_space<vmem>>, vector<16xf32>,
      %get3A_2710 = arith.index_cast %rem3A_100 : i32 to index
      %get3A_2711 = arith.index_cast %add3A_2679 : i32 to index
      %get3A_2712 = arith.constant 0 : index
      %get3A_2713 = tpu.vector_load %arg13[%get3A_2710, %get3A_2711, %get3A_2712] {strides = array<i32>} : memref<3x16x128xf32, #tpu.memory_space<vmem>>, vector<16xf32>,
      %get3A_2714 = arith.index_cast %rem3A_100 : i32 to index
      %get3A_2715 = arith.index_cast %add3A_2679 : i32 to index
      %get3A_2716 = arith.constant 32 : index
      %get3A_2717 = tpu.vector_load %arg13[%get3A_2714, %get3A_2715, %get3A_2716] {strides = array<i32>} : memref<3x16x128xf32, #tpu.memory_space<vmem>>, vector<16xf32>,
      %mul3A_2718 = arith.mulf %get3A_2688, %get3A_2713 : vector<16xf32>
      %mul3A_2719 = arith.mulf %get3A_2695, %get3A_2717 : vector<16xf32>
      %sub3A_2720 = arith.subf %mul3A_2718, %mul3A_2719 : vector<16xf32>
      %sub3A_2721 = arith.subf %sub3A_2720, %get3A_2702 : vector<16xf32>
      %mul3A_2722 = arith.mulf %get3A_2688, %get3A_2717 : vector<16xf32>
      %mul3A_2723 = arith.mulf %get3A_2695, %get3A_2713 : vector<16xf32>
      %add3A_2724 = arith.addf %mul3A_2722, %mul3A_2723 : vector<16xf32>
      %sub3A_2725 = arith.subf %add3A_2724, %get3A_2709 : vector<16xf32>
      %mul3A_2726 = arith.mulf %sub3A_2721, %sub3A_2721 : vector<16xf32>
      %mul3A_2727 = arith.mulf %sub3A_2725, %sub3A_2725 : vector<16xf32>
      %add3A_2728 = arith.addf %mul3A_2726, %mul3A_2727 : vector<16xf32>
      %add3A_2729 = arith.constant 9.99999996E-13 : f32
      %add3A_2730 = vector.broadcast %add3A_2729 : f32 to vector<16xf32>
      %add3A_2731 = arith.addf %add3A_2728, %add3A_2730 : vector<16xf32>
      %bitcast_convert_type3A_2732 = tpu.bitcast %add3A_2731 : vector<16xf32> -> vector<16xi32>
      %shift_right_logical3A_2733 = arith.constant 1 : i32
      %shift_right_logical3A_2734 = vector.broadcast %shift_right_logical3A_2733 : i32 to vector<16xi32>
      %shift_right_logical3A_2735 = arith.shrui %bitcast_convert_type3A_2732, %shift_right_logical3A_2734 : vector<16xi32>
      %sub3A_2736 = arith.constant 1597463007 : i32
      %sub3A_2737 = vector.broadcast %sub3A_2736 : i32 to vector<16xi32>
      %sub3A_2738 = arith.subi %sub3A_2737, %shift_right_logical3A_2735 : vector<16xi32>
      %bitcast_convert_type3A_2739 = tpu.bitcast %sub3A_2738 : vector<16xi32> -> vector<16xf32>
      %mul3A_2740 = arith.constant 5.000000e-01 : f32
      %mul3A_2741 = vector.broadcast %mul3A_2740 : f32 to vector<16xf32>
      %mul3A_2742 = arith.mulf %mul3A_2741, %add3A_2731 : vector<16xf32>
      %mul3A_2743 = arith.mulf %mul3A_2742, %bitcast_convert_type3A_2739 : vector<16xf32>
      %mul3A_2744 = arith.mulf %mul3A_2743, %bitcast_convert_type3A_2739 : vector<16xf32>
      %sub3A_2745 = arith.constant 1.500000e+00 : f32
      %sub3A_2746 = vector.broadcast %sub3A_2745 : f32 to vector<16xf32>
      %sub3A_2747 = arith.subf %sub3A_2746, %mul3A_2744 : vector<16xf32>
      %mul3A_2748 = arith.mulf %bitcast_convert_type3A_2739, %sub3A_2747 : vector<16xf32>
      %mul3A_2749 = arith.constant 5.000000e-01 : f32
      %mul3A_2750 = vector.broadcast %mul3A_2749 : f32 to vector<16xf32>
      %mul3A_2751 = arith.mulf %mul3A_2750, %add3A_2731 : vector<16xf32>
      %mul3A_2752 = arith.mulf %mul3A_2751, %mul3A_2748 : vector<16xf32>
      %mul3A_2753 = arith.mulf %mul3A_2752, %mul3A_2748 : vector<16xf32>
      %sub3A_2754 = arith.constant 1.500000e+00 : f32
      %sub3A_2755 = vector.broadcast %sub3A_2754 : f32 to vector<16xf32>
      %sub3A_2756 = arith.subf %sub3A_2755, %mul3A_2753 : vector<16xf32>
      %mul3A_2757 = arith.mulf %mul3A_2748, %sub3A_2756 : vector<16xf32>
      %mul3A_2758 = arith.constant 5.000000e-01 : f32
      %mul3A_2759 = vector.broadcast %mul3A_2758 : f32 to vector<16xf32>
      %mul3A_2760 = arith.mulf %mul3A_2759, %add3A_2731 : vector<16xf32>
      %mul3A_2761 = arith.mulf %mul3A_2760, %mul3A_2757 : vector<16xf32>
      %mul3A_2762 = arith.mulf %mul3A_2761, %mul3A_2757 : vector<16xf32>
      %sub3A_2763 = arith.constant 1.500000e+00 : f32
      %sub3A_2764 = vector.broadcast %sub3A_2763 : f32 to vector<16xf32>
      %sub3A_2765 = arith.subf %sub3A_2764, %mul3A_2762 : vector<16xf32>
      %mul3A_2766 = arith.mulf %mul3A_2757, %sub3A_2765 : vector<16xf32>
      %mul3A_2767 = arith.mulf %add3A_2731, %mul3A_2766 : vector<16xf32>
      %add3A_2768 = arith.addf %broadcast_in_dim3A_2681, %mul3A_2767 : vector<16xf32>
      %slice3A_2769 = vector.extract_strided_slice %and3A_166 {offsets = [11], sizes = [1], strides = [1]} : vector<16xi32> to vector<1xi32>
      %squeeze3A_2770 = vector.extract %slice3A_2769[0] : i32 from vector<1xi32>
      %get3A_2771 = arith.index_cast %rem3A_100 : i32 to index
      %get3A_2772 = arith.index_cast %add3A_2679 : i32 to index
      %get3A_2773 = arith.index_cast %squeeze3A_2770 : i32 to index
      %get3A_2774 = arith.constant 16 : index
      %get3A_2775 = tpu.vector_load %arg11[%get3A_2771, %get3A_2772, %get3A_2773, %get3A_2774] {strides = array<i32>} : memref<3x16x8x64xf32, #tpu.memory_space<vmem>>, vector<16xf32>,
      %slice3A_2776 = vector.extract_strided_slice %and3A_166 {offsets = [11], sizes = [1], strides = [1]} : vector<16xi32> to vector<1xi32>
      %squeeze3A_2777 = vector.extract %slice3A_2776[0] : i32 from vector<1xi32>
      %get3A_2778 = arith.index_cast %rem3A_100 : i32 to index
      %get3A_2779 = arith.index_cast %add3A_2679 : i32 to index
      %get3A_2780 = arith.index_cast %squeeze3A_2777 : i32 to index
      %get3A_2781 = arith.constant 48 : index
      %get3A_2782 = tpu.vector_load %arg11[%get3A_2778, %get3A_2779, %get3A_2780, %get3A_2781] {strides = array<i32>} : memref<3x16x8x64xf32, #tpu.memory_space<vmem>>, vector<16xf32>,
      %slice3A_2783 = vector.extract_strided_slice %and3A_176 {offsets = [11], sizes = [1], strides = [1]} : vector<16xi32> to vector<1xi32>
      %squeeze3A_2784 = vector.extract %slice3A_2783[0] : i32 from vector<1xi32>
      %get3A_2785 = arith.index_cast %rem3A_100 : i32 to index
      %get3A_2786 = arith.index_cast %add3A_2679 : i32 to index
      %get3A_2787 = arith.index_cast %squeeze3A_2784 : i32 to index
      %get3A_2788 = arith.constant 16 : index
      %get3A_2789 = tpu.vector_load %arg12[%get3A_2785, %get3A_2786, %get3A_2787, %get3A_2788] {strides = array<i32>} : memref<3x16x8x64xf32, #tpu.memory_space<vmem>>, vector<16xf32>,
      %slice3A_2790 = vector.extract_strided_slice %and3A_176 {offsets = [11], sizes = [1], strides = [1]} : vector<16xi32> to vector<1xi32>
      %squeeze3A_2791 = vector.extract %slice3A_2790[0] : i32 from vector<1xi32>
      %get3A_2792 = arith.index_cast %rem3A_100 : i32 to index
      %get3A_2793 = arith.index_cast %add3A_2679 : i32 to index
      %get3A_2794 = arith.index_cast %squeeze3A_2791 : i32 to index
      %get3A_2795 = arith.constant 48 : index
      %get3A_2796 = tpu.vector_load %arg12[%get3A_2792, %get3A_2793, %get3A_2794, %get3A_2795] {strides = array<i32>} : memref<3x16x8x64xf32, #tpu.memory_space<vmem>>, vector<16xf32>,
      %get3A_2797 = arith.index_cast %rem3A_100 : i32 to index
      %get3A_2798 = arith.index_cast %add3A_2679 : i32 to index
      %get3A_2799 = arith.constant 16 : index
      %get3A_2800 = tpu.vector_load %arg13[%get3A_2797, %get3A_2798, %get3A_2799] {strides = array<i32>} : memref<3x16x128xf32, #tpu.memory_space<vmem>>, vector<16xf32>,
      %get3A_2801 = arith.index_cast %rem3A_100 : i32 to index
      %get3A_2802 = arith.index_cast %add3A_2679 : i32 to index
      %get3A_2803 = arith.constant 48 : index
      %get3A_2804 = tpu.vector_load %arg13[%get3A_2801, %get3A_2802, %get3A_2803] {strides = array<i32>} : memref<3x16x128xf32, #tpu.memory_space<vmem>>, vector<16xf32>,
      %mul3A_2805 = arith.mulf %get3A_2775, %get3A_2800 : vector<16xf32>
      %mul3A_2806 = arith.mulf %get3A_2782, %get3A_2804 : vector<16xf32>
      %sub3A_2807 = arith.subf %mul3A_2805, %mul3A_2806 : vector<16xf32>
      %sub3A_2808 = arith.subf %sub3A_2807, %get3A_2789 : vector<16xf32>
      %mul3A_2809 = arith.mulf %get3A_2775, %get3A_2804 : vector<16xf32>
      %mul3A_2810 = arith.mulf %get3A_2782, %get3A_2800 : vector<16xf32>
      %add3A_2811 = arith.addf %mul3A_2809, %mul3A_2810 : vector<16xf32>
      %sub3A_2812 = arith.subf %add3A_2811, %get3A_2796 : vector<16xf32>
      %mul3A_2813 = arith.mulf %sub3A_2808, %sub3A_2808 : vector<16xf32>
      %mul3A_2814 = arith.mulf %sub3A_2812, %sub3A_2812 : vector<16xf32>
      %add3A_2815 = arith.addf %mul3A_2813, %mul3A_2814 : vector<16xf32>
      %add3A_2816 = arith.constant 9.99999996E-13 : f32
      %add3A_2817 = vector.broadcast %add3A_2816 : f32 to vector<16xf32>
      %add3A_2818 = arith.addf %add3A_2815, %add3A_2817 : vector<16xf32>
      %bitcast_convert_type3A_2819 = tpu.bitcast %add3A_2818 : vector<16xf32> -> vector<16xi32>
      %shift_right_logical3A_2820 = arith.constant 1 : i32
      %shift_right_logical3A_2821 = vector.broadcast %shift_right_logical3A_2820 : i32 to vector<16xi32>
      %shift_right_logical3A_2822 = arith.shrui %bitcast_convert_type3A_2819, %shift_right_logical3A_2821 : vector<16xi32>
      %sub3A_2823 = arith.constant 1597463007 : i32
      %sub3A_2824 = vector.broadcast %sub3A_2823 : i32 to vector<16xi32>
      %sub3A_2825 = arith.subi %sub3A_2824, %shift_right_logical3A_2822 : vector<16xi32>
      %bitcast_convert_type3A_2826 = tpu.bitcast %sub3A_2825 : vector<16xi32> -> vector<16xf32>
      %mul3A_2827 = arith.constant 5.000000e-01 : f32
      %mul3A_2828 = vector.broadcast %mul3A_2827 : f32 to vector<16xf32>
      %mul3A_2829 = arith.mulf %mul3A_2828, %add3A_2818 : vector<16xf32>
      %mul3A_2830 = arith.mulf %mul3A_2829, %bitcast_convert_type3A_2826 : vector<16xf32>
      %mul3A_2831 = arith.mulf %mul3A_2830, %bitcast_convert_type3A_2826 : vector<16xf32>
      %sub3A_2832 = arith.constant 1.500000e+00 : f32
      %sub3A_2833 = vector.broadcast %sub3A_2832 : f32 to vector<16xf32>
      %sub3A_2834 = arith.subf %sub3A_2833, %mul3A_2831 : vector<16xf32>
      %mul3A_2835 = arith.mulf %bitcast_convert_type3A_2826, %sub3A_2834 : vector<16xf32>
      %mul3A_2836 = arith.constant 5.000000e-01 : f32
      %mul3A_2837 = vector.broadcast %mul3A_2836 : f32 to vector<16xf32>
      %mul3A_2838 = arith.mulf %mul3A_2837, %add3A_2818 : vector<16xf32>
      %mul3A_2839 = arith.mulf %mul3A_2838, %mul3A_2835 : vector<16xf32>
      %mul3A_2840 = arith.mulf %mul3A_2839, %mul3A_2835 : vector<16xf32>
      %sub3A_2841 = arith.constant 1.500000e+00 : f32
      %sub3A_2842 = vector.broadcast %sub3A_2841 : f32 to vector<16xf32>
      %sub3A_2843 = arith.subf %sub3A_2842, %mul3A_2840 : vector<16xf32>
      %mul3A_2844 = arith.mulf %mul3A_2835, %sub3A_2843 : vector<16xf32>
      %mul3A_2845 = arith.constant 5.000000e-01 : f32
      %mul3A_2846 = vector.broadcast %mul3A_2845 : f32 to vector<16xf32>
      %mul3A_2847 = arith.mulf %mul3A_2846, %add3A_2818 : vector<16xf32>
      %mul3A_2848 = arith.mulf %mul3A_2847, %mul3A_2844 : vector<16xf32>
      %mul3A_2849 = arith.mulf %mul3A_2848, %mul3A_2844 : vector<16xf32>
      %sub3A_2850 = arith.constant 1.500000e+00 : f32
      %sub3A_2851 = vector.broadcast %sub3A_2850 : f32 to vector<16xf32>
      %sub3A_2852 = arith.subf %sub3A_2851, %mul3A_2849 : vector<16xf32>
      %mul3A_2853 = arith.mulf %mul3A_2844, %sub3A_2852 : vector<16xf32>
      %mul3A_2854 = arith.mulf %add3A_2818, %mul3A_2853 : vector<16xf32>
      %add3A_2855 = arith.addf %add3A_2768, %mul3A_2854 : vector<16xf32>
      %lt3A_2856 = arith.constant 0 : i32
      %lt3A_2857 = vector.broadcast %lt3A_2856 : i32 to vector<16xi32>
      %lt3A_2858 = arith.cmpi slt, %and3A_72, %lt3A_2857 : vector<16xi32>
      %add3A_2859 = arith.constant 16 : i32
      %add3A_2860 = vector.broadcast %add3A_2859 : i32 to vector<16xi32>
      %add3A_2861 = arith.addi %and3A_72, %add3A_2860 : vector<16xi32>
      %select_n3A_2862 = arith.select %lt3A_2858, %add3A_2861, %and3A_72 : vector<16xi1>, vector<16xi32>
      %reshape3A_2863 = vector.shape_cast %select_n3A_2862 : vector<16xi32> to vector<16x1xi32>
      %gather3A_2864 = vector.shape_cast %reshape3A_2863 : vector<16x1xi32> to vector<16xi32>
      %gather3A_2865 = tpu.dynamic_gather %add3A_2855[%gather3A_2864] in [0] : vector<16xf32>, vector<16xi32> -> vector<16xf32>
      %add3A_2866 = arith.addf %add3A_2855, %gather3A_2865 : vector<16xf32>
      %lt3A_2867 = arith.constant 0 : i32
      %lt3A_2868 = vector.broadcast %lt3A_2867 : i32 to vector<16xi32>
      %lt3A_2869 = arith.cmpi slt, %and3A_78, %lt3A_2868 : vector<16xi32>
      %add3A_2870 = arith.constant 16 : i32
      %add3A_2871 = vector.broadcast %add3A_2870 : i32 to vector<16xi32>
      %add3A_2872 = arith.addi %and3A_78, %add3A_2871 : vector<16xi32>
      %select_n3A_2873 = arith.select %lt3A_2869, %add3A_2872, %and3A_78 : vector<16xi1>, vector<16xi32>
      %reshape3A_2874 = vector.shape_cast %select_n3A_2873 : vector<16xi32> to vector<16x1xi32>
      %gather3A_2875 = vector.shape_cast %reshape3A_2874 : vector<16x1xi32> to vector<16xi32>
      %gather3A_2876 = tpu.dynamic_gather %add3A_2866[%gather3A_2875] in [0] : vector<16xf32>, vector<16xi32> -> vector<16xf32>
      %add3A_2877 = arith.addf %add3A_2866, %gather3A_2876 : vector<16xf32>
      %lt3A_2878 = arith.constant 0 : i32
      %lt3A_2879 = vector.broadcast %lt3A_2878 : i32 to vector<16xi32>
      %lt3A_2880 = arith.cmpi slt, %and3A_84, %lt3A_2879 : vector<16xi32>
      %add3A_2881 = arith.constant 16 : i32
      %add3A_2882 = vector.broadcast %add3A_2881 : i32 to vector<16xi32>
      %add3A_2883 = arith.addi %and3A_84, %add3A_2882 : vector<16xi32>
      %select_n3A_2884 = arith.select %lt3A_2880, %add3A_2883, %and3A_84 : vector<16xi1>, vector<16xi32>
      %reshape3A_2885 = vector.shape_cast %select_n3A_2884 : vector<16xi32> to vector<16x1xi32>
      %gather3A_2886 = vector.shape_cast %reshape3A_2885 : vector<16x1xi32> to vector<16xi32>
      %gather3A_2887 = tpu.dynamic_gather %add3A_2877[%gather3A_2886] in [0] : vector<16xf32>, vector<16xi32> -> vector<16xf32>
      %add3A_2888 = arith.addf %add3A_2877, %gather3A_2887 : vector<16xf32>
      %lt3A_2889 = arith.constant 0 : i32
      %lt3A_2890 = vector.broadcast %lt3A_2889 : i32 to vector<16xi32>
      %lt3A_2891 = arith.cmpi slt, %and3A_90, %lt3A_2890 : vector<16xi32>
      %add3A_2892 = arith.constant 16 : i32
      %add3A_2893 = vector.broadcast %add3A_2892 : i32 to vector<16xi32>
      %add3A_2894 = arith.addi %and3A_90, %add3A_2893 : vector<16xi32>
      %select_n3A_2895 = arith.select %lt3A_2891, %add3A_2894, %and3A_90 : vector<16xi1>, vector<16xi32>
      %reshape3A_2896 = vector.shape_cast %select_n3A_2895 : vector<16xi32> to vector<16x1xi32>
      %gather3A_2897 = vector.shape_cast %reshape3A_2896 : vector<16x1xi32> to vector<16xi32>
      %gather3A_2898 = tpu.dynamic_gather %add3A_2888[%gather3A_2897] in [0] : vector<16xf32>, vector<16xi32> -> vector<16xf32>
      %add3A_2899 = arith.addf %add3A_2888, %gather3A_2898 : vector<16xf32>
      %eq3A_2900 = arith.constant 11 : i32
      %eq3A_2901 = vector.broadcast %eq3A_2900 : i32 to vector<16xi32>
      %eq3A_2902 = arith.cmpi eq, %iota3A, %eq3A_2901 : vector<16xi32>
      %select_n3A_2903 = arith.select %eq3A_2902, %add3A_2899, %select_n3A_2675 : vector<16xi1>, vector<16xf32>
      %mul3A_2904 = arith.constant 16 : i32
      %mul3A_2905 = arith.muli %scan3A_157, %mul3A_2904 : i32
      %add3A_2906 = arith.constant 12 : i32
      %add3A_2907 = arith.addi %mul3A_2905, %add3A_2906 : i32
      %broadcast_in_dim3A_2908 = arith.constant 0.000000e+00 : f32
      %broadcast_in_dim3A_2909 = vector.broadcast %broadcast_in_dim3A_2908 : f32 to vector<16xf32>
      %slice3A_2910 = vector.extract_strided_slice %and3A_166 {offsets = [12], sizes = [1], strides = [1]} : vector<16xi32> to vector<1xi32>
      %squeeze3A_2911 = vector.extract %slice3A_2910[0] : i32 from vector<1xi32>
      %get3A_2912 = arith.index_cast %rem3A_100 : i32 to index
      %get3A_2913 = arith.index_cast %add3A_2907 : i32 to index
      %get3A_2914 = arith.index_cast %squeeze3A_2911 : i32 to index
      %get3A_2915 = arith.constant 0 : index
      %get3A_2916 = tpu.vector_load %arg11[%get3A_2912, %get3A_2913, %get3A_2914, %get3A_2915] {strides = array<i32>} : memref<3x16x8x64xf32, #tpu.memory_space<vmem>>, vector<16xf32>,
      %slice3A_2917 = vector.extract_strided_slice %and3A_166 {offsets = [12], sizes = [1], strides = [1]} : vector<16xi32> to vector<1xi32>
      %squeeze3A_2918 = vector.extract %slice3A_2917[0] : i32 from vector<1xi32>
      %get3A_2919 = arith.index_cast %rem3A_100 : i32 to index
      %get3A_2920 = arith.index_cast %add3A_2907 : i32 to index
      %get3A_2921 = arith.index_cast %squeeze3A_2918 : i32 to index
      %get3A_2922 = arith.constant 32 : index
      %get3A_2923 = tpu.vector_load %arg11[%get3A_2919, %get3A_2920, %get3A_2921, %get3A_2922] {strides = array<i32>} : memref<3x16x8x64xf32, #tpu.memory_space<vmem>>, vector<16xf32>,
      %slice3A_2924 = vector.extract_strided_slice %and3A_176 {offsets = [12], sizes = [1], strides = [1]} : vector<16xi32> to vector<1xi32>
      %squeeze3A_2925 = vector.extract %slice3A_2924[0] : i32 from vector<1xi32>
      %get3A_2926 = arith.index_cast %rem3A_100 : i32 to index
      %get3A_2927 = arith.index_cast %add3A_2907 : i32 to index
      %get3A_2928 = arith.index_cast %squeeze3A_2925 : i32 to index
      %get3A_2929 = arith.constant 0 : index
      %get3A_2930 = tpu.vector_load %arg12[%get3A_2926, %get3A_2927, %get3A_2928, %get3A_2929] {strides = array<i32>} : memref<3x16x8x64xf32, #tpu.memory_space<vmem>>, vector<16xf32>,
      %slice3A_2931 = vector.extract_strided_slice %and3A_176 {offsets = [12], sizes = [1], strides = [1]} : vector<16xi32> to vector<1xi32>
      %squeeze3A_2932 = vector.extract %slice3A_2931[0] : i32 from vector<1xi32>
      %get3A_2933 = arith.index_cast %rem3A_100 : i32 to index
      %get3A_2934 = arith.index_cast %add3A_2907 : i32 to index
      %get3A_2935 = arith.index_cast %squeeze3A_2932 : i32 to index
      %get3A_2936 = arith.constant 32 : index
      %get3A_2937 = tpu.vector_load %arg12[%get3A_2933, %get3A_2934, %get3A_2935, %get3A_2936] {strides = array<i32>} : memref<3x16x8x64xf32, #tpu.memory_space<vmem>>, vector<16xf32>,
      %get3A_2938 = arith.index_cast %rem3A_100 : i32 to index
      %get3A_2939 = arith.index_cast %add3A_2907 : i32 to index
      %get3A_2940 = arith.constant 0 : index
      %get3A_2941 = tpu.vector_load %arg13[%get3A_2938, %get3A_2939, %get3A_2940] {strides = array<i32>} : memref<3x16x128xf32, #tpu.memory_space<vmem>>, vector<16xf32>,
      %get3A_2942 = arith.index_cast %rem3A_100 : i32 to index
      %get3A_2943 = arith.index_cast %add3A_2907 : i32 to index
      %get3A_2944 = arith.constant 32 : index
      %get3A_2945 = tpu.vector_load %arg13[%get3A_2942, %get3A_2943, %get3A_2944] {strides = array<i32>} : memref<3x16x128xf32, #tpu.memory_space<vmem>>, vector<16xf32>,
      %mul3A_2946 = arith.mulf %get3A_2916, %get3A_2941 : vector<16xf32>
      %mul3A_2947 = arith.mulf %get3A_2923, %get3A_2945 : vector<16xf32>
      %sub3A_2948 = arith.subf %mul3A_2946, %mul3A_2947 : vector<16xf32>
      %sub3A_2949 = arith.subf %sub3A_2948, %get3A_2930 : vector<16xf32>
      %mul3A_2950 = arith.mulf %get3A_2916, %get3A_2945 : vector<16xf32>
      %mul3A_2951 = arith.mulf %get3A_2923, %get3A_2941 : vector<16xf32>
      %add3A_2952 = arith.addf %mul3A_2950, %mul3A_2951 : vector<16xf32>
      %sub3A_2953 = arith.subf %add3A_2952, %get3A_2937 : vector<16xf32>
      %mul3A_2954 = arith.mulf %sub3A_2949, %sub3A_2949 : vector<16xf32>
      %mul3A_2955 = arith.mulf %sub3A_2953, %sub3A_2953 : vector<16xf32>
      %add3A_2956 = arith.addf %mul3A_2954, %mul3A_2955 : vector<16xf32>
      %add3A_2957 = arith.constant 9.99999996E-13 : f32
      %add3A_2958 = vector.broadcast %add3A_2957 : f32 to vector<16xf32>
      %add3A_2959 = arith.addf %add3A_2956, %add3A_2958 : vector<16xf32>
      %bitcast_convert_type3A_2960 = tpu.bitcast %add3A_2959 : vector<16xf32> -> vector<16xi32>
      %shift_right_logical3A_2961 = arith.constant 1 : i32
      %shift_right_logical3A_2962 = vector.broadcast %shift_right_logical3A_2961 : i32 to vector<16xi32>
      %shift_right_logical3A_2963 = arith.shrui %bitcast_convert_type3A_2960, %shift_right_logical3A_2962 : vector<16xi32>
      %sub3A_2964 = arith.constant 1597463007 : i32
      %sub3A_2965 = vector.broadcast %sub3A_2964 : i32 to vector<16xi32>
      %sub3A_2966 = arith.subi %sub3A_2965, %shift_right_logical3A_2963 : vector<16xi32>
      %bitcast_convert_type3A_2967 = tpu.bitcast %sub3A_2966 : vector<16xi32> -> vector<16xf32>
      %mul3A_2968 = arith.constant 5.000000e-01 : f32
      %mul3A_2969 = vector.broadcast %mul3A_2968 : f32 to vector<16xf32>
      %mul3A_2970 = arith.mulf %mul3A_2969, %add3A_2959 : vector<16xf32>
      %mul3A_2971 = arith.mulf %mul3A_2970, %bitcast_convert_type3A_2967 : vector<16xf32>
      %mul3A_2972 = arith.mulf %mul3A_2971, %bitcast_convert_type3A_2967 : vector<16xf32>
      %sub3A_2973 = arith.constant 1.500000e+00 : f32
      %sub3A_2974 = vector.broadcast %sub3A_2973 : f32 to vector<16xf32>
      %sub3A_2975 = arith.subf %sub3A_2974, %mul3A_2972 : vector<16xf32>
      %mul3A_2976 = arith.mulf %bitcast_convert_type3A_2967, %sub3A_2975 : vector<16xf32>
      %mul3A_2977 = arith.constant 5.000000e-01 : f32
      %mul3A_2978 = vector.broadcast %mul3A_2977 : f32 to vector<16xf32>
      %mul3A_2979 = arith.mulf %mul3A_2978, %add3A_2959 : vector<16xf32>
      %mul3A_2980 = arith.mulf %mul3A_2979, %mul3A_2976 : vector<16xf32>
      %mul3A_2981 = arith.mulf %mul3A_2980, %mul3A_2976 : vector<16xf32>
      %sub3A_2982 = arith.constant 1.500000e+00 : f32
      %sub3A_2983 = vector.broadcast %sub3A_2982 : f32 to vector<16xf32>
      %sub3A_2984 = arith.subf %sub3A_2983, %mul3A_2981 : vector<16xf32>
      %mul3A_2985 = arith.mulf %mul3A_2976, %sub3A_2984 : vector<16xf32>
      %mul3A_2986 = arith.constant 5.000000e-01 : f32
      %mul3A_2987 = vector.broadcast %mul3A_2986 : f32 to vector<16xf32>
      %mul3A_2988 = arith.mulf %mul3A_2987, %add3A_2959 : vector<16xf32>
      %mul3A_2989 = arith.mulf %mul3A_2988, %mul3A_2985 : vector<16xf32>
      %mul3A_2990 = arith.mulf %mul3A_2989, %mul3A_2985 : vector<16xf32>
      %sub3A_2991 = arith.constant 1.500000e+00 : f32
      %sub3A_2992 = vector.broadcast %sub3A_2991 : f32 to vector<16xf32>
      %sub3A_2993 = arith.subf %sub3A_2992, %mul3A_2990 : vector<16xf32>
      %mul3A_2994 = arith.mulf %mul3A_2985, %sub3A_2993 : vector<16xf32>
      %mul3A_2995 = arith.mulf %add3A_2959, %mul3A_2994 : vector<16xf32>
      %add3A_2996 = arith.addf %broadcast_in_dim3A_2909, %mul3A_2995 : vector<16xf32>
      %slice3A_2997 = vector.extract_strided_slice %and3A_166 {offsets = [12], sizes = [1], strides = [1]} : vector<16xi32> to vector<1xi32>
      %squeeze3A_2998 = vector.extract %slice3A_2997[0] : i32 from vector<1xi32>
      %get3A_2999 = arith.index_cast %rem3A_100 : i32 to index
      %get3A_3000 = arith.index_cast %add3A_2907 : i32 to index
      %get3A_3001 = arith.index_cast %squeeze3A_2998 : i32 to index
      %get3A_3002 = arith.constant 16 : index
      %get3A_3003 = tpu.vector_load %arg11[%get3A_2999, %get3A_3000, %get3A_3001, %get3A_3002] {strides = array<i32>} : memref<3x16x8x64xf32, #tpu.memory_space<vmem>>, vector<16xf32>,
      %slice3A_3004 = vector.extract_strided_slice %and3A_166 {offsets = [12], sizes = [1], strides = [1]} : vector<16xi32> to vector<1xi32>
      %squeeze3A_3005 = vector.extract %slice3A_3004[0] : i32 from vector<1xi32>
      %get3A_3006 = arith.index_cast %rem3A_100 : i32 to index
      %get3A_3007 = arith.index_cast %add3A_2907 : i32 to index
      %get3A_3008 = arith.index_cast %squeeze3A_3005 : i32 to index
      %get3A_3009 = arith.constant 48 : index
      %get3A_3010 = tpu.vector_load %arg11[%get3A_3006, %get3A_3007, %get3A_3008, %get3A_3009] {strides = array<i32>} : memref<3x16x8x64xf32, #tpu.memory_space<vmem>>, vector<16xf32>,
      %slice3A_3011 = vector.extract_strided_slice %and3A_176 {offsets = [12], sizes = [1], strides = [1]} : vector<16xi32> to vector<1xi32>
      %squeeze3A_3012 = vector.extract %slice3A_3011[0] : i32 from vector<1xi32>
      %get3A_3013 = arith.index_cast %rem3A_100 : i32 to index
      %get3A_3014 = arith.index_cast %add3A_2907 : i32 to index
      %get3A_3015 = arith.index_cast %squeeze3A_3012 : i32 to index
      %get3A_3016 = arith.constant 16 : index
      %get3A_3017 = tpu.vector_load %arg12[%get3A_3013, %get3A_3014, %get3A_3015, %get3A_3016] {strides = array<i32>} : memref<3x16x8x64xf32, #tpu.memory_space<vmem>>, vector<16xf32>,
      %slice3A_3018 = vector.extract_strided_slice %and3A_176 {offsets = [12], sizes = [1], strides = [1]} : vector<16xi32> to vector<1xi32>
      %squeeze3A_3019 = vector.extract %slice3A_3018[0] : i32 from vector<1xi32>
      %get3A_3020 = arith.index_cast %rem3A_100 : i32 to index
      %get3A_3021 = arith.index_cast %add3A_2907 : i32 to index
      %get3A_3022 = arith.index_cast %squeeze3A_3019 : i32 to index
      %get3A_3023 = arith.constant 48 : index
      %get3A_3024 = tpu.vector_load %arg12[%get3A_3020, %get3A_3021, %get3A_3022, %get3A_3023] {strides = array<i32>} : memref<3x16x8x64xf32, #tpu.memory_space<vmem>>, vector<16xf32>,
      %get3A_3025 = arith.index_cast %rem3A_100 : i32 to index
      %get3A_3026 = arith.index_cast %add3A_2907 : i32 to index
      %get3A_3027 = arith.constant 16 : index
      %get3A_3028 = tpu.vector_load %arg13[%get3A_3025, %get3A_3026, %get3A_3027] {strides = array<i32>} : memref<3x16x128xf32, #tpu.memory_space<vmem>>, vector<16xf32>,
      %get3A_3029 = arith.index_cast %rem3A_100 : i32 to index
      %get3A_3030 = arith.index_cast %add3A_2907 : i32 to index
      %get3A_3031 = arith.constant 48 : index
      %get3A_3032 = tpu.vector_load %arg13[%get3A_3029, %get3A_3030, %get3A_3031] {strides = array<i32>} : memref<3x16x128xf32, #tpu.memory_space<vmem>>, vector<16xf32>,
      %mul3A_3033 = arith.mulf %get3A_3003, %get3A_3028 : vector<16xf32>
      %mul3A_3034 = arith.mulf %get3A_3010, %get3A_3032 : vector<16xf32>
      %sub3A_3035 = arith.subf %mul3A_3033, %mul3A_3034 : vector<16xf32>
      %sub3A_3036 = arith.subf %sub3A_3035, %get3A_3017 : vector<16xf32>
      %mul3A_3037 = arith.mulf %get3A_3003, %get3A_3032 : vector<16xf32>
      %mul3A_3038 = arith.mulf %get3A_3010, %get3A_3028 : vector<16xf32>
      %add3A_3039 = arith.addf %mul3A_3037, %mul3A_3038 : vector<16xf32>
      %sub3A_3040 = arith.subf %add3A_3039, %get3A_3024 : vector<16xf32>
      %mul3A_3041 = arith.mulf %sub3A_3036, %sub3A_3036 : vector<16xf32>
      %mul3A_3042 = arith.mulf %sub3A_3040, %sub3A_3040 : vector<16xf32>
      %add3A_3043 = arith.addf %mul3A_3041, %mul3A_3042 : vector<16xf32>
      %add3A_3044 = arith.constant 9.99999996E-13 : f32
      %add3A_3045 = vector.broadcast %add3A_3044 : f32 to vector<16xf32>
      %add3A_3046 = arith.addf %add3A_3043, %add3A_3045 : vector<16xf32>
      %bitcast_convert_type3A_3047 = tpu.bitcast %add3A_3046 : vector<16xf32> -> vector<16xi32>
      %shift_right_logical3A_3048 = arith.constant 1 : i32
      %shift_right_logical3A_3049 = vector.broadcast %shift_right_logical3A_3048 : i32 to vector<16xi32>
      %shift_right_logical3A_3050 = arith.shrui %bitcast_convert_type3A_3047, %shift_right_logical3A_3049 : vector<16xi32>
      %sub3A_3051 = arith.constant 1597463007 : i32
      %sub3A_3052 = vector.broadcast %sub3A_3051 : i32 to vector<16xi32>
      %sub3A_3053 = arith.subi %sub3A_3052, %shift_right_logical3A_3050 : vector<16xi32>
      %bitcast_convert_type3A_3054 = tpu.bitcast %sub3A_3053 : vector<16xi32> -> vector<16xf32>
      %mul3A_3055 = arith.constant 5.000000e-01 : f32
      %mul3A_3056 = vector.broadcast %mul3A_3055 : f32 to vector<16xf32>
      %mul3A_3057 = arith.mulf %mul3A_3056, %add3A_3046 : vector<16xf32>
      %mul3A_3058 = arith.mulf %mul3A_3057, %bitcast_convert_type3A_3054 : vector<16xf32>
      %mul3A_3059 = arith.mulf %mul3A_3058, %bitcast_convert_type3A_3054 : vector<16xf32>
      %sub3A_3060 = arith.constant 1.500000e+00 : f32
      %sub3A_3061 = vector.broadcast %sub3A_3060 : f32 to vector<16xf32>
      %sub3A_3062 = arith.subf %sub3A_3061, %mul3A_3059 : vector<16xf32>
      %mul3A_3063 = arith.mulf %bitcast_convert_type3A_3054, %sub3A_3062 : vector<16xf32>
      %mul3A_3064 = arith.constant 5.000000e-01 : f32
      %mul3A_3065 = vector.broadcast %mul3A_3064 : f32 to vector<16xf32>
      %mul3A_3066 = arith.mulf %mul3A_3065, %add3A_3046 : vector<16xf32>
      %mul3A_3067 = arith.mulf %mul3A_3066, %mul3A_3063 : vector<16xf32>
      %mul3A_3068 = arith.mulf %mul3A_3067, %mul3A_3063 : vector<16xf32>
      %sub3A_3069 = arith.constant 1.500000e+00 : f32
      %sub3A_3070 = vector.broadcast %sub3A_3069 : f32 to vector<16xf32>
      %sub3A_3071 = arith.subf %sub3A_3070, %mul3A_3068 : vector<16xf32>
      %mul3A_3072 = arith.mulf %mul3A_3063, %sub3A_3071 : vector<16xf32>
      %mul3A_3073 = arith.constant 5.000000e-01 : f32
      %mul3A_3074 = vector.broadcast %mul3A_3073 : f32 to vector<16xf32>
      %mul3A_3075 = arith.mulf %mul3A_3074, %add3A_3046 : vector<16xf32>
      %mul3A_3076 = arith.mulf %mul3A_3075, %mul3A_3072 : vector<16xf32>
      %mul3A_3077 = arith.mulf %mul3A_3076, %mul3A_3072 : vector<16xf32>
      %sub3A_3078 = arith.constant 1.500000e+00 : f32
      %sub3A_3079 = vector.broadcast %sub3A_3078 : f32 to vector<16xf32>
      %sub3A_3080 = arith.subf %sub3A_3079, %mul3A_3077 : vector<16xf32>
      %mul3A_3081 = arith.mulf %mul3A_3072, %sub3A_3080 : vector<16xf32>
      %mul3A_3082 = arith.mulf %add3A_3046, %mul3A_3081 : vector<16xf32>
      %add3A_3083 = arith.addf %add3A_2996, %mul3A_3082 : vector<16xf32>
      %lt3A_3084 = arith.constant 0 : i32
      %lt3A_3085 = vector.broadcast %lt3A_3084 : i32 to vector<16xi32>
      %lt3A_3086 = arith.cmpi slt, %and3A_72, %lt3A_3085 : vector<16xi32>
      %add3A_3087 = arith.constant 16 : i32
      %add3A_3088 = vector.broadcast %add3A_3087 : i32 to vector<16xi32>
      %add3A_3089 = arith.addi %and3A_72, %add3A_3088 : vector<16xi32>
      %select_n3A_3090 = arith.select %lt3A_3086, %add3A_3089, %and3A_72 : vector<16xi1>, vector<16xi32>
      %reshape3A_3091 = vector.shape_cast %select_n3A_3090 : vector<16xi32> to vector<16x1xi32>
      %gather3A_3092 = vector.shape_cast %reshape3A_3091 : vector<16x1xi32> to vector<16xi32>
      %gather3A_3093 = tpu.dynamic_gather %add3A_3083[%gather3A_3092] in [0] : vector<16xf32>, vector<16xi32> -> vector<16xf32>
      %add3A_3094 = arith.addf %add3A_3083, %gather3A_3093 : vector<16xf32>
      %lt3A_3095 = arith.constant 0 : i32
      %lt3A_3096 = vector.broadcast %lt3A_3095 : i32 to vector<16xi32>
      %lt3A_3097 = arith.cmpi slt, %and3A_78, %lt3A_3096 : vector<16xi32>
      %add3A_3098 = arith.constant 16 : i32
      %add3A_3099 = vector.broadcast %add3A_3098 : i32 to vector<16xi32>
      %add3A_3100 = arith.addi %and3A_78, %add3A_3099 : vector<16xi32>
      %select_n3A_3101 = arith.select %lt3A_3097, %add3A_3100, %and3A_78 : vector<16xi1>, vector<16xi32>
      %reshape3A_3102 = vector.shape_cast %select_n3A_3101 : vector<16xi32> to vector<16x1xi32>
      %gather3A_3103 = vector.shape_cast %reshape3A_3102 : vector<16x1xi32> to vector<16xi32>
      %gather3A_3104 = tpu.dynamic_gather %add3A_3094[%gather3A_3103] in [0] : vector<16xf32>, vector<16xi32> -> vector<16xf32>
      %add3A_3105 = arith.addf %add3A_3094, %gather3A_3104 : vector<16xf32>
      %lt3A_3106 = arith.constant 0 : i32
      %lt3A_3107 = vector.broadcast %lt3A_3106 : i32 to vector<16xi32>
      %lt3A_3108 = arith.cmpi slt, %and3A_84, %lt3A_3107 : vector<16xi32>
      %add3A_3109 = arith.constant 16 : i32
      %add3A_3110 = vector.broadcast %add3A_3109 : i32 to vector<16xi32>
      %add3A_3111 = arith.addi %and3A_84, %add3A_3110 : vector<16xi32>
      %select_n3A_3112 = arith.select %lt3A_3108, %add3A_3111, %and3A_84 : vector<16xi1>, vector<16xi32>
      %reshape3A_3113 = vector.shape_cast %select_n3A_3112 : vector<16xi32> to vector<16x1xi32>
      %gather3A_3114 = vector.shape_cast %reshape3A_3113 : vector<16x1xi32> to vector<16xi32>
      %gather3A_3115 = tpu.dynamic_gather %add3A_3105[%gather3A_3114] in [0] : vector<16xf32>, vector<16xi32> -> vector<16xf32>
      %add3A_3116 = arith.addf %add3A_3105, %gather3A_3115 : vector<16xf32>
      %lt3A_3117 = arith.constant 0 : i32
      %lt3A_3118 = vector.broadcast %lt3A_3117 : i32 to vector<16xi32>
      %lt3A_3119 = arith.cmpi slt, %and3A_90, %lt3A_3118 : vector<16xi32>
      %add3A_3120 = arith.constant 16 : i32
      %add3A_3121 = vector.broadcast %add3A_3120 : i32 to vector<16xi32>
      %add3A_3122 = arith.addi %and3A_90, %add3A_3121 : vector<16xi32>
      %select_n3A_3123 = arith.select %lt3A_3119, %add3A_3122, %and3A_90 : vector<16xi1>, vector<16xi32>
      %reshape3A_3124 = vector.shape_cast %select_n3A_3123 : vector<16xi32> to vector<16x1xi32>
      %gather3A_3125 = vector.shape_cast %reshape3A_3124 : vector<16x1xi32> to vector<16xi32>
      %gather3A_3126 = tpu.dynamic_gather %add3A_3116[%gather3A_3125] in [0] : vector<16xf32>, vector<16xi32> -> vector<16xf32>
      %add3A_3127 = arith.addf %add3A_3116, %gather3A_3126 : vector<16xf32>
      %eq3A_3128 = arith.constant 12 : i32
      %eq3A_3129 = vector.broadcast %eq3A_3128 : i32 to vector<16xi32>
      %eq3A_3130 = arith.cmpi eq, %iota3A, %eq3A_3129 : vector<16xi32>
      %select_n3A_3131 = arith.select %eq3A_3130, %add3A_3127, %select_n3A_2903 : vector<16xi1>, vector<16xf32>
      %mul3A_3132 = arith.constant 16 : i32
      %mul3A_3133 = arith.muli %scan3A_157, %mul3A_3132 : i32
      %add3A_3134 = arith.constant 13 : i32
      %add3A_3135 = arith.addi %mul3A_3133, %add3A_3134 : i32
      %broadcast_in_dim3A_3136 = arith.constant 0.000000e+00 : f32
      %broadcast_in_dim3A_3137 = vector.broadcast %broadcast_in_dim3A_3136 : f32 to vector<16xf32>
      %slice3A_3138 = vector.extract_strided_slice %and3A_166 {offsets = [13], sizes = [1], strides = [1]} : vector<16xi32> to vector<1xi32>
      %squeeze3A_3139 = vector.extract %slice3A_3138[0] : i32 from vector<1xi32>
      %get3A_3140 = arith.index_cast %rem3A_100 : i32 to index
      %get3A_3141 = arith.index_cast %add3A_3135 : i32 to index
      %get3A_3142 = arith.index_cast %squeeze3A_3139 : i32 to index
      %get3A_3143 = arith.constant 0 : index
      %get3A_3144 = tpu.vector_load %arg11[%get3A_3140, %get3A_3141, %get3A_3142, %get3A_3143] {strides = array<i32>} : memref<3x16x8x64xf32, #tpu.memory_space<vmem>>, vector<16xf32>,
      %slice3A_3145 = vector.extract_strided_slice %and3A_166 {offsets = [13], sizes = [1], strides = [1]} : vector<16xi32> to vector<1xi32>
      %squeeze3A_3146 = vector.extract %slice3A_3145[0] : i32 from vector<1xi32>
      %get3A_3147 = arith.index_cast %rem3A_100 : i32 to index
      %get3A_3148 = arith.index_cast %add3A_3135 : i32 to index
      %get3A_3149 = arith.index_cast %squeeze3A_3146 : i32 to index
      %get3A_3150 = arith.constant 32 : index
      %get3A_3151 = tpu.vector_load %arg11[%get3A_3147, %get3A_3148, %get3A_3149, %get3A_3150] {strides = array<i32>} : memref<3x16x8x64xf32, #tpu.memory_space<vmem>>, vector<16xf32>,
      %slice3A_3152 = vector.extract_strided_slice %and3A_176 {offsets = [13], sizes = [1], strides = [1]} : vector<16xi32> to vector<1xi32>
      %squeeze3A_3153 = vector.extract %slice3A_3152[0] : i32 from vector<1xi32>
      %get3A_3154 = arith.index_cast %rem3A_100 : i32 to index
      %get3A_3155 = arith.index_cast %add3A_3135 : i32 to index
      %get3A_3156 = arith.index_cast %squeeze3A_3153 : i32 to index
      %get3A_3157 = arith.constant 0 : index
      %get3A_3158 = tpu.vector_load %arg12[%get3A_3154, %get3A_3155, %get3A_3156, %get3A_3157] {strides = array<i32>} : memref<3x16x8x64xf32, #tpu.memory_space<vmem>>, vector<16xf32>,
      %slice3A_3159 = vector.extract_strided_slice %and3A_176 {offsets = [13], sizes = [1], strides = [1]} : vector<16xi32> to vector<1xi32>
      %squeeze3A_3160 = vector.extract %slice3A_3159[0] : i32 from vector<1xi32>
      %get3A_3161 = arith.index_cast %rem3A_100 : i32 to index
      %get3A_3162 = arith.index_cast %add3A_3135 : i32 to index
      %get3A_3163 = arith.index_cast %squeeze3A_3160 : i32 to index
      %get3A_3164 = arith.constant 32 : index
      %get3A_3165 = tpu.vector_load %arg12[%get3A_3161, %get3A_3162, %get3A_3163, %get3A_3164] {strides = array<i32>} : memref<3x16x8x64xf32, #tpu.memory_space<vmem>>, vector<16xf32>,
      %get3A_3166 = arith.index_cast %rem3A_100 : i32 to index
      %get3A_3167 = arith.index_cast %add3A_3135 : i32 to index
      %get3A_3168 = arith.constant 0 : index
      %get3A_3169 = tpu.vector_load %arg13[%get3A_3166, %get3A_3167, %get3A_3168] {strides = array<i32>} : memref<3x16x128xf32, #tpu.memory_space<vmem>>, vector<16xf32>,
      %get3A_3170 = arith.index_cast %rem3A_100 : i32 to index
      %get3A_3171 = arith.index_cast %add3A_3135 : i32 to index
      %get3A_3172 = arith.constant 32 : index
      %get3A_3173 = tpu.vector_load %arg13[%get3A_3170, %get3A_3171, %get3A_3172] {strides = array<i32>} : memref<3x16x128xf32, #tpu.memory_space<vmem>>, vector<16xf32>,
      %mul3A_3174 = arith.mulf %get3A_3144, %get3A_3169 : vector<16xf32>
      %mul3A_3175 = arith.mulf %get3A_3151, %get3A_3173 : vector<16xf32>
      %sub3A_3176 = arith.subf %mul3A_3174, %mul3A_3175 : vector<16xf32>
      %sub3A_3177 = arith.subf %sub3A_3176, %get3A_3158 : vector<16xf32>
      %mul3A_3178 = arith.mulf %get3A_3144, %get3A_3173 : vector<16xf32>
      %mul3A_3179 = arith.mulf %get3A_3151, %get3A_3169 : vector<16xf32>
      %add3A_3180 = arith.addf %mul3A_3178, %mul3A_3179 : vector<16xf32>
      %sub3A_3181 = arith.subf %add3A_3180, %get3A_3165 : vector<16xf32>
      %mul3A_3182 = arith.mulf %sub3A_3177, %sub3A_3177 : vector<16xf32>
      %mul3A_3183 = arith.mulf %sub3A_3181, %sub3A_3181 : vector<16xf32>
      %add3A_3184 = arith.addf %mul3A_3182, %mul3A_3183 : vector<16xf32>
      %add3A_3185 = arith.constant 9.99999996E-13 : f32
      %add3A_3186 = vector.broadcast %add3A_3185 : f32 to vector<16xf32>
      %add3A_3187 = arith.addf %add3A_3184, %add3A_3186 : vector<16xf32>
      %bitcast_convert_type3A_3188 = tpu.bitcast %add3A_3187 : vector<16xf32> -> vector<16xi32>
      %shift_right_logical3A_3189 = arith.constant 1 : i32
      %shift_right_logical3A_3190 = vector.broadcast %shift_right_logical3A_3189 : i32 to vector<16xi32>
      %shift_right_logical3A_3191 = arith.shrui %bitcast_convert_type3A_3188, %shift_right_logical3A_3190 : vector<16xi32>
      %sub3A_3192 = arith.constant 1597463007 : i32
      %sub3A_3193 = vector.broadcast %sub3A_3192 : i32 to vector<16xi32>
      %sub3A_3194 = arith.subi %sub3A_3193, %shift_right_logical3A_3191 : vector<16xi32>
      %bitcast_convert_type3A_3195 = tpu.bitcast %sub3A_3194 : vector<16xi32> -> vector<16xf32>
      %mul3A_3196 = arith.constant 5.000000e-01 : f32
      %mul3A_3197 = vector.broadcast %mul3A_3196 : f32 to vector<16xf32>
      %mul3A_3198 = arith.mulf %mul3A_3197, %add3A_3187 : vector<16xf32>
      %mul3A_3199 = arith.mulf %mul3A_3198, %bitcast_convert_type3A_3195 : vector<16xf32>
      %mul3A_3200 = arith.mulf %mul3A_3199, %bitcast_convert_type3A_3195 : vector<16xf32>
      %sub3A_3201 = arith.constant 1.500000e+00 : f32
      %sub3A_3202 = vector.broadcast %sub3A_3201 : f32 to vector<16xf32>
      %sub3A_3203 = arith.subf %sub3A_3202, %mul3A_3200 : vector<16xf32>
      %mul3A_3204 = arith.mulf %bitcast_convert_type3A_3195, %sub3A_3203 : vector<16xf32>
      %mul3A_3205 = arith.constant 5.000000e-01 : f32
      %mul3A_3206 = vector.broadcast %mul3A_3205 : f32 to vector<16xf32>
      %mul3A_3207 = arith.mulf %mul3A_3206, %add3A_3187 : vector<16xf32>
      %mul3A_3208 = arith.mulf %mul3A_3207, %mul3A_3204 : vector<16xf32>
      %mul3A_3209 = arith.mulf %mul3A_3208, %mul3A_3204 : vector<16xf32>
      %sub3A_3210 = arith.constant 1.500000e+00 : f32
      %sub3A_3211 = vector.broadcast %sub3A_3210 : f32 to vector<16xf32>
      %sub3A_3212 = arith.subf %sub3A_3211, %mul3A_3209 : vector<16xf32>
      %mul3A_3213 = arith.mulf %mul3A_3204, %sub3A_3212 : vector<16xf32>
      %mul3A_3214 = arith.constant 5.000000e-01 : f32
      %mul3A_3215 = vector.broadcast %mul3A_3214 : f32 to vector<16xf32>
      %mul3A_3216 = arith.mulf %mul3A_3215, %add3A_3187 : vector<16xf32>
      %mul3A_3217 = arith.mulf %mul3A_3216, %mul3A_3213 : vector<16xf32>
      %mul3A_3218 = arith.mulf %mul3A_3217, %mul3A_3213 : vector<16xf32>
      %sub3A_3219 = arith.constant 1.500000e+00 : f32
      %sub3A_3220 = vector.broadcast %sub3A_3219 : f32 to vector<16xf32>
      %sub3A_3221 = arith.subf %sub3A_3220, %mul3A_3218 : vector<16xf32>
      %mul3A_3222 = arith.mulf %mul3A_3213, %sub3A_3221 : vector<16xf32>
      %mul3A_3223 = arith.mulf %add3A_3187, %mul3A_3222 : vector<16xf32>
      %add3A_3224 = arith.addf %broadcast_in_dim3A_3137, %mul3A_3223 : vector<16xf32>
      %slice3A_3225 = vector.extract_strided_slice %and3A_166 {offsets = [13], sizes = [1], strides = [1]} : vector<16xi32> to vector<1xi32>
      %squeeze3A_3226 = vector.extract %slice3A_3225[0] : i32 from vector<1xi32>
      %get3A_3227 = arith.index_cast %rem3A_100 : i32 to index
      %get3A_3228 = arith.index_cast %add3A_3135 : i32 to index
      %get3A_3229 = arith.index_cast %squeeze3A_3226 : i32 to index
      %get3A_3230 = arith.constant 16 : index
      %get3A_3231 = tpu.vector_load %arg11[%get3A_3227, %get3A_3228, %get3A_3229, %get3A_3230] {strides = array<i32>} : memref<3x16x8x64xf32, #tpu.memory_space<vmem>>, vector<16xf32>,
      %slice3A_3232 = vector.extract_strided_slice %and3A_166 {offsets = [13], sizes = [1], strides = [1]} : vector<16xi32> to vector<1xi32>
      %squeeze3A_3233 = vector.extract %slice3A_3232[0] : i32 from vector<1xi32>
      %get3A_3234 = arith.index_cast %rem3A_100 : i32 to index
      %get3A_3235 = arith.index_cast %add3A_3135 : i32 to index
      %get3A_3236 = arith.index_cast %squeeze3A_3233 : i32 to index
      %get3A_3237 = arith.constant 48 : index
      %get3A_3238 = tpu.vector_load %arg11[%get3A_3234, %get3A_3235, %get3A_3236, %get3A_3237] {strides = array<i32>} : memref<3x16x8x64xf32, #tpu.memory_space<vmem>>, vector<16xf32>,
      %slice3A_3239 = vector.extract_strided_slice %and3A_176 {offsets = [13], sizes = [1], strides = [1]} : vector<16xi32> to vector<1xi32>
      %squeeze3A_3240 = vector.extract %slice3A_3239[0] : i32 from vector<1xi32>
      %get3A_3241 = arith.index_cast %rem3A_100 : i32 to index
      %get3A_3242 = arith.index_cast %add3A_3135 : i32 to index
      %get3A_3243 = arith.index_cast %squeeze3A_3240 : i32 to index
      %get3A_3244 = arith.constant 16 : index
      %get3A_3245 = tpu.vector_load %arg12[%get3A_3241, %get3A_3242, %get3A_3243, %get3A_3244] {strides = array<i32>} : memref<3x16x8x64xf32, #tpu.memory_space<vmem>>, vector<16xf32>,
      %slice3A_3246 = vector.extract_strided_slice %and3A_176 {offsets = [13], sizes = [1], strides = [1]} : vector<16xi32> to vector<1xi32>
      %squeeze3A_3247 = vector.extract %slice3A_3246[0] : i32 from vector<1xi32>
      %get3A_3248 = arith.index_cast %rem3A_100 : i32 to index
      %get3A_3249 = arith.index_cast %add3A_3135 : i32 to index
      %get3A_3250 = arith.index_cast %squeeze3A_3247 : i32 to index
      %get3A_3251 = arith.constant 48 : index
      %get3A_3252 = tpu.vector_load %arg12[%get3A_3248, %get3A_3249, %get3A_3250, %get3A_3251] {strides = array<i32>} : memref<3x16x8x64xf32, #tpu.memory_space<vmem>>, vector<16xf32>,
      %get3A_3253 = arith.index_cast %rem3A_100 : i32 to index
      %get3A_3254 = arith.index_cast %add3A_3135 : i32 to index
      %get3A_3255 = arith.constant 16 : index
      %get3A_3256 = tpu.vector_load %arg13[%get3A_3253, %get3A_3254, %get3A_3255] {strides = array<i32>} : memref<3x16x128xf32, #tpu.memory_space<vmem>>, vector<16xf32>,
      %get3A_3257 = arith.index_cast %rem3A_100 : i32 to index
      %get3A_3258 = arith.index_cast %add3A_3135 : i32 to index
      %get3A_3259 = arith.constant 48 : index
      %get3A_3260 = tpu.vector_load %arg13[%get3A_3257, %get3A_3258, %get3A_3259] {strides = array<i32>} : memref<3x16x128xf32, #tpu.memory_space<vmem>>, vector<16xf32>,
      %mul3A_3261 = arith.mulf %get3A_3231, %get3A_3256 : vector<16xf32>
      %mul3A_3262 = arith.mulf %get3A_3238, %get3A_3260 : vector<16xf32>
      %sub3A_3263 = arith.subf %mul3A_3261, %mul3A_3262 : vector<16xf32>
      %sub3A_3264 = arith.subf %sub3A_3263, %get3A_3245 : vector<16xf32>
      %mul3A_3265 = arith.mulf %get3A_3231, %get3A_3260 : vector<16xf32>
      %mul3A_3266 = arith.mulf %get3A_3238, %get3A_3256 : vector<16xf32>
      %add3A_3267 = arith.addf %mul3A_3265, %mul3A_3266 : vector<16xf32>
      %sub3A_3268 = arith.subf %add3A_3267, %get3A_3252 : vector<16xf32>
      %mul3A_3269 = arith.mulf %sub3A_3264, %sub3A_3264 : vector<16xf32>
      %mul3A_3270 = arith.mulf %sub3A_3268, %sub3A_3268 : vector<16xf32>
      %add3A_3271 = arith.addf %mul3A_3269, %mul3A_3270 : vector<16xf32>
      %add3A_3272 = arith.constant 9.99999996E-13 : f32
      %add3A_3273 = vector.broadcast %add3A_3272 : f32 to vector<16xf32>
      %add3A_3274 = arith.addf %add3A_3271, %add3A_3273 : vector<16xf32>
      %bitcast_convert_type3A_3275 = tpu.bitcast %add3A_3274 : vector<16xf32> -> vector<16xi32>
      %shift_right_logical3A_3276 = arith.constant 1 : i32
      %shift_right_logical3A_3277 = vector.broadcast %shift_right_logical3A_3276 : i32 to vector<16xi32>
      %shift_right_logical3A_3278 = arith.shrui %bitcast_convert_type3A_3275, %shift_right_logical3A_3277 : vector<16xi32>
      %sub3A_3279 = arith.constant 1597463007 : i32
      %sub3A_3280 = vector.broadcast %sub3A_3279 : i32 to vector<16xi32>
      %sub3A_3281 = arith.subi %sub3A_3280, %shift_right_logical3A_3278 : vector<16xi32>
      %bitcast_convert_type3A_3282 = tpu.bitcast %sub3A_3281 : vector<16xi32> -> vector<16xf32>
      %mul3A_3283 = arith.constant 5.000000e-01 : f32
      %mul3A_3284 = vector.broadcast %mul3A_3283 : f32 to vector<16xf32>
      %mul3A_3285 = arith.mulf %mul3A_3284, %add3A_3274 : vector<16xf32>
      %mul3A_3286 = arith.mulf %mul3A_3285, %bitcast_convert_type3A_3282 : vector<16xf32>
      %mul3A_3287 = arith.mulf %mul3A_3286, %bitcast_convert_type3A_3282 : vector<16xf32>
      %sub3A_3288 = arith.constant 1.500000e+00 : f32
      %sub3A_3289 = vector.broadcast %sub3A_3288 : f32 to vector<16xf32>
      %sub3A_3290 = arith.subf %sub3A_3289, %mul3A_3287 : vector<16xf32>
      %mul3A_3291 = arith.mulf %bitcast_convert_type3A_3282, %sub3A_3290 : vector<16xf32>
      %mul3A_3292 = arith.constant 5.000000e-01 : f32
      %mul3A_3293 = vector.broadcast %mul3A_3292 : f32 to vector<16xf32>
      %mul3A_3294 = arith.mulf %mul3A_3293, %add3A_3274 : vector<16xf32>
      %mul3A_3295 = arith.mulf %mul3A_3294, %mul3A_3291 : vector<16xf32>
      %mul3A_3296 = arith.mulf %mul3A_3295, %mul3A_3291 : vector<16xf32>
      %sub3A_3297 = arith.constant 1.500000e+00 : f32
      %sub3A_3298 = vector.broadcast %sub3A_3297 : f32 to vector<16xf32>
      %sub3A_3299 = arith.subf %sub3A_3298, %mul3A_3296 : vector<16xf32>
      %mul3A_3300 = arith.mulf %mul3A_3291, %sub3A_3299 : vector<16xf32>
      %mul3A_3301 = arith.constant 5.000000e-01 : f32
      %mul3A_3302 = vector.broadcast %mul3A_3301 : f32 to vector<16xf32>
      %mul3A_3303 = arith.mulf %mul3A_3302, %add3A_3274 : vector<16xf32>
      %mul3A_3304 = arith.mulf %mul3A_3303, %mul3A_3300 : vector<16xf32>
      %mul3A_3305 = arith.mulf %mul3A_3304, %mul3A_3300 : vector<16xf32>
      %sub3A_3306 = arith.constant 1.500000e+00 : f32
      %sub3A_3307 = vector.broadcast %sub3A_3306 : f32 to vector<16xf32>
      %sub3A_3308 = arith.subf %sub3A_3307, %mul3A_3305 : vector<16xf32>
      %mul3A_3309 = arith.mulf %mul3A_3300, %sub3A_3308 : vector<16xf32>
      %mul3A_3310 = arith.mulf %add3A_3274, %mul3A_3309 : vector<16xf32>
      %add3A_3311 = arith.addf %add3A_3224, %mul3A_3310 : vector<16xf32>
      %lt3A_3312 = arith.constant 0 : i32
      %lt3A_3313 = vector.broadcast %lt3A_3312 : i32 to vector<16xi32>
      %lt3A_3314 = arith.cmpi slt, %and3A_72, %lt3A_3313 : vector<16xi32>
      %add3A_3315 = arith.constant 16 : i32
      %add3A_3316 = vector.broadcast %add3A_3315 : i32 to vector<16xi32>
      %add3A_3317 = arith.addi %and3A_72, %add3A_3316 : vector<16xi32>
      %select_n3A_3318 = arith.select %lt3A_3314, %add3A_3317, %and3A_72 : vector<16xi1>, vector<16xi32>
      %reshape3A_3319 = vector.shape_cast %select_n3A_3318 : vector<16xi32> to vector<16x1xi32>
      %gather3A_3320 = vector.shape_cast %reshape3A_3319 : vector<16x1xi32> to vector<16xi32>
      %gather3A_3321 = tpu.dynamic_gather %add3A_3311[%gather3A_3320] in [0] : vector<16xf32>, vector<16xi32> -> vector<16xf32>
      %add3A_3322 = arith.addf %add3A_3311, %gather3A_3321 : vector<16xf32>
      %lt3A_3323 = arith.constant 0 : i32
      %lt3A_3324 = vector.broadcast %lt3A_3323 : i32 to vector<16xi32>
      %lt3A_3325 = arith.cmpi slt, %and3A_78, %lt3A_3324 : vector<16xi32>
      %add3A_3326 = arith.constant 16 : i32
      %add3A_3327 = vector.broadcast %add3A_3326 : i32 to vector<16xi32>
      %add3A_3328 = arith.addi %and3A_78, %add3A_3327 : vector<16xi32>
      %select_n3A_3329 = arith.select %lt3A_3325, %add3A_3328, %and3A_78 : vector<16xi1>, vector<16xi32>
      %reshape3A_3330 = vector.shape_cast %select_n3A_3329 : vector<16xi32> to vector<16x1xi32>
      %gather3A_3331 = vector.shape_cast %reshape3A_3330 : vector<16x1xi32> to vector<16xi32>
      %gather3A_3332 = tpu.dynamic_gather %add3A_3322[%gather3A_3331] in [0] : vector<16xf32>, vector<16xi32> -> vector<16xf32>
      %add3A_3333 = arith.addf %add3A_3322, %gather3A_3332 : vector<16xf32>
      %lt3A_3334 = arith.constant 0 : i32
      %lt3A_3335 = vector.broadcast %lt3A_3334 : i32 to vector<16xi32>
      %lt3A_3336 = arith.cmpi slt, %and3A_84, %lt3A_3335 : vector<16xi32>
      %add3A_3337 = arith.constant 16 : i32
      %add3A_3338 = vector.broadcast %add3A_3337 : i32 to vector<16xi32>
      %add3A_3339 = arith.addi %and3A_84, %add3A_3338 : vector<16xi32>
      %select_n3A_3340 = arith.select %lt3A_3336, %add3A_3339, %and3A_84 : vector<16xi1>, vector<16xi32>
      %reshape3A_3341 = vector.shape_cast %select_n3A_3340 : vector<16xi32> to vector<16x1xi32>
      %gather3A_3342 = vector.shape_cast %reshape3A_3341 : vector<16x1xi32> to vector<16xi32>
      %gather3A_3343 = tpu.dynamic_gather %add3A_3333[%gather3A_3342] in [0] : vector<16xf32>, vector<16xi32> -> vector<16xf32>
      %add3A_3344 = arith.addf %add3A_3333, %gather3A_3343 : vector<16xf32>
      %lt3A_3345 = arith.constant 0 : i32
      %lt3A_3346 = vector.broadcast %lt3A_3345 : i32 to vector<16xi32>
      %lt3A_3347 = arith.cmpi slt, %and3A_90, %lt3A_3346 : vector<16xi32>
      %add3A_3348 = arith.constant 16 : i32
      %add3A_3349 = vector.broadcast %add3A_3348 : i32 to vector<16xi32>
      %add3A_3350 = arith.addi %and3A_90, %add3A_3349 : vector<16xi32>
      %select_n3A_3351 = arith.select %lt3A_3347, %add3A_3350, %and3A_90 : vector<16xi1>, vector<16xi32>
      %reshape3A_3352 = vector.shape_cast %select_n3A_3351 : vector<16xi32> to vector<16x1xi32>
      %gather3A_3353 = vector.shape_cast %reshape3A_3352 : vector<16x1xi32> to vector<16xi32>
      %gather3A_3354 = tpu.dynamic_gather %add3A_3344[%gather3A_3353] in [0] : vector<16xf32>, vector<16xi32> -> vector<16xf32>
      %add3A_3355 = arith.addf %add3A_3344, %gather3A_3354 : vector<16xf32>
      %eq3A_3356 = arith.constant 13 : i32
      %eq3A_3357 = vector.broadcast %eq3A_3356 : i32 to vector<16xi32>
      %eq3A_3358 = arith.cmpi eq, %iota3A, %eq3A_3357 : vector<16xi32>
      %select_n3A_3359 = arith.select %eq3A_3358, %add3A_3355, %select_n3A_3131 : vector<16xi1>, vector<16xf32>
      %mul3A_3360 = arith.constant 16 : i32
      %mul3A_3361 = arith.muli %scan3A_157, %mul3A_3360 : i32
      %add3A_3362 = arith.constant 14 : i32
      %add3A_3363 = arith.addi %mul3A_3361, %add3A_3362 : i32
      %broadcast_in_dim3A_3364 = arith.constant 0.000000e+00 : f32
      %broadcast_in_dim3A_3365 = vector.broadcast %broadcast_in_dim3A_3364 : f32 to vector<16xf32>
      %slice3A_3366 = vector.extract_strided_slice %and3A_166 {offsets = [14], sizes = [1], strides = [1]} : vector<16xi32> to vector<1xi32>
      %squeeze3A_3367 = vector.extract %slice3A_3366[0] : i32 from vector<1xi32>
      %get3A_3368 = arith.index_cast %rem3A_100 : i32 to index
      %get3A_3369 = arith.index_cast %add3A_3363 : i32 to index
      %get3A_3370 = arith.index_cast %squeeze3A_3367 : i32 to index
      %get3A_3371 = arith.constant 0 : index
      %get3A_3372 = tpu.vector_load %arg11[%get3A_3368, %get3A_3369, %get3A_3370, %get3A_3371] {strides = array<i32>} : memref<3x16x8x64xf32, #tpu.memory_space<vmem>>, vector<16xf32>,
      %slice3A_3373 = vector.extract_strided_slice %and3A_166 {offsets = [14], sizes = [1], strides = [1]} : vector<16xi32> to vector<1xi32>
      %squeeze3A_3374 = vector.extract %slice3A_3373[0] : i32 from vector<1xi32>
      %get3A_3375 = arith.index_cast %rem3A_100 : i32 to index
      %get3A_3376 = arith.index_cast %add3A_3363 : i32 to index
      %get3A_3377 = arith.index_cast %squeeze3A_3374 : i32 to index
      %get3A_3378 = arith.constant 32 : index
      %get3A_3379 = tpu.vector_load %arg11[%get3A_3375, %get3A_3376, %get3A_3377, %get3A_3378] {strides = array<i32>} : memref<3x16x8x64xf32, #tpu.memory_space<vmem>>, vector<16xf32>,
      %slice3A_3380 = vector.extract_strided_slice %and3A_176 {offsets = [14], sizes = [1], strides = [1]} : vector<16xi32> to vector<1xi32>
      %squeeze3A_3381 = vector.extract %slice3A_3380[0] : i32 from vector<1xi32>
      %get3A_3382 = arith.index_cast %rem3A_100 : i32 to index
      %get3A_3383 = arith.index_cast %add3A_3363 : i32 to index
      %get3A_3384 = arith.index_cast %squeeze3A_3381 : i32 to index
      %get3A_3385 = arith.constant 0 : index
      %get3A_3386 = tpu.vector_load %arg12[%get3A_3382, %get3A_3383, %get3A_3384, %get3A_3385] {strides = array<i32>} : memref<3x16x8x64xf32, #tpu.memory_space<vmem>>, vector<16xf32>,
      %slice3A_3387 = vector.extract_strided_slice %and3A_176 {offsets = [14], sizes = [1], strides = [1]} : vector<16xi32> to vector<1xi32>
      %squeeze3A_3388 = vector.extract %slice3A_3387[0] : i32 from vector<1xi32>
      %get3A_3389 = arith.index_cast %rem3A_100 : i32 to index
      %get3A_3390 = arith.index_cast %add3A_3363 : i32 to index
      %get3A_3391 = arith.index_cast %squeeze3A_3388 : i32 to index
      %get3A_3392 = arith.constant 32 : index
      %get3A_3393 = tpu.vector_load %arg12[%get3A_3389, %get3A_3390, %get3A_3391, %get3A_3392] {strides = array<i32>} : memref<3x16x8x64xf32, #tpu.memory_space<vmem>>, vector<16xf32>,
      %get3A_3394 = arith.index_cast %rem3A_100 : i32 to index
      %get3A_3395 = arith.index_cast %add3A_3363 : i32 to index
      %get3A_3396 = arith.constant 0 : index
      %get3A_3397 = tpu.vector_load %arg13[%get3A_3394, %get3A_3395, %get3A_3396] {strides = array<i32>} : memref<3x16x128xf32, #tpu.memory_space<vmem>>, vector<16xf32>,
      %get3A_3398 = arith.index_cast %rem3A_100 : i32 to index
      %get3A_3399 = arith.index_cast %add3A_3363 : i32 to index
      %get3A_3400 = arith.constant 32 : index
      %get3A_3401 = tpu.vector_load %arg13[%get3A_3398, %get3A_3399, %get3A_3400] {strides = array<i32>} : memref<3x16x128xf32, #tpu.memory_space<vmem>>, vector<16xf32>,
      %mul3A_3402 = arith.mulf %get3A_3372, %get3A_3397 : vector<16xf32>
      %mul3A_3403 = arith.mulf %get3A_3379, %get3A_3401 : vector<16xf32>
      %sub3A_3404 = arith.subf %mul3A_3402, %mul3A_3403 : vector<16xf32>
      %sub3A_3405 = arith.subf %sub3A_3404, %get3A_3386 : vector<16xf32>
      %mul3A_3406 = arith.mulf %get3A_3372, %get3A_3401 : vector<16xf32>
      %mul3A_3407 = arith.mulf %get3A_3379, %get3A_3397 : vector<16xf32>
      %add3A_3408 = arith.addf %mul3A_3406, %mul3A_3407 : vector<16xf32>
      %sub3A_3409 = arith.subf %add3A_3408, %get3A_3393 : vector<16xf32>
      %mul3A_3410 = arith.mulf %sub3A_3405, %sub3A_3405 : vector<16xf32>
      %mul3A_3411 = arith.mulf %sub3A_3409, %sub3A_3409 : vector<16xf32>
      %add3A_3412 = arith.addf %mul3A_3410, %mul3A_3411 : vector<16xf32>
      %add3A_3413 = arith.constant 9.99999996E-13 : f32
      %add3A_3414 = vector.broadcast %add3A_3413 : f32 to vector<16xf32>
      %add3A_3415 = arith.addf %add3A_3412, %add3A_3414 : vector<16xf32>
      %bitcast_convert_type3A_3416 = tpu.bitcast %add3A_3415 : vector<16xf32> -> vector<16xi32>
      %shift_right_logical3A_3417 = arith.constant 1 : i32
      %shift_right_logical3A_3418 = vector.broadcast %shift_right_logical3A_3417 : i32 to vector<16xi32>
      %shift_right_logical3A_3419 = arith.shrui %bitcast_convert_type3A_3416, %shift_right_logical3A_3418 : vector<16xi32>
      %sub3A_3420 = arith.constant 1597463007 : i32
      %sub3A_3421 = vector.broadcast %sub3A_3420 : i32 to vector<16xi32>
      %sub3A_3422 = arith.subi %sub3A_3421, %shift_right_logical3A_3419 : vector<16xi32>
      %bitcast_convert_type3A_3423 = tpu.bitcast %sub3A_3422 : vector<16xi32> -> vector<16xf32>
      %mul3A_3424 = arith.constant 5.000000e-01 : f32
      %mul3A_3425 = vector.broadcast %mul3A_3424 : f32 to vector<16xf32>
      %mul3A_3426 = arith.mulf %mul3A_3425, %add3A_3415 : vector<16xf32>
      %mul3A_3427 = arith.mulf %mul3A_3426, %bitcast_convert_type3A_3423 : vector<16xf32>
      %mul3A_3428 = arith.mulf %mul3A_3427, %bitcast_convert_type3A_3423 : vector<16xf32>
      %sub3A_3429 = arith.constant 1.500000e+00 : f32
      %sub3A_3430 = vector.broadcast %sub3A_3429 : f32 to vector<16xf32>
      %sub3A_3431 = arith.subf %sub3A_3430, %mul3A_3428 : vector<16xf32>
      %mul3A_3432 = arith.mulf %bitcast_convert_type3A_3423, %sub3A_3431 : vector<16xf32>
      %mul3A_3433 = arith.constant 5.000000e-01 : f32
      %mul3A_3434 = vector.broadcast %mul3A_3433 : f32 to vector<16xf32>
      %mul3A_3435 = arith.mulf %mul3A_3434, %add3A_3415 : vector<16xf32>
      %mul3A_3436 = arith.mulf %mul3A_3435, %mul3A_3432 : vector<16xf32>
      %mul3A_3437 = arith.mulf %mul3A_3436, %mul3A_3432 : vector<16xf32>
      %sub3A_3438 = arith.constant 1.500000e+00 : f32
      %sub3A_3439 = vector.broadcast %sub3A_3438 : f32 to vector<16xf32>
      %sub3A_3440 = arith.subf %sub3A_3439, %mul3A_3437 : vector<16xf32>
      %mul3A_3441 = arith.mulf %mul3A_3432, %sub3A_3440 : vector<16xf32>
      %mul3A_3442 = arith.constant 5.000000e-01 : f32
      %mul3A_3443 = vector.broadcast %mul3A_3442 : f32 to vector<16xf32>
      %mul3A_3444 = arith.mulf %mul3A_3443, %add3A_3415 : vector<16xf32>
      %mul3A_3445 = arith.mulf %mul3A_3444, %mul3A_3441 : vector<16xf32>
      %mul3A_3446 = arith.mulf %mul3A_3445, %mul3A_3441 : vector<16xf32>
      %sub3A_3447 = arith.constant 1.500000e+00 : f32
      %sub3A_3448 = vector.broadcast %sub3A_3447 : f32 to vector<16xf32>
      %sub3A_3449 = arith.subf %sub3A_3448, %mul3A_3446 : vector<16xf32>
      %mul3A_3450 = arith.mulf %mul3A_3441, %sub3A_3449 : vector<16xf32>
      %mul3A_3451 = arith.mulf %add3A_3415, %mul3A_3450 : vector<16xf32>
      %add3A_3452 = arith.addf %broadcast_in_dim3A_3365, %mul3A_3451 : vector<16xf32>
      %slice3A_3453 = vector.extract_strided_slice %and3A_166 {offsets = [14], sizes = [1], strides = [1]} : vector<16xi32> to vector<1xi32>
      %squeeze3A_3454 = vector.extract %slice3A_3453[0] : i32 from vector<1xi32>
      %get3A_3455 = arith.index_cast %rem3A_100 : i32 to index
      %get3A_3456 = arith.index_cast %add3A_3363 : i32 to index
      %get3A_3457 = arith.index_cast %squeeze3A_3454 : i32 to index
      %get3A_3458 = arith.constant 16 : index
      %get3A_3459 = tpu.vector_load %arg11[%get3A_3455, %get3A_3456, %get3A_3457, %get3A_3458] {strides = array<i32>} : memref<3x16x8x64xf32, #tpu.memory_space<vmem>>, vector<16xf32>,
      %slice3A_3460 = vector.extract_strided_slice %and3A_166 {offsets = [14], sizes = [1], strides = [1]} : vector<16xi32> to vector<1xi32>
      %squeeze3A_3461 = vector.extract %slice3A_3460[0] : i32 from vector<1xi32>
      %get3A_3462 = arith.index_cast %rem3A_100 : i32 to index
      %get3A_3463 = arith.index_cast %add3A_3363 : i32 to index
      %get3A_3464 = arith.index_cast %squeeze3A_3461 : i32 to index
      %get3A_3465 = arith.constant 48 : index
      %get3A_3466 = tpu.vector_load %arg11[%get3A_3462, %get3A_3463, %get3A_3464, %get3A_3465] {strides = array<i32>} : memref<3x16x8x64xf32, #tpu.memory_space<vmem>>, vector<16xf32>,
      %slice3A_3467 = vector.extract_strided_slice %and3A_176 {offsets = [14], sizes = [1], strides = [1]} : vector<16xi32> to vector<1xi32>
      %squeeze3A_3468 = vector.extract %slice3A_3467[0] : i32 from vector<1xi32>
      %get3A_3469 = arith.index_cast %rem3A_100 : i32 to index
      %get3A_3470 = arith.index_cast %add3A_3363 : i32 to index
      %get3A_3471 = arith.index_cast %squeeze3A_3468 : i32 to index
      %get3A_3472 = arith.constant 16 : index
      %get3A_3473 = tpu.vector_load %arg12[%get3A_3469, %get3A_3470, %get3A_3471, %get3A_3472] {strides = array<i32>} : memref<3x16x8x64xf32, #tpu.memory_space<vmem>>, vector<16xf32>,
      %slice3A_3474 = vector.extract_strided_slice %and3A_176 {offsets = [14], sizes = [1], strides = [1]} : vector<16xi32> to vector<1xi32>
      %squeeze3A_3475 = vector.extract %slice3A_3474[0] : i32 from vector<1xi32>
      %get3A_3476 = arith.index_cast %rem3A_100 : i32 to index
      %get3A_3477 = arith.index_cast %add3A_3363 : i32 to index
      %get3A_3478 = arith.index_cast %squeeze3A_3475 : i32 to index
      %get3A_3479 = arith.constant 48 : index
      %get3A_3480 = tpu.vector_load %arg12[%get3A_3476, %get3A_3477, %get3A_3478, %get3A_3479] {strides = array<i32>} : memref<3x16x8x64xf32, #tpu.memory_space<vmem>>, vector<16xf32>,
      %get3A_3481 = arith.index_cast %rem3A_100 : i32 to index
      %get3A_3482 = arith.index_cast %add3A_3363 : i32 to index
      %get3A_3483 = arith.constant 16 : index
      %get3A_3484 = tpu.vector_load %arg13[%get3A_3481, %get3A_3482, %get3A_3483] {strides = array<i32>} : memref<3x16x128xf32, #tpu.memory_space<vmem>>, vector<16xf32>,
      %get3A_3485 = arith.index_cast %rem3A_100 : i32 to index
      %get3A_3486 = arith.index_cast %add3A_3363 : i32 to index
      %get3A_3487 = arith.constant 48 : index
      %get3A_3488 = tpu.vector_load %arg13[%get3A_3485, %get3A_3486, %get3A_3487] {strides = array<i32>} : memref<3x16x128xf32, #tpu.memory_space<vmem>>, vector<16xf32>,
      %mul3A_3489 = arith.mulf %get3A_3459, %get3A_3484 : vector<16xf32>
      %mul3A_3490 = arith.mulf %get3A_3466, %get3A_3488 : vector<16xf32>
      %sub3A_3491 = arith.subf %mul3A_3489, %mul3A_3490 : vector<16xf32>
      %sub3A_3492 = arith.subf %sub3A_3491, %get3A_3473 : vector<16xf32>
      %mul3A_3493 = arith.mulf %get3A_3459, %get3A_3488 : vector<16xf32>
      %mul3A_3494 = arith.mulf %get3A_3466, %get3A_3484 : vector<16xf32>
      %add3A_3495 = arith.addf %mul3A_3493, %mul3A_3494 : vector<16xf32>
      %sub3A_3496 = arith.subf %add3A_3495, %get3A_3480 : vector<16xf32>
      %mul3A_3497 = arith.mulf %sub3A_3492, %sub3A_3492 : vector<16xf32>
      %mul3A_3498 = arith.mulf %sub3A_3496, %sub3A_3496 : vector<16xf32>
      %add3A_3499 = arith.addf %mul3A_3497, %mul3A_3498 : vector<16xf32>
      %add3A_3500 = arith.constant 9.99999996E-13 : f32
      %add3A_3501 = vector.broadcast %add3A_3500 : f32 to vector<16xf32>
      %add3A_3502 = arith.addf %add3A_3499, %add3A_3501 : vector<16xf32>
      %bitcast_convert_type3A_3503 = tpu.bitcast %add3A_3502 : vector<16xf32> -> vector<16xi32>
      %shift_right_logical3A_3504 = arith.constant 1 : i32
      %shift_right_logical3A_3505 = vector.broadcast %shift_right_logical3A_3504 : i32 to vector<16xi32>
      %shift_right_logical3A_3506 = arith.shrui %bitcast_convert_type3A_3503, %shift_right_logical3A_3505 : vector<16xi32>
      %sub3A_3507 = arith.constant 1597463007 : i32
      %sub3A_3508 = vector.broadcast %sub3A_3507 : i32 to vector<16xi32>
      %sub3A_3509 = arith.subi %sub3A_3508, %shift_right_logical3A_3506 : vector<16xi32>
      %bitcast_convert_type3A_3510 = tpu.bitcast %sub3A_3509 : vector<16xi32> -> vector<16xf32>
      %mul3A_3511 = arith.constant 5.000000e-01 : f32
      %mul3A_3512 = vector.broadcast %mul3A_3511 : f32 to vector<16xf32>
      %mul3A_3513 = arith.mulf %mul3A_3512, %add3A_3502 : vector<16xf32>
      %mul3A_3514 = arith.mulf %mul3A_3513, %bitcast_convert_type3A_3510 : vector<16xf32>
      %mul3A_3515 = arith.mulf %mul3A_3514, %bitcast_convert_type3A_3510 : vector<16xf32>
      %sub3A_3516 = arith.constant 1.500000e+00 : f32
      %sub3A_3517 = vector.broadcast %sub3A_3516 : f32 to vector<16xf32>
      %sub3A_3518 = arith.subf %sub3A_3517, %mul3A_3515 : vector<16xf32>
      %mul3A_3519 = arith.mulf %bitcast_convert_type3A_3510, %sub3A_3518 : vector<16xf32>
      %mul3A_3520 = arith.constant 5.000000e-01 : f32
      %mul3A_3521 = vector.broadcast %mul3A_3520 : f32 to vector<16xf32>
      %mul3A_3522 = arith.mulf %mul3A_3521, %add3A_3502 : vector<16xf32>
      %mul3A_3523 = arith.mulf %mul3A_3522, %mul3A_3519 : vector<16xf32>
      %mul3A_3524 = arith.mulf %mul3A_3523, %mul3A_3519 : vector<16xf32>
      %sub3A_3525 = arith.constant 1.500000e+00 : f32
      %sub3A_3526 = vector.broadcast %sub3A_3525 : f32 to vector<16xf32>
      %sub3A_3527 = arith.subf %sub3A_3526, %mul3A_3524 : vector<16xf32>
      %mul3A_3528 = arith.mulf %mul3A_3519, %sub3A_3527 : vector<16xf32>
      %mul3A_3529 = arith.constant 5.000000e-01 : f32
      %mul3A_3530 = vector.broadcast %mul3A_3529 : f32 to vector<16xf32>
      %mul3A_3531 = arith.mulf %mul3A_3530, %add3A_3502 : vector<16xf32>
      %mul3A_3532 = arith.mulf %mul3A_3531, %mul3A_3528 : vector<16xf32>
      %mul3A_3533 = arith.mulf %mul3A_3532, %mul3A_3528 : vector<16xf32>
      %sub3A_3534 = arith.constant 1.500000e+00 : f32
      %sub3A_3535 = vector.broadcast %sub3A_3534 : f32 to vector<16xf32>
      %sub3A_3536 = arith.subf %sub3A_3535, %mul3A_3533 : vector<16xf32>
      %mul3A_3537 = arith.mulf %mul3A_3528, %sub3A_3536 : vector<16xf32>
      %mul3A_3538 = arith.mulf %add3A_3502, %mul3A_3537 : vector<16xf32>
      %add3A_3539 = arith.addf %add3A_3452, %mul3A_3538 : vector<16xf32>
      %lt3A_3540 = arith.constant 0 : i32
      %lt3A_3541 = vector.broadcast %lt3A_3540 : i32 to vector<16xi32>
      %lt3A_3542 = arith.cmpi slt, %and3A_72, %lt3A_3541 : vector<16xi32>
      %add3A_3543 = arith.constant 16 : i32
      %add3A_3544 = vector.broadcast %add3A_3543 : i32 to vector<16xi32>
      %add3A_3545 = arith.addi %and3A_72, %add3A_3544 : vector<16xi32>
      %select_n3A_3546 = arith.select %lt3A_3542, %add3A_3545, %and3A_72 : vector<16xi1>, vector<16xi32>
      %reshape3A_3547 = vector.shape_cast %select_n3A_3546 : vector<16xi32> to vector<16x1xi32>
      %gather3A_3548 = vector.shape_cast %reshape3A_3547 : vector<16x1xi32> to vector<16xi32>
      %gather3A_3549 = tpu.dynamic_gather %add3A_3539[%gather3A_3548] in [0] : vector<16xf32>, vector<16xi32> -> vector<16xf32>
      %add3A_3550 = arith.addf %add3A_3539, %gather3A_3549 : vector<16xf32>
      %lt3A_3551 = arith.constant 0 : i32
      %lt3A_3552 = vector.broadcast %lt3A_3551 : i32 to vector<16xi32>
      %lt3A_3553 = arith.cmpi slt, %and3A_78, %lt3A_3552 : vector<16xi32>
      %add3A_3554 = arith.constant 16 : i32
      %add3A_3555 = vector.broadcast %add3A_3554 : i32 to vector<16xi32>
      %add3A_3556 = arith.addi %and3A_78, %add3A_3555 : vector<16xi32>
      %select_n3A_3557 = arith.select %lt3A_3553, %add3A_3556, %and3A_78 : vector<16xi1>, vector<16xi32>
      %reshape3A_3558 = vector.shape_cast %select_n3A_3557 : vector<16xi32> to vector<16x1xi32>
      %gather3A_3559 = vector.shape_cast %reshape3A_3558 : vector<16x1xi32> to vector<16xi32>
      %gather3A_3560 = tpu.dynamic_gather %add3A_3550[%gather3A_3559] in [0] : vector<16xf32>, vector<16xi32> -> vector<16xf32>
      %add3A_3561 = arith.addf %add3A_3550, %gather3A_3560 : vector<16xf32>
      %lt3A_3562 = arith.constant 0 : i32
      %lt3A_3563 = vector.broadcast %lt3A_3562 : i32 to vector<16xi32>
      %lt3A_3564 = arith.cmpi slt, %and3A_84, %lt3A_3563 : vector<16xi32>
      %add3A_3565 = arith.constant 16 : i32
      %add3A_3566 = vector.broadcast %add3A_3565 : i32 to vector<16xi32>
      %add3A_3567 = arith.addi %and3A_84, %add3A_3566 : vector<16xi32>
      %select_n3A_3568 = arith.select %lt3A_3564, %add3A_3567, %and3A_84 : vector<16xi1>, vector<16xi32>
      %reshape3A_3569 = vector.shape_cast %select_n3A_3568 : vector<16xi32> to vector<16x1xi32>
      %gather3A_3570 = vector.shape_cast %reshape3A_3569 : vector<16x1xi32> to vector<16xi32>
      %gather3A_3571 = tpu.dynamic_gather %add3A_3561[%gather3A_3570] in [0] : vector<16xf32>, vector<16xi32> -> vector<16xf32>
      %add3A_3572 = arith.addf %add3A_3561, %gather3A_3571 : vector<16xf32>
      %lt3A_3573 = arith.constant 0 : i32
      %lt3A_3574 = vector.broadcast %lt3A_3573 : i32 to vector<16xi32>
      %lt3A_3575 = arith.cmpi slt, %and3A_90, %lt3A_3574 : vector<16xi32>
      %add3A_3576 = arith.constant 16 : i32
      %add3A_3577 = vector.broadcast %add3A_3576 : i32 to vector<16xi32>
      %add3A_3578 = arith.addi %and3A_90, %add3A_3577 : vector<16xi32>
      %select_n3A_3579 = arith.select %lt3A_3575, %add3A_3578, %and3A_90 : vector<16xi1>, vector<16xi32>
      %reshape3A_3580 = vector.shape_cast %select_n3A_3579 : vector<16xi32> to vector<16x1xi32>
      %gather3A_3581 = vector.shape_cast %reshape3A_3580 : vector<16x1xi32> to vector<16xi32>
      %gather3A_3582 = tpu.dynamic_gather %add3A_3572[%gather3A_3581] in [0] : vector<16xf32>, vector<16xi32> -> vector<16xf32>
      %add3A_3583 = arith.addf %add3A_3572, %gather3A_3582 : vector<16xf32>
      %eq3A_3584 = arith.constant 14 : i32
      %eq3A_3585 = vector.broadcast %eq3A_3584 : i32 to vector<16xi32>
      %eq3A_3586 = arith.cmpi eq, %iota3A, %eq3A_3585 : vector<16xi32>
      %select_n3A_3587 = arith.select %eq3A_3586, %add3A_3583, %select_n3A_3359 : vector<16xi1>, vector<16xf32>
      %mul3A_3588 = arith.constant 16 : i32
      %mul3A_3589 = arith.muli %scan3A_157, %mul3A_3588 : i32
      %add3A_3590 = arith.constant 15 : i32
      %add3A_3591 = arith.addi %mul3A_3589, %add3A_3590 : i32
      %broadcast_in_dim3A_3592 = arith.constant 0.000000e+00 : f32
      %broadcast_in_dim3A_3593 = vector.broadcast %broadcast_in_dim3A_3592 : f32 to vector<16xf32>
      %slice3A_3594 = vector.extract_strided_slice %and3A_166 {offsets = [15], sizes = [1], strides = [1]} : vector<16xi32> to vector<1xi32>
      %squeeze3A_3595 = vector.extract %slice3A_3594[0] : i32 from vector<1xi32>
      %get3A_3596 = arith.index_cast %rem3A_100 : i32 to index
      %get3A_3597 = arith.index_cast %add3A_3591 : i32 to index
      %get3A_3598 = arith.index_cast %squeeze3A_3595 : i32 to index
      %get3A_3599 = arith.constant 0 : index
      %get3A_3600 = tpu.vector_load %arg11[%get3A_3596, %get3A_3597, %get3A_3598, %get3A_3599] {strides = array<i32>} : memref<3x16x8x64xf32, #tpu.memory_space<vmem>>, vector<16xf32>,
      %slice3A_3601 = vector.extract_strided_slice %and3A_166 {offsets = [15], sizes = [1], strides = [1]} : vector<16xi32> to vector<1xi32>
      %squeeze3A_3602 = vector.extract %slice3A_3601[0] : i32 from vector<1xi32>
      %get3A_3603 = arith.index_cast %rem3A_100 : i32 to index
      %get3A_3604 = arith.index_cast %add3A_3591 : i32 to index
      %get3A_3605 = arith.index_cast %squeeze3A_3602 : i32 to index
      %get3A_3606 = arith.constant 32 : index
      %get3A_3607 = tpu.vector_load %arg11[%get3A_3603, %get3A_3604, %get3A_3605, %get3A_3606] {strides = array<i32>} : memref<3x16x8x64xf32, #tpu.memory_space<vmem>>, vector<16xf32>,
      %slice3A_3608 = vector.extract_strided_slice %and3A_176 {offsets = [15], sizes = [1], strides = [1]} : vector<16xi32> to vector<1xi32>
      %squeeze3A_3609 = vector.extract %slice3A_3608[0] : i32 from vector<1xi32>
      %get3A_3610 = arith.index_cast %rem3A_100 : i32 to index
      %get3A_3611 = arith.index_cast %add3A_3591 : i32 to index
      %get3A_3612 = arith.index_cast %squeeze3A_3609 : i32 to index
      %get3A_3613 = arith.constant 0 : index
      %get3A_3614 = tpu.vector_load %arg12[%get3A_3610, %get3A_3611, %get3A_3612, %get3A_3613] {strides = array<i32>} : memref<3x16x8x64xf32, #tpu.memory_space<vmem>>, vector<16xf32>,
      %slice3A_3615 = vector.extract_strided_slice %and3A_176 {offsets = [15], sizes = [1], strides = [1]} : vector<16xi32> to vector<1xi32>
      %squeeze3A_3616 = vector.extract %slice3A_3615[0] : i32 from vector<1xi32>
      %get3A_3617 = arith.index_cast %rem3A_100 : i32 to index
      %get3A_3618 = arith.index_cast %add3A_3591 : i32 to index
      %get3A_3619 = arith.index_cast %squeeze3A_3616 : i32 to index
      %get3A_3620 = arith.constant 32 : index
      %get3A_3621 = tpu.vector_load %arg12[%get3A_3617, %get3A_3618, %get3A_3619, %get3A_3620] {strides = array<i32>} : memref<3x16x8x64xf32, #tpu.memory_space<vmem>>, vector<16xf32>,
      %get3A_3622 = arith.index_cast %rem3A_100 : i32 to index
      %get3A_3623 = arith.index_cast %add3A_3591 : i32 to index
      %get3A_3624 = arith.constant 0 : index
      %get3A_3625 = tpu.vector_load %arg13[%get3A_3622, %get3A_3623, %get3A_3624] {strides = array<i32>} : memref<3x16x128xf32, #tpu.memory_space<vmem>>, vector<16xf32>,
      %get3A_3626 = arith.index_cast %rem3A_100 : i32 to index
      %get3A_3627 = arith.index_cast %add3A_3591 : i32 to index
      %get3A_3628 = arith.constant 32 : index
      %get3A_3629 = tpu.vector_load %arg13[%get3A_3626, %get3A_3627, %get3A_3628] {strides = array<i32>} : memref<3x16x128xf32, #tpu.memory_space<vmem>>, vector<16xf32>,
      %mul3A_3630 = arith.mulf %get3A_3600, %get3A_3625 : vector<16xf32>
      %mul3A_3631 = arith.mulf %get3A_3607, %get3A_3629 : vector<16xf32>
      %sub3A_3632 = arith.subf %mul3A_3630, %mul3A_3631 : vector<16xf32>
      %sub3A_3633 = arith.subf %sub3A_3632, %get3A_3614 : vector<16xf32>
      %mul3A_3634 = arith.mulf %get3A_3600, %get3A_3629 : vector<16xf32>
      %mul3A_3635 = arith.mulf %get3A_3607, %get3A_3625 : vector<16xf32>
      %add3A_3636 = arith.addf %mul3A_3634, %mul3A_3635 : vector<16xf32>
      %sub3A_3637 = arith.subf %add3A_3636, %get3A_3621 : vector<16xf32>
      %mul3A_3638 = arith.mulf %sub3A_3633, %sub3A_3633 : vector<16xf32>
      %mul3A_3639 = arith.mulf %sub3A_3637, %sub3A_3637 : vector<16xf32>
      %add3A_3640 = arith.addf %mul3A_3638, %mul3A_3639 : vector<16xf32>
      %add3A_3641 = arith.constant 9.99999996E-13 : f32
      %add3A_3642 = vector.broadcast %add3A_3641 : f32 to vector<16xf32>
      %add3A_3643 = arith.addf %add3A_3640, %add3A_3642 : vector<16xf32>
      %bitcast_convert_type3A_3644 = tpu.bitcast %add3A_3643 : vector<16xf32> -> vector<16xi32>
      %shift_right_logical3A_3645 = arith.constant 1 : i32
      %shift_right_logical3A_3646 = vector.broadcast %shift_right_logical3A_3645 : i32 to vector<16xi32>
      %shift_right_logical3A_3647 = arith.shrui %bitcast_convert_type3A_3644, %shift_right_logical3A_3646 : vector<16xi32>
      %sub3A_3648 = arith.constant 1597463007 : i32
      %sub3A_3649 = vector.broadcast %sub3A_3648 : i32 to vector<16xi32>
      %sub3A_3650 = arith.subi %sub3A_3649, %shift_right_logical3A_3647 : vector<16xi32>
      %bitcast_convert_type3A_3651 = tpu.bitcast %sub3A_3650 : vector<16xi32> -> vector<16xf32>
      %mul3A_3652 = arith.constant 5.000000e-01 : f32
      %mul3A_3653 = vector.broadcast %mul3A_3652 : f32 to vector<16xf32>
      %mul3A_3654 = arith.mulf %mul3A_3653, %add3A_3643 : vector<16xf32>
      %mul3A_3655 = arith.mulf %mul3A_3654, %bitcast_convert_type3A_3651 : vector<16xf32>
      %mul3A_3656 = arith.mulf %mul3A_3655, %bitcast_convert_type3A_3651 : vector<16xf32>
      %sub3A_3657 = arith.constant 1.500000e+00 : f32
      %sub3A_3658 = vector.broadcast %sub3A_3657 : f32 to vector<16xf32>
      %sub3A_3659 = arith.subf %sub3A_3658, %mul3A_3656 : vector<16xf32>
      %mul3A_3660 = arith.mulf %bitcast_convert_type3A_3651, %sub3A_3659 : vector<16xf32>
      %mul3A_3661 = arith.constant 5.000000e-01 : f32
      %mul3A_3662 = vector.broadcast %mul3A_3661 : f32 to vector<16xf32>
      %mul3A_3663 = arith.mulf %mul3A_3662, %add3A_3643 : vector<16xf32>
      %mul3A_3664 = arith.mulf %mul3A_3663, %mul3A_3660 : vector<16xf32>
      %mul3A_3665 = arith.mulf %mul3A_3664, %mul3A_3660 : vector<16xf32>
      %sub3A_3666 = arith.constant 1.500000e+00 : f32
      %sub3A_3667 = vector.broadcast %sub3A_3666 : f32 to vector<16xf32>
      %sub3A_3668 = arith.subf %sub3A_3667, %mul3A_3665 : vector<16xf32>
      %mul3A_3669 = arith.mulf %mul3A_3660, %sub3A_3668 : vector<16xf32>
      %mul3A_3670 = arith.constant 5.000000e-01 : f32
      %mul3A_3671 = vector.broadcast %mul3A_3670 : f32 to vector<16xf32>
      %mul3A_3672 = arith.mulf %mul3A_3671, %add3A_3643 : vector<16xf32>
      %mul3A_3673 = arith.mulf %mul3A_3672, %mul3A_3669 : vector<16xf32>
      %mul3A_3674 = arith.mulf %mul3A_3673, %mul3A_3669 : vector<16xf32>
      %sub3A_3675 = arith.constant 1.500000e+00 : f32
      %sub3A_3676 = vector.broadcast %sub3A_3675 : f32 to vector<16xf32>
      %sub3A_3677 = arith.subf %sub3A_3676, %mul3A_3674 : vector<16xf32>
      %mul3A_3678 = arith.mulf %mul3A_3669, %sub3A_3677 : vector<16xf32>
      %mul3A_3679 = arith.mulf %add3A_3643, %mul3A_3678 : vector<16xf32>
      %add3A_3680 = arith.addf %broadcast_in_dim3A_3593, %mul3A_3679 : vector<16xf32>
      %slice3A_3681 = vector.extract_strided_slice %and3A_166 {offsets = [15], sizes = [1], strides = [1]} : vector<16xi32> to vector<1xi32>
      %squeeze3A_3682 = vector.extract %slice3A_3681[0] : i32 from vector<1xi32>
      %get3A_3683 = arith.index_cast %rem3A_100 : i32 to index
      %get3A_3684 = arith.index_cast %add3A_3591 : i32 to index
      %get3A_3685 = arith.index_cast %squeeze3A_3682 : i32 to index
      %get3A_3686 = arith.constant 16 : index
      %get3A_3687 = tpu.vector_load %arg11[%get3A_3683, %get3A_3684, %get3A_3685, %get3A_3686] {strides = array<i32>} : memref<3x16x8x64xf32, #tpu.memory_space<vmem>>, vector<16xf32>,
      %slice3A_3688 = vector.extract_strided_slice %and3A_166 {offsets = [15], sizes = [1], strides = [1]} : vector<16xi32> to vector<1xi32>
      %squeeze3A_3689 = vector.extract %slice3A_3688[0] : i32 from vector<1xi32>
      %get3A_3690 = arith.index_cast %rem3A_100 : i32 to index
      %get3A_3691 = arith.index_cast %add3A_3591 : i32 to index
      %get3A_3692 = arith.index_cast %squeeze3A_3689 : i32 to index
      %get3A_3693 = arith.constant 48 : index
      %get3A_3694 = tpu.vector_load %arg11[%get3A_3690, %get3A_3691, %get3A_3692, %get3A_3693] {strides = array<i32>} : memref<3x16x8x64xf32, #tpu.memory_space<vmem>>, vector<16xf32>,
      %slice3A_3695 = vector.extract_strided_slice %and3A_176 {offsets = [15], sizes = [1], strides = [1]} : vector<16xi32> to vector<1xi32>
      %squeeze3A_3696 = vector.extract %slice3A_3695[0] : i32 from vector<1xi32>
      %get3A_3697 = arith.index_cast %rem3A_100 : i32 to index
      %get3A_3698 = arith.index_cast %add3A_3591 : i32 to index
      %get3A_3699 = arith.index_cast %squeeze3A_3696 : i32 to index
      %get3A_3700 = arith.constant 16 : index
      %get3A_3701 = tpu.vector_load %arg12[%get3A_3697, %get3A_3698, %get3A_3699, %get3A_3700] {strides = array<i32>} : memref<3x16x8x64xf32, #tpu.memory_space<vmem>>, vector<16xf32>,
      %slice3A_3702 = vector.extract_strided_slice %and3A_176 {offsets = [15], sizes = [1], strides = [1]} : vector<16xi32> to vector<1xi32>
      %squeeze3A_3703 = vector.extract %slice3A_3702[0] : i32 from vector<1xi32>
      %get3A_3704 = arith.index_cast %rem3A_100 : i32 to index
      %get3A_3705 = arith.index_cast %add3A_3591 : i32 to index
      %get3A_3706 = arith.index_cast %squeeze3A_3703 : i32 to index
      %get3A_3707 = arith.constant 48 : index
      %get3A_3708 = tpu.vector_load %arg12[%get3A_3704, %get3A_3705, %get3A_3706, %get3A_3707] {strides = array<i32>} : memref<3x16x8x64xf32, #tpu.memory_space<vmem>>, vector<16xf32>,
      %get3A_3709 = arith.index_cast %rem3A_100 : i32 to index
      %get3A_3710 = arith.index_cast %add3A_3591 : i32 to index
      %get3A_3711 = arith.constant 16 : index
      %get3A_3712 = tpu.vector_load %arg13[%get3A_3709, %get3A_3710, %get3A_3711] {strides = array<i32>} : memref<3x16x128xf32, #tpu.memory_space<vmem>>, vector<16xf32>,
      %get3A_3713 = arith.index_cast %rem3A_100 : i32 to index
      %get3A_3714 = arith.index_cast %add3A_3591 : i32 to index
      %get3A_3715 = arith.constant 48 : index
      %get3A_3716 = tpu.vector_load %arg13[%get3A_3713, %get3A_3714, %get3A_3715] {strides = array<i32>} : memref<3x16x128xf32, #tpu.memory_space<vmem>>, vector<16xf32>,
      %mul3A_3717 = arith.mulf %get3A_3687, %get3A_3712 : vector<16xf32>
      %mul3A_3718 = arith.mulf %get3A_3694, %get3A_3716 : vector<16xf32>
      %sub3A_3719 = arith.subf %mul3A_3717, %mul3A_3718 : vector<16xf32>
      %sub3A_3720 = arith.subf %sub3A_3719, %get3A_3701 : vector<16xf32>
      %mul3A_3721 = arith.mulf %get3A_3687, %get3A_3716 : vector<16xf32>
      %mul3A_3722 = arith.mulf %get3A_3694, %get3A_3712 : vector<16xf32>
      %add3A_3723 = arith.addf %mul3A_3721, %mul3A_3722 : vector<16xf32>
      %sub3A_3724 = arith.subf %add3A_3723, %get3A_3708 : vector<16xf32>
      %mul3A_3725 = arith.mulf %sub3A_3720, %sub3A_3720 : vector<16xf32>
      %mul3A_3726 = arith.mulf %sub3A_3724, %sub3A_3724 : vector<16xf32>
      %add3A_3727 = arith.addf %mul3A_3725, %mul3A_3726 : vector<16xf32>
      %add3A_3728 = arith.constant 9.99999996E-13 : f32
      %add3A_3729 = vector.broadcast %add3A_3728 : f32 to vector<16xf32>
      %add3A_3730 = arith.addf %add3A_3727, %add3A_3729 : vector<16xf32>
      %bitcast_convert_type3A_3731 = tpu.bitcast %add3A_3730 : vector<16xf32> -> vector<16xi32>
      %shift_right_logical3A_3732 = arith.constant 1 : i32
      %shift_right_logical3A_3733 = vector.broadcast %shift_right_logical3A_3732 : i32 to vector<16xi32>
      %shift_right_logical3A_3734 = arith.shrui %bitcast_convert_type3A_3731, %shift_right_logical3A_3733 : vector<16xi32>
      %sub3A_3735 = arith.constant 1597463007 : i32
      %sub3A_3736 = vector.broadcast %sub3A_3735 : i32 to vector<16xi32>
      %sub3A_3737 = arith.subi %sub3A_3736, %shift_right_logical3A_3734 : vector<16xi32>
      %bitcast_convert_type3A_3738 = tpu.bitcast %sub3A_3737 : vector<16xi32> -> vector<16xf32>
      %mul3A_3739 = arith.constant 5.000000e-01 : f32
      %mul3A_3740 = vector.broadcast %mul3A_3739 : f32 to vector<16xf32>
      %mul3A_3741 = arith.mulf %mul3A_3740, %add3A_3730 : vector<16xf32>
      %mul3A_3742 = arith.mulf %mul3A_3741, %bitcast_convert_type3A_3738 : vector<16xf32>
      %mul3A_3743 = arith.mulf %mul3A_3742, %bitcast_convert_type3A_3738 : vector<16xf32>
      %sub3A_3744 = arith.constant 1.500000e+00 : f32
      %sub3A_3745 = vector.broadcast %sub3A_3744 : f32 to vector<16xf32>
      %sub3A_3746 = arith.subf %sub3A_3745, %mul3A_3743 : vector<16xf32>
      %mul3A_3747 = arith.mulf %bitcast_convert_type3A_3738, %sub3A_3746 : vector<16xf32>
      %mul3A_3748 = arith.constant 5.000000e-01 : f32
      %mul3A_3749 = vector.broadcast %mul3A_3748 : f32 to vector<16xf32>
      %mul3A_3750 = arith.mulf %mul3A_3749, %add3A_3730 : vector<16xf32>
      %mul3A_3751 = arith.mulf %mul3A_3750, %mul3A_3747 : vector<16xf32>
      %mul3A_3752 = arith.mulf %mul3A_3751, %mul3A_3747 : vector<16xf32>
      %sub3A_3753 = arith.constant 1.500000e+00 : f32
      %sub3A_3754 = vector.broadcast %sub3A_3753 : f32 to vector<16xf32>
      %sub3A_3755 = arith.subf %sub3A_3754, %mul3A_3752 : vector<16xf32>
      %mul3A_3756 = arith.mulf %mul3A_3747, %sub3A_3755 : vector<16xf32>
      %mul3A_3757 = arith.constant 5.000000e-01 : f32
      %mul3A_3758 = vector.broadcast %mul3A_3757 : f32 to vector<16xf32>
      %mul3A_3759 = arith.mulf %mul3A_3758, %add3A_3730 : vector<16xf32>
      %mul3A_3760 = arith.mulf %mul3A_3759, %mul3A_3756 : vector<16xf32>
      %mul3A_3761 = arith.mulf %mul3A_3760, %mul3A_3756 : vector<16xf32>
      %sub3A_3762 = arith.constant 1.500000e+00 : f32
      %sub3A_3763 = vector.broadcast %sub3A_3762 : f32 to vector<16xf32>
      %sub3A_3764 = arith.subf %sub3A_3763, %mul3A_3761 : vector<16xf32>
      %mul3A_3765 = arith.mulf %mul3A_3756, %sub3A_3764 : vector<16xf32>
      %mul3A_3766 = arith.mulf %add3A_3730, %mul3A_3765 : vector<16xf32>
      %add3A_3767 = arith.addf %add3A_3680, %mul3A_3766 : vector<16xf32>
      %lt3A_3768 = arith.constant 0 : i32
      %lt3A_3769 = vector.broadcast %lt3A_3768 : i32 to vector<16xi32>
      %lt3A_3770 = arith.cmpi slt, %and3A_72, %lt3A_3769 : vector<16xi32>
      %add3A_3771 = arith.constant 16 : i32
      %add3A_3772 = vector.broadcast %add3A_3771 : i32 to vector<16xi32>
      %add3A_3773 = arith.addi %and3A_72, %add3A_3772 : vector<16xi32>
      %select_n3A_3774 = arith.select %lt3A_3770, %add3A_3773, %and3A_72 : vector<16xi1>, vector<16xi32>
      %reshape3A_3775 = vector.shape_cast %select_n3A_3774 : vector<16xi32> to vector<16x1xi32>
      %gather3A_3776 = vector.shape_cast %reshape3A_3775 : vector<16x1xi32> to vector<16xi32>
      %gather3A_3777 = tpu.dynamic_gather %add3A_3767[%gather3A_3776] in [0] : vector<16xf32>, vector<16xi32> -> vector<16xf32>
      %add3A_3778 = arith.addf %add3A_3767, %gather3A_3777 : vector<16xf32>
      %lt3A_3779 = arith.constant 0 : i32
      %lt3A_3780 = vector.broadcast %lt3A_3779 : i32 to vector<16xi32>
      %lt3A_3781 = arith.cmpi slt, %and3A_78, %lt3A_3780 : vector<16xi32>
      %add3A_3782 = arith.constant 16 : i32
      %add3A_3783 = vector.broadcast %add3A_3782 : i32 to vector<16xi32>
      %add3A_3784 = arith.addi %and3A_78, %add3A_3783 : vector<16xi32>
      %select_n3A_3785 = arith.select %lt3A_3781, %add3A_3784, %and3A_78 : vector<16xi1>, vector<16xi32>
      %reshape3A_3786 = vector.shape_cast %select_n3A_3785 : vector<16xi32> to vector<16x1xi32>
      %gather3A_3787 = vector.shape_cast %reshape3A_3786 : vector<16x1xi32> to vector<16xi32>
      %gather3A_3788 = tpu.dynamic_gather %add3A_3778[%gather3A_3787] in [0] : vector<16xf32>, vector<16xi32> -> vector<16xf32>
      %add3A_3789 = arith.addf %add3A_3778, %gather3A_3788 : vector<16xf32>
      %lt3A_3790 = arith.constant 0 : i32
      %lt3A_3791 = vector.broadcast %lt3A_3790 : i32 to vector<16xi32>
      %lt3A_3792 = arith.cmpi slt, %and3A_84, %lt3A_3791 : vector<16xi32>
      %add3A_3793 = arith.constant 16 : i32
      %add3A_3794 = vector.broadcast %add3A_3793 : i32 to vector<16xi32>
      %add3A_3795 = arith.addi %and3A_84, %add3A_3794 : vector<16xi32>
      %select_n3A_3796 = arith.select %lt3A_3792, %add3A_3795, %and3A_84 : vector<16xi1>, vector<16xi32>
      %reshape3A_3797 = vector.shape_cast %select_n3A_3796 : vector<16xi32> to vector<16x1xi32>
      %gather3A_3798 = vector.shape_cast %reshape3A_3797 : vector<16x1xi32> to vector<16xi32>
      %gather3A_3799 = tpu.dynamic_gather %add3A_3789[%gather3A_3798] in [0] : vector<16xf32>, vector<16xi32> -> vector<16xf32>
      %add3A_3800 = arith.addf %add3A_3789, %gather3A_3799 : vector<16xf32>
      %lt3A_3801 = arith.constant 0 : i32
      %lt3A_3802 = vector.broadcast %lt3A_3801 : i32 to vector<16xi32>
      %lt3A_3803 = arith.cmpi slt, %and3A_90, %lt3A_3802 : vector<16xi32>
      %add3A_3804 = arith.constant 16 : i32
      %add3A_3805 = vector.broadcast %add3A_3804 : i32 to vector<16xi32>
      %add3A_3806 = arith.addi %and3A_90, %add3A_3805 : vector<16xi32>
      %select_n3A_3807 = arith.select %lt3A_3803, %add3A_3806, %and3A_90 : vector<16xi1>, vector<16xi32>
      %reshape3A_3808 = vector.shape_cast %select_n3A_3807 : vector<16xi32> to vector<16x1xi32>
      %gather3A_3809 = vector.shape_cast %reshape3A_3808 : vector<16x1xi32> to vector<16xi32>
      %gather3A_3810 = tpu.dynamic_gather %add3A_3800[%gather3A_3809] in [0] : vector<16xf32>, vector<16xi32> -> vector<16xf32>
      %add3A_3811 = arith.addf %add3A_3800, %gather3A_3810 : vector<16xf32>
      %eq3A_3812 = arith.constant 15 : i32
      %eq3A_3813 = vector.broadcast %eq3A_3812 : i32 to vector<16xi32>
      %eq3A_3814 = arith.cmpi eq, %iota3A, %eq3A_3813 : vector<16xi32>
      %select_n3A_3815 = arith.select %eq3A_3814, %add3A_3811, %select_n3A_3587 : vector<16xi1>, vector<16xf32>
      %broadcast_in_dim3A_3816 = arith.constant 0.000000e+00 : f32
      %broadcast_in_dim3A_3817 = vector.broadcast %broadcast_in_dim3A_3816 : f32 to vector<16xf32>
      %sub3A_3818 = arith.subf %broadcast_in_dim3A_3817, %select_n3A_3815 : vector<16xf32>
      %mul3A_3819 = arith.constant 1 : i32
      %mul3A_3820 = arith.muli %scan3A_99, %mul3A_3819 : i32
      %add3A_3821 = arith.addi %mul3A_3820, %scan3A_157 : i32
      %mul3A_3822 = arith.constant 16 : i32
      %mul3A_3823 = arith.muli %add3A_3821, %mul3A_3822 : i32
      %swap3A = arith.index_cast %mul3A_3823 : i32 to index
      %swap3A_3824 = tpu.vector_load %arg14[%swap3A] {strides = array<i32>} : memref<512xf32, #tpu.memory_space<vmem>>, vector<16xf32>,
      tpu.vector_store %arg14[%swap3A], %sub3A_3818 {strides = array<i32>} : memref<512xf32, #tpu.memory_space<vmem>>, vector<16xf32>,
      %scan3A_3825 = arith.constant 1 : i32
      %add3A_3826 = arith.constant 3 : i32
      %add3A_3827 = arith.addi %scan3A_99, %add3A_3826 : i32
      %lt3A_3828 = arith.constant 32 : i32
      %lt3A_3829 = arith.cmpi slt, %add3A_3827, %lt3A_3828 : i32
      %convert_element_type3A = arith.extui %lt3A_3829 : i1 to i32
      %cond3A = arith.constant 0 : i32
      %cond3A_3830 = arith.cmpi ne, %convert_element_type3A, %cond3A : i32
      scf.if %cond3A_3830 {
        %add3A_3831 = arith.constant 3 : i32
        %add3A_3832 = arith.addi %scan3A_99, %add3A_3831 : i32
        %scan3A_3833 = arith.constant 0 : i32
        %scan3A_3834 = arith.constant 0 : i32
        %scan3A_3835 = arith.constant 16 : i32
        %scan3A_3836 = arith.addi %scan3A_3834, %scan3A_3835 : i32
        %scan3A_3837 = arith.constant 1 : i32
        scf.for %scan3A_3851 = %scan3A_3834 to %scan3A_3836 step %scan3A_3837  : i32 {
          %mul3A_3852 = arith.constant 16 : i32
          %mul3A_3853 = arith.muli %add3A_3832, %mul3A_3852 : i32
          %add3A_3854 = arith.addi %mul3A_3853, %scan3A_3851 : i32
          %get3A_3855 = arith.index_cast %add3A_3854 : i32 to index
          %get3A_3856 = tpu.vector_load %arg8[%get3A_3855] {strides = array<i32>} : memref<528xi32, #tpu.memory_space<vmem>>, vector<16xi32>,
          %slice3A_3857 = vector.extract_strided_slice %get3A_3856 {offsets = [0], sizes = [1], strides = [1]} : vector<16xi32> to vector<1xi32>
          %squeeze3A_3858 = vector.extract %slice3A_3857[0] : i32 from vector<1xi32>
          %mul3A_3859 = arith.constant 16 : i32
          %mul3A_3860 = arith.muli %add3A_3832, %mul3A_3859 : i32
          %add3A_3861 = arith.addi %mul3A_3860, %scan3A_3851 : i32
          %get3A_3862 = arith.index_cast %add3A_3861 : i32 to index
          %get3A_3863 = tpu.vector_load %arg9[%get3A_3862] {strides = array<i32>} : memref<528xi32, #tpu.memory_space<vmem>>, vector<16xi32>,
          %slice3A_3864 = vector.extract_strided_slice %get3A_3863 {offsets = [0], sizes = [1], strides = [1]} : vector<16xi32> to vector<1xi32>
          %squeeze3A_3865 = vector.extract %slice3A_3864[0] : i32 from vector<1xi32>
          %shift_right_logical3A_3866 = arith.constant 3 : i32
          %shift_right_logical3A_3867 = arith.shrui %squeeze3A_3858, %shift_right_logical3A_3866 : i32
          %dma_start3A_3868 = arith.constant 0 : i32
          %dma_start3A_3869 = arith.constant 0 : i32
          %dma_start3A_3870 = tpu.memref_slice %arg11[%rem3A_100, %scan3A_3851, %dma_start3A_3868, %dma_start3A_3869] : memref<3x16x8x64xf32, #tpu.memory_space<vmem>> -> memref<1x1x8x64xf32, #tpu.memory_space<vmem>>
          %dma_start3A_3871 = tpu.memref_squeeze %dma_start3A_3870 : memref<1x1x8x64xf32, #tpu.memory_space<vmem>> -> memref<8x64xf32, #tpu.memory_space<vmem>>
          %dma_start3A_3872 = arith.constant 0 : i32
          %dma_start3A_3873 = arith.constant 0 : i32
          %dma_start3A_3874 = tpu.memref_slice %arg5[%shift_right_logical3A_3867, %dma_start3A_3872, %dma_start3A_3873] : memref<125000x8x64xf32, #tpu.memory_space<hbm>> -> memref<1x8x64xf32, #tpu.memory_space<hbm>>
          %dma_start3A_3875 = tpu.memref_squeeze %dma_start3A_3874 : memref<1x8x64xf32, #tpu.memory_space<hbm>> -> memref<8x64xf32, #tpu.memory_space<hbm>>
          %dma_start3A_3876 = tpu.memref_slice %arg15[%rem3A_100] : memref<3x!tpu.dma_semaphore, #tpu.memory_space<semaphore_mem>> -> memref<1x!tpu.dma_semaphore, #tpu.memory_space<semaphore_mem>>
          %dma_start3A_3877 = tpu.memref_squeeze %dma_start3A_3876 : memref<1x!tpu.dma_semaphore, #tpu.memory_space<semaphore_mem>> -> memref<!tpu.dma_semaphore, #tpu.memory_space<semaphore_mem>>
          %dma_start3A_3878 = arith.constant 0 : i32
          %dma_start3A_3879 = arith.constant 0 : i32
          %dma_start3A_3880 = tpu.memref_slice %arg11[%rem3A_100, %scan3A_3851, %dma_start3A_3878, %dma_start3A_3879] : memref<3x16x8x64xf32, #tpu.memory_space<vmem>> -> memref<1x1x8x64xf32, #tpu.memory_space<vmem>>
          %dma_start3A_3881 = tpu.memref_squeeze %dma_start3A_3880 : memref<1x1x8x64xf32, #tpu.memory_space<vmem>> -> memref<8x64xf32, #tpu.memory_space<vmem>>
          %dma_start3A_3882 = arith.constant 0 : i32
          %dma_start3A_3883 = arith.constant 0 : i32
          %dma_start3A_3884 = tpu.memref_slice %arg5[%shift_right_logical3A_3867, %dma_start3A_3882, %dma_start3A_3883] : memref<125000x8x64xf32, #tpu.memory_space<hbm>> -> memref<1x8x64xf32, #tpu.memory_space<hbm>>
          %dma_start3A_3885 = tpu.memref_squeeze %dma_start3A_3884 : memref<1x8x64xf32, #tpu.memory_space<hbm>> -> memref<8x64xf32, #tpu.memory_space<hbm>>
          tpu.enqueue_dma source(%dma_start3A_3885 : memref<8x64xf32, #tpu.memory_space<hbm>>) target(%dma_start3A_3881 : memref<8x64xf32, #tpu.memory_space<vmem>>) target_semaphore(%dma_start3A_3877 : memref<!tpu.dma_semaphore, #tpu.memory_space<semaphore_mem>>)
          %shift_right_logical3A_3886 = arith.constant 3 : i32
          %shift_right_logical3A_3887 = arith.shrui %squeeze3A_3865, %shift_right_logical3A_3886 : i32
          %dma_start3A_3888 = arith.constant 0 : i32
          %dma_start3A_3889 = arith.constant 0 : i32
          %dma_start3A_3890 = tpu.memref_slice %arg12[%rem3A_100, %scan3A_3851, %dma_start3A_3888, %dma_start3A_3889] : memref<3x16x8x64xf32, #tpu.memory_space<vmem>> -> memref<1x1x8x64xf32, #tpu.memory_space<vmem>>
          %dma_start3A_3891 = tpu.memref_squeeze %dma_start3A_3890 : memref<1x1x8x64xf32, #tpu.memory_space<vmem>> -> memref<8x64xf32, #tpu.memory_space<vmem>>
          %dma_start3A_3892 = arith.constant 0 : i32
          %dma_start3A_3893 = arith.constant 0 : i32
          %dma_start3A_3894 = tpu.memref_slice %arg5[%shift_right_logical3A_3887, %dma_start3A_3892, %dma_start3A_3893] : memref<125000x8x64xf32, #tpu.memory_space<hbm>> -> memref<1x8x64xf32, #tpu.memory_space<hbm>>
          %dma_start3A_3895 = tpu.memref_squeeze %dma_start3A_3894 : memref<1x8x64xf32, #tpu.memory_space<hbm>> -> memref<8x64xf32, #tpu.memory_space<hbm>>
          %dma_start3A_3896 = tpu.memref_slice %arg15[%rem3A_100] : memref<3x!tpu.dma_semaphore, #tpu.memory_space<semaphore_mem>> -> memref<1x!tpu.dma_semaphore, #tpu.memory_space<semaphore_mem>>
          %dma_start3A_3897 = tpu.memref_squeeze %dma_start3A_3896 : memref<1x!tpu.dma_semaphore, #tpu.memory_space<semaphore_mem>> -> memref<!tpu.dma_semaphore, #tpu.memory_space<semaphore_mem>>
          %dma_start3A_3898 = arith.constant 0 : i32
          %dma_start3A_3899 = arith.constant 0 : i32
          %dma_start3A_3900 = tpu.memref_slice %arg12[%rem3A_100, %scan3A_3851, %dma_start3A_3898, %dma_start3A_3899] : memref<3x16x8x64xf32, #tpu.memory_space<vmem>> -> memref<1x1x8x64xf32, #tpu.memory_space<vmem>>
          %dma_start3A_3901 = tpu.memref_squeeze %dma_start3A_3900 : memref<1x1x8x64xf32, #tpu.memory_space<vmem>> -> memref<8x64xf32, #tpu.memory_space<vmem>>
          %dma_start3A_3902 = arith.constant 0 : i32
          %dma_start3A_3903 = arith.constant 0 : i32
          %dma_start3A_3904 = tpu.memref_slice %arg5[%shift_right_logical3A_3887, %dma_start3A_3902, %dma_start3A_3903] : memref<125000x8x64xf32, #tpu.memory_space<hbm>> -> memref<1x8x64xf32, #tpu.memory_space<hbm>>
          %dma_start3A_3905 = tpu.memref_squeeze %dma_start3A_3904 : memref<1x8x64xf32, #tpu.memory_space<hbm>> -> memref<8x64xf32, #tpu.memory_space<hbm>>
          tpu.enqueue_dma source(%dma_start3A_3905 : memref<8x64xf32, #tpu.memory_space<hbm>>) target(%dma_start3A_3901 : memref<8x64xf32, #tpu.memory_space<vmem>>) target_semaphore(%dma_start3A_3897 : memref<!tpu.dma_semaphore, #tpu.memory_space<semaphore_mem>>)
        }
        %scan3A_3838 = arith.constant 16 : i32
        %dma_start3A_3839 = arith.constant 0 : i32
        %dma_start3A_3840 = arith.constant 0 : i32
        %dma_start3A_3841 = tpu.memref_slice %arg13[%rem3A_100, %dma_start3A_3839, %dma_start3A_3840] : memref<3x16x128xf32, #tpu.memory_space<vmem>> -> memref<1x16x128xf32, #tpu.memory_space<vmem>>
        %dma_start3A_3842 = tpu.memref_squeeze %dma_start3A_3841 : memref<1x16x128xf32, #tpu.memory_space<vmem>> -> memref<16x128xf32, #tpu.memory_space<vmem>>
        %dma_start3A_3843 = arith.constant 0 : i32
        %dma_start3A_3844 = tpu.memref_slice %arg10[%add3A_3832, %dma_start3A_3843] : memref<32x16xi32, #tpu.memory_space<vmem>> -> memref<1x16xi32, #tpu.memory_space<vmem>>
        %dma_start3A_3845 = tpu.memref_squeeze %dma_start3A_3844 : memref<1x16xi32, #tpu.memory_space<vmem>> -> memref<16xi32, #tpu.memory_space<vmem>>
        %dma_start3A_3846 = arith.constant 0 : i32
        %dma_start3A_3847 = arith.constant 0 : i32
        %dma_start3A_3848 = tpu.memref_slice %arg6[%dma_start3A_3846, %dma_start3A_3847] : memref<1000x128xf32, #tpu.memory_space<hbm>> -> memref<1000x128xf32, #tpu.memory_space<hbm>>
        %dma_start3A_3849 = tpu.memref_slice %arg16[%rem3A_100] : memref<3x!tpu.dma_semaphore, #tpu.memory_space<semaphore_mem>> -> memref<1x!tpu.dma_semaphore, #tpu.memory_space<semaphore_mem>>
        %dma_start3A_3850 = tpu.memref_squeeze %dma_start3A_3849 : memref<1x!tpu.dma_semaphore, #tpu.memory_space<semaphore_mem>> -> memref<!tpu.dma_semaphore, #tpu.memory_space<semaphore_mem>>
        tpu.enqueue_indirect_dma source(%dma_start3A_3848 : memref<1000x128xf32, #tpu.memory_space<hbm>>) target(%dma_start3A_3842 : memref<16x128xf32, #tpu.memory_space<vmem>>) offsets(%dma_start3A_3845 : memref<16xi32, #tpu.memory_space<vmem>>) semaphore(%dma_start3A_3850 : memref<!tpu.dma_semaphore, #tpu.memory_space<semaphore_mem>>)
      } else {
      }
    }
    %scan3A_96 = arith.constant 32 : i32
    %mul3A_97 = arith.constant 512 : i32
    %mul3A_98 = arith.muli %add3A, %mul3A_97 : i32
    "tpu.region"() ({
      %run_scoped3A = tpu.sem_alloc : memref<!tpu.dma_semaphore, #tpu.memory_space<semaphore_mem>>
      %dma_start3A_99 = tpu.memref_slice %arg7[%mul3A_98] : memref<16384xf32, #tpu.memory_space<hbm>> -> memref<512xf32, #tpu.memory_space<hbm>>
      %dma_start3A_100 = tpu.memref_slice %arg7[%mul3A_98] : memref<16384xf32, #tpu.memory_space<hbm>> -> memref<512xf32, #tpu.memory_space<hbm>>
      tpu.enqueue_dma source(%arg14 : memref<512xf32, #tpu.memory_space<vmem>>) target(%dma_start3A_100 : memref<512xf32, #tpu.memory_space<hbm>>) target_semaphore(%run_scoped3A : memref<!tpu.dma_semaphore, #tpu.memory_space<semaphore_mem>>)
      %dma_wait3A = tpu.memref_slice %arg7[%mul3A_98] : memref<16384xf32, #tpu.memory_space<hbm>> -> memref<512xf32, #tpu.memory_space<hbm>>
      %dma_wait3A_101 = tpu.memref_slice %arg7[%mul3A_98] : memref<16384xf32, #tpu.memory_space<hbm>> -> memref<512xf32, #tpu.memory_space<hbm>>
      tpu.wait_dma2 semaphore(%run_scoped3A : memref<!tpu.dma_semaphore, #tpu.memory_space<semaphore_mem>>) src(%arg14 : memref<512xf32, #tpu.memory_space<vmem>>) dst(%dma_wait3A_101 : memref<512xf32, #tpu.memory_space<hbm>>)
      tpu.yield
    }) : () -> ()
    return
  }
}

module attributes {stable_mosaic.version = 14 : i64} {
  func.func @_trig_body(%arg0: memref<1000x32xf32, #tpu.memory_space<vmem>>, %arg1: memref<1000x128xf32, #tpu.memory_space<vmem>>) attributes {dimension_semantics = [], scalar_prefetch = 0 : i64, scratch_operands = 0 : i64, tpu.core_type = #tpu.core_type<tc>} {
    %get3A = arith.constant 0 : index
    %get3A_0 = arith.constant 0 : index
    %get3A_1 = vector.load %arg0[%get3A, %get3A_0] : memref<1000x32xf32, #tpu.memory_space<vmem>>, vector<1000x32xf32>
    %broadcast_in_dim3A = arith.constant 0.000000e+00 : f32
    %broadcast_in_dim3A_2 = vector.broadcast %broadcast_in_dim3A : f32 to vector<1000x32xf32>
    %cos3A = math.cos %get3A_1 : vector<1000x32xf32>
    %sin3A = math.sin %get3A_1 : vector<1000x32xf32>
    %concatenate3A = tpu.concatenate %cos3A, %sin3A, %broadcast_in_dim3A_2, %broadcast_in_dim3A_2 in 1 : vector<1000x32xf32>, vector<1000x32xf32>, vector<1000x32xf32>, vector<1000x32xf32> -> vector<1000x128xf32>
    %swap3A = arith.constant 0 : index
    %swap3A_3 = arith.constant 0 : index
    %swap3A_4 = vector.load %arg1[%swap3A, %swap3A_3] : memref<1000x128xf32, #tpu.memory_space<vmem>>, vector<1000x128xf32>
    tpu.vector_store %arg1[%swap3A, %swap3A_3], %concatenate3A {strides = array<i32>} : memref<1000x128xf32, #tpu.memory_space<vmem>>, vector<1000x128xf32>,
    return
  }
}

</mosaic_0001>

<sc_bundles>
// kernel: kernel.4.cloned.1.call-start
scs
__scs_entry_jumppad:
0x0: {  	(pc) =	sbr.rel $0x88, $3  }
0x1: {  	(tag) =	ssettag $0x0;
	lr =	simm.s32 $0x1  }
0x2: {  	[smem:$0x3F9C] =	sst lr;
	_ =	strace $0xD0000000  }
0x3: {  	_ = 	snop  }
0x4: {  	_ = 	snop  }
0x5: {  	_ = 	snop  }
0x6: {  	_ = 	snop  }
0x7: {  	_ = 	snop  }
__scs_overlays_trampoline_lowered:
0x8: {  	[smem:$0x3FAB] =	sst s0  }
0x9: {  	[smem:$0x3FAC] =	sst s1  }
0xa: {  	[smem:$0x3FAD] =	sst s2  }
0xb: {  	[smem:$0x3FAE] =	sst s3  }
0xc: {  	[smem:$0x3FAF] =	sst s4  }
0xd: {  	[smem:$0x3FB0] =	sst s5  }
0xe: {  	[smem:$0x3FB1] =	sst s6  }
0xf: {  	[smem:$0x3FB2] =	sst s7  }
0x10: {  	[smem:$0x3FB3] =	sst s8  }
0x11: {  	[smem:$0x3FB4] =	sst s9;
	s0 =	simm.s32 @!p0 $0x0  }
0x12: {  	s1 =	sld [smem:$0x3F9A];
	s0 =	simm.s32 @p0 $0x1  }
0x13: {  	[smem:$0x3FB5] =	sst s0;
	s0 =	simm.s32 @!p1 $0x0  }
0x14: {  	s2 =	sld [smem:$0x3F99];
	s0 =	simm.s32 @p1 $0x1  }
0x15: {  	[smem:$0x3FB6] =	sst s0;
	s0 =	simm.s32 @!p2 $0x0  }
0x16: {  	s3 =	sld [smem:$0x3FDB];
	s0 =	simm.s32 @p2 $0x1  }
0x17: {  	s4 =	simm.s32 $0x1BF5;
	[smem:$0x3FB8] =	sst s0  }
0x18: {  	s0 =	sld [smem:$0x3F9B];
	_ =	swait.ge [sflag:s4], $0x0  }
0x19: {  	s7 =	sld [smem:$0x3F9C]  }
0x1a: {  	s8 =	sadd.s32 $0xFFFFE003, lr  }
0x1b: {  	s9 =	sadd.s32 $0xFFFFFEF7, lr;
	s5 =	simm.s32 $0xFFFFFFFF;
	p2 =	slt.u32 s8, $0xFFFFF086  }
0x1c: {  	p1 =	slt.u32 s9, $0xF7A;
	s5 =	simm.s32 @!p2 $0x0  }
0x1d: {  	s5 =	simm.s32 @p1 $0x1;
	p0 =	seq.s32 s7, s2  }
0x1e: {  	s7 =	smul.u32 @!p0 $0xF7A, s2;
	p2 =	seq.s32 @!p0 s5, $0x0  }
0x1f: {  	s9 =	smul.u32 $0xF7A, s1;
	s8 =	simm.s32 @!p0 $0x1BF5;
	p2 =	por !p2, p0  }
0x20: {  	[sflag:s8] =	ssyncset.s32 @!p0 $0xFFFFF086;
	s6 =	sadd.s32 @!p0 s3, s7;
	s7 =	simm.s32 @!p0 $0x108  }
0x21: {  	s3 =	sadd.s32 s3, s9;
	s6 =	sadd.s32 @!p0 $0x88, s6;
	s7 =	simm.s32 @p2 $0x1082  }
0x22: {  	[simem:s7], [sflag:s8] =	dma.local @!p0 [hbm:s6], $0xF7A  }
0x23: {  	s9 =	sor.u32 $0xD0000000, s2;
	s6 =	simm.s32 $0x108;
	_ =	swait.ge @!p0 [sflag:s8], $0x0  }
0x24: {  	s3 =	sadd.s32 $0x88, s3;
	s6 =	simm.s32 @!p1 $0x1082;
	[sflag:s4] =	ssyncset.s32 $0xFFFFF086  }
0x25: {  	[simem:s6], [sflag:s4] =	dma.local [hbm:s3], $0xF7A  }
0x26: {  	[smem:$0x3F9C] =	sst s1;
	(tag) =	ssettag s2;
	_ =	strace s9  }
0x27: {  	s1 =	sld [smem:$0x3FAC]  }
0x28: {  	s2 =	sld [smem:$0x3FAD]  }
0x29: {  	s4 =	sld [smem:$0x3FAF]  }
0x2a: {  	p0 =	seq.s32 s5, $0x0;
	s5 =	sld [smem:$0x3FB0]  }
0x2b: {  	s6 =	sld [smem:$0x3FB1]  }
0x2c: {  	s7 =	sld [smem:$0x3FB2]  }
0x2d: {  	s3 =	simm.s32 $0x108;
	s8 =	sld [smem:$0x3FB3]  }
0x2e: {  	s3 =	simm.s32 @!p0 $0x1082;
	s9 =	sld [smem:$0x3FB4]  }
0x2f: {  	lr =	sadd.s32 s0, s3;
	s0 =	sld [smem:$0x3FAB]  }
0x30: {  	s3 =	sld [smem:$0x3FAE]  }
0x31: {  	[smem:$0x3FB7] =	sst s10  }
0x32: {  	s10 =	sld [smem:$0x3FB5];
	_ =	sdelay $0x3  }
0x33: {  	p0 =	seq.s32 s10, $0x1;
	s10 =	sld [smem:$0x3FB7];
	_ =	sdelay $0x3  }
0x34: {  	[smem:$0x3FB7] =	sst s10  }
0x35: {  	s10 =	sld [smem:$0x3FB6];
	_ =	sdelay $0x3  }
0x36: {  	p1 =	seq.s32 s10, $0x1;
	s10 =	sld [smem:$0x3FB7];
	_ =	sdelay $0x3  }
0x37: {  	[smem:$0x3FB7] =	sst s10  }
0x38: {  	s10 =	sld [smem:$0x3FB8]  }
0x39: {  	_ = 	snop;
	(pc) =	sbr.ind lr, $3  }
0x3a: {  	_ = 	snop  }
0x3b: {  	_ = 	snop  }
0x3c: {  	p2 =	seq.s32 s10, $0x1;
	s10 =	sld [smem:$0x3FB7]  }
0x3d: {  	_ =	shalt  }
0x3e: {  	_ =	shalt  }
0x3f: {  	_ =	shalt  }
0x40: {  	_ =	shalt  }
0x41: {  	_ =	shalt  }
0x42: {  	_ =	shalt  }
0x43: {  	_ =	shalt  }
0x44: {  	_ =	shalt  }
0x45: {  	_ =	shalt  }
0x46: {  	_ =	shalt  }
0x47: {  	_ =	shalt  }
0x48: {  	_ =	shalt  }
0x49: {  	_ =	shalt  }
0x4a: {  	_ =	shalt  }
0x4b: {  	_ =	shalt  }
0x4c: {  	_ =	shalt  }
0x4d: {  	_ =	shalt  }
0x4e: {  	_ =	shalt  }
0x4f: {  	_ =	shalt  }
0x50: {  	_ =	shalt  }
0x51: {  	_ =	shalt  }
0x52: {  	_ =	shalt  }
0x53: {  	_ =	shalt  }
0x54: {  	_ =	shalt  }
0x55: {  	_ =	shalt  }
0x56: {  	_ =	shalt  }
0x57: {  	_ =	shalt  }
0x58: {  	_ =	shalt  }
0x59: {  	_ =	shalt  }
0x5a: {  	_ =	shalt  }
0x5b: {  	_ =	shalt  }
0x5c: {  	_ =	shalt  }
0x5d: {  	_ =	shalt  }
0x5e: {  	_ =	shalt  }
0x5f: {  	_ =	shalt  }
0x60: {  	_ =	shalt  }
0x61: {  	_ =	shalt  }
0x62: {  	_ =	shalt  }
0x63: {  	_ =	shalt  }
0x64: {  	_ =	shalt  }
0x65: {  	_ =	shalt  }
0x66: {  	_ =	shalt  }
0x67: {  	_ =	shalt  }
0x68: {  	_ =	shalt  }
0x69: {  	_ =	shalt  }
0x6a: {  	_ =	shalt  }
0x6b: {  	_ =	shalt  }
0x6c: {  	_ =	shalt  }
0x6d: {  	_ =	shalt  }
0x6e: {  	_ =	shalt  }
0x6f: {  	_ =	shalt  }
0x70: {  	_ =	shalt  }
0x71: {  	_ =	shalt  }
0x72: {  	_ =	shalt  }
0x73: {  	_ =	shalt  }
0x74: {  	_ =	shalt  }
0x75: {  	_ =	shalt  }
0x76: {  	_ =	shalt  }
0x77: {  	_ =	shalt  }
0x78: {  	_ =	shalt  }
0x79: {  	_ =	shalt  }
0x7a: {  	_ =	shalt  }
0x7b: {  	_ =	shalt  }
0x7c: {  	_ =	shalt  }
0x7d: {  	_ =	shalt  }
0x7e: {  	_ =	shalt  }
0x7f: {  	_ =	shalt  }
0x80: {  	_ =	shalt  }
0x81: {  	_ =	shalt  }
0x82: {  	_ =	shalt  }
0x83: {  	_ =	shalt  }
0x84: {  	_ =	shalt  }
0x85: {  	_ =	shalt  }
0x86: {  	_ =	shalt  }
0x87: {  	_ =	shalt  }
.Lfunc_end0:
.L_simem_size_0:
called_computation_lowered:
.L_overlay_start_0:
0x88: {  	s2 =	sld [smem:$0x3FD9]  }
0x89: {  	s3 =	sld [smem:$0x3FFE];
	_ =	sdelay $0x1  }
0x8a: {  	s1 =	srdreg.scid  }
0x8b: {  	s0 =	sand.u32 $0x1, s1  }
0x8c: {  	s17 =	sshll.u32 s0, $0xA;
	s2 =	sadd.s32 s3, s2  }
0x8d: {  	s2 =	sadd.s32 s2, s17  }
0x8e: {  	[smem:$0x3FC3] =	sst s2  }
0x8f: {  	_ = 	snop  }
0x90: {  	s2 =	sld [smem:$0x3FD0];
	(tm) =	ssettm $0x1  }
0x91: {  	s18 =	sld [smem:$0x3FFB];
	_ =	sdelay $0x3  }
0x92: {  	_ =	strace s18  }
0x93: {  	s3 =	sld [smem:$0x3FFC];
	_ =	sdelay $0x3  }
0x94: {  	_ =	strace s3  }
0x95: {  	s3 =	sld [smem:$0x3FFD];
	_ =	sdelay $0x3  }
0x96: {  	_ =	strace s3  }
0x97: {  	_ =	strace $0x8FFFFFFF  }
0x98: {  	s19 =	sld [smem:$0x3FDB];
	_ =	sdelay $0x1  }
0x99: {  	s4 =	simm.s32 $_scs_section_size  }
0x9a: {  	s5 =	simm.s32 $_size__tile_overlayer_lowered;
	s6 =	simm.s32 $_tile_overlayer_lowered  }
0x9b: {  	s22 =	simm.s32 $0x1BFF;
	s21 =	sshll.u32 s6, $0x1;
	s3 =	sadd.s32 s4, s19  }
0x9c: {  	s7 =	simm.s32 $0x0;
	s20 =	sshll.u32 s5, $0x1;
	s5 =	sadd.s32 s21, s3  }
0x9d: {  	[timem:s7], [sflag:s22] =	dma.local [hbm:s5], s20  }
0x9e: {  	_ =	swait.ge [sflag:s22], s20  }
0x9f: {  	s4 =	ssub.s32 $0x0, s20;
	[sflag:s22] =	ssyncset.done $0x0  }
0xa0: {  	[sflag:s22] =	ssyncadd.s32 s4;
	_ =	sdelay $0x1  }
0xa1: {  	s23 =	simm.s32 $0x1B8B  }
0xa2: {  	_ =	swait.ge [sflag:s23], $0x1  }
0xa3: {  	[sflag:s23] =	ssyncset.done $0x0  }
0xa4: {  	s25 =	simm.s32 $0x1B8E;
	s24 =	sld [smem:$0x3FFE];
	[sflag:s23] =	ssyncadd.s32 $0xFFFFFFFF  }
0xa5: {  	s26 =	simm.s32 $execute0_lowered;
	[smem:$0x3FD2] =	sst s25  }
0xa6: {  	s5 =	sshll.u32 s26, $0x1;
	_ =	strace $0x80000046;
	[dreg:$0x1] =	wrdreg $0xFFFFFFFF  }
0xa7: {  	s28 =	simm.s32 $_size_execute0_lowered;
	s3 =	sadd.s32 s3, s5;
	[dreg:$0x0] =	wrdreg $0x0  }
0xa8: {  	s5 =	sshll.u32 s28, $0x1;
	[dreg:$0x2] =	wrdreg s3  }
0xa9: {  	[dreg:$0x3] =	wrdreg s5  }
0xaa: {  	[dreg:$0x4] =	wrdreg $0xC0  }
0xab: {  	_ =	task [dreg:s7], $0x5FFFF  }
0xac: {  	[dreg:$0x1] =	wrdreg $0xFFFFFFFF  }
0xad: {  	[dreg:$0x0] =	wrdreg $0x60  }
0xae: {  	[dreg:$0x2] =	wrdreg s24  }
0xaf: {  	[dreg:$0x3] =	wrdreg s2  }
0xb0: {  	[dreg:$0x4] =	wrdreg $0x9  }
0xb1: {  	_ =	task.clear_ibuf [dreg:s7], $0x5FFFF;
	_ =	strace $0x90000046  }
0xb2: {  	s29 =	simm.s32 $0x9;
	_ =	strace $0x80000048  }
0xb3: {  	_ =	swait.ge [sflag:s29], $0x1  }
0xb4: {  	[sflag:s29] =	ssyncadd.s32 $0xFFFFFFFF  }
0xb5: {  	_ =	strace $0x90000048  }
0xb6: {  	_ =	sfence  }
0xb7: {  	s30 =	sld [smem:$0x0];
	_ =	sdelay $0x2  }
0xb8: {  	s31 =	sshll.u32 s1, $0xD;
	s1 =	sshrl.u32 s1, $0x2  }
0xb9: {  	s3 =	sand.u32 $0x4000, s31;
	s1 =	sadd.s32 s1, s30  }
0xba: {  	s0 =	sor.u32 s3, s0;
	s1 =	sshll.u32 s1, $0x11  }
0xbb: {  	s0 =	sor.u32 s1, s0  }
0xbc: {  	s0 =	sadd.s32 $0x8F2B, s0  }
0xbd: {  	[sflag:s0] =	ssyncadd.remote.s32 $0x1  }
0xbe: {  	_ =	sfence.sel $0xFFFF  }
0xbf: {  	[dreg:$0x0] =	wrdreg $0xFFFFFFFF;
	(pc) =	sbr.abs _section_cstart, $3  }
0xc0: {  	[dreg:$0x1] =	wrdreg $0xFFFFFFFF  }
0xc1: {  	_ =	task.clear_ibuf [dreg:s7], $0x2FFFF;
	_ =	strace $0x9FFFFFFF  }
0xc2: {  	(tm) =	ssettm $0x7FFFFFFF  }
0xc3: {  	_ =	shalt  }
tec
execute0_lowered:
.L_overlay_start_1:
0x0: {  	(tag) =	ssettag $0x1  }
0x1: {  	v0 =	vimm.s32 $0xFEDCBA98;
	v1 =	vimm.s32 $0x76543210  }
0x2: {  	v2 =	vimm.s32 $0x3210FEDC;
	v3 =	vimm.s32 $0xBA987654;
	v4 =	vimm.s32 $0x10FEDCBA  }
0x3: {  	s0 =	srdreg.scid;
	v5 =	vimm.s32 $0x98765432;
	v6 =	vimm.s32 $0xFEDCBA9;
	v7 =	vimm.s32 $0x87654321  }
0x4: {  	s1 =	stileid.u32;
	s4 =	rddreg [dreg:$0x0];
	vm0 =	vmmov $0x1;
	vm1 =	vmmov $0x3;
	vm2 =	vmmov $0x7  }
0x5: {  	s8 =	rddreg [dreg:$0x1];
	s10 =	simm.s32 $0x80;
	s11 =	simm.s32 $0x400;
	vm3 =	vmmov $0xf;
	vm4 =	vmmov $0x1f;
	vm5 =	vmmov $0x3f  }
0x6: {  	s12 =	simm.s32 $0x7;
	s14 =	simm.s32 $0x500;
	s15 =	simm.s32 $0x10;
	vm6 =	vmmov $0x7f;
	vm7 =	vmmov $0xff;
	vm8 =	vmmov $0x1ff  }
0x7: {  	s19 =	simm.s32 $0x600;
	vm9 =	vmmov $0x3ff;
	vm10 =	vmmov $0x7ff;
	vm11 =	vmmov $0xfff;
	s0 =	sand.u32 $0x1, s0;
	s1 =	sshll.u32 s1, $0x1  }
0x8: {  	s20 =	simm.s32 $0x1A500;
	s21 =	simm.s32 $0x1AD00;
	v0 =	vunpack.c.l.s4.s8 v0;
	v1 =	vunpack.c.l.s4.s8 v1;
	v2 =	vunpack.c.l.s4.s8 v2;
	s1 =	sor.u32 s0, s1  }
0x9: {  	s22 =	simm.s32 $0x0;
	v3 =	vunpack.c.l.s4.s8 v3;
	v4 =	vunpack.c.l.s4.s8 v4;
	v5 =	vunpack.c.l.s4.s8 v5;
	s0 =	ssub.s32 $0x2, s0;
	s3 =	sshll.u32 s1, $0x9  }
0xa: {  	v6 =	vunpack.c.l.s4.s8 v6;
	v7 =	vunpack.c.l.s4.s8 v7;
	v0 =	vunpack.c.0.s8.s32 v0;
	s2 =	sshll.u32 s1, $0x7;
	s31 =	sshrl.u32 s0, $0x1;
	s1 =	sshll.u32 s1, $0x6  }
0xb: {  	v2 =	vunpack.c.0.s8.s32 v2;
	v3 =	vunpack.c.0.s8.s32 v3;
	v4 =	vunpack.c.0.s8.s32 v4;
	s5 =	sand.u32 $0x3000, s3;
	s6 =	sand.u32 $0x380, s2;
	s2 =	simm.s32 $0x0  }
.Ltmp0:
0xc: {  	v5 =	vunpack.c.0.s8.s32 v5;
	v6 =	vunpack.c.0.s8.s32 v6;
	v7 =	vunpack.c.0.s8.s32 v7;
	s7 =	sadd.s32 s3, s4;
	s3 =	sadd.s32 $0x9600, s4;
	(pc) =	sbr.rel .LBB2_1-.Ltmp0, $4  }
0xd: {  	vm12 =	vmmov $0x1fff;
	v1 =	vunpack.c.0.s8.s32 v1;
	s0 =	ssub.s32 s0, s31;
	s8 =	sadd.s32 s8, s1;
	s5 =	sor.u32 s6, s5;
	v2 =	vcombine.low v3, v2  }
0xe: {  	[smem:$0x7FF] =	sst s2;
	v3 =	vcombine.low v5, v4;
	v4 =	vcombine.low v7, v6;
	v0 =	vand.u32 $0xF, v0;
	s7 =	sadd.s32 $0x5600, s7;
	s5 =	sshrl.u32 s5, $0x3  }
0xf: {  	vm13 =	vmmov $0x3fff;
	vm14 =	vmmov $0x7fff;
	s9 =	smax.u32 s0, $0x1;
	_ =	strace $0x80000047;
	v0 =	vcombine.low v0, v1;
	s30 =	sadd.s32 s5, s4  }
0x10: {  	s4 =	sadd.s32 $0x1600, s4;
	v1 =	vand.u32 $0xF, v2;
	v2 =	vand.u32 $0xF, v3;
	v3 =	vand.u32 $0xF, v4;
	s5 =	sadd.s32 $0x600, s30;
	s6 =	sadd.s32 $0xE00, s30  }
.LBB2_13:
0x11: {  	s22 =	sadd.s32 $0x1, s22  }
0x12: {  	p0 =	sne.s32 s22, s9  }
.Ltmp1:
0x13: {  	_ = 	snop;
	(pc) =	sbr.rel @!p0 .LBB2_14-.Ltmp1, $4  }
0x14: {  	[hbm4b:s8+s2] =	stream.linear.scatter [tilespmem:s21], [sflag:$0x7], $0x200, $0x38;
	[tilespmem:$0x1AF00] =	vst v63  }
0x15: {  	_ =	swait.ge [sflag:s12], $0x200  }
0x16: {  	[sflag:s12] =	ssyncset.done $0x0  }
0x17: {  	[sflag:s12] =	ssyncadd.s32 $0xFFFFFE00  }
.LBB2_1:
0x18: {  	[tilespmem:s2], [sflag:$0x7] =	stream.strided.gather [hbm4b:s5+s10], $0x200, s11, s10, $0x38;
	[tilespmem:$0x1AF00] =	vst v63  }
0x19: {  	_ =	swait.ge [sflag:s12], $0x200  }
0x1a: {  	[sflag:s12] =	ssyncset.done $0x0  }
0x1b: {  	s0 =	simm.s32 $0x280;
	[sflag:s12] =	ssyncadd.s32 $0xFFFFFE00  }
0x1c: {  	[tilespmem:s0], [sflag:$0x7] =	stream.strided.gather [hbm4b:s6+s10], $0x200, s11, s10, $0x38;
	[tilespmem:$0x1AF00] =	vst v63  }
0x1d: {  	_ =	swait.ge [sflag:s12], $0x200  }
0x1e: {  	[sflag:s12] =	ssyncset.done $0x0  }
0x1f: {  	[sflag:s12] =	ssyncadd.s32 $0xFFFFFE00  }
0x20: {  	[tilespmem:s14], [sflag:$0x7] =	stream.linear.gather [hbm4b:s7+s2], $0x1000, $0x38;
	[tilespmem:$0x1AF00] =	vst v63  }
0x21: {  	_ =	swait.ge [sflag:s12], $0x1000  }
0x22: {  	[sflag:s12] =	ssyncset.done $0x0  }
0x23: {  	s29 =	simm.s32 $0x0;
	[sflag:s12] =	ssyncadd.s32 $0xFFFFF000  }
0x24: {  	v4 =	vld [tilespmem:s29+$0x0]  }
0x25: {  	v5 =	vld [tilespmem:s29+$0x280];
	_ =	sdelay $0x3  }
0x26: {  	(v2sf) =	vpush v4, $0x0  }
0x27: {  	(v2sf) =	vpush v5, $0x0;
	_ =	sdelay $0xd  }
0x28: {  	s30 =	spop (v2sf)  }
0x29: {  	s0 =	sshll.u32 s30, $0x4;
	s1 =	spop (v2sf)  }
0x2a: {  	s13 =	sand.u32 $0xFFFFF80, s0;
	s1 =	sshll.u32 s1, $0x4  }
0x2b: {  	s0 =	simm.s32 $0x1500;
	s13 =	sadd.s32 s3, s13;
	s16 =	sand.u32 $0xFFFFF80, s1  }
0x2c: {  	[tilespmem:s0], [sflag:$0x1] =	stream.linear.gather [hbm4b:s13+s2], $0x400, $0x38;
	[tilespmem:$0x1AF00] =	vst v63  }
0x2d: {  	s1 =	simm.s32 $0xD500;
	s31 =	sadd.s32 s3, s16;
	s16 =	simm.s32 $0x1  }
0x2e: {  	[tilespmem:s1], [sflag:$0x1] =	stream.linear.gather [hbm4b:s31+s2], $0x400, $0x38;
	[tilespmem:$0x1AF00] =	vst v63  }
0x2f: {  	s13 =	simm.s32 $0x8;
	v4 =	vld [tilespmem:s16+$0x0]  }
.LBB2_2:
0x30: {  	p0 =	sne.s32 s13, $0x3C;
	v5 =	vld [tilespmem:s16+$0x280];
	_ =	sdelay $0x3  }
0x31: {  	(v2sf) =	vpush v4, $0x0  }
0x32: {  	(v2sf) =	vpush v5, $0x0;
	_ =	sdelay $0xd  }
0x33: {  	s16 =	spop (v2sf)  }
0x34: {  	s16 =	sshll.u32 s16, $0x4;
	s17 =	spop (v2sf)  }
0x35: {  	s0 =	sadd.s32 $0x400, s0;
	s16 =	sand.u32 $0xFFFFF80, s16;
	s17 =	sshll.u32 s17, $0x4  }
.Ltmp2:
0x36: {  	s16 =	sadd.s32 s3, s16;
	s17 =	sand.u32 $0xFFFFF80, s17;
	(pc) =	sbr.rel @p0 .LBB2_2-.Ltmp2, $4  }
0x37: {  	[tilespmem:s0], [sflag:$0x1] =	stream.linear.gather [hbm4b:s16+s2], $0x400, $0x38;
	[tilespmem:$0x1AF00] =	vst v63  }
0x38: {  	s1 =	sadd.s32 $0x400, s1;
	s16 =	sshra.s32 s13, $0x2;
	s17 =	sadd.s32 s3, s17  }
0x39: {  	[tilespmem:s1], [sflag:$0x1] =	stream.linear.gather [hbm4b:s17+s2], $0x400, $0x38;
	[tilespmem:$0x1AF00] =	vst v63  }
0x3a: {  	s13 =	sadd.s32 $0x4, s13;
	v4 =	vld [tilespmem:s16+$0x0]  }
0x3b: {  	v5 =	vld [tilespmem:s16+$0x280];
	_ =	sdelay $0x3  }
0x3c: {  	(v2sf) =	vpush v4, $0x0  }
0x3d: {  	(v2sf) =	vpush v5, $0x0;
	_ =	sdelay $0xd  }
0x3e: {  	s13 =	spop (v2sf)  }
0x3f: {  	s13 =	sshll.u32 s13, $0x4;
	s18 =	spop (v2sf)  }
0x40: {  	s13 =	sand.u32 $0xFFFFF80, s13;
	s16 =	sshll.u32 s18, $0x4  }
0x41: {  	s0 =	sadd.s32 $0x400, s0;
	s13 =	sadd.s32 s3, s13;
	s16 =	sand.u32 $0xFFFFF80, s16  }
0x42: {  	[tilespmem:s0], [sflag:$0x1] =	stream.linear.gather [hbm4b:s13+s2], $0x400, $0x38;
	[tilespmem:$0x1AF00] =	vst v63  }
0x43: {  	s1 =	sadd.s32 $0x400, s1;
	s23 =	sadd.s32 s3, s16  }
0x44: {  	[tilespmem:s1], [sflag:$0x1] =	stream.linear.gather [hbm4b:s23+s2], $0x400, $0x38;
	[tilespmem:$0x1AF00] =	vst v63  }
0x45: {  	s24 =	simm.s32 $0x19500;
	s25 =	simm.s32 $0x0  }
0x46: {  	[tilespmem:s24], [sflag:$0x4] =	stream.indirect.gather [hbm4b:s4+s15], $0x80, s14, s15, $0xb8;
	[tilespmem:$0x1AF00] =	vst v63  }
0x47: {  	v4 =	vld [tilespmem:s25+$0x10]  }
0x48: {  	v5 =	vld [tilespmem:s25+$0x290];
	_ =	sdelay $0x3  }
0x49: {  	(v2sf) =	vpush v4, $0x0  }
0x4a: {  	(v2sf) =	vpush v5, $0x0;
	_ =	sdelay $0xd  }
0x4b: {  	s26 =	spop (v2sf)  }
0x4c: {  	s0 =	sshll.u32 s26, $0x4;
	s28 =	spop (v2sf)  }
0x4d: {  	s29 =	sand.u32 $0xFFFFF80, s0;
	s1 =	sshll.u32 s28, $0x4  }
0x4e: {  	s0 =	simm.s32 $0x5500;
	s13 =	sadd.s32 s3, s29;
	s30 =	sand.u32 $0xFFFFF80, s1  }
0x4f: {  	[tilespmem:s0], [sflag:$0x2] =	stream.linear.gather [hbm4b:s13+s2], $0x400, $0x38;
	[tilespmem:$0x1AF00] =	vst v63  }
0x50: {  	s16 =	simm.s32 $0x1;
	s1 =	simm.s32 $0x11500;
	s31 =	sadd.s32 s3, s30  }
0x51: {  	[tilespmem:s1], [sflag:$0x2] =	stream.linear.gather [hbm4b:s31+s2], $0x400, $0x38;
	[tilespmem:$0x1AF00] =	vst v63  }
0x52: {  	s13 =	simm.s32 $0x8;
	v4 =	vld [tilespmem:s16+$0x10]  }
.LBB2_4:
0x53: {  	p0 =	sne.s32 s13, $0x3C;
	v5 =	vld [tilespmem:s16+$0x290];
	_ =	sdelay $0x3  }
0x54: {  	(v2sf) =	vpush v4, $0x0  }
0x55: {  	(v2sf) =	vpush v5, $0x0;
	_ =	sdelay $0xd  }
0x56: {  	s16 =	spop (v2sf)  }
0x57: {  	s16 =	sshll.u32 s16, $0x4;
	s17 =	spop (v2sf)  }
0x58: {  	s0 =	sadd.s32 $0x400, s0;
	s16 =	sand.u32 $0xFFFFF80, s16;
	s17 =	sshll.u32 s17, $0x4  }
.Ltmp3:
0x59: {  	s16 =	sadd.s32 s3, s16;
	s17 =	sand.u32 $0xFFFFF80, s17;
	(pc) =	sbr.rel @p0 .LBB2_4-.Ltmp3, $4  }
0x5a: {  	[tilespmem:s0], [sflag:$0x2] =	stream.linear.gather [hbm4b:s16+s2], $0x400, $0x38;
	[tilespmem:$0x1AF00] =	vst v63  }
0x5b: {  	s1 =	sadd.s32 $0x400, s1;
	s16 =	sshra.s32 s13, $0x2;
	s17 =	sadd.s32 s3, s17  }
0x5c: {  	[tilespmem:s1], [sflag:$0x2] =	stream.linear.gather [hbm4b:s17+s2], $0x400, $0x38;
	[tilespmem:$0x1AF00] =	vst v63  }
0x5d: {  	s13 =	sadd.s32 $0x4, s13;
	v4 =	vld [tilespmem:s16+$0x10]  }
0x5e: {  	v5 =	vld [tilespmem:s16+$0x290];
	_ =	sdelay $0x3  }
0x5f: {  	(v2sf) =	vpush v4, $0x0  }
0x60: {  	(v2sf) =	vpush v5, $0x0;
	_ =	sdelay $0xd  }
0x61: {  	s13 =	spop (v2sf)  }
0x62: {  	s13 =	sshll.u32 s13, $0x4;
	s17 =	spop (v2sf)  }
0x63: {  	s13 =	sand.u32 $0xFFFFF80, s13;
	s16 =	sshll.u32 s17, $0x4  }
0x64: {  	s0 =	sadd.s32 $0x400, s0;
	s13 =	sadd.s32 s3, s13;
	s16 =	sand.u32 $0xFFFFF80, s16  }
0x65: {  	[tilespmem:s0], [sflag:$0x2] =	stream.linear.gather [hbm4b:s13+s2], $0x400, $0x38;
	[tilespmem:$0x1AF00] =	vst v63  }
0x66: {  	s1 =	sadd.s32 $0x400, s1;
	s18 =	sadd.s32 s3, s16  }
0x67: {  	[tilespmem:s1], [sflag:$0x2] =	stream.linear.gather [hbm4b:s18+s2], $0x400, $0x38;
	[tilespmem:$0x1AF00] =	vst v63  }
0x68: {  	s23 =	simm.s32 $0x580;
	s24 =	simm.s32 $0x19D00;
	s25 =	simm.s32 $0x0  }
0x69: {  	[tilespmem:s24], [sflag:$0x5] =	stream.indirect.gather [hbm4b:s4+s15], $0x80, s23, s15, $0xb8;
	[tilespmem:$0x1AF00] =	vst v63  }
0x6a: {  	v4 =	vld [tilespmem:s25+$0x20]  }
0x6b: {  	v5 =	vld [tilespmem:s25+$0x2A0];
	_ =	sdelay $0x3  }
0x6c: {  	(v2sf) =	vpush v4, $0x0  }
0x6d: {  	(v2sf) =	vpush v5, $0x0;
	_ =	sdelay $0xd  }
0x6e: {  	s26 =	spop (v2sf)  }
0x6f: {  	s0 =	sshll.u32 s26, $0x4;
	s28 =	spop (v2sf)  }
0x70: {  	s29 =	sand.u32 $0xFFFFF80, s0;
	s1 =	sshll.u32 s28, $0x4  }
0x71: {  	s0 =	simm.s32 $0x9500;
	s13 =	sadd.s32 s3, s29;
	s30 =	sand.u32 $0xFFFFF80, s1  }
0x72: {  	[tilespmem:s0], [sflag:$0x3] =	stream.linear.gather [hbm4b:s13+s2], $0x400, $0x38;
	[tilespmem:$0x1AF00] =	vst v63  }
0x73: {  	s16 =	simm.s32 $0x1;
	s1 =	simm.s32 $0x15500;
	s31 =	sadd.s32 s3, s30  }
0x74: {  	[tilespmem:s1], [sflag:$0x3] =	stream.linear.gather [hbm4b:s31+s2], $0x400, $0x38;
	[tilespmem:$0x1AF00] =	vst v63  }
0x75: {  	s13 =	simm.s32 $0x8;
	v4 =	vld [tilespmem:s16+$0x20]  }
.LBB2_6:
0x76: {  	p0 =	sne.s32 s13, $0x3C;
	v5 =	vld [tilespmem:s16+$0x2A0];
	_ =	sdelay $0x3  }
0x77: {  	(v2sf) =	vpush v4, $0x0  }
0x78: {  	(v2sf) =	vpush v5, $0x0;
	_ =	sdelay $0xd  }
0x79: {  	s16 =	spop (v2sf)  }
0x7a: {  	s16 =	sshll.u32 s16, $0x4;
	s17 =	spop (v2sf)  }
0x7b: {  	s0 =	sadd.s32 $0x400, s0;
	s16 =	sand.u32 $0xFFFFF80, s16;
	s17 =	sshll.u32 s17, $0x4  }
.Ltmp4:
0x7c: {  	s16 =	sadd.s32 s3, s16;
	s17 =	sand.u32 $0xFFFFF80, s17;
	(pc) =	sbr.rel @p0 .LBB2_6-.Ltmp4, $4  }
0x7d: {  	[tilespmem:s0], [sflag:$0x3] =	stream.linear.gather [hbm4b:s16+s2], $0x400, $0x38;
	[tilespmem:$0x1AF00] =	vst v63  }
0x7e: {  	s1 =	sadd.s32 $0x400, s1;
	s16 =	sshra.s32 s13, $0x2;
	s17 =	sadd.s32 s3, s17  }
0x7f: {  	[tilespmem:s1], [sflag:$0x3] =	stream.linear.gather [hbm4b:s17+s2], $0x400, $0x38;
	[tilespmem:$0x1AF00] =	vst v63  }
0x80: {  	s13 =	sadd.s32 $0x4, s13;
	v4 =	vld [tilespmem:s16+$0x20]  }
0x81: {  	_ = 	snop  }
0x82: {  	v5 =	vld [tilespmem:s16+$0x2A0];
	_ =	sdelay $0x2  }
0x83: {  	(v2sf) =	vpush v4, $0x0;
	_ =	sdelay $0x1  }
0x84: {  	(v2sf) =	vpush v5, $0x0;
	_ =	sdelay $0xc  }
0x85: {  	s13 =	spop (v2sf)  }
0x86: {  	s13 =	sshll.u32 s13, $0x4  }
0x87: {  	s30 =	spop (v2sf);
	s13 =	sand.u32 $0xFFFFF80, s13  }
0x88: {  	s0 =	sadd.s32 $0x400, s0;
	s16 =	sshll.u32 s30, $0x4;
	s13 =	sadd.s32 s3, s13  }
0x89: {  	[tilespmem:s0], [sflag:$0x3] =	stream.linear.gather [hbm4b:s13+s2], $0x400, $0x38;
	[tilespmem:$0x1AF00] =	vst v63  }
.Ltmp5:
0x8a: {  	s1 =	sadd.s32 $0x400, s1;
	s16 =	sand.u32 $0xFFFFF80, s16;
	(pc) =	sbr.rel .LBB2_8-.Ltmp5, $4  }
0x8b: {  	s23 =	simm.s32 $0x0;
	s24 =	simm.s32 $0xD500;
	s31 =	sadd.s32 s3, s16  }
0x8c: {  	[tilespmem:s1], [sflag:$0x3] =	stream.linear.gather [hbm4b:s31+s2], $0x400, $0x38;
	[tilespmem:$0x1AF00] =	vst v63  }
0x8d: {  	s25 =	simm.s32 $0x1500;
	s26 =	simm.s32 $0x30;
	s28 =	simm.s32 $0x2B0  }
0x8e: {  	[tilespmem:s20], [sflag:$0x6] =	stream.indirect.gather [hbm4b:s4+s15], $0x80, s19, s15, $0xb8;
	[tilespmem:$0x1AF00] =	vst v63  }
.LBB2_12:
0x8f: {  	s23 =	sadd.s32 $0x1, s23  }
0x90: {  	p0 =	sne.s32 s23, $0x20  }
.Ltmp6:
0x91: {  	_ = 	snop;
	(pc) =	sbr.rel @!p0 .LBB2_13-.Ltmp6, $3  }
0x92: {  	_ =	sdelay $0x1  }
0x93: {  	s24 =	sadd.s32 $0x4000, s24  }
0x94: {  	s25 =	sadd.s32 $0x4000, s25;
	s26 =	sadd.s32 $0x10, s26;
	s28 =	sadd.s32 $0x10, s28  }
.LBB2_8:
0x95: {  	s0 =	smul.u32 $0xAB, s23;
	_ =	sdelay $0x1  }
0x96: {  	s0 =	sshrl.u32 s0, $0x9  }
0x97: {  	s0 =	sand.u32 $0x7F, s0  }
0x98: {  	s0 =	smul.u32 $0x3, s0;
	_ =	sdelay $0x1  }
0x99: {  	s0 =	ssub.s32 s23, s0  }
0x9a: {  	s13 =	sand.u32 $0xFF, s0  }
0x9b: {  	s29 =	sadd.s32 $0x1, s13  }
0x9c: {  	_ =	swait.ge [sflag:s29], $0x4000  }
0x9d: {  	[sflag:s29] =	ssyncset.done $0x0  }
0x9e: {  	[sflag:s29] =	ssyncadd.s32 $0xFFFFC000  }
0x9f: {  	_ =	swait.ge [sflag:s29], $0x4000  }
0xa0: {  	[sflag:s29] =	ssyncset.done $0x0  }
0xa1: {  	s30 =	sor.u32 $0x4, s13;
	[sflag:s29] =	ssyncadd.s32 $0xFFFFC000  }
0xa2: {  	_ =	swait.ge [sflag:s30], $0x800  }
0xa3: {  	[sflag:s30] =	ssyncset.done $0x0  }
0xa4: {  	s1 =	sshll.u32 s23, $0x4;
	[sflag:s30] =	ssyncadd.s32 $0xFFFFF800  }
0xa5: {  	v4 =	vld [tilespmem:s1+$0x0];
	_ =	sdelay $0x3  }
0xa6: {  	v6 =	vld [tilespmem:s1+$0x280]  }
0xa7: {  	v4 =	vand.u32 $0x7, v4  }
0xa8: {  	v5 =	vshll.u32 v4, $0x7  }
0xa9: {  	(v2sf) =	vpush v5, $0x0;
	_ =	sdelay $0x1  }
0xaa: {  	v4 =	vand.u32 $0x7, v6  }
0xab: {  	v4 =	vshll.u32 v4, $0x7;
	(v2sf) =	vpush v5, $0x1  }
0xac: {  	(v2sf) =	vpush v4, $0x0;
	_ =	sdelay $0x3  }
0xad: {  	s31 =	sshll.u32 s13, $0xB  }
0xae: {  	v8 =	vld [tilespmem:s31+$0x19500]  }
0xaf: {  	v9 =	vld [tilespmem:s31+$0x19520]  }
0xb0: {  	v27 =	vld [tilespmem:s31+$0x19510]  }
0xb1: {  	v28 =	vld [tilespmem:s31+$0x19530]  }
0xb2: {  	v16 =	vld [tilespmem:s31+$0x19580]  }
0xb3: {  	v18 =	vld [tilespmem:s31+$0x195A0]  }
0xb4: {  	s0 =	sshll.u32 s13, $0xE;
	v19 =	vld [tilespmem:s31+$0x19590];
	s16 =	spop (v2sf)  }
0xb5: {  	v41 =	vld [tilespmem:s31+$0x195B0];
	s16 =	sor.u32 s16, s0  }
0xb6: {  	v24 =	vld [tilespmem:s16+$0x1500]  }
0xb7: {  	s18 =	spop (v2sf);
	(v2sf) =	vpush v4, $0x1;
	v7 =	vld [tilespmem:s16+$0x1520]  }
0xb8: {  	s17 =	spop (v2sf);
	v14 =	vld [tilespmem:s16+$0x1510]  }
0xb9: {  	v25 =	vld [tilespmem:s16+$0x1530];
	s17 =	sor.u32 s17, s0  }
0xba: {  	v10 =	vld [tilespmem:s17+$0xD500]  }
0xbb: {  	(v2sf) =	vpush v5, $0x2;
	v11 =	vld [tilespmem:s17+$0xD520]  }
0xbc: {  	s16 =	sor.u32 $0x400, s0;
	v26 =	vld [tilespmem:s17+$0xD510]  }
0xbd: {  	s13 =	sor.u32 s18, s16;
	v29 =	vld [tilespmem:s17+$0xD530]  }
0xbe: {  	v30 =	vld [tilespmem:s13+$0x1500];
	v12 =	vmul.f32 v8, v24;
	v13 =	vmul.f32 v9, v7  }
0xbf: {  	v15 =	vld [tilespmem:s13+$0x1520];
	v6 =	vmul.f32 v9, v24;
	v7 =	vmul.f32 v8, v7  }
0xc0: {  	v38 =	vld [tilespmem:s13+$0x1510];
	v31 =	vmul.f32 v27, v14;
	v17 =	vmul.f32 v28, v25;
	v12 =	vsub.f32 v12, v13  }
0xc1: {  	v39 =	vld [tilespmem:s13+$0x1530];
	v6 =	vadd.f32 v6, v7;
	v13 =	vmul.f32 v28, v14;
	v7 =	vmul.f32 v27, v25  }
0xc2: {  	v32 =	vsub.f32 v31, v17;
	v10 =	vsub.f32 v12, v10  }
0xc3: {  	v36 =	vmul.f32 v16, v30;
	v6 =	vsub.f32 v6, v11;
	v7 =	vadd.f32 v13, v7  }
0xc4: {  	v37 =	vmul.f32 v18, v15;
	v15 =	vmul.f32 v16, v15;
	v8 =	vsub.f32 v32, v26  }
0xc5: {  	v10 =	vmul.f32 v10, v10;
	v6 =	vmul.f32 v6, v6;
	v7 =	vsub.f32 v7, v29  }
0xc6: {  	v23 =	vld [tilespmem:s31+$0x19620];
	v47 =	vmul.f32 v19, v38;
	v20 =	vmul.f32 v41, v39;
	s18 =	spop (v2sf)  }
0xc7: {  	v8 =	vmul.f32 v8, v8;
	v29 =	vld [tilespmem:s31+$0x19600];
	v6 =	vadd.f32 v6, v10;
	v7 =	vmul.f32 v7, v7;
	s16 =	sor.u32 s18, s16  }
0xc8: {  	v14 =	vmul.f32 v41, v38;
	v16 =	vmul.f32 v19, v39;
	v11 =	vsub.f32 v36, v37;
	v33 =	vld [tilespmem:s16+$0xD500]  }
0xc9: {  	v6 =	vadd.f32 $9.999999960e-13, v6;
	v7 =	vadd.f32 v7, v8;
	v35 =	vld [tilespmem:s16+$0xD520]  }
0xca: {  	s13 =	sor.u32 $0x800, s0;
	v12 =	vmul.f32 v18, v30;
	v49 =	vsub.f32 v47, v20;
	v14 =	vadd.f32 v14, v16;
	s17 =	spop (v2sf);
	v45 =	vld [tilespmem:s16+$0xD510]  }
0xcb: {  	v46 =	vld [tilespmem:s16+$0xD530];
	s16 =	sor.u32 s17, s13;
	v34 =	vmul.f32 $5.000000000e-01, v6;
	v40 =	vshrl.u32 v6, $0x1;
	v7 =	vadd.f32 $9.999999960e-13, v7  }
0xcc: {  	v12 =	vadd.f32 v12, v15;
	(v2sf) =	vpush v5, $0x3;
	v63 =	vld [tilespmem:s16+$0x1500];
	v18 =	vsub.s32 $0x5F3759DF, v40  }
0xcd: {  	v22 =	vld [tilespmem:s16+$0x1520];
	v42 =	vmul.f32 v18, v34;
	v21 =	vshrl.u32 v7, $0x1;
	v48 =	vmul.f32 $5.000000000e-01, v7  }
0xce: {  	v50 =	vsub.s32 $0x5F3759DF, v21;
	v43 =	vsub.f32 v11, v33;
	v9 =	vsub.f32 v12, v35  }
0xcf: {  	(v2sf) =	vpush v4, $0x2;
	v44 =	vmul.f32 v18, v42;
	v51 =	vmul.f32 v50, v48  }
0xd0: {  	(v2sf) =	vpush v4, $0x3;
	v8 =	vmul.f32 v43, v43;
	v9 =	vmul.f32 v9, v9  }
0xd1: {  	v38 =	vld [tilespmem:s16+$0x1510];
	v12 =	vsub.f32 v14, v46;
	v37 =	vmul.f32 v29, v63;
	v10 =	vsub.f32 $1.500000000e+00, v44  }
0xd2: {  	v39 =	vld [tilespmem:s16+$0x1530];
	v24 =	vmul.f32 v23, v22;
	v8 =	vadd.f32 v9, v8;
	v9 =	vsub.f32 v49, v45  }
0xd3: {  	v42 =	vld [tilespmem:s31+$0x19630];
	v53 =	vmul.f32 v50, v51;
	v10 =	vmul.f32 v18, v10  }
0xd4: {  	v40 =	vld [tilespmem:s31+$0x19610];
	v12 =	vmul.f32 v12, v12;
	v8 =	vadd.f32 $9.999999960e-13, v8;
	v9 =	vmul.f32 v9, v9  }
0xd5: {  	v20 =	vmul.f32 v23, v63;
	v14 =	vsub.f32 $1.500000000e+00, v53;
	v52 =	vmul.f32 v10, v34  }
0xd6: {  	v54 =	vmul.f32 $5.000000000e-01, v8;
	v55 =	vshrl.u32 v8, $0x1;
	v9 =	vadd.f32 v12, v9  }
0xd7: {  	v57 =	vmul.f32 v50, v14;
	v11 =	vmul.f32 v52, v10;
	v18 =	vsub.s32 $0x5F3759DF, v55  }
0xd8: {  	v51 =	vmul.f32 v42, v39;
	v56 =	vmul.f32 v18, v54;
	v9 =	vadd.f32 $9.999999960e-13, v9  }
0xd9: {  	v50 =	vmul.f32 v40, v38;
	v59 =	vmul.f32 v57, v48;
	v11 =	vsub.f32 $1.500000000e+00, v11  }
0xda: {  	v58 =	vmul.f32 v18, v56;
	v60 =	vshrl.u32 v9, $0x1;
	v61 =	vmul.f32 $5.000000000e-01, v9  }
0xdb: {  	v10 =	vmul.f32 v11, v10;
	v11 =	vmul.f32 v59, v57;
	v15 =	vsub.s32 $0x5F3759DF, v60  }
0xdc: {  	v12 =	vmul.f32 v29, v22;
	v14 =	vsub.f32 $1.500000000e+00, v58;
	v62 =	vmul.f32 v15, v61  }
0xdd: {  	s17 =	spop (v2sf);
	v52 =	vmul.f32 v40, v39;
	v13 =	vmul.f32 v10, v34;
	v11 =	vsub.f32 $1.500000000e+00, v11  }
0xde: {  	s18 =	spop (v2sf);
	v14 =	vmul.f32 v18, v14;
	v18 =	vmul.f32 v15, v62  }
0xdf: {  	v63 =	vld [tilespmem:s31+$0x196A0];
	s13 =	sor.u32 s18, s13;
	v13 =	vmul.f32 v13, v10;
	v11 =	vmul.f32 v11, v57  }
0xe0: {  	v12 =	vadd.f32 v20, v12;
	v36 =	vld [tilespmem:s13+$0xD520];
	v28 =	vmul.f32 v14, v54;
	v18 =	vsub.f32 $1.500000000e+00, v18  }
0xe1: {  	s18 =	spop (v2sf);
	(v2sf) =	vpush v5, $0x4;
	v35 =	vld [tilespmem:s13+$0xD500];
	v13 =	vsub.f32 $1.500000000e+00, v13;
	v30 =	vmul.f32 v11, v48  }
0xe2: {  	s16 =	sor.u32 $0xC00, s0;
	v49 =	vld [tilespmem:s13+$0xD530];
	(v2sf) =	vpush v5, $0x5;
	v21 =	vmul.f32 v28, v14;
	v15 =	vmul.f32 v15, v18  }
0xe3: {  	(v2sf) =	vpush v4, $0x4;
	v48 =	vld [tilespmem:s13+$0xD510];
	s13 =	sor.u32 s17, s16;
	v10 =	vmul.f32 v13, v10;
	v32 =	vmul.f32 v30, v11  }
0xe4: {  	v55 =	vld [tilespmem:s13+$0x1520];
	v31 =	vsub.f32 $1.500000000e+00, v21;
	v34 =	vmul.f32 v15, v61;
	v21 =	vsub.f32 v37, v24  }
0xe5: {  	v25 =	vld [tilespmem:s31+$0x196B0];
	v12 =	vsub.f32 v12, v36;
	v6 =	vmul.f32 v10, v6;
	v10 =	vsub.f32 $1.500000000e+00, v32  }
0xe6: {  	v30 =	vld [tilespmem:s13+$0x1510];
	v33 =	vmul.f32 v31, v14;
	v14 =	vmul.f32 v34, v15;
	v17 =	vsub.f32 v21, v35  }
0xe7: {  	v56 =	vsub.f32 v50, v51;
	v12 =	vmul.f32 v12, v12;
	v10 =	vmul.f32 v10, v11  }
0xe8: {  	v53 =	vld [tilespmem:s13+$0x1500];
	v16 =	vmul.f32 v33, v54;
	v14 =	vsub.f32 $1.500000000e+00, v14;
	v45 =	vmul.f32 v17, v17  }
0xe9: {  	v6 =	vadd.f32 $0.0e+00, v6;
	v34 =	vmul.f32 v63, v55;
	v7 =	vmul.f32 v10, v7  }
0xea: {  	v41 =	vmul.f32 v16, v33;
	v44 =	vmul.f32 v14, v15;
	v12 =	vadd.f32 v12, v45  }
0xeb: {  	v32 =	vld [tilespmem:s31+$0x19690];
	v23 =	vmul.f32 v25, v30;
	v6 =	vadd.f32 v7, v6;
	v16 =	vmul.f32 v42, v38  }
0xec: {  	v43 =	vsub.f32 $1.500000000e+00, v41;
	v47 =	vmul.f32 v44, v61;
	v12 =	vadd.f32 $9.999999960e-13, v12  }
0xed: {  	v14 =	vmul.f32 v63, v53;
	v54 =	vperm.xlane v6, v0;
	v57 =	vadd.f32 v16, v52;
	v61 =	vld [tilespmem:s31+$0x19680]  }
0xee: {  	s16 =	sor.u32 s18, s16;
	v46 =	vmul.f32 v43, v33;
	v10 =	vmul.f32 v47, v44;
	v59 =	vshrl.u32 v12, $0x1  }
0xef: {  	v58 =	vld [tilespmem:s16+$0xD500];
	v60 =	vmul.f32 $5.000000000e-01, v12;
	v62 =	vsub.f32 v57, v49;
	v6 =	vadd.f32 v6, v54  }
0xf0: {  	v31 =	vld [tilespmem:s13+$0x1530];
	v43 =	vmul.f32 v32, v30;
	v17 =	vsub.s32 $0x5F3759DF, v59;
	v7 =	vmul.f32 v46, v8  }
0xf1: {  	v29 =	vld [tilespmem:s16+$0xD520];
	s18 =	spop (v2sf);
	v10 =	vsub.f32 $1.500000000e+00, v10;
	v28 =	vmul.f32 v17, v60;
	v13 =	vmul.f32 v62, v62  }
0xf2: {  	s13 =	sor.u32 $0x1000, s0;
	s17 =	spop (v2sf);
	v42 =	vld [tilespmem:s16+$0xD530];
	v8 =	vsub.f32 v56, v48;
	v36 =	vperm.xlane v6, v1;
	v33 =	vmul.f32 v61, v53  }
0xf3: {  	v41 =	vld [tilespmem:s16+$0xD510];
	s16 =	sor.u32 s18, s13;
	s18 =	spop (v2sf);
	(v2sf) =	vpush v4, $0x5;
	v35 =	vmul.f32 v61, v55;
	v10 =	vmul.f32 v10, v44  }
0xf4: {  	v30 =	vld [tilespmem:s31+$0x19720];
	v8 =	vmul.f32 v8, v8;
	v11 =	vmul.f32 v17, v28;
	v7 =	vadd.f32 $0.0e+00, v7  }
0xf5: {  	v59 =	vld [tilespmem:s16+$0x1500];
	v44 =	vmul.f32 v25, v31;
	v6 =	vadd.f32 v6, v36;
	v38 =	vadd.f32 v14, v35  }
0xf6: {  	v9 =	vmul.f32 v10, v9;
	v8 =	vadd.f32 v13, v8;
	v11 =	vsub.f32 $1.500000000e+00, v11  }
0xf7: {  	v13 =	vsub.f32 v33, v34;
	v10 =	vmul.f32 v32, v31;
	v19 =	vsub.f32 v43, v44  }
0xf8: {  	v26 =	vperm.xlane v6, v2;
	v8 =	vadd.f32 $9.999999960e-13, v8;
	v7 =	vadd.f32 v9, v7  }
0xf9: {  	v37 =	vmul.f32 v17, v11;
	v13 =	vsub.f32 v13, v58;
	v11 =	vsub.f32 v38, v29  }
0xfa: {  	v21 =	vmul.f32 v30, v59;
	v10 =	vadd.f32 v23, v10;
	v16 =	vsub.f32 v19, v41  }
0xfb: {  	v62 =	vld [tilespmem:s16+$0x1520];
	v39 =	vshrl.u32 v8, $0x1;
	v40 =	vmul.f32 $5.000000000e-01, v8;
	v13 =	vmul.f32 v13, v13  }
0xfc: {  	v63 =	vld [tilespmem:s31+$0x19700];
	v11 =	vmul.f32 v11, v11;
	v46 =	vmul.f32 v37, v60;
	v14 =	vsub.s32 $0x5F3759DF, v39  }
0xfd: {  	v10 =	vsub.f32 v10, v42;
	v48 =	vperm.xlane v7, v0;
	v45 =	vmul.f32 v14, v40  }
0xfe: {  	v16 =	vmul.f32 v16, v16;
	v11 =	vadd.f32 v11, v13;
	v49 =	vmul.f32 v46, v37  }
0xff: {  	v10 =	vmul.f32 v10, v10;
	v7 =	vadd.f32 v7, v48;
	v47 =	vmul.f32 v14, v45  }
0x100: {  	v27 =	vmul.f32 v30, v62;
	v11 =	vadd.f32 $9.999999960e-13, v11;
	v19 =	vsub.f32 $1.500000000e+00, v49  }
0x101: {  	v38 =	vmul.f32 v63, v59;
	v10 =	vadd.f32 v10, v16;
	v13 =	vsub.f32 $1.500000000e+00, v47  }
0x102: {  	v41 =	vld [tilespmem:s16+$0x1510];
	v50 =	vshrl.u32 v11, $0x1;
	v51 =	vmul.f32 $5.000000000e-01, v11;
	v9 =	vmul.f32 v19, v37  }
0x103: {  	v45 =	vld [tilespmem:s31+$0x19710];
	v10 =	vadd.f32 $9.999999960e-13, v10;
	v52 =	vsub.s32 $0x5F3759DF, v50;
	v13 =	vmul.f32 v14, v13  }
0x104: {  	(v2sf) =	vpush v5, $0x6;
	v42 =	vld [tilespmem:s16+$0x1530];
	v53 =	vmul.f32 v52, v51;
	v55 =	vmul.f32 v9, v60  }
0x105: {  	v47 =	vld [tilespmem:s31+$0x19730];
	v57 =	vshrl.u32 v10, $0x1;
	v58 =	vmul.f32 $5.000000000e-01, v10;
	v60 =	vperm.xlane v7, v1  }
0x106: {  	v19 =	vsub.s32 $0x5F3759DF, v57;
	v54 =	vmul.f32 v13, v40;
	v16 =	vmul.f32 v52, v53  }
0x107: {  	(v2sf) =	vpush v5, $0x7;
	v15 =	vmul.f32 v55, v9;
	v61 =	vmul.f32 v19, v58  }
0x108: {  	s13 =	sor.u32 s18, s13;
	v59 =	vld [tilespmem:s31+$0x197A0];
	v7 =	vadd.f32 v7, v60;
	v53 =	vmul.f32 v45, v41;
	v56 =	vmul.f32 v54, v13  }
0x109: {  	s16 =	sor.u32 $0x1400, s0;
	v37 =	vld [tilespmem:s13+$0xD520];
	v16 =	vsub.f32 $1.500000000e+00, v16;
	v15 =	vsub.f32 $1.500000000e+00, v15;
	v29 =	vmul.f32 v19, v61  }
0x10a: {  	s17 =	sor.u32 s17, s16;
	v50 =	vld [tilespmem:s13+$0xD510];
	v32 =	vperm.xlane v7, v2;
	v54 =	vmul.f32 v47, v42;
	v18 =	vsub.f32 $1.500000000e+00, v56  }
0x10b: {  	v6 =	vadd.f32 v6, v26;
	v55 =	vld [tilespmem:s17+$0x1500];
	v14 =	vmul.f32 v52, v16;
	v9 =	vmul.f32 v15, v9  }
0x10c: {  	s18 =	spop (v2sf);
	(v2sf) =	vpush v4, $0x6;
	v16 =	vmul.f32 v63, v62;
	v56 =	vld [tilespmem:s17+$0x1520];
	v13 =	vmul.f32 v18, v13  }
0x10d: {  	v7 =	vadd.f32 v7, v32;
	v32 =	vld [tilespmem:s31+$0x19790];
	v31 =	vmul.f32 v14, v51;
	v18 =	vsub.f32 $1.500000000e+00, v29  }
0x10e: {  	v9 =	vmul.f32 v9, v12;
	v16 =	vadd.f32 v21, v16;
	v29 =	vld [tilespmem:s17+$0x1510];
	v17 =	vmul.f32 v13, v40  }
0x10f: {  	v52 =	vld [tilespmem:s13+$0xD530];
	v24 =	vsub.f32 v53, v54;
	v33 =	vmul.f32 v31, v14;
	v35 =	vmul.f32 v19, v18  }
0x110: {  	v63 =	vld [tilespmem:s17+$0x1530];
	v44 =	vsub.f32 v16, v37;
	v19 =	vmul.f32 v47, v41;
	v16 =	vmul.f32 v45, v42  }
0x111: {  	v36 =	vld [tilespmem:s13+$0xD500];
	v40 =	vsub.f32 v38, v27;
	v38 =	vmul.f32 v59, v56;
	v34 =	vmul.f32 v17, v13  }
0x112: {  	v12 =	vsub.f32 $1.500000000e+00, v33;
	v39 =	vmul.f32 v35, v58;
	v16 =	vadd.f32 v19, v16;
	v33 =	vld [tilespmem:s31+$0x197B0]  }
0x113: {  	v19 =	vmul.f32 v59, v55;
	v42 =	vmul.f32 v32, v29;
	v15 =	vsub.f32 $1.500000000e+00, v34  }
0x114: {  	v61 =	vsub.f32 v24, v50;
	v12 =	vmul.f32 v12, v14;
	v14 =	vmul.f32 v39, v35  }
0x115: {  	s13 =	sor.u32 s18, s16;
	v62 =	vsub.f32 v16, v52;
	v16 =	vmul.f32 v32, v63;
	v13 =	vmul.f32 v15, v13  }
0x116: {  	v41 =	vld [tilespmem:s13+$0xD530];
	v43 =	vsub.f32 v40, v36;
	v22 =	vmul.f32 v12, v51;
	v15 =	vmul.f32 v44, v44  }
0x117: {  	v36 =	vld [tilespmem:s13+$0xD520];
	v14 =	vsub.f32 $1.500000000e+00, v14;
	v44 =	vmul.f32 v33, v29;
	v8 =	vmul.f32 v13, v8  }
0x118: {  	v9 =	vadd.f32 $0.0e+00, v9;
	v40 =	vld [tilespmem:s13+$0xD510];
	v46 =	vmul.f32 v22, v12;
	v13 =	vmul.f32 v43, v43  }
0x119: {  	s17 =	spop (v2sf);
	v14 =	vmul.f32 v14, v35;
	v35 =	vld [tilespmem:s13+$0xD500];
	v43 =	vmul.f32 v33, v63;
	s13 =	sor.u32 $0x1800, s0;
	v16 =	vadd.f32 v44, v16  }
0x11a: {  	s16 =	sor.u32 s17, s13;
	s17 =	spop (v2sf);
	(v2sf) =	vpush v4, $0x7;
	v48 =	vadd.f32 v8, v9;
	v8 =	vperm.xlane v6, v3  }
0x11b: {  	v18 =	vsub.f32 $1.500000000e+00, v46;
	v9 =	vperm.xlane v7, v3;
	v13 =	vadd.f32 v15, v13  }
0x11c: {  	v51 =	vmul.f32 v14, v58;
	v58 =	vld [tilespmem:s31+$0x19780];
	v15 =	vmul.f32 v62, v62;
	v46 =	vsub.f32 v42, v43  }
0x11d: {  	v16 =	vsub.f32 v16, v41;
	v49 =	vperm.xlane v48, v0;
	v13 =	vadd.f32 $9.999999960e-13, v13  }
0x11e: {  	(v2sf) =	vpush v5, $0x8;
	v12 =	vmul.f32 v18, v12;
	v18 =	vmul.f32 v51, v14  }
0x11f: {  	v52 =	vmul.f32 v16, v16;
	v17 =	vadd.f32 v48, v49;
	v57 =	vshrl.u32 v13, $0x1  }
0x120: {  	v23 =	vmul.f32 $5.000000000e-01, v13;
	v18 =	vsub.f32 $1.500000000e+00, v18;
	v11 =	vmul.f32 v12, v11  }
0x121: {  	v12 =	vmul.f32 v61, v61;
	v22 =	vsub.s32 $0x5F3759DF, v57;
	v37 =	vmul.f32 v58, v55  }
0x122: {  	v48 =	vsub.f32 v46, v40;
	v21 =	vmul.f32 v58, v56;
	v28 =	vmul.f32 v22, v23  }
0x123: {  	v14 =	vmul.f32 v18, v14;
	v11 =	vadd.f32 $0.0e+00, v11;
	v12 =	vadd.f32 v15, v12  }
0x124: {  	v60 =	vperm.xlane v17, v1;
	v39 =	vsub.f32 v37, v38;
	v19 =	vadd.f32 v19, v21  }
0x125: {  	v31 =	vmul.f32 v22, v28;
	v14 =	vmul.f32 v14, v10;
	v10 =	vadd.f32 $9.999999960e-13, v12  }
0x126: {  	v51 =	vmul.f32 v48, v48;
	v17 =	vadd.f32 v17, v60;
	v12 =	vsub.f32 v39, v35  }
0x127: {  	v15 =	vsub.f32 v19, v36;
	v34 =	vsub.f32 $1.500000000e+00, v31;
	v26 =	vmul.f32 $5.000000000e-01, v10  }
0x128: {  	v11 =	vadd.f32 v14, v11;
	v53 =	vperm.xlane v17, v2;
	v14 =	vadd.f32 v52, v51  }
0x129: {  	v33 =	vld [tilespmem:s16+$0x1530];
	v47 =	vshrl.u32 v10, $0x1;
	v12 =	vmul.f32 v12, v12;
	v15 =	vmul.f32 v15, v15  }
0x12a: {  	v49 =	vsub.s32 $0x5F3759DF, v47;
	v47 =	vld [tilespmem:s31+$0x19810];
	v22 =	vmul.f32 v22, v34;
	v14 =	vadd.f32 $9.999999960e-13, v14  }
0x12b: {  	v50 =	vmul.f32 v49, v26;
	v55 =	vperm.xlane v11, v0;
	v12 =	vadd.f32 v15, v12  }
0x12c: {  	v44 =	vld [tilespmem:s31+$0x19820];
	v45 =	vmul.f32 v22, v23;
	v61 =	vshrl.u32 v14, $0x1;
	v62 =	vmul.f32 $5.000000000e-01, v14  }
0x12d: {  	v40 =	vld [tilespmem:s16+$0x1520];
	v56 =	vmul.f32 v49, v50;
	v11 =	vadd.f32 v11, v55;
	v63 =	vsub.s32 $0x5F3759DF, v61  }
0x12e: {  	v20 =	vadd.f32 $9.999999960e-13, v12;
	v54 =	vmul.f32 v45, v22;
	v37 =	vmul.f32 v63, v62  }
0x12f: {  	v32 =	vld [tilespmem:s16+$0x1510];
	v12 =	vsub.f32 $1.500000000e+00, v56;
	v31 =	vperm.xlane v11, v1;
	v27 =	vmul.f32 v47, v33  }
0x130: {  	v30 =	vld [tilespmem:s16+$0x1500];
	v58 =	vshrl.u32 v20, $0x1;
	v59 =	vmul.f32 $5.000000000e-01, v20;
	v57 =	vsub.f32 $1.500000000e+00, v54  }
0x131: {  	v43 =	vld [tilespmem:s31+$0x19800];
	s18 =	spop (v2sf);
	v18 =	vsub.s32 $0x5F3759DF, v58;
	v19 =	vmul.f32 v49, v12;
	v42 =	vmul.f32 v63, v37  }
0x132: {  	s13 =	sor.u32 s18, s13;
	s18 =	spop (v2sf);
	(v2sf) =	vpush v5, $0x9;
	v49 =	vld [tilespmem:s31+$0x19830];
	v37 =	vmul.f32 v44, v40;
	v60 =	vmul.f32 v18, v59  }
0x133: {  	(v2sf) =	vpush v4, $0x8;
	v22 =	vmul.f32 v57, v22;
	v36 =	vmul.f32 v19, v26  }
0x134: {  	v54 =	vmul.f32 v47, v32;
	v28 =	vsub.f32 $1.500000000e+00, v42;
	v15 =	vmul.f32 v18, v60  }
0x135: {  	v12 =	vadd.f32 v17, v53;
	v23 =	vmul.f32 v22, v23;
	v41 =	vmul.f32 v36, v19  }
0x136: {  	v11 =	vadd.f32 v11, v31;
	v46 =	vmul.f32 v63, v28;
	v36 =	vmul.f32 v43, v30  }
0x137: {  	v35 =	vld [tilespmem:s13+$0xD520];
	v39 =	vsub.f32 $1.500000000e+00, v15;
	v15 =	vperm.xlane v12, v3;
	v55 =	vmul.f32 v49, v33  }
0x138: {  	v34 =	vld [tilespmem:s13+$0xD500];
	v38 =	vmul.f32 v23, v22;
	v24 =	vsub.f32 $1.500000000e+00, v41;
	v28 =	vmul.f32 v46, v62  }
0x139: {  	v52 =	vld [tilespmem:s13+$0xD510];
	v23 =	vmul.f32 v43, v40;
	v51 =	vsub.f32 v36, v37;
	v36 =	vperm.xlane v11, v2  }
0x13a: {  	v17 =	vmul.f32 v18, v39;
	v18 =	vmul.f32 v44, v30;
	v16 =	vsub.f32 $1.500000000e+00, v38  }
0x13b: {  	v30 =	vsub.f32 v54, v55;
	v19 =	vmul.f32 v24, v19;
	v50 =	vmul.f32 v28, v46  }
0x13c: {  	v53 =	vld [tilespmem:s13+$0xD530];
	v45 =	vmul.f32 v17, v59;
	v18 =	vadd.f32 v18, v23;
	v16 =	vmul.f32 v16, v22  }
0x13d: {  	s13 =	sor.u32 $0x1C00, s0;
	v28 =	vsub.f32 v51, v34;
	v26 =	vmul.f32 v19, v26;
	v22 =	vmul.f32 v49, v32  }
0x13e: {  	s16 =	sor.u32 s17, s13;
	v57 =	vsub.f32 v30, v52;
	v48 =	vmul.f32 v45, v17;
	v18 =	vsub.f32 v18, v35  }
0x13f: {  	v61 =	vld [tilespmem:s16+$0x1520];
	v56 =	vmul.f32 v28, v28;
	v26 =	vmul.f32 v26, v19;
	v22 =	vadd.f32 v22, v27  }
0x140: {  	v38 =	vld [tilespmem:s31+$0x198A0];
	v13 =	vmul.f32 v16, v13;
	v16 =	vsub.f32 $1.500000000e+00, v48;
	v18 =	vmul.f32 v18, v18  }
0x141: {  	v60 =	vmul.f32 v57, v57;
	v22 =	vsub.f32 v22, v53;
	v58 =	vsub.f32 $1.500000000e+00, v26  }
0x142: {  	v16 =	vmul.f32 v16, v17;
	v17 =	vsub.f32 $1.500000000e+00, v50;
	v18 =	vadd.f32 v18, v56  }
0x143: {  	v13 =	vadd.f32 $0.0e+00, v13;
	v22 =	vmul.f32 v22, v22;
	v19 =	vmul.f32 v58, v19  }
0x144: {  	v63 =	vld [tilespmem:s31+$0x19880];
	v21 =	vmul.f32 v16, v59;
	v17 =	vmul.f32 v17, v46;
	v29 =	vadd.f32 $9.999999960e-13, v18  }
0x145: {  	s13 =	sor.u32 s18, s13;
	v59 =	vld [tilespmem:s16+$0x1500];
	v46 =	vmul.f32 v38, v61;
	v37 =	vadd.f32 v22, v60;
	v10 =	vmul.f32 v19, v10  }
0x146: {  	v43 =	vld [tilespmem:s13+$0xD500];
	v25 =	vmul.f32 v17, v62;
	v40 =	vshrl.u32 v29, $0x1;
	v23 =	vmul.f32 $5.000000000e-01, v29  }
0x147: {  	v55 =	vld [tilespmem:s16+$0x1530];
	v21 =	vmul.f32 v21, v16;
	v24 =	vadd.f32 $9.999999960e-13, v37;
	v41 =	vsub.s32 $0x5F3759DF, v40  }
0x148: {  	v57 =	vld [tilespmem:s31+$0x19890];
	v13 =	vadd.f32 v10, v13;
	v62 =	vmul.f32 v25, v17;
	v42 =	vmul.f32 v41, v23  }
0x149: {  	v44 =	vld [tilespmem:s13+$0xD520];
	v21 =	vsub.f32 $1.500000000e+00, v21;
	v25 =	vmul.f32 v63, v61;
	v19 =	vmul.f32 $5.000000000e-01, v24  }
0x14a: {  	v54 =	vld [tilespmem:s16+$0x1510];
	v45 =	vmul.f32 v63, v59;
	v22 =	vmul.f32 v38, v59  }
0x14b: {  	s18 =	spop (v2sf);
	v37 =	vld [tilespmem:s13+$0xD510];
	v47 =	vshrl.u32 v24, $0x1;
	v52 =	vperm.xlane v13, v0;
	v16 =	vmul.f32 v21, v16  }
0x14c: {  	s16 =	sor.u32 $0x2000, s0;
	v38 =	vld [tilespmem:s13+$0xD530];
	s13 =	spop (v2sf);
	v39 =	vsub.f32 $1.500000000e+00, v62;
	v48 =	vsub.s32 $0x5F3759DF, v47;
	v10 =	vmul.f32 v41, v42  }
0x14d: {  	s17 =	sor.u32 s18, s16;
	v42 =	vmul.f32 v57, v55;
	s18 =	spop (v2sf);
	(v2sf) =	vpush v4, $0x9;
	v49 =	vsub.f32 v45, v46  }
0x14e: {  	v59 =	vld [tilespmem:s31+$0x198B0];
	v50 =	vmul.f32 v48, v19;
	v22 =	vadd.f32 v22, v25;
	(v2sf) =	vpush v5, $0xA  }
0x14f: {  	v16 =	vmul.f32 v16, v20;
	v17 =	vmul.f32 v39, v17;
	v53 =	vsub.f32 $1.500000000e+00, v10  }
0x150: {  	v10 =	vadd.f32 v11, v36;
	v39 =	vmul.f32 v57, v54;
	(v2sf) =	vpush v5, $0xB  }
0x151: {  	v51 =	vmul.f32 v48, v50;
	v20 =	vsub.f32 v49, v43;
	v21 =	vsub.f32 v22, v44  }
0x152: {  	v22 =	vadd.f32 v13, v52;
	v14 =	vmul.f32 v17, v14;
	v18 =	vmul.f32 v41, v53  }
0x153: {  	v16 =	vadd.f32 $0.0e+00, v16;
	v11 =	vperm.xlane v10, v3;
	v40 =	vmul.f32 v59, v55  }
0x154: {  	v17 =	vsub.f32 $1.500000000e+00, v51;
	v20 =	vmul.f32 v20, v20;
	v21 =	vmul.f32 v21, v21  }
0x155: {  	v49 =	vld [tilespmem:s17+$0x1520];
	v61 =	vperm.xlane v22, v1;
	v14 =	vadd.f32 v14, v16;
	v16 =	vmul.f32 v18, v23  }
0x156: {  	v51 =	vld [tilespmem:s31+$0x19900];
	v32 =	vsub.f32 v39, v40;
	v10 =	vadd.f32 v10, v11;
	v17 =	vmul.f32 v48, v17  }
0x157: {  	v58 =	vadd.f32 v21, v20;
	v20 =	vmul.f32 v59, v54;
	v22 =	vadd.f32 v22, v61  }
0x158: {  	v56 =	vperm.xlane v14, v0;
	v35 =	vmul.f32 v16, v18;
	v16 =	vadd.f32 v7, v9  }
0x159: {  	v48 =	vld [tilespmem:s17+$0x1500];
	v47 =	vsub.f32 v32, v37;
	v62 =	vmul.f32 v17, v19;
	v13 =	vadd.f32 $9.999999960e-13, v58  }
0x15a: {  	v20 =	vadd.f32 v20, v42;
	v53 =	vperm.xlane v22, v2;
	v60 =	vadd.f32 v14, v56  }
0x15b: {  	v14 =	vadd.f32 v6, v8;
	v8 =	vsub.f32 $1.500000000e+00, v35;
	v21 =	vmul.f32 v51, v49  }
0x15c: {  	v52 =	vld [tilespmem:s31+$0x19920];
	v36 =	vmul.f32 v62, v17;
	v9 =	vmul.f32 $5.000000000e-01, v13;
	v41 =	vshrl.u32 v13, $0x1  }
0x15d: {  	v20 =	vsub.f32 v20, v38;
	v63 =	vperm.xlane v60, v1;
	v8 =	vmul.f32 v8, v18  }
0x15e: {  	v43 =	vsub.s32 $0x5F3759DF, v41;
	v18 =	vadd.f32 v12, v15;
	v62 =	vmul.f32 v51, v48  }
0x15f: {  	v57 =	vld [tilespmem:s17+$0x1510];
	v14 =	vsel vm0, v14, v16;
	v7 =	vsub.f32 $1.500000000e+00, v36;
	v44 =	vmul.f32 v43, v9  }
0x160: {  	v58 =	vld [tilespmem:s17+$0x1530];
	v20 =	vmul.f32 v20, v20;
	v45 =	vmul.f32 v8, v23;
	v6 =	vadd.f32 v60, v63  }
0x161: {  	s16 =	sor.u32 s18, s16;
	v36 =	vld [tilespmem:s31+$0x19930];
	v63 =	vmul.f32 v52, v49;
	v31 =	vsel vm1, v14, v18;
	v7 =	vmul.f32 v7, v17  }
0x162: {  	v50 =	vld [tilespmem:s16+$0xD500];
	v46 =	vmul.f32 v43, v44;
	v17 =	vmul.f32 v47, v47;
	s18 =	spop (v2sf);
	(v2sf) =	vpush v4, $0xA  }
0x163: {  	v60 =	vld [tilespmem:s31+$0x19910];
	v10 =	vsel vm2, v31, v10;
	v12 =	vmul.f32 v45, v8;
	v55 =	vperm.xlane v6, v2  }
0x164: {  	v38 =	vsub.f32 v62, v63;
	v19 =	vmul.f32 v7, v19;
	v15 =	vsub.f32 $1.500000000e+00, v46  }
0x165: {  	v54 =	vld [tilespmem:s16+$0xD520];
	v17 =	vadd.f32 v20, v17;
	v20 =	vmul.f32 v52, v48;
	v12 =	vsub.f32 $1.500000000e+00, v12  }
0x166: {  	v6 =	vadd.f32 v6, v55;
	v48 =	vmul.f32 v36, v58;
	v49 =	vmul.f32 v36, v57  }
0x167: {  	v44 =	vsub.f32 v38, v50;
	v19 =	vmul.f32 v19, v7;
	v15 =	vmul.f32 v43, v15  }
0x168: {  	s17 =	sor.u32 $0x2400, s0;
	v45 =	vld [tilespmem:s16+$0xD510];
	v17 =	vadd.f32 $9.999999960e-13, v17;
	v20 =	vadd.f32 v20, v21;
	v47 =	vmul.f32 v60, v57  }
0x169: {  	s13 =	sor.u32 s13, s17;
	v62 =	vld [tilespmem:s31+$0x199A0];
	v8 =	vmul.f32 v12, v8;
	v12 =	vadd.f32 v22, v53;
	v19 =	vsub.f32 $1.500000000e+00, v19  }
0x16a: {  	v56 =	vmul.f32 v15, v9;
	v27 =	vmul.f32 $5.000000000e-01, v17;
	v20 =	vsub.f32 v20, v54;
	v54 =	vld [tilespmem:s13+$0x1500]  }
0x16b: {  	v61 =	vshrl.u32 v17, $0x1;
	v25 =	vsub.f32 v47, v48;
	v47 =	vld [tilespmem:s31+$0x19990];
	v8 =	vmul.f32 v8, v29  }
0x16c: {  	v30 =	vsub.s32 $0x5F3759DF, v61;
	v61 =	vld [tilespmem:s31+$0x19980];
	v7 =	vmul.f32 v19, v7;
	v59 =	vmul.f32 v56, v15  }
0x16d: {  	v37 =	vmul.f32 v30, v27;
	v19 =	vmul.f32 v60, v58;
	v23 =	vsub.f32 v25, v45;
	v56 =	vld [tilespmem:s13+$0x1520]  }
0x16e: {  	v20 =	vmul.f32 v20, v20;
	v45 =	vld [tilespmem:s13+$0x1530];
	v22 =	vsub.f32 $1.500000000e+00, v59;
	v7 =	vmul.f32 v7, v24  }
0x16f: {  	v46 =	vld [tilespmem:s16+$0xD530];
	s16 =	sor.u32 s18, s17;
	s18 =	spop (v2sf);
	v8 =	vadd.f32 $0.0e+00, v8;
	v43 =	vmul.f32 v30, v37;
	v57 =	vmul.f32 v23, v23  }
0x170: {  	s17 =	spop (v2sf);
	(v2sf) =	vpush v4, $0xB;
	v24 =	vmul.f32 v62, v54;
	v39 =	vmul.f32 v22, v15  }
0x171: {  	v7 =	vadd.f32 v7, v8;
	v22 =	vmul.f32 v44, v44;
	v15 =	vperm.xlane v12, v3  }
0x172: {  	v42 =	vld [tilespmem:s16+$0xD520];
	v50 =	vsub.f32 $1.500000000e+00, v43;
	v38 =	vmul.f32 v62, v56;
	v28 =	vmul.f32 v61, v56  }
0x173: {  	v8 =	vadd.f32 v49, v19;
	v49 =	vld [tilespmem:s31+$0x199B0];
	v26 =	vmul.f32 v47, v45;
	v9 =	vmul.f32 v39, v9  }
0x174: {  	v51 =	vmul.f32 v30, v50;
	v52 =	vadd.f32 v20, v22;
	v53 =	vperm.xlane v7, v0  }
0x175: {  	v58 =	vld [tilespmem:s16+$0xD500];
	v8 =	vsub.f32 v8, v46;
	v46 =	vmul.f32 v61, v54;
	v24 =	vadd.f32 v24, v28  }
0x176: {  	v43 =	vld [tilespmem:s13+$0x1510];
	v9 =	vmul.f32 v9, v39;
	v55 =	vmul.f32 v51, v27;
	v20 =	vadd.f32 $9.999999960e-13, v52  }
0x177: {  	v22 =	vadd.f32 v7, v53;
	v8 =	vmul.f32 v8, v8;
	v7 =	vperm.xlane v6, v3  }
0x178: {  	v50 =	vsub.f32 v46, v38;
	v24 =	vsub.f32 v24, v42;
	v56 =	vmul.f32 v49, v45  }
0x179: {  	v59 =	vmul.f32 v55, v51;
	v60 =	vshrl.u32 v20, $0x1;
	v29 =	vmul.f32 $5.000000000e-01, v20  }
0x17a: {  	v9 =	vsub.f32 $1.500000000e+00, v9;
	v8 =	vadd.f32 v8, v57;
	v63 =	vperm.xlane v22, v1  }
0x17b: {  	v54 =	vld [tilespmem:s16+$0xD530];
	v23 =	vsub.f32 v50, v58;
	v55 =	vmul.f32 v47, v43;
	v25 =	vsub.s32 $0x5F3759DF, v60  }
0x17c: {  	v53 =	vld [tilespmem:s16+$0xD510];
	v57 =	vmul.f32 v49, v43;
	v40 =	vsub.f32 $1.500000000e+00, v59;
	v41 =	vmul.f32 v25, v29  }
0x17d: {  	v21 =	vmul.f32 v9, v39;
	v19 =	vadd.f32 $9.999999960e-13, v8;
	v8 =	vadd.f32 v22, v63  }
0x17e: {  	s13 =	sor.u32 $0x2800, s0;
	v58 =	vmul.f32 v23, v23;
	v59 =	vmul.f32 v24, v24;
	v61 =	vsub.f32 v55, v56  }
0x17f: {  	s16 =	sor.u32 s18, s13;
	v16 =	vadd.f32 v57, v26;
	v22 =	vmul.f32 v40, v51;
	v44 =	vmul.f32 v25, v41  }
0x180: {  	v47 =	vld [tilespmem:s16+$0x1520];
	v32 =	vmul.f32 $5.000000000e-01, v19;
	v48 =	vshrl.u32 v19, $0x1;
	v9 =	vperm.xlane v8, v2  }
0x181: {  	v50 =	vld [tilespmem:s31+$0x19A00];
	v34 =	vsub.f32 v61, v53;
	v16 =	vsub.f32 v16, v54;
	v37 =	vsub.s32 $0x5F3759DF, v48  }
0x182: {  	v21 =	vmul.f32 v21, v13;
	v39 =	vsub.f32 $1.500000000e+00, v44;
	v51 =	vmul.f32 v37, v32  }
0x183: {  	v43 =	vld [tilespmem:s16+$0x1500];
	v14 =	vadd.f32 v59, v58;
	v62 =	vmul.f32 v22, v27;
	v23 =	vmul.f32 v34, v34  }
0x184: {  	(v2sf) =	vpush v5, $0xC;
	v16 =	vmul.f32 v16, v16;
	v25 =	vmul.f32 v25, v39  }
0x185: {  	v14 =	vadd.f32 $9.999999960e-13, v14;
	v52 =	vmul.f32 v37, v51;
	v35 =	vmul.f32 v62, v22  }
0x186: {  	v24 =	vmul.f32 v50, v47;
	v16 =	vadd.f32 v16, v23;
	v60 =	vmul.f32 v25, v29  }
0x187: {  	v30 =	vmul.f32 $5.000000000e-01, v14;
	v63 =	vsub.f32 $1.500000000e+00, v52;
	v39 =	vsub.f32 $1.500000000e+00, v35  }
0x188: {  	v62 =	vmul.f32 v50, v43;
	v13 =	vadd.f32 $9.999999960e-13, v16;
	v52 =	vld [tilespmem:s31+$0x19A20];
	v28 =	vmul.f32 v60, v25  }
0x189: {  	v36 =	vmul.f32 v37, v63;
	v37 =	vshrl.u32 v14, $0x1;
	v44 =	vmul.f32 v39, v22  }
0x18a: {  	s18 =	spop (v2sf);
	v49 =	vshrl.u32 v13, $0x1;
	v33 =	vmul.f32 $5.000000000e-01, v13;
	v38 =	vsub.s32 $0x5F3759DF, v37  }
0x18b: {  	s13 =	sor.u32 s18, s13;
	v51 =	vsub.s32 $0x5F3759DF, v49;
	v18 =	vsub.f32 $1.500000000e+00, v28;
	v27 =	vmul.f32 v36, v32  }
0x18c: {  	v31 =	vadd.f32 v12, v15;
	v58 =	vld [tilespmem:s13+$0xD520];
	v41 =	vmul.f32 v38, v30;
	v54 =	vmul.f32 v51, v33  }
0x18d: {  	s18 =	spop (v2sf);
	(v2sf) =	vpush v5, $0xD;
	v35 =	vld [tilespmem:s16+$0x1510];
	v28 =	vmul.f32 v52, v43;
	v18 =	vmul.f32 v18, v25  }
0x18e: {  	(v2sf) =	vpush v4, $0xC;
	v43 =	vld [tilespmem:s31+$0x19A30];
	v40 =	vmul.f32 v27, v36;
	v46 =	vmul.f32 v38, v41  }
0x18f: {  	v57 =	vmul.f32 v51, v54;
	v41 =	vld [tilespmem:s31+$0x19A10];
	v24 =	vadd.f32 v28, v24;
	v42 =	vmul.f32 v18, v29  }
0x190: {  	v55 =	vld [tilespmem:s13+$0xD500];
	v16 =	vmul.f32 v44, v17;
	v45 =	vsub.f32 $1.500000000e+00, v40;
	v23 =	vsub.f32 $1.500000000e+00, v46  }
0x191: {  	v63 =	vmul.f32 v52, v47;
	v17 =	vsub.f32 $1.500000000e+00, v57;
	v40 =	vld [tilespmem:s16+$0x1530];
	v48 =	vmul.f32 v42, v18  }
0x192: {  	s16 =	sor.u32 $0x2C00, s0;
	v24 =	vsub.f32 v24, v58;
	v22 =	vmul.f32 v45, v36;
	v23 =	vmul.f32 v38, v23  }
0x193: {  	s17 =	sor.u32 s17, s16;
	v17 =	vmul.f32 v51, v17;
	v42 =	vsub.f32 v62, v63;
	v62 =	vmul.f32 v43, v35  }
0x194: {  	v59 =	vadd.f32 $0.0e+00, v21;
	v58 =	vld [tilespmem:s17+$0x1510];
	v52 =	vmul.f32 v24, v24;
	v54 =	vmul.f32 v41, v35  }
0x195: {  	v63 =	vld [tilespmem:s31+$0x19AB0];
	v53 =	vsub.f32 $1.500000000e+00, v48;
	v32 =	vmul.f32 v22, v32;
	v61 =	vmul.f32 v23, v30  }
0x196: {  	v50 =	vld [tilespmem:s17+$0x1520];
	v45 =	vmul.f32 v17, v33;
	v47 =	vsub.f32 v42, v55;
	v55 =	vmul.f32 v43, v40  }
0x197: {  	v16 =	vadd.f32 v16, v59;
	v48 =	vld [tilespmem:s17+$0x1500];
	v26 =	vmul.f32 v41, v40;
	v56 =	vmul.f32 v53, v18  }
0x198: {  	v10 =	vsel vm3, v10, v31;
	v41 =	vld [tilespmem:s17+$0x1530];
	v60 =	vmul.f32 v32, v22;
	v32 =	vmul.f32 v61, v23  }
0x199: {  	v9 =	vadd.f32 v8, v9;
	v18 =	vperm.xlane v16, v0;
	v51 =	vmul.f32 v47, v47;
	v53 =	vld [tilespmem:s31+$0x19A80]  }
0x19a: {  	v49 =	vmul.f32 v45, v17;
	v61 =	vld [tilespmem:s31+$0x19A90];
	v12 =	vmul.f32 v63, v58;
	v21 =	vsub.f32 $1.500000000e+00, v60  }
0x19b: {  	v29 =	vld [tilespmem:s13+$0xD510];
	v11 =	vmul.f32 v56, v20;
	v44 =	vsub.f32 $1.500000000e+00, v32;
	v57 =	vadd.f32 v52, v51  }
0x19c: {  	v46 =	vld [tilespmem:s13+$0xD530];
	v60 =	vsub.f32 v54, v55;
	v16 =	vadd.f32 v16, v18;
	v21 =	vmul.f32 v21, v22  }
0x19d: {  	v56 =	vld [tilespmem:s31+$0x19AA0];
	v20 =	vmul.f32 v44, v23;
	v23 =	vsub.f32 $1.500000000e+00, v49;
	v28 =	vmul.f32 v63, v41  }
0x19e: {  	s17 =	sor.u32 s18, s16;
	v37 =	vadd.f32 $0.0e+00, v11;
	v43 =	vmul.f32 v53, v48;
	v22 =	vmul.f32 v53, v50  }
0x19f: {  	v42 =	vld [tilespmem:s17+$0xD500];
	v15 =	vadd.f32 $9.999999960e-13, v57;
	v47 =	vmul.f32 v61, v58;
	v24 =	vmul.f32 v61, v41  }
0x1a0: {  	s18 =	spop (v2sf);
	v45 =	vld [tilespmem:s17+$0xD520];
	v11 =	vadd.f32 v62, v26;
	v19 =	vmul.f32 v21, v19;
	v59 =	vmul.f32 v20, v30  }
0x1a1: {  	s16 =	sor.u32 $0x3000, s0;
	s13 =	spop (v2sf);
	v49 =	vld [tilespmem:s17+$0xD530];
	v23 =	vmul.f32 v23, v17;
	v17 =	vsub.f32 v60, v29;
	v32 =	vmul.f32 $5.000000000e-01, v15  }
0x1a2: {  	v11 =	vsub.f32 v11, v46;
	v46 =	vld [tilespmem:s17+$0xD510];
	s17 =	sor.u32 s18, s16;
	s18 =	spop (v2sf);
	(v2sf) =	vpush v4, $0xD;
	v44 =	vmul.f32 v56, v50  }
0x1a3: {  	v25 =	vmul.f32 v56, v48;
	v48 =	vshrl.u32 v15, $0x1;
	v51 =	vsub.f32 v47, v28  }
0x1a4: {  	v12 =	vadd.f32 v12, v24;
	(v2sf) =	vpush v5, $0xE;
	v21 =	vmul.f32 v59, v20  }
0x1a5: {  	v40 =	vmul.f32 v23, v33;
	v17 =	vmul.f32 v17, v17;
	v19 =	vadd.f32 v19, v37  }
0x1a6: {  	v11 =	vmul.f32 v11, v11;
	(v2sf) =	vpush v5, $0xF;
	v33 =	vsub.f32 v43, v44  }
0x1a7: {  	v36 =	vsub.s32 $0x5F3759DF, v48;
	v22 =	vadd.f32 v25, v22;
	v12 =	vsub.f32 v12, v49  }
0x1a8: {  	v50 =	vmul.f32 v36, v32;
	v21 =	vsub.f32 $1.500000000e+00, v21;
	v11 =	vadd.f32 v11, v17  }
0x1a9: {  	v30 =	vmul.f32 v40, v23;
	v52 =	vsub.f32 v33, v42;
	v22 =	vsub.f32 v22, v45  }
0x1aa: {  	v63 =	vld [tilespmem:s17+$0x1500];
	v53 =	vmul.f32 v36, v50;
	v25 =	vsub.f32 v51, v46;
	v12 =	vmul.f32 v12, v12  }
0x1ab: {  	v41 =	vld [tilespmem:s17+$0x1520];
	v20 =	vmul.f32 v21, v20;
	v17 =	vadd.f32 $9.999999960e-13, v11;
	v55 =	vsub.f32 $1.500000000e+00, v30  }
0x1ac: {  	v46 =	vld [tilespmem:s31+$0x19B00];
	v24 =	vmul.f32 v52, v52;
	v22 =	vmul.f32 v22, v22;
	v26 =	vsub.f32 $1.500000000e+00, v53  }
0x1ad: {  	v25 =	vmul.f32 v25, v25;
	v53 =	vperm.xlane v19, v0;
	v58 =	vshrl.u32 v17, $0x1  }
0x1ae: {  	v21 =	vmul.f32 v55, v23;
	v14 =	vmul.f32 v20, v14;
	v54 =	vadd.f32 v22, v24  }
0x1af: {  	v56 =	vmul.f32 v36, v26;
	v57 =	vadd.f32 v12, v25;
	v26 =	vmul.f32 $5.000000000e-01, v17  }
0x1b0: {  	v25 =	vsub.s32 $0x5F3759DF, v58;
	v36 =	vperm.xlane v16, v1;
	v21 =	vmul.f32 v21, v13  }
0x1b1: {  	v49 =	vld [tilespmem:s31+$0x19B20];
	v19 =	vadd.f32 v19, v53;
	v58 =	vmul.f32 v46, v63;
	v35 =	vmul.f32 v46, v41  }
0x1b2: {  	v14 =	vadd.f32 $0.0e+00, v14;
	v12 =	vadd.f32 $9.999999960e-13, v54;
	v59 =	vmul.f32 v56, v32  }
0x1b3: {  	v11 =	vadd.f32 $9.999999960e-13, v57;
	v60 =	vmul.f32 v25, v26;
	v16 =	vadd.f32 v16, v36  }
0x1b4: {  	v21 =	vadd.f32 v21, v14;
	v61 =	vshrl.u32 v12, $0x1;
	v29 =	vmul.f32 $5.000000000e-01, v12  }
0x1b5: {  	v62 =	vshrl.u32 v11, $0x1;
	v33 =	vmul.f32 $5.000000000e-01, v11;
	v27 =	vmul.f32 v59, v56  }
0x1b6: {  	v54 =	vld [tilespmem:s17+$0x1510];
	v24 =	vmul.f32 v25, v60;
	v60 =	vmul.f32 v49, v41;
	v28 =	vsub.s32 $0x5F3759DF, v61  }
0x1b7: {  	v59 =	vld [tilespmem:s31+$0x19B10];
	v30 =	vsub.s32 $0x5F3759DF, v62;
	v61 =	vmul.f32 v49, v63;
	v37 =	vperm.xlane v21, v0  }
0x1b8: {  	v40 =	vmul.f32 v28, v29;
	v42 =	vmul.f32 v30, v33;
	v44 =	vsub.f32 $1.500000000e+00, v27  }
0x1b9: {  	s16 =	sor.u32 s18, s16;
	v62 =	vld [tilespmem:s31+$0x19B30];
	v47 =	vsub.f32 $1.500000000e+00, v24;
	v27 =	vperm.xlane v19, v1;
	s18 =	spop (v2sf);
	(v2sf) =	vpush v4, $0xE  }
0x1ba: {  	v52 =	vld [tilespmem:s16+$0xD520];
	v21 =	vadd.f32 v21, v37;
	v45 =	vmul.f32 v28, v40;
	v48 =	vmul.f32 v30, v42  }
0x1bb: {  	v50 =	vmul.f32 v44, v56;
	v20 =	vmul.f32 v25, v47;
	v56 =	vld [tilespmem:s17+$0x1530];
	v19 =	vadd.f32 v19, v27  }
0x1bc: {  	v43 =	vld [tilespmem:s16+$0xD500];
	v27 =	vperm.xlane v16, v2;
	v41 =	vmul.f32 v59, v54;
	v51 =	vsub.f32 $1.500000000e+00, v45  }
0x1bd: {  	v24 =	vsub.f32 $1.500000000e+00, v48;
	v55 =	vmul.f32 v50, v32;
	v63 =	vmul.f32 v20, v26  }
0x1be: {  	v32 =	vadd.f32 v61, v35;
	v25 =	vmul.f32 v62, v54;
	v22 =	vmul.f32 v28, v51  }
0x1bf: {  	v40 =	vld [tilespmem:s16+$0xD510];
	s17 =	sor.u32 $0x3400, s0;
	v57 =	vmul.f32 v30, v24;
	v24 =	vsub.f32 v58, v60;
	v8 =	vmul.f32 v63, v20  }
0x1c0: {  	v42 =	vld [tilespmem:s16+$0xD530];
	s13 =	sor.u32 s13, s17;
	v31 =	vmul.f32 v55, v50;
	v23 =	vsub.f32 v32, v52;
	v34 =	vmul.f32 v62, v56  }
0x1c1: {  	v60 =	vld [tilespmem:s13+$0x1520];
	v28 =	vmul.f32 v59, v56;
	v24 =	vsub.f32 v24, v43;
	v8 =	vsub.f32 $1.500000000e+00, v8  }
0x1c2: {  	v63 =	vld [tilespmem:s31+$0x19BA0];
	v43 =	vmul.f32 v22, v29;
	v31 =	vsub.f32 $1.500000000e+00, v31;
	v23 =	vmul.f32 v23, v23  }
0x1c3: {  	v46 =	vmul.f32 v57, v33;
	v44 =	vsub.f32 v41, v34;
	v24 =	vmul.f32 v24, v24  }
0x1c4: {  	v61 =	vld [tilespmem:s31+$0x19B80];
	v25 =	vadd.f32 v25, v28;
	v20 =	vmul.f32 v8, v20;
	v45 =	vmul.f32 v43, v22  }
0x1c5: {  	v58 =	vld [tilespmem:s13+$0x1500];
	v13 =	vmul.f32 v31, v50;
	v50 =	vmul.f32 v46, v57;
	v8 =	vsub.f32 v44, v40  }
0x1c6: {  	v47 =	vsub.f32 v25, v42;
	v23 =	vadd.f32 v23, v24;
	v48 =	vmul.f32 v20, v26  }
0x1c7: {  	v49 =	vsub.f32 $1.500000000e+00, v45;
	v51 =	vsub.f32 $1.500000000e+00, v50;
	v50 =	vmul.f32 v63, v60  }
0x1c8: {  	s16 =	sor.u32 s18, s17;
	s18 =	spop (v2sf);
	(v2sf) =	vpush v4, $0xF;
	v8 =	vmul.f32 v8, v8;
	v24 =	vmul.f32 v47, v47  }
0x1c9: {  	v23 =	vadd.f32 $9.999999960e-13, v23;
	v25 =	vmul.f32 v48, v20;
	v22 =	vmul.f32 v49, v22  }
0x1ca: {  	v16 =	vadd.f32 v16, v27;
	v41 =	vld [tilespmem:s16+$0xD500];
	v18 =	vmul.f32 v51, v57;
	v49 =	vmul.f32 v61, v58  }
0x1cb: {  	v43 =	vld [tilespmem:s13+$0x1510];
	v24 =	vadd.f32 v24, v8;
	v8 =	vmul.f32 v13, v15;
	v52 =	vshrl.u32 v23, $0x1  }
0x1cc: {  	v45 =	vld [tilespmem:s13+$0x1530];
	v30 =	vmul.f32 $5.000000000e-01, v23;
	v29 =	vmul.f32 v22, v29;
	v55 =	vsub.f32 $1.500000000e+00, v25  }
0x1cd: {  	v51 =	vld [tilespmem:s31+$0x19BB0];
	v57 =	vmul.f32 v18, v33;
	v33 =	vmul.f32 v61, v60;
	v53 =	vsub.s32 $0x5F3759DF, v52  }
0x1ce: {  	v26 =	vsub.f32 v49, v50;
	v52 =	vperm.xlane v9, v3;
	v54 =	vmul.f32 v53, v30  }
0x1cf: {  	v13 =	vadd.f32 $9.999999960e-13, v24;
	v56 =	vmul.f32 v29, v22;
	v28 =	vmul.f32 v57, v18  }
0x1d0: {  	v48 =	vld [tilespmem:s31+$0x19B90];
	v8 =	vadd.f32 $0.0e+00, v8;
	v20 =	vmul.f32 v55, v20;
	v29 =	vmul.f32 v63, v58  }
0x1d1: {  	v26 =	vsub.f32 v26, v41;
	v58 =	vperm.xlane v19, v2;
	v32 =	vmul.f32 $5.000000000e-01, v13  }
0x1d2: {  	v59 =	vshrl.u32 v13, $0x1;
	v35 =	vmul.f32 v51, v43;
	v36 =	vmul.f32 v51, v45  }
0x1d3: {  	v55 =	vld [tilespmem:s16+$0xD510];
	v15 =	vmul.f32 v53, v54;
	v25 =	vsub.f32 $1.500000000e+00, v56;
	v31 =	vsub.s32 $0x5F3759DF, v59  }
0x1d4: {  	v57 =	vld [tilespmem:s16+$0xD530];
	v40 =	vsub.f32 $1.500000000e+00, v28;
	v5 =	vmul.f32 v20, v17;
	v62 =	vmul.f32 v31, v32  }
0x1d5: {  	v56 =	vmul.f32 v48, v43;
	v20 =	vmul.f32 v48, v45;
	v15 =	vsub.f32 $1.500000000e+00, v15  }
0x1d6: {  	v26 =	vmul.f32 v26, v26;
	v19 =	vadd.f32 v19, v58;
	v42 =	vmul.f32 v31, v62  }
0x1d7: {  	s13 =	sor.u32 $0x3800, s0;
	v36 =	vsub.f32 v56, v36;
	v20 =	vadd.f32 v35, v20;
	v15 =	vmul.f32 v53, v15;
	v53 =	vld [tilespmem:s16+$0xD520]  }
0x1d8: {  	v48 =	vld [tilespmem:s31+$0x19C20];
	v44 =	vmul.f32 v25, v22;
	v18 =	vmul.f32 v40, v18;
	s16 =	sor.u32 s18, s13;
	v47 =	vsub.f32 $1.500000000e+00, v42  }
0x1d9: {  	v27 =	vperm.xlane v19, v3;
	v28 =	vsub.f32 v36, v55;
	v20 =	vsub.f32 v20, v57;
	v63 =	vld [tilespmem:s16+$0x1500]  }
0x1da: {  	v29 =	vadd.f32 v29, v33;
	v46 =	vmul.f32 v15, v30;
	v24 =	vmul.f32 v31, v47  }
0x1db: {  	v19 =	vadd.f32 v19, v27;
	v42 =	vld [tilespmem:s16+$0x1520];
	v61 =	vmul.f32 v28, v28;
	v62 =	vmul.f32 v20, v20  }
0x1dc: {  	v22 =	vmul.f32 v46, v15;
	v46 =	vld [tilespmem:s31+$0x19C00];
	v54 =	vmul.f32 v24, v32;
	v14 =	vsub.f32 v29, v53  }
0x1dd: {  	v29 =	vadd.f32 v6, v7;
	v7 =	vadd.f32 v62, v61;
	v6 =	vmul.f32 v18, v11;
	v53 =	vld [tilespmem:s16+$0x1510]  }
0x1de: {  	v61 =	vld [tilespmem:s31+$0x19C30];
	v62 =	vperm.xlane v16, v3;
	v22 =	vsub.f32 $1.500000000e+00, v22;
	v20 =	vmul.f32 v48, v63  }
0x1df: {  	s17 =	spop (v2sf);
	v34 =	vmul.f32 v54, v24;
	v14 =	vmul.f32 v14, v14;
	v7 =	vadd.f32 $9.999999960e-13, v7  }
0x1e0: {  	s18 =	spop (v2sf);
	v55 =	vld [tilespmem:s16+$0x1530];
	v10 =	vsel vm4, v10, v29;
	v16 =	vadd.f32 v16, v62;
	v15 =	vmul.f32 v22, v15  }
0x1e1: {  	s13 =	sor.u32 s18, s13;
	v59 =	vsub.f32 $1.500000000e+00, v34;
	v33 =	vmul.f32 $5.000000000e-01, v7;
	v58 =	vmul.f32 v46, v63  }
0x1e2: {  	v50 =	vld [tilespmem:s13+$0xD520];
	v60 =	vadd.f32 v14, v26;
	v18 =	vmul.f32 v46, v42;
	v4 =	vmul.f32 v15, v30  }
0x1e3: {  	v28 =	vmul.f32 v61, v53;
	v22 =	vmul.f32 v59, v24;
	v24 =	vadd.f32 v9, v52  }
0x1e4: {  	s0 =	sor.u32 $0x3C00, s0;
	v9 =	vmul.f32 v44, v12;
	v52 =	vshrl.u32 v7, $0x1;
	v59 =	vmul.f32 v48, v42  }
0x1e5: {  	v43 =	vld [tilespmem:s13+$0xD500];
	s16 =	sor.u32 s17, s0;
	v18 =	vadd.f32 v20, v18;
	v48 =	vmul.f32 v61, v55;
	v40 =	vmul.f32 v4, v15  }
0x1e6: {  	v63 =	vld [tilespmem:s16+$0x1500];
	v4 =	vadd.f32 $9.999999960e-13, v60;
	v54 =	vsub.s32 $0x5F3759DF, v52;
	v41 =	vmul.f32 v22, v32  }
0x1e7: {  	v60 =	vld [tilespmem:s31+$0x19C10];
	v57 =	vmul.f32 v54, v33;
	v25 =	vsub.f32 v58, v59;
	v18 =	vsub.f32 v18, v50  }
0x1e8: {  	v42 =	vld [tilespmem:s31+$0x19C80];
	v44 =	vsub.f32 $1.500000000e+00, v40;
	v47 =	vshrl.u32 v4, $0x1;
	v14 =	vmul.f32 $5.000000000e-01, v4  }
0x1e9: {  	v52 =	vld [tilespmem:s31+$0x19C90];
	v45 =	vmul.f32 v41, v22;
	v49 =	vsub.s32 $0x5F3759DF, v47;
	v31 =	vmul.f32 v54, v57  }
0x1ea: {  	v32 =	vld [tilespmem:s13+$0xD510];
	v17 =	vsub.f32 v25, v43;
	v43 =	vperm.xlane v21, v1;
	v18 =	vmul.f32 v18, v18  }
0x1eb: {  	v10 =	vsel vm5, v10, v24;
	v41 =	vld [tilespmem:s16+$0x1520];
	v11 =	vmul.f32 v44, v15;
	v51 =	vmul.f32 v49, v14  }
0x1ec: {  	s18 =	spop (v2sf);
	v58 =	vld [tilespmem:s13+$0xD530];
	v12 =	vsub.f32 $1.500000000e+00, v45;
	v17 =	vmul.f32 v17, v17;
	v46 =	vmul.f32 v60, v53  }
0x1ed: {  	s0 =	sor.u32 s18, s0;
	v44 =	vld [tilespmem:s31+$0x19CA0];
	v31 =	vsub.f32 $1.500000000e+00, v31;
	v50 =	vmul.f32 v60, v55;
	v56 =	vmul.f32 v49, v51  }
0x1ee: {  	v47 =	vld [tilespmem:s0+$0xD520];
	v15 =	vadd.f32 v21, v43;
	v11 =	vmul.f32 v11, v23;
	v51 =	vmul.f32 v42, v63  }
0x1ef: {  	v12 =	vmul.f32 v12, v22;
	v22 =	vmul.f32 v54, v31;
	v54 =	vld [tilespmem:s31+$0x19CB0];
	v40 =	vsub.f32 $1.500000000e+00, v56  }
0x1f0: {  	v17 =	vadd.f32 v18, v17;
	v57 =	vperm.xlane v15, v2;
	v20 =	vmul.f32 v42, v41;
	v56 =	vld [tilespmem:s16+$0x1530]  }
0x1f1: {  	v24 =	vsub.f32 v46, v48;
	v12 =	vmul.f32 v12, v13;
	v13 =	vmul.f32 v49, v40;
	v49 =	vld [tilespmem:s16+$0x1510]  }
0x1f2: {  	v45 =	vld [tilespmem:s0+$0xD500];
	v21 =	vadd.f32 v28, v50;
	v26 =	vmul.f32 v44, v63;
	v59 =	vmul.f32 v22, v33  }
0x1f3: {  	v53 =	vmul.f32 v44, v41;
	v17 =	vadd.f32 $9.999999960e-13, v17;
	v24 =	vsub.f32 v24, v32  }
0x1f4: {  	v61 =	vld [tilespmem:s0+$0xD530];
	v21 =	vsub.f32 v21, v58;
	v20 =	vadd.f32 v26, v20;
	v26 =	vmul.f32 v59, v22  }
0x1f5: {  	v60 =	vld [tilespmem:s0+$0xD510];
	v18 =	vsub.f32 v51, v53;
	v35 =	vmul.f32 v54, v56;
	v25 =	vmul.f32 v52, v56  }
0x1f6: {  	v63 =	vshrl.u32 v17, $0x1;
	v62 =	vmul.f32 v52, v49;
	v34 =	vmul.f32 v54, v49  }
0x1f7: {  	v38 =	vmul.f32 $5.000000000e-01, v17;
	v18 =	vsub.f32 v18, v45;
	v20 =	vsub.f32 v20, v47  }
0x1f8: {  	v24 =	vmul.f32 v24, v24;
	v31 =	vsub.f32 v62, v35;
	v25 =	vadd.f32 v34, v25  }
0x1f9: {  	v21 =	vmul.f32 v21, v21;
	v36 =	vsub.s32 $0x5F3759DF, v63;
	v18 =	vmul.f32 v18, v18  }
0x1fa: {  	v20 =	vmul.f32 v20, v20;
	v28 =	vsub.f32 v31, v60;
	v25 =	vsub.f32 v25, v61  }
0x1fb: {  	v55 =	vmul.f32 v13, v14;
	v39 =	vmul.f32 v36, v38;
	v21 =	vadd.f32 v21, v24  }
0x1fc: {  	v18 =	vadd.f32 v20, v18;
	v41 =	vmul.f32 v28, v28;
	v25 =	vmul.f32 v25, v25  }
0x1fd: {  	v40 =	vsub.f32 $1.500000000e+00, v26;
	v30 =	vmul.f32 v55, v13;
	v21 =	vadd.f32 $9.999999960e-13, v21  }
0x1fe: {  	v42 =	vmul.f32 v36, v39;
	v18 =	vadd.f32 $9.999999960e-13, v18;
	v43 =	vadd.f32 v25, v41  }
0x1ff: {  	v30 =	vsub.f32 $1.500000000e+00, v30;
	v20 =	vmul.f32 v40, v22;
	v46 =	vshrl.u32 v21, $0x1  }
0x200: {  	v44 =	vshrl.u32 v18, $0x1;
	v45 =	vmul.f32 $5.000000000e-01, v18;
	v24 =	vadd.f32 $9.999999960e-13, v43  }
0x201: {  	v47 =	vmul.f32 $5.000000000e-01, v21;
	v28 =	vsub.s32 $0x5F3759DF, v46;
	v25 =	vsub.s32 $0x5F3759DF, v44  }
0x202: {  	v48 =	vmul.f32 v25, v45;
	v49 =	vshrl.u32 v24, $0x1;
	v50 =	vmul.f32 $5.000000000e-01, v24  }
0x203: {  	v13 =	vmul.f32 v30, v13;
	v51 =	vmul.f32 v28, v47;
	v31 =	vsub.s32 $0x5F3759DF, v49  }
0x204: {  	v10 =	vsel vm6, v10, v16;
	v30 =	vmul.f32 v25, v48;
	v52 =	vmul.f32 v31, v50  }
0x205: {  	v15 =	vadd.f32 v15, v57;
	v22 =	vsub.f32 $1.500000000e+00, v42;
	v34 =	vmul.f32 v28, v51  }
0x206: {  	v53 =	vmul.f32 v20, v33;
	v30 =	vsub.f32 $1.500000000e+00, v30;
	v23 =	vmul.f32 v31, v52  }
0x207: {  	v54 =	vperm.xlane v15, v3;
	v22 =	vmul.f32 v36, v22;
	v55 =	vsub.f32 $1.500000000e+00, v34  }
0x208: {  	v16 =	vmul.f32 v53, v20;
	v25 =	vmul.f32 v25, v30;
	v23 =	vsub.f32 $1.500000000e+00, v23  }
0x209: {  	v9 =	vadd.f32 $0.0e+00, v9;
	v57 =	vmul.f32 v22, v38;
	v56 =	vmul.f32 v28, v55  }
0x20a: {  	v15 =	vadd.f32 v15, v54;
	v58 =	vmul.f32 v25, v45;
	v23 =	vmul.f32 v31, v23  }
0x20b: {  	v10 =	vsel vm7, v10, v19;
	v59 =	vmul.f32 v57, v22;
	v60 =	vmul.f32 v56, v47  }
0x20c: {  	v10 =	vsel vm8, v10, v15;
	v61 =	vmul.f32 v58, v25;
	v62 =	vmul.f32 v23, v50  }
0x20d: {  	v14 =	vmul.f32 v13, v14;
	v19 =	vsub.f32 $1.500000000e+00, v59;
	v28 =	vmul.f32 v60, v56  }
0x20e: {  	v16 =	vsub.f32 $1.500000000e+00, v16;
	v15 =	vsub.f32 $1.500000000e+00, v61;
	v30 =	vmul.f32 v62, v23  }
0x20f: {  	v14 =	vmul.f32 v14, v13;
	v63 =	vmul.f32 v19, v22;
	v28 =	vsub.f32 $1.500000000e+00, v28  }
0x210: {  	v16 =	vmul.f32 v16, v20;
	v15 =	vmul.f32 v15, v25;
	v30 =	vsub.f32 $1.500000000e+00, v30  }
0x211: {  	v5 =	vadd.f32 v5, v8;
	v22 =	vmul.f32 v63, v38;
	v19 =	vmul.f32 v28, v56  }
0x212: {  	v6 =	vadd.f32 v6, v9;
	v31 =	vmul.f32 v15, v45;
	v20 =	vmul.f32 v30, v23  }
0x213: {  	v14 =	vsub.f32 $1.500000000e+00, v14;
	v33 =	vmul.f32 v22, v63;
	v34 =	vmul.f32 v19, v47  }
0x214: {  	v11 =	vadd.f32 $0.0e+00, v11;
	v35 =	vmul.f32 v31, v15;
	v36 =	vmul.f32 v20, v50  }
0x215: {  	v13 =	vmul.f32 v14, v13;
	v8 =	vsub.f32 $1.500000000e+00, v33;
	v37 =	vmul.f32 v34, v19  }
0x216: {  	v44 =	vperm.xlane v6, v0;
	v9 =	vsub.f32 $1.500000000e+00, v35;
	v38 =	vmul.f32 v36, v20  }
0x217: {  	v4 =	vmul.f32 v13, v4;
	v8 =	vmul.f32 v8, v63;
	v13 =	vsub.f32 $1.500000000e+00, v37  }
0x218: {  	v7 =	vmul.f32 v16, v7;
	v9 =	vmul.f32 v9, v15;
	v39 =	vsub.f32 $1.500000000e+00, v38  }
0x219: {  	v11 =	vadd.f32 v12, v11;
	v8 =	vmul.f32 v8, v17;
	v40 =	vmul.f32 v13, v19  }
0x21a: {  	v4 =	vadd.f32 $0.0e+00, v4;
	v41 =	vmul.f32 v9, v18;
	v42 =	vmul.f32 v39, v20  }
0x21b: {  	v43 =	vperm.xlane v5, v0;
	v8 =	vadd.f32 $0.0e+00, v8;
	v12 =	vmul.f32 v40, v21  }
0x21c: {  	v4 =	vadd.f32 v7, v4;
	v7 =	vadd.f32 $0.0e+00, v41;
	v9 =	vmul.f32 v42, v24  }
0x21d: {  	v5 =	vadd.f32 v5, v43;
	v45 =	vperm.xlane v11, v0;
	v8 =	vadd.f32 v12, v8  }
0x21e: {  	v6 =	vadd.f32 v6, v44;
	v46 =	vperm.xlane v4, v0;
	v7 =	vadd.f32 v9, v7  }
0x21f: {  	v47 =	vperm.xlane v5, v1;
	v11 =	vadd.f32 v11, v45;
	v48 =	vperm.xlane v8, v0  }
0x220: {  	v14 =	vperm.xlane v6, v1;
	v4 =	vadd.f32 v4, v46;
	v49 =	vperm.xlane v7, v0  }
0x221: {  	v5 =	vadd.f32 v5, v47;
	v50 =	vperm.xlane v11, v1;
	v8 =	vadd.f32 v8, v48  }
0x222: {  	v6 =	vadd.f32 v6, v14;
	v51 =	vperm.xlane v4, v1;
	v7 =	vadd.f32 v7, v49  }
0x223: {  	v52 =	vperm.xlane v5, v2;
	v53 =	vperm.xlane v8, v1;
	v9 =	vadd.f32 v11, v50  }
0x224: {  	v14 =	vperm.xlane v6, v2;
	v4 =	vadd.f32 v4, v51;
	v54 =	vperm.xlane v7, v1  }
0x225: {  	v5 =	vadd.f32 v5, v52;
	v8 =	vadd.f32 v8, v53;
	v55 =	vperm.xlane v9, v2  }
0x226: {  	v6 =	vadd.f32 v6, v14;
	v56 =	vperm.xlane v4, v2;
	v7 =	vadd.f32 v7, v54  }
0x227: {  	v57 =	vperm.xlane v5, v3;
	v58 =	vperm.xlane v8, v2;
	v9 =	vadd.f32 v9, v55  }
0x228: {  	v14 =	vperm.xlane v6, v3;
	v4 =	vadd.f32 v4, v56;
	v59 =	vperm.xlane v7, v2  }
0x229: {  	v5 =	vadd.f32 v5, v57;
	v8 =	vadd.f32 v8, v58;
	v60 =	vperm.xlane v9, v3  }
0x22a: {  	v6 =	vadd.f32 v6, v14;
	v61 =	vperm.xlane v4, v3;
	v7 =	vadd.f32 v7, v59  }
0x22b: {  	v5 =	vsel vm9, v10, v5;
	v62 =	vperm.xlane v8, v3;
	v9 =	vadd.f32 v9, v60  }
0x22c: {  	v4 =	vadd.f32 v4, v61;
	v5 =	vsel vm10, v5, v6;
	v63 =	vperm.xlane v7, v3  }
0x22d: {  	v8 =	vadd.f32 v8, v62;
	v5 =	vsel vm11, v5, v9  }
0x22e: {  	p0 =	sgt.u32 s23, $0x1C;
	v4 =	vsel vm12, v5, v4;
	v5 =	vadd.f32 v7, v63  }
.Ltmp7:
0x22f: {  	v4 =	vsel vm13, v4, v8;
	(pc) =	sbr.rel @p0 .LBB2_12-.Ltmp7, $3  }
0x230: {  	v4 =	vsel vm14, v4, v5  }
0x231: {  	v4 =	vsub.f32 $0.0e+00, v4;
	_ =	sdelay $0x1  }
0x232: {  	[tilespmem:s1+$0x1AD00] =	vst v4  }
0x233: {  	v5 =	vmov s26  }
0x234: {  	v4 =	vmov s28;
	_ =	sdelay $0x2  }
0x235: {  	s0 =	simm.s32 $0x0  }
0x236: {  	v6 =	vld.idx.msk [tilespmem:v5+s0+$0x0 ss:$0x1], $0xffff  }
0x237: {  	v7 =	vld.idx.msk [tilespmem:v4+s0+$0x0 ss:$0x1], $0xffff;
	_ =	sdelay $0x3  }
0x238: {  	(v2sf) =	vpush v6, $0x0  }
0x239: {  	(v2sf) =	vpush v7, $0x0;
	_ =	sdelay $0xa  }
0x23a: {  	s17 =	smulhi.u32 $0xAAAAAAAB, s23;
	_ =	sdelay $0x1  }
0x23b: {  	s0 =	sshrl.u32 s17, $0x1  }
0x23c: {  	s0 =	smul.u32 $0xFFFD0000, s0;
	s1 =	spop (v2sf)  }
0x23d: {  	s1 =	sshll.u32 s1, $0x4;
	s13 =	spop (v2sf)  }
0x23e: {  	s0 =	sshra.s32 s0, $0x2;
	s16 =	sand.u32 $0xFFFFF80, s1;
	s13 =	sshll.u32 s13, $0x4  }
0x23f: {  	s1 =	sadd.s32 s0, s25;
	s16 =	sadd.s32 s3, s16;
	s17 =	sand.u32 $0xFFFFF80, s13  }
0x240: {  	[tilespmem:s1], [sflag:s29] =	stream.linear.gather [hbm4b:s16+s2], $0x400, $0x38;
	[tilespmem:$0x1AF00] =	vst v63  }
0x241: {  	s13 =	sadd.s32 s0, s24;
	s18 =	sadd.s32 s3, s17;
	s17 =	simm.s32 $0x1  }
0x242: {  	[tilespmem:s13], [sflag:s29] =	stream.linear.gather [hbm4b:s18+s2], $0x400, $0x38;
	[tilespmem:$0x1AF00] =	vst v63  }
0x243: {  	s0 =	sadd.s32 $0x19500, s31;
	s31 =	sadd.s32 $0x3, s23;
	s16 =	simm.s32 $0x8;
	v6 =	vld.idx.msk [tilespmem:v5+s17+$0x0 ss:$0x1], $0xffff  }
.LBB2_10:
0x244: {  	p0 =	sne.s32 s16, $0x3C;
	v7 =	vld.idx.msk [tilespmem:v4+s17+$0x0 ss:$0x1], $0xffff;
	_ =	sdelay $0x4  }
0x245: {  	(v2sf) =	vpush v6, $0x0  }
0x246: {  	(v2sf) =	vpush v7, $0x0;
	_ =	sdelay $0xd  }
0x247: {  	s17 =	spop (v2sf)  }
0x248: {  	s17 =	sshll.u32 s17, $0x4;
	s18 =	spop (v2sf)  }
0x249: {  	s1 =	sadd.s32 $0x400, s1;
	s17 =	sand.u32 $0xFFFFF80, s17;
	s18 =	sshll.u32 s18, $0x4  }
.Ltmp8:
0x24a: {  	s17 =	sadd.s32 s3, s17;
	s18 =	sand.u32 $0xFFFFF80, s18;
	(pc) =	sbr.rel @p0 .LBB2_10-.Ltmp8, $4  }
0x24b: {  	[tilespmem:s1], [sflag:s29] =	stream.linear.gather [hbm4b:s17+s2], $0x400, $0x38;
	[tilespmem:$0x1AF00] =	vst v63  }
0x24c: {  	s13 =	sadd.s32 $0x400, s13;
	s17 =	sshra.s32 s16, $0x2;
	s18 =	sadd.s32 s3, s18  }
0x24d: {  	[tilespmem:s13], [sflag:s29] =	stream.linear.gather [hbm4b:s18+s2], $0x400, $0x38;
	[tilespmem:$0x1AF00] =	vst v63  }
0x24e: {  	s16 =	sadd.s32 $0x4, s16;
	v6 =	vld.idx.msk [tilespmem:v5+s17+$0x0 ss:$0x1], $0xffff  }
0x24f: {  	_ =	sdelay $0x3  }
0x250: {  	v4 =	vld.idx.msk [tilespmem:v4+s17+$0x0 ss:$0x1], $0xffff;
	_ =	sdelay $0x2  }
0x251: {  	(v2sf) =	vpush v6, $0x0;
	_ =	sdelay $0x1  }
0x252: {  	(v2sf) =	vpush v4, $0x0;
	_ =	sdelay $0xc  }
0x253: {  	s16 =	spop (v2sf)  }
0x254: {  	s16 =	sshll.u32 s16, $0x4  }
0x255: {  	s18 =	spop (v2sf);
	s16 =	sand.u32 $0xFFFFF80, s16  }
0x256: {  	s1 =	sadd.s32 $0x400, s1;
	s17 =	sshll.u32 s18, $0x4;
	s16 =	sadd.s32 s3, s16  }
0x257: {  	[tilespmem:s1], [sflag:s29] =	stream.linear.gather [hbm4b:s16+s2], $0x400, $0x38;
	[tilespmem:$0x1AF00] =	vst v63  }
.Ltmp9:
0x258: {  	s31 =	sshll.u32 s31, $0x7;
	s17 =	sand.u32 $0xFFFFF80, s17;
	(pc) =	sbr.rel .LBB2_12-.Ltmp9, $4  }
0x259: {  	s13 =	sadd.s32 $0x400, s13;
	s18 =	sadd.s32 s3, s17;
	s1 =	sand.u32 $0x3FFFFF80, s31  }
0x25a: {  	[tilespmem:s13], [sflag:s29] =	stream.linear.gather [hbm4b:s18+s2], $0x400, $0x38;
	[tilespmem:$0x1AF00] =	vst v63  }
0x25b: {  	s1 =	sadd.s32 $0x500, s1  }
0x25c: {  	[tilespmem:s0], [sflag:s30] =	stream.indirect.gather [hbm4b:s4+s15], $0x80, s1, s15, $0xb8;
	[tilespmem:$0x1AF00] =	vst v63  }
.LBB2_14:
0x25d: {  	_ =	sfence.sel $0x180000  }
0x25e: {  	[bflag:$0x0] =	sbarrier.arrive $0xFFFF  }
0x25f: {  	_ =	strace $0x90000047  }
0x260: {  	s0 =	stileid.u32;
	[bflag:$0x2] =	sbarrier.arrive $0xFFFF  }
0x261: {  	p0 =	sne.s32 s0, $0x0;
	s0 =	rddreg [dreg:$0x2]  }
0x262: {  	s0 =	sadd.s32 @!p0 $0x100000, s0  }
0x263: {  	[sflag:s0] =	ssyncadd.tile.s32 @!p0 $0x1;
	_ =	shalt  }
.Lfunc_end2:
_tile_overlayer_lowered:
.L_overlay_start_2:
0x264: {  	(tag) =	ssettag $0x2  }
0x265: {  	s0 =	rddreg [dreg:$0x0];
	s2 =	stileid.u32  }
0x266: {  	s1 =	rddreg [dreg:$0x1];
	p0 =	sne.s32 s2, $0x0  }
0x267: {  	s3 =	rddreg [dreg:$0x2];
	[bflag:$0x3] =	sbarrier.arrive $0xFFFF;
	s2 =	simm.s32 @!p0 $0x1C07  }
0x268: {  	[timem:s3], [sflag:s2] =	dma.local @!p0 [hbm:s0], s1  }
0x269: {  	s0 =	simm.s32 @!p0 $0x7  }
0x26a: {  	_ =	swait.ge @!p0 [sflag:s0], s1  }
0x26b: {  	s1 =	ssub.s32 @!p0 $0x0, s1;
	[sflag:s0] =	ssyncset.done @!p0 $0x0  }
0x26c: {  	[sflag:s0] =	ssyncadd.s32 @!p0 s1  }
0x26d: {  	[bflag:$0x3] =	sbarrier.arrive $0xFFFF  }
0x26e: {  	_ =	shalt  }

</sc_bundles>
